<compile_context>
chip_gen: v7x
topology: tpu7x:2x2x1
jax: 0.10.2.dev20260603
libtpu: 0.0.44.dev20260713+nightly
codegen_flags: <defaults>
</compile_context>

<pallas_src>
import functools
import math

import jax
import jax.numpy as jnp
from jax import lax
from jax.experimental import pallas as pl
from jax.experimental.pallas import tpu as pltpu
from jax.experimental.pallas import tpu_sc as plsc

_SCALE = 30.0
_MARGIN = 0.35
_C2 = _SCALE / math.log(2.0)
_NEG = float("-inf")

_B = 1024
_C = 100000
_BR = 32
_L = 16
_NC = 2
_NS = 16
_NW = _NC * _NS

_B_SC = 512
_B_TC = _B - _B_SC
_RPW = _B_SC // _NW

_SLAB = 8
_NSLAB = _RPW // _SLAB
_CWC = 4096
_NFULL = _C // _CWC
_NPAIR = _NFULL // 2
_TOFF = _NFULL * _CWC
_TAIL = _C - _TOFF
_NVC = _CWC // _L
_NVT = _TAIL // _L



def _rowstats_body(x_ref, tgt_ref, m_ref, s_ref, t_ref):
    x = x_ref[...]
    m = jnp.max(x, axis=1, keepdims=True)
    s = jnp.sum(jnp.exp2((x - m) * _C2), axis=1, keepdims=True)
    cols = lax.broadcasted_iota(jnp.int32, x.shape, 1)
    tv = jnp.max(jnp.where(cols == tgt_ref[...], x, _NEG), axis=1, keepdims=True)
    m_ref[...] = m
    s_ref[...] = s
    t_ref[...] = tv


def _rowstats_tc(output, tgt2d):
    stat = pl.BlockSpec((_BR, 1), lambda i: (i, 0))
    return pl.pallas_call(
        _rowstats_body,
        grid=(_B_TC // _BR,),
        in_specs=[pl.BlockSpec((_BR, _C), lambda i: (i, 0)), stat],
        out_specs=[stat, stat, stat],
        out_shape=[
            jax.ShapeDtypeStruct((_B_TC, 1), jnp.float32),
            jax.ShapeDtypeStruct((_B_TC, 1), jnp.float32),
            jax.ShapeDtypeStruct((_B_TC, 1), jnp.float32),
        ],
        compiler_params=pltpu.CompilerParams(
            dimension_semantics=("parallel",),
        ),
    )(output, tgt2d)



def _sc_rowstats_body(x_hbm, tgtb_hbm, m_hbm, s_hbm, t_hbm,
                      tb_v, buf0, buf1, buft, mres, sres, tres, sem, tsem):
    wid = lax.axis_index("s") * _NC + lax.axis_index("c")
    base = wid * _RPW
    lane = lax.iota(jnp.int32, _L)

    def slab_copy(row0, coff, cw, buf, s):
        return pltpu.make_async_copy(
            x_hbm.at[pl.ds(row0, _SLAB), pl.ds(coff, cw)], buf, s)

    def chunk_sweep(buf, nv, cw, col0, t_b, ms, ss, tvs):
        def maxbody(j, mm):
            return tuple(
                jnp.maximum(mm[r], buf[r, pl.ds(j * _L, _L)])
                for r in range(_SLAB)
            )

        m_new = list(lax.fori_loop(0, nv, maxbody, tuple(ms)))
        ss = [ss[r] * jnp.exp((ms[r] - m_new[r]) * _SCALE) for r in range(_SLAB)]

        def sumbody(j, carry):
            sacc, tvacc = carry
            cols = (col0 + j * _L) + lane
            ns, ntv = [], []
            for r in range(_SLAB):
                v = buf[r, pl.ds(j * _L, _L)]
                ns.append(sacc[r] + jnp.exp((v - m_new[r]) * _SCALE))
                ntv.append(jnp.maximum(tvacc[r], jnp.where(cols == t_b[r], v, _NEG)))
            return (tuple(ns), tuple(ntv))

        ss, tvs = lax.fori_loop(0, nv, sumbody, (tuple(ss), tuple(tvs)))
        return m_new, list(ss), list(tvs)

    for slab in range(_NSLAB):
        row0 = base + slab * _SLAB

        pltpu.async_copy(
            tgtb_hbm.at[pl.ds(row0, _SLAB), pl.ds(0, _L)], tb_v, tsem
        ).wait()
        t_b = [tb_v[r, pl.ds(0, _L)] for r in range(_SLAB)]

        m_a = [jnp.full((_L,), _NEG, jnp.float32) for _ in range(_SLAB)]
        s_a = [jnp.zeros((_L,), jnp.float32) for _ in range(_SLAB)]
        tv_a = [jnp.full((_L,), _NEG, jnp.float32) for _ in range(_SLAB)]

        slab_copy(row0, 0, _CWC, buf0, sem.at[0]).start()
        slab_copy(row0, _TOFF, _TAIL, buft, sem.at[2]).start()
        slab_copy(row0, _CWC, _CWC, buf1, sem.at[1]).start()

        def pair_body(p, carry):
            ms, ss, tvs = carry
            ms, ss, tvs = list(ms), list(ss), list(tvs)
            for b, buf in ((0, buf0), (1, buf1)):
                c = 2 * p + b
                col0 = c * _CWC
                slab_copy(row0, col0, _CWC, buf, sem.at[b]).wait()
                ms, ss, tvs = chunk_sweep(buf, _NVC, _CWC, col0, t_b, ms, ss, tvs)

                @pl.when(p + 1 < _NPAIR)
                def _():
                    slab_copy(row0, (2 * (p + 1) + b) * _CWC, _CWC, buf, sem.at[b]).start()

            return (tuple(ms), tuple(ss), tuple(tvs))

        m_a, s_a, tv_a = lax.fori_loop(
            0, _NPAIR, pair_body, (tuple(m_a), tuple(s_a), tuple(tv_a)))
        m_a, s_a, tv_a = list(m_a), list(s_a), list(tv_a)

        slab_copy(row0, _TOFF, _TAIL, buft, sem.at[2]).wait()
        m_a, s_a, tv_a = chunk_sweep(buft, _NVT, _TAIL, _TOFF, t_b, m_a, s_a, tv_a)

        for r8 in range(_SLAB):
            r = slab * _SLAB + r8
            mres[r, pl.ds(0, _L)] = m_a[r8]
            sres[r, pl.ds(0, _L)] = s_a[r8]
            tres[r, pl.ds(0, _L)] = tv_a[r8]

    pltpu.sync_copy(mres, m_hbm.at[pl.ds(base, _RPW)])
    pltpu.sync_copy(sres, s_hbm.at[pl.ds(base, _RPW)])
    pltpu.sync_copy(tres, t_hbm.at[pl.ds(base, _RPW)])


@functools.cache
def _sc_rowstats_call():
    part = jax.ShapeDtypeStruct((_B_SC, _L), jnp.float32)
    return pl.kernel(
        _sc_rowstats_body,
        out_type=(part, part, part),
        mesh=plsc.VectorSubcoreMesh(
            core_axis_name="c", subcore_axis_name="s", num_cores=_NC, num_subcores=_NS
        ),
        compiler_params=pltpu.CompilerParams(use_tc_tiling_on_sc=True),
        scratch_types=[
            pltpu.VMEM((_SLAB, _L), jnp.int32),
            pltpu.VMEM((_SLAB, _CWC), jnp.float32),
            pltpu.VMEM((_SLAB, _CWC), jnp.float32),
            pltpu.VMEM((_SLAB, _TAIL), jnp.float32),
            pltpu.VMEM((_RPW, _L), jnp.float32),
            pltpu.VMEM((_RPW, _L), jnp.float32),
            pltpu.VMEM((_RPW, _L), jnp.float32),
            pltpu.SemaphoreType.DMA((3,)),
            pltpu.SemaphoreType.DMA,
        ],
    )



def _nll_sum(m, s, tv):
    a = jnp.exp2((tv - m) * _C2)
    bb = jnp.exp2((tv - _MARGIN - m) * _C2)
    sp = s - a + bb
    return jnp.sum(_SCALE * m + jnp.log(sp) - _SCALE * (tv - _MARGIN))


def _combine_body(m1_ref, s1_ref, t1_ref, m2_ref, s2_ref, t2_ref, out_ref):
    m2p = m2_ref[...]
    m2 = jnp.max(m2p, axis=1, keepdims=True)
    s2 = jnp.sum(s2_ref[...] * jnp.exp2((m2p - m2) * _C2), axis=1, keepdims=True)
    t2 = jnp.max(t2_ref[...], axis=1, keepdims=True)
    tot = _nll_sum(m1_ref[...], s1_ref[...], t1_ref[...]) + _nll_sum(m2, s2, t2)
    out_ref[0, 0] = tot * (1.0 / _B)


def _combine(m1, s1, t1, m2, s2, t2):
    return pl.pallas_call(
        _combine_body,
        out_specs=pl.BlockSpec(memory_space=pltpu.SMEM),
        out_shape=jax.ShapeDtypeStruct((1, 1), jnp.float32),
    )(m1, s1, t1, m2, s2, t2)


def kernel(output, target):
    b, c = output.shape
    tgt = target.astype(jnp.int32)
    tgtb = jnp.broadcast_to(tgt[:, None], (b, _L))
    m2, s2, t2 = _sc_rowstats_call()(output[_B_TC:], tgtb[_B_TC:])
    m1, s1, t1 = _rowstats_tc(output, tgt.reshape(b, 1))
    loss = _combine(m1, s1, t1, m2, s2, t2)
    return loss[0, 0]

# --- scband reference (transcript-rebuilt; emitter-appended) ---
"""Pipeline reference for scband-lmcl-25786983645454 (READ-ONLY COPY).

The authoritative reference and input builder live on the scoring server;
editing this copy changes nothing except your own understanding.
"""

import jax, jax.numpy as jnp
import numpy as np


def setup_inputs(seed: int = 0) -> dict:
    key = jax.random.key(seed)
    k1, k2 = jax.random.split(key)
    output = jax.random.normal(k1, (1024, 100000), dtype=jnp.float32)
    target = jax.random.randint(k2, (1024,), 0, 100000, dtype=jnp.int64)
    return {"output": output, "target": target}


def reference(output, target):
    scale = 30.0
    margin = 0.35
    B, C = output.shape
    # scatter 1.0 into one-hot, mirroring target_ont_hot.scatter_(1, index, 1.0)
    one_hot = jnp.zeros_like(output).at[jnp.arange(B), target].set(1.0)
    logits = one_hot * (output - margin) + (1.0 - one_hot) * output
    logits = logits * scale
    # cross entropy with mean reduction (nn.CrossEntropyLoss default)
    lse = jax.nn.logsumexp(logits, axis=1)
    true_logit = jnp.take_along_axis(logits, target[:, None], axis=1)[:, 0]
    nll = lse - true_logit
    return jnp.mean(nll)

if __name__ == "__main__":
    import jax
    _d = setup_inputs()
    print(jax.jit(kernel)(*tuple(_d.values())))

</pallas_src>

<mosaic_0001>
#map = affine_map<(d0, d1) -> (0, 0)>
module attributes {stable_mosaic.version = 14 : i64} {
  func.func @_sc_rowstats_body(%arg0: i32, %arg1: i32, %arg2: memref<512x100000xf32, #tpu.memory_space<hbm>>, %arg3: memref<512x16xi32, #tpu.memory_space<hbm>>, %arg4: memref<512x16xf32, #tpu.memory_space<hbm>>, %arg5: memref<512x16xf32, #tpu.memory_space<hbm>>, %arg6: memref<512x16xf32, #tpu.memory_space<hbm>>, %arg7: memref<8x16xi32, #tpu.memory_space<vmem>>, %arg8: memref<8x4096xf32, #tpu.memory_space<vmem>>, %arg9: memref<8x4096xf32, #tpu.memory_space<vmem>>, %arg10: memref<8x1696xf32, #tpu.memory_space<vmem>>, %arg11: memref<16x16xf32, #tpu.memory_space<vmem>>, %arg12: memref<16x16xf32, #tpu.memory_space<vmem>>, %arg13: memref<16x16xf32, #tpu.memory_space<vmem>>, %arg14: memref<3x!tpu.dma_semaphore, #tpu.memory_space<semaphore_mem>>, %arg15: memref<!tpu.dma_semaphore, #tpu.memory_space<semaphore_mem>>) attributes {dimension_semantics = [#tpu.dimension_semantics<core_parallel>, #tpu.dimension_semantics<subcore_parallel>], iteration_bounds = array<i64: 2, 16>, scalar_prefetch = 0 : i64, scratch_operands = 9 : i64, tpu.core_type = #tpu.core_type<sc_vector_subcore>, window_params = [{transform_indices = #map}, {transform_indices = #map}, {transform_indices = #map}, {transform_indices = #map}, {transform_indices = #map}]} {
    %mul3A = arith.constant 2 : i32
    %mul3A_0 = arith.muli %arg1, %mul3A : i32
    %add3A = arith.addi %mul3A_0, %arg0 : i32
    %mul3A_1 = arith.constant 16 : i32
    %mul3A_2 = arith.muli %add3A, %mul3A_1 : i32
    %iota3A = tpu.iota {dimensions = array<i32: 0>} : vector<16xi32>
    %add3A_3 = arith.constant 0 : i32
    %add3A_4 = arith.addi %mul3A_2, %add3A_3 : i32
    %dma_start3A = arith.constant 0 : i32
    %dma_start3A_5 = tpu.memref_slice %arg3[%add3A_4, %dma_start3A] : memref<512x16xi32, #tpu.memory_space<hbm>> -> memref<8x16xi32, #tpu.memory_space<hbm>>
    %dma_start3A_6 = arith.constant 0 : i32
    %dma_start3A_7 = tpu.memref_slice %arg3[%add3A_4, %dma_start3A_6] : memref<512x16xi32, #tpu.memory_space<hbm>> -> memref<8x16xi32, #tpu.memory_space<hbm>>
    tpu.enqueue_dma source(%dma_start3A_7 : memref<8x16xi32, #tpu.memory_space<hbm>>) target(%arg7 : memref<8x16xi32, #tpu.memory_space<vmem>>) target_semaphore(%arg15 : memref<!tpu.dma_semaphore, #tpu.memory_space<semaphore_mem>>)
    %dma_wait3A = arith.constant 0 : i32
    %dma_wait3A_8 = tpu.memref_slice %arg3[%add3A_4, %dma_wait3A] : memref<512x16xi32, #tpu.memory_space<hbm>> -> memref<8x16xi32, #tpu.memory_space<hbm>>
    %dma_wait3A_9 = arith.constant 0 : i32
    %dma_wait3A_10 = tpu.memref_slice %arg3[%add3A_4, %dma_wait3A_9] : memref<512x16xi32, #tpu.memory_space<hbm>> -> memref<8x16xi32, #tpu.memory_space<hbm>>
    tpu.wait_dma2 semaphore(%arg15 : memref<!tpu.dma_semaphore, #tpu.memory_space<semaphore_mem>>) src(%dma_wait3A_10 : memref<8x16xi32, #tpu.memory_space<hbm>>) dst(%arg7 : memref<8x16xi32, #tpu.memory_space<vmem>>)
    %get3A = arith.constant 0 : i32
    %get3A_11 = arith.index_cast %get3A : i32 to index
    %get3A_12 = arith.constant 0 : index
    %get3A_13 = tpu.vector_load %arg7[%get3A_11, %get3A_12] {strides = array<i32>} : memref<8x16xi32, #tpu.memory_space<vmem>>, vector<1x16xi32>,
    %get3A_14 = vector.shape_cast %get3A_13 : vector<1x16xi32> to vector<16xi32>
    %get3A_15 = arith.constant 1 : i32
    %get3A_16 = arith.index_cast %get3A_15 : i32 to index
    %get3A_17 = arith.constant 0 : index
    %get3A_18 = tpu.vector_load %arg7[%get3A_16, %get3A_17] {strides = array<i32>} : memref<8x16xi32, #tpu.memory_space<vmem>>, vector<1x16xi32>,
    %get3A_19 = vector.shape_cast %get3A_18 : vector<1x16xi32> to vector<16xi32>
    %get3A_20 = arith.constant 2 : i32
    %get3A_21 = arith.index_cast %get3A_20 : i32 to index
    %get3A_22 = arith.constant 0 : index
    %get3A_23 = tpu.vector_load %arg7[%get3A_21, %get3A_22] {strides = array<i32>} : memref<8x16xi32, #tpu.memory_space<vmem>>, vector<1x16xi32>,
    %get3A_24 = vector.shape_cast %get3A_23 : vector<1x16xi32> to vector<16xi32>
    %get3A_25 = arith.constant 3 : i32
    %get3A_26 = arith.index_cast %get3A_25 : i32 to index
    %get3A_27 = arith.constant 0 : index
    %get3A_28 = tpu.vector_load %arg7[%get3A_26, %get3A_27] {strides = array<i32>} : memref<8x16xi32, #tpu.memory_space<vmem>>, vector<1x16xi32>,
    %get3A_29 = vector.shape_cast %get3A_28 : vector<1x16xi32> to vector<16xi32>
    %get3A_30 = arith.constant 4 : i32
    %get3A_31 = arith.index_cast %get3A_30 : i32 to index
    %get3A_32 = arith.constant 0 : index
    %get3A_33 = tpu.vector_load %arg7[%get3A_31, %get3A_32] {strides = array<i32>} : memref<8x16xi32, #tpu.memory_space<vmem>>, vector<1x16xi32>,
    %get3A_34 = vector.shape_cast %get3A_33 : vector<1x16xi32> to vector<16xi32>
    %get3A_35 = arith.constant 5 : i32
    %get3A_36 = arith.index_cast %get3A_35 : i32 to index
    %get3A_37 = arith.constant 0 : index
    %get3A_38 = tpu.vector_load %arg7[%get3A_36, %get3A_37] {strides = array<i32>} : memref<8x16xi32, #tpu.memory_space<vmem>>, vector<1x16xi32>,
    %get3A_39 = vector.shape_cast %get3A_38 : vector<1x16xi32> to vector<16xi32>
    %get3A_40 = arith.constant 6 : i32
    %get3A_41 = arith.index_cast %get3A_40 : i32 to index
    %get3A_42 = arith.constant 0 : index
    %get3A_43 = tpu.vector_load %arg7[%get3A_41, %get3A_42] {strides = array<i32>} : memref<8x16xi32, #tpu.memory_space<vmem>>, vector<1x16xi32>,
    %get3A_44 = vector.shape_cast %get3A_43 : vector<1x16xi32> to vector<16xi32>
    %get3A_45 = arith.constant 7 : i32
    %get3A_46 = arith.index_cast %get3A_45 : i32 to index
    %get3A_47 = arith.constant 0 : index
    %get3A_48 = tpu.vector_load %arg7[%get3A_46, %get3A_47] {strides = array<i32>} : memref<8x16xi32, #tpu.memory_space<vmem>>, vector<1x16xi32>,
    %get3A_49 = vector.shape_cast %get3A_48 : vector<1x16xi32> to vector<16xi32>
    %broadcast_in_dim3A = arith.constant 0xFF800000 : f32
    %broadcast_in_dim3A_50 = vector.broadcast %broadcast_in_dim3A : f32 to vector<16xf32>
    %broadcast_in_dim3A_51 = arith.constant 0xFF800000 : f32
    %broadcast_in_dim3A_52 = vector.broadcast %broadcast_in_dim3A_51 : f32 to vector<16xf32>
    %broadcast_in_dim3A_53 = arith.constant 0xFF800000 : f32
    %broadcast_in_dim3A_54 = vector.broadcast %broadcast_in_dim3A_53 : f32 to vector<16xf32>
    %broadcast_in_dim3A_55 = arith.constant 0xFF800000 : f32
    %broadcast_in_dim3A_56 = vector.broadcast %broadcast_in_dim3A_55 : f32 to vector<16xf32>
    %broadcast_in_dim3A_57 = arith.constant 0xFF800000 : f32
    %broadcast_in_dim3A_58 = vector.broadcast %broadcast_in_dim3A_57 : f32 to vector<16xf32>
    %broadcast_in_dim3A_59 = arith.constant 0xFF800000 : f32
    %broadcast_in_dim3A_60 = vector.broadcast %broadcast_in_dim3A_59 : f32 to vector<16xf32>
    %broadcast_in_dim3A_61 = arith.constant 0xFF800000 : f32
    %broadcast_in_dim3A_62 = vector.broadcast %broadcast_in_dim3A_61 : f32 to vector<16xf32>
    %broadcast_in_dim3A_63 = arith.constant 0xFF800000 : f32
    %broadcast_in_dim3A_64 = vector.broadcast %broadcast_in_dim3A_63 : f32 to vector<16xf32>
    %broadcast_in_dim3A_65 = arith.constant 0.000000e+00 : f32
    %broadcast_in_dim3A_66 = vector.broadcast %broadcast_in_dim3A_65 : f32 to vector<16xf32>
    %broadcast_in_dim3A_67 = arith.constant 0.000000e+00 : f32
    %broadcast_in_dim3A_68 = vector.broadcast %broadcast_in_dim3A_67 : f32 to vector<16xf32>
    %broadcast_in_dim3A_69 = arith.constant 0.000000e+00 : f32
    %broadcast_in_dim3A_70 = vector.broadcast %broadcast_in_dim3A_69 : f32 to vector<16xf32>
    %broadcast_in_dim3A_71 = arith.constant 0.000000e+00 : f32
    %broadcast_in_dim3A_72 = vector.broadcast %broadcast_in_dim3A_71 : f32 to vector<16xf32>
    %broadcast_in_dim3A_73 = arith.constant 0.000000e+00 : f32
    %broadcast_in_dim3A_74 = vector.broadcast %broadcast_in_dim3A_73 : f32 to vector<16xf32>
    %broadcast_in_dim3A_75 = arith.constant 0.000000e+00 : f32
    %broadcast_in_dim3A_76 = vector.broadcast %broadcast_in_dim3A_75 : f32 to vector<16xf32>
    %broadcast_in_dim3A_77 = arith.constant 0.000000e+00 : f32
    %broadcast_in_dim3A_78 = vector.broadcast %broadcast_in_dim3A_77 : f32 to vector<16xf32>
    %broadcast_in_dim3A_79 = arith.constant 0.000000e+00 : f32
    %broadcast_in_dim3A_80 = vector.broadcast %broadcast_in_dim3A_79 : f32 to vector<16xf32>
    %broadcast_in_dim3A_81 = arith.constant 0xFF800000 : f32
    %broadcast_in_dim3A_82 = vector.broadcast %broadcast_in_dim3A_81 : f32 to vector<16xf32>
    %broadcast_in_dim3A_83 = arith.constant 0xFF800000 : f32
    %broadcast_in_dim3A_84 = vector.broadcast %broadcast_in_dim3A_83 : f32 to vector<16xf32>
    %broadcast_in_dim3A_85 = arith.constant 0xFF800000 : f32
    %broadcast_in_dim3A_86 = vector.broadcast %broadcast_in_dim3A_85 : f32 to vector<16xf32>
    %broadcast_in_dim3A_87 = arith.constant 0xFF800000 : f32
    %broadcast_in_dim3A_88 = vector.broadcast %broadcast_in_dim3A_87 : f32 to vector<16xf32>
    %broadcast_in_dim3A_89 = arith.constant 0xFF800000 : f32
    %broadcast_in_dim3A_90 = vector.broadcast %broadcast_in_dim3A_89 : f32 to vector<16xf32>
    %broadcast_in_dim3A_91 = arith.constant 0xFF800000 : f32
    %broadcast_in_dim3A_92 = vector.broadcast %broadcast_in_dim3A_91 : f32 to vector<16xf32>
    %broadcast_in_dim3A_93 = arith.constant 0xFF800000 : f32
    %broadcast_in_dim3A_94 = vector.broadcast %broadcast_in_dim3A_93 : f32 to vector<16xf32>
    %broadcast_in_dim3A_95 = arith.constant 0xFF800000 : f32
    %broadcast_in_dim3A_96 = vector.broadcast %broadcast_in_dim3A_95 : f32 to vector<16xf32>
    %dma_start3A_97 = arith.constant 0 : i32
    %dma_start3A_98 = arith.constant 0 : i32
    %dma_start3A_99 = tpu.memref_slice %arg2[%add3A_4, %dma_start3A_98] : memref<512x100000xf32, #tpu.memory_space<hbm>> -> memref<8x4096xf32, #tpu.memory_space<hbm>>
    %dma_start3A_100 = tpu.memref_slice %arg14[%dma_start3A_97] : memref<3x!tpu.dma_semaphore, #tpu.memory_space<semaphore_mem>> -> memref<1x!tpu.dma_semaphore, #tpu.memory_space<semaphore_mem>>
    %dma_start3A_101 = tpu.memref_squeeze %dma_start3A_100 : memref<1x!tpu.dma_semaphore, #tpu.memory_space<semaphore_mem>> -> memref<!tpu.dma_semaphore, #tpu.memory_space<semaphore_mem>>
    %dma_start3A_102 = arith.constant 0 : i32
    %dma_start3A_103 = tpu.memref_slice %arg2[%add3A_4, %dma_start3A_102] : memref<512x100000xf32, #tpu.memory_space<hbm>> -> memref<8x4096xf32, #tpu.memory_space<hbm>>
    tpu.enqueue_dma source(%dma_start3A_103 : memref<8x4096xf32, #tpu.memory_space<hbm>>) target(%arg8 : memref<8x4096xf32, #tpu.memory_space<vmem>>) target_semaphore(%dma_start3A_101 : memref<!tpu.dma_semaphore, #tpu.memory_space<semaphore_mem>>)
    %dma_start3A_104 = arith.constant 2 : i32
    %dma_start3A_105 = arith.constant 98304 : i32
    %dma_start3A_106 = tpu.memref_slice %arg2[%add3A_4, %dma_start3A_105] : memref<512x100000xf32, #tpu.memory_space<hbm>> -> memref<8x1696xf32, #tpu.memory_space<hbm>>
    %dma_start3A_107 = tpu.memref_slice %arg14[%dma_start3A_104] : memref<3x!tpu.dma_semaphore, #tpu.memory_space<semaphore_mem>> -> memref<1x!tpu.dma_semaphore, #tpu.memory_space<semaphore_mem>>
    %dma_start3A_108 = tpu.memref_squeeze %dma_start3A_107 : memref<1x!tpu.dma_semaphore, #tpu.memory_space<semaphore_mem>> -> memref<!tpu.dma_semaphore, #tpu.memory_space<semaphore_mem>>
    %dma_start3A_109 = arith.constant 98304 : i32
    %dma_start3A_110 = tpu.memref_slice %arg2[%add3A_4, %dma_start3A_109] : memref<512x100000xf32, #tpu.memory_space<hbm>> -> memref<8x1696xf32, #tpu.memory_space<hbm>>
    tpu.enqueue_dma source(%dma_start3A_110 : memref<8x1696xf32, #tpu.memory_space<hbm>>) target(%arg10 : memref<8x1696xf32, #tpu.memory_space<vmem>>) target_semaphore(%dma_start3A_108 : memref<!tpu.dma_semaphore, #tpu.memory_space<semaphore_mem>>)
    %dma_start3A_111 = arith.constant 1 : i32
    %dma_start3A_112 = arith.constant 4096 : i32
    %dma_start3A_113 = tpu.memref_slice %arg2[%add3A_4, %dma_start3A_112] : memref<512x100000xf32, #tpu.memory_space<hbm>> -> memref<8x4096xf32, #tpu.memory_space<hbm>>
    %dma_start3A_114 = tpu.memref_slice %arg14[%dma_start3A_111] : memref<3x!tpu.dma_semaphore, #tpu.memory_space<semaphore_mem>> -> memref<1x!tpu.dma_semaphore, #tpu.memory_space<semaphore_mem>>
    %dma_start3A_115 = tpu.memref_squeeze %dma_start3A_114 : memref<1x!tpu.dma_semaphore, #tpu.memory_space<semaphore_mem>> -> memref<!tpu.dma_semaphore, #tpu.memory_space<semaphore_mem>>
    %dma_start3A_116 = arith.constant 4096 : i32
    %dma_start3A_117 = tpu.memref_slice %arg2[%add3A_4, %dma_start3A_116] : memref<512x100000xf32, #tpu.memory_space<hbm>> -> memref<8x4096xf32, #tpu.memory_space<hbm>>
    tpu.enqueue_dma source(%dma_start3A_117 : memref<8x4096xf32, #tpu.memory_space<hbm>>) target(%arg9 : memref<8x4096xf32, #tpu.memory_space<vmem>>) target_semaphore(%dma_start3A_115 : memref<!tpu.dma_semaphore, #tpu.memory_space<semaphore_mem>>)
    %scan3A = arith.constant 0 : i32
    %scan3A_118 = arith.constant 12 : i32
    %scan3A_119 = arith.addi %scan3A, %scan3A_118 : i32
    %scan3A_120 = arith.constant 1 : i32
    %scan3A_121:24 = scf.for %scan3A_667 = %scan3A to %scan3A_119 step %scan3A_120 iter_args(%scan3A_668 = %broadcast_in_dim3A_50, %scan3A_669 = %broadcast_in_dim3A_52, %scan3A_670 = %broadcast_in_dim3A_54, %scan3A_671 = %broadcast_in_dim3A_56, %scan3A_672 = %broadcast_in_dim3A_58, %scan3A_673 = %broadcast_in_dim3A_60, %scan3A_674 = %broadcast_in_dim3A_62, %scan3A_675 = %broadcast_in_dim3A_64, %scan3A_676 = %broadcast_in_dim3A_66, %scan3A_677 = %broadcast_in_dim3A_68, %scan3A_678 = %broadcast_in_dim3A_70, %scan3A_679 = %broadcast_in_dim3A_72, %scan3A_680 = %broadcast_in_dim3A_74, %scan3A_681 = %broadcast_in_dim3A_76, %scan3A_682 = %broadcast_in_dim3A_78, %scan3A_683 = %broadcast_in_dim3A_80, %scan3A_684 = %broadcast_in_dim3A_82, %scan3A_685 = %broadcast_in_dim3A_84, %scan3A_686 = %broadcast_in_dim3A_86, %scan3A_687 = %broadcast_in_dim3A_88, %scan3A_688 = %broadcast_in_dim3A_90, %scan3A_689 = %broadcast_in_dim3A_92, %scan3A_690 = %broadcast_in_dim3A_94, %scan3A_691 = %broadcast_in_dim3A_96) -> (vector<16xf32>, vector<16xf32>, vector<16xf32>, vector<16xf32>, vector<16xf32>, vector<16xf32>, vector<16xf32>, vector<16xf32>, vector<16xf32>, vector<16xf32>, vector<16xf32>, vector<16xf32>, vector<16xf32>, vector<16xf32>, vector<16xf32>, vector<16xf32>, vector<16xf32>, vector<16xf32>, vector<16xf32>, vector<16xf32>, vector<16xf32>, vector<16xf32>, vector<16xf32>, vector<16xf32>)  : i32 {
      %mul3A_692 = arith.constant 2 : i32
      %mul3A_693 = arith.muli %mul3A_692, %scan3A_667 : i32
      %add3A_694 = arith.constant 0 : i32
      %add3A_695 = arith.addi %mul3A_693, %add3A_694 : i32
      %mul3A_696 = arith.constant 4096 : i32
      %mul3A_697 = arith.muli %add3A_695, %mul3A_696 : i32
      %dma_wait3A_698 = arith.constant 0 : i32
      %dma_wait3A_699 = tpu.memref_slice %arg2[%add3A_4, %mul3A_697] : memref<512x100000xf32, #tpu.memory_space<hbm>> -> memref<8x4096xf32, #tpu.memory_space<hbm>>
      %dma_wait3A_700 = tpu.memref_slice %arg14[%dma_wait3A_698] : memref<3x!tpu.dma_semaphore, #tpu.memory_space<semaphore_mem>> -> memref<1x!tpu.dma_semaphore, #tpu.memory_space<semaphore_mem>>
      %dma_wait3A_701 = tpu.memref_squeeze %dma_wait3A_700 : memref<1x!tpu.dma_semaphore, #tpu.memory_space<semaphore_mem>> -> memref<!tpu.dma_semaphore, #tpu.memory_space<semaphore_mem>>
      %dma_wait3A_702 = tpu.memref_slice %arg2[%add3A_4, %mul3A_697] : memref<512x100000xf32, #tpu.memory_space<hbm>> -> memref<8x4096xf32, #tpu.memory_space<hbm>>
      tpu.wait_dma2 semaphore(%dma_wait3A_701 : memref<!tpu.dma_semaphore, #tpu.memory_space<semaphore_mem>>) src(%dma_wait3A_702 : memref<8x4096xf32, #tpu.memory_space<hbm>>) dst(%arg8 : memref<8x4096xf32, #tpu.memory_space<vmem>>)
      %scan3A_703 = arith.constant 0 : i32
      %scan3A_704 = arith.constant 256 : i32
      %scan3A_705 = arith.addi %scan3A_703, %scan3A_704 : i32
      %scan3A_706 = arith.constant 1 : i32
      %scan3A_707:8 = scf.for %scan3A_845 = %scan3A_703 to %scan3A_705 step %scan3A_706 iter_args(%scan3A_846 = %scan3A_668, %scan3A_847 = %scan3A_669, %scan3A_848 = %scan3A_670, %scan3A_849 = %scan3A_671, %scan3A_850 = %scan3A_672, %scan3A_851 = %scan3A_673, %scan3A_852 = %scan3A_674, %scan3A_853 = %scan3A_675) -> (vector<16xf32>, vector<16xf32>, vector<16xf32>, vector<16xf32>, vector<16xf32>, vector<16xf32>, vector<16xf32>, vector<16xf32>)  : i32 {
        %mul3A_854 = arith.constant 16 : i32
        %mul3A_855 = arith.muli %scan3A_845, %mul3A_854 : i32
        %get3A_856 = arith.constant 0 : i32
        %get3A_857 = arith.index_cast %get3A_856 : i32 to index
        %get3A_858 = arith.index_cast %mul3A_855 : i32 to index
        %get3A_859 = tpu.vector_load %arg8[%get3A_857, %get3A_858] {strides = array<i32>} : memref<8x4096xf32, #tpu.memory_space<vmem>>, vector<1x16xf32>,
        %get3A_860 = vector.shape_cast %get3A_859 : vector<1x16xf32> to vector<16xf32>
        %max3A = arith.maximumf %scan3A_846, %get3A_860 : vector<16xf32>
        %mul3A_861 = arith.constant 16 : i32
        %mul3A_862 = arith.muli %scan3A_845, %mul3A_861 : i32
        %get3A_863 = arith.constant 1 : i32
        %get3A_864 = arith.index_cast %get3A_863 : i32 to index
        %get3A_865 = arith.index_cast %mul3A_862 : i32 to index
        %get3A_866 = tpu.vector_load %arg8[%get3A_864, %get3A_865] {strides = array<i32>} : memref<8x4096xf32, #tpu.memory_space<vmem>>, vector<1x16xf32>,
        %get3A_867 = vector.shape_cast %get3A_866 : vector<1x16xf32> to vector<16xf32>
        %max3A_868 = arith.maximumf %scan3A_847, %get3A_867 : vector<16xf32>
        %mul3A_869 = arith.constant 16 : i32
        %mul3A_870 = arith.muli %scan3A_845, %mul3A_869 : i32
        %get3A_871 = arith.constant 2 : i32
        %get3A_872 = arith.index_cast %get3A_871 : i32 to index
        %get3A_873 = arith.index_cast %mul3A_870 : i32 to index
        %get3A_874 = tpu.vector_load %arg8[%get3A_872, %get3A_873] {strides = array<i32>} : memref<8x4096xf32, #tpu.memory_space<vmem>>, vector<1x16xf32>,
        %get3A_875 = vector.shape_cast %get3A_874 : vector<1x16xf32> to vector<16xf32>
        %max3A_876 = arith.maximumf %scan3A_848, %get3A_875 : vector<16xf32>
        %mul3A_877 = arith.constant 16 : i32
        %mul3A_878 = arith.muli %scan3A_845, %mul3A_877 : i32
        %get3A_879 = arith.constant 3 : i32
        %get3A_880 = arith.index_cast %get3A_879 : i32 to index
        %get3A_881 = arith.index_cast %mul3A_878 : i32 to index
        %get3A_882 = tpu.vector_load %arg8[%get3A_880, %get3A_881] {strides = array<i32>} : memref<8x4096xf32, #tpu.memory_space<vmem>>, vector<1x16xf32>,
        %get3A_883 = vector.shape_cast %get3A_882 : vector<1x16xf32> to vector<16xf32>
        %max3A_884 = arith.maximumf %scan3A_849, %get3A_883 : vector<16xf32>
        %mul3A_885 = arith.constant 16 : i32
        %mul3A_886 = arith.muli %scan3A_845, %mul3A_885 : i32
        %get3A_887 = arith.constant 4 : i32
        %get3A_888 = arith.index_cast %get3A_887 : i32 to index
        %get3A_889 = arith.index_cast %mul3A_886 : i32 to index
        %get3A_890 = tpu.vector_load %arg8[%get3A_888, %get3A_889] {strides = array<i32>} : memref<8x4096xf32, #tpu.memory_space<vmem>>, vector<1x16xf32>,
        %get3A_891 = vector.shape_cast %get3A_890 : vector<1x16xf32> to vector<16xf32>
        %max3A_892 = arith.maximumf %scan3A_850, %get3A_891 : vector<16xf32>
        %mul3A_893 = arith.constant 16 : i32
        %mul3A_894 = arith.muli %scan3A_845, %mul3A_893 : i32
        %get3A_895 = arith.constant 5 : i32
        %get3A_896 = arith.index_cast %get3A_895 : i32 to index
        %get3A_897 = arith.index_cast %mul3A_894 : i32 to index
        %get3A_898 = tpu.vector_load %arg8[%get3A_896, %get3A_897] {strides = array<i32>} : memref<8x4096xf32, #tpu.memory_space<vmem>>, vector<1x16xf32>,
        %get3A_899 = vector.shape_cast %get3A_898 : vector<1x16xf32> to vector<16xf32>
        %max3A_900 = arith.maximumf %scan3A_851, %get3A_899 : vector<16xf32>
        %mul3A_901 = arith.constant 16 : i32
        %mul3A_902 = arith.muli %scan3A_845, %mul3A_901 : i32
        %get3A_903 = arith.constant 6 : i32
        %get3A_904 = arith.index_cast %get3A_903 : i32 to index
        %get3A_905 = arith.index_cast %mul3A_902 : i32 to index
        %get3A_906 = tpu.vector_load %arg8[%get3A_904, %get3A_905] {strides = array<i32>} : memref<8x4096xf32, #tpu.memory_space<vmem>>, vector<1x16xf32>,
        %get3A_907 = vector.shape_cast %get3A_906 : vector<1x16xf32> to vector<16xf32>
        %max3A_908 = arith.maximumf %scan3A_852, %get3A_907 : vector<16xf32>
        %mul3A_909 = arith.constant 16 : i32
        %mul3A_910 = arith.muli %scan3A_845, %mul3A_909 : i32
        %get3A_911 = arith.constant 7 : i32
        %get3A_912 = arith.index_cast %get3A_911 : i32 to index
        %get3A_913 = arith.index_cast %mul3A_910 : i32 to index
        %get3A_914 = tpu.vector_load %arg8[%get3A_912, %get3A_913] {strides = array<i32>} : memref<8x4096xf32, #tpu.memory_space<vmem>>, vector<1x16xf32>,
        %get3A_915 = vector.shape_cast %get3A_914 : vector<1x16xf32> to vector<16xf32>
        %max3A_916 = arith.maximumf %scan3A_853, %get3A_915 : vector<16xf32>
        scf.yield %max3A, %max3A_868, %max3A_876, %max3A_884, %max3A_892, %max3A_900, %max3A_908, %max3A_916 : vector<16xf32>, vector<16xf32>, vector<16xf32>, vector<16xf32>, vector<16xf32>, vector<16xf32>, vector<16xf32>, vector<16xf32>
      }
      %scan3A_708 = arith.constant 256 : i32
      %sub3A_709 = arith.subf %scan3A_668, %scan3A_707#0 : vector<16xf32>
      %mul3A_710 = arith.constant 3.000000e+01 : f32
      %mul3A_711 = vector.broadcast %mul3A_710 : f32 to vector<16xf32>
      %mul3A_712 = arith.mulf %sub3A_709, %mul3A_711 : vector<16xf32>
      %exp3A_713 = math.exp %mul3A_712 : vector<16xf32>
      %mul3A_714 = arith.mulf %scan3A_676, %exp3A_713 : vector<16xf32>
      %sub3A_715 = arith.subf %scan3A_669, %scan3A_707#1 : vector<16xf32>
      %mul3A_716 = arith.constant 3.000000e+01 : f32
      %mul3A_717 = vector.broadcast %mul3A_716 : f32 to vector<16xf32>
      %mul3A_718 = arith.mulf %sub3A_715, %mul3A_717 : vector<16xf32>
      %exp3A_719 = math.exp %mul3A_718 : vector<16xf32>
      %mul3A_720 = arith.mulf %scan3A_677, %exp3A_719 : vector<16xf32>
      %sub3A_721 = arith.subf %scan3A_670, %scan3A_707#2 : vector<16xf32>
      %mul3A_722 = arith.constant 3.000000e+01 : f32
      %mul3A_723 = vector.broadcast %mul3A_722 : f32 to vector<16xf32>
      %mul3A_724 = arith.mulf %sub3A_721, %mul3A_723 : vector<16xf32>
      %exp3A_725 = math.exp %mul3A_724 : vector<16xf32>
      %mul3A_726 = arith.mulf %scan3A_678, %exp3A_725 : vector<16xf32>
      %sub3A_727 = arith.subf %scan3A_671, %scan3A_707#3 : vector<16xf32>
      %mul3A_728 = arith.constant 3.000000e+01 : f32
      %mul3A_729 = vector.broadcast %mul3A_728 : f32 to vector<16xf32>
      %mul3A_730 = arith.mulf %sub3A_727, %mul3A_729 : vector<16xf32>
      %exp3A_731 = math.exp %mul3A_730 : vector<16xf32>
      %mul3A_732 = arith.mulf %scan3A_679, %exp3A_731 : vector<16xf32>
      %sub3A_733 = arith.subf %scan3A_672, %scan3A_707#4 : vector<16xf32>
      %mul3A_734 = arith.constant 3.000000e+01 : f32
      %mul3A_735 = vector.broadcast %mul3A_734 : f32 to vector<16xf32>
      %mul3A_736 = arith.mulf %sub3A_733, %mul3A_735 : vector<16xf32>
      %exp3A_737 = math.exp %mul3A_736 : vector<16xf32>
      %mul3A_738 = arith.mulf %scan3A_680, %exp3A_737 : vector<16xf32>
      %sub3A_739 = arith.subf %scan3A_673, %scan3A_707#5 : vector<16xf32>
      %mul3A_740 = arith.constant 3.000000e+01 : f32
      %mul3A_741 = vector.broadcast %mul3A_740 : f32 to vector<16xf32>
      %mul3A_742 = arith.mulf %sub3A_739, %mul3A_741 : vector<16xf32>
      %exp3A_743 = math.exp %mul3A_742 : vector<16xf32>
      %mul3A_744 = arith.mulf %scan3A_681, %exp3A_743 : vector<16xf32>
      %sub3A_745 = arith.subf %scan3A_674, %scan3A_707#6 : vector<16xf32>
      %mul3A_746 = arith.constant 3.000000e+01 : f32
      %mul3A_747 = vector.broadcast %mul3A_746 : f32 to vector<16xf32>
      %mul3A_748 = arith.mulf %sub3A_745, %mul3A_747 : vector<16xf32>
      %exp3A_749 = math.exp %mul3A_748 : vector<16xf32>
      %mul3A_750 = arith.mulf %scan3A_682, %exp3A_749 : vector<16xf32>
      %sub3A_751 = arith.subf %scan3A_675, %scan3A_707#7 : vector<16xf32>
      %mul3A_752 = arith.constant 3.000000e+01 : f32
      %mul3A_753 = vector.broadcast %mul3A_752 : f32 to vector<16xf32>
      %mul3A_754 = arith.mulf %sub3A_751, %mul3A_753 : vector<16xf32>
      %exp3A_755 = math.exp %mul3A_754 : vector<16xf32>
      %mul3A_756 = arith.mulf %scan3A_683, %exp3A_755 : vector<16xf32>
      %scan3A_757 = arith.constant 0 : i32
      %scan3A_758 = arith.constant 256 : i32
      %scan3A_759 = arith.addi %scan3A_757, %scan3A_758 : i32
      %scan3A_760 = arith.constant 1 : i32
      %scan3A_761:16 = scf.for %scan3A_845 = %scan3A_757 to %scan3A_759 step %scan3A_760 iter_args(%scan3A_846 = %mul3A_714, %scan3A_847 = %mul3A_720, %scan3A_848 = %mul3A_726, %scan3A_849 = %mul3A_732, %scan3A_850 = %mul3A_738, %scan3A_851 = %mul3A_744, %scan3A_852 = %mul3A_750, %scan3A_853 = %mul3A_756, %scan3A_854 = %scan3A_684, %scan3A_855 = %scan3A_685, %scan3A_856 = %scan3A_686, %scan3A_857 = %scan3A_687, %scan3A_858 = %scan3A_688, %scan3A_859 = %scan3A_689, %scan3A_860 = %scan3A_690, %scan3A_861 = %scan3A_691) -> (vector<16xf32>, vector<16xf32>, vector<16xf32>, vector<16xf32>, vector<16xf32>, vector<16xf32>, vector<16xf32>, vector<16xf32>, vector<16xf32>, vector<16xf32>, vector<16xf32>, vector<16xf32>, vector<16xf32>, vector<16xf32>, vector<16xf32>, vector<16xf32>)  : i32 {
        %mul3A_862 = arith.constant 16 : i32
        %mul3A_863 = arith.muli %scan3A_845, %mul3A_862 : i32
        %add3A_864 = arith.addi %mul3A_697, %mul3A_863 : i32
        %add3A_865 = vector.broadcast %add3A_864 : i32 to vector<16xi32>
        %add3A_866 = arith.addi %add3A_865, %iota3A : vector<16xi32>
        %mul3A_867 = arith.constant 16 : i32
        %mul3A_868 = arith.muli %scan3A_845, %mul3A_867 : i32
        %get3A_869 = arith.constant 0 : i32
        %get3A_870 = arith.index_cast %get3A_869 : i32 to index
        %get3A_871 = arith.index_cast %mul3A_868 : i32 to index
        %get3A_872 = tpu.vector_load %arg8[%get3A_870, %get3A_871] {strides = array<i32>} : memref<8x4096xf32, #tpu.memory_space<vmem>>, vector<1x16xf32>,
        %get3A_873 = vector.shape_cast %get3A_872 : vector<1x16xf32> to vector<16xf32>
        %sub3A_874 = arith.subf %get3A_873, %scan3A_707#0 : vector<16xf32>
        %mul3A_875 = arith.constant 3.000000e+01 : f32
        %mul3A_876 = vector.broadcast %mul3A_875 : f32 to vector<16xf32>
        %mul3A_877 = arith.mulf %sub3A_874, %mul3A_876 : vector<16xf32>
        %exp3A_878 = math.exp %mul3A_877 : vector<16xf32>
        %add3A_879 = arith.addf %scan3A_846, %exp3A_878 : vector<16xf32>
        %eq3A = arith.cmpi eq, %add3A_866, %get3A_14 : vector<16xi32>
        %jit3A = arith.constant 0xFF800000 : f32
        %broadcast_in_dim3A_880 = vector.broadcast %jit3A : f32 to vector<16xf32>
        %select_n3A = arith.select %eq3A, %get3A_873, %broadcast_in_dim3A_880 : vector<16xi1>, vector<16xf32>
        %max3A = arith.maximumf %scan3A_854, %select_n3A : vector<16xf32>
        %mul3A_881 = arith.constant 16 : i32
        %mul3A_882 = arith.muli %scan3A_845, %mul3A_881 : i32
        %get3A_883 = arith.constant 1 : i32
        %get3A_884 = arith.index_cast %get3A_883 : i32 to index
        %get3A_885 = arith.index_cast %mul3A_882 : i32 to index
        %get3A_886 = tpu.vector_load %arg8[%get3A_884, %get3A_885] {strides = array<i32>} : memref<8x4096xf32, #tpu.memory_space<vmem>>, vector<1x16xf32>,
        %get3A_887 = vector.shape_cast %get3A_886 : vector<1x16xf32> to vector<16xf32>
        %sub3A_888 = arith.subf %get3A_887, %scan3A_707#1 : vector<16xf32>
        %mul3A_889 = arith.constant 3.000000e+01 : f32
        %mul3A_890 = vector.broadcast %mul3A_889 : f32 to vector<16xf32>
        %mul3A_891 = arith.mulf %sub3A_888, %mul3A_890 : vector<16xf32>
        %exp3A_892 = math.exp %mul3A_891 : vector<16xf32>
        %add3A_893 = arith.addf %scan3A_847, %exp3A_892 : vector<16xf32>
        %eq3A_894 = arith.cmpi eq, %add3A_866, %get3A_19 : vector<16xi32>
        %jit3A_895 = arith.constant 0xFF800000 : f32
        %broadcast_in_dim3A_896 = vector.broadcast %jit3A_895 : f32 to vector<16xf32>
        %select_n3A_897 = arith.select %eq3A_894, %get3A_887, %broadcast_in_dim3A_896 : vector<16xi1>, vector<16xf32>
        %max3A_898 = arith.maximumf %scan3A_855, %select_n3A_897 : vector<16xf32>
        %mul3A_899 = arith.constant 16 : i32
        %mul3A_900 = arith.muli %scan3A_845, %mul3A_899 : i32
        %get3A_901 = arith.constant 2 : i32
        %get3A_902 = arith.index_cast %get3A_901 : i32 to index
        %get3A_903 = arith.index_cast %mul3A_900 : i32 to index
        %get3A_904 = tpu.vector_load %arg8[%get3A_902, %get3A_903] {strides = array<i32>} : memref<8x4096xf32, #tpu.memory_space<vmem>>, vector<1x16xf32>,
        %get3A_905 = vector.shape_cast %get3A_904 : vector<1x16xf32> to vector<16xf32>
        %sub3A_906 = arith.subf %get3A_905, %scan3A_707#2 : vector<16xf32>
        %mul3A_907 = arith.constant 3.000000e+01 : f32
        %mul3A_908 = vector.broadcast %mul3A_907 : f32 to vector<16xf32>
        %mul3A_909 = arith.mulf %sub3A_906, %mul3A_908 : vector<16xf32>
        %exp3A_910 = math.exp %mul3A_909 : vector<16xf32>
        %add3A_911 = arith.addf %scan3A_848, %exp3A_910 : vector<16xf32>
        %eq3A_912 = arith.cmpi eq, %add3A_866, %get3A_24 : vector<16xi32>
        %jit3A_913 = arith.constant 0xFF800000 : f32
        %broadcast_in_dim3A_914 = vector.broadcast %jit3A_913 : f32 to vector<16xf32>
        %select_n3A_915 = arith.select %eq3A_912, %get3A_905, %broadcast_in_dim3A_914 : vector<16xi1>, vector<16xf32>
        %max3A_916 = arith.maximumf %scan3A_856, %select_n3A_915 : vector<16xf32>
        %mul3A_917 = arith.constant 16 : i32
        %mul3A_918 = arith.muli %scan3A_845, %mul3A_917 : i32
        %get3A_919 = arith.constant 3 : i32
        %get3A_920 = arith.index_cast %get3A_919 : i32 to index
        %get3A_921 = arith.index_cast %mul3A_918 : i32 to index
        %get3A_922 = tpu.vector_load %arg8[%get3A_920, %get3A_921] {strides = array<i32>} : memref<8x4096xf32, #tpu.memory_space<vmem>>, vector<1x16xf32>,
        %get3A_923 = vector.shape_cast %get3A_922 : vector<1x16xf32> to vector<16xf32>
        %sub3A_924 = arith.subf %get3A_923, %scan3A_707#3 : vector<16xf32>
        %mul3A_925 = arith.constant 3.000000e+01 : f32
        %mul3A_926 = vector.broadcast %mul3A_925 : f32 to vector<16xf32>
        %mul3A_927 = arith.mulf %sub3A_924, %mul3A_926 : vector<16xf32>
        %exp3A_928 = math.exp %mul3A_927 : vector<16xf32>
        %add3A_929 = arith.addf %scan3A_849, %exp3A_928 : vector<16xf32>
        %eq3A_930 = arith.cmpi eq, %add3A_866, %get3A_29 : vector<16xi32>
        %jit3A_931 = arith.constant 0xFF800000 : f32
        %broadcast_in_dim3A_932 = vector.broadcast %jit3A_931 : f32 to vector<16xf32>
        %select_n3A_933 = arith.select %eq3A_930, %get3A_923, %broadcast_in_dim3A_932 : vector<16xi1>, vector<16xf32>
        %max3A_934 = arith.maximumf %scan3A_857, %select_n3A_933 : vector<16xf32>
        %mul3A_935 = arith.constant 16 : i32
        %mul3A_936 = arith.muli %scan3A_845, %mul3A_935 : i32
        %get3A_937 = arith.constant 4 : i32
        %get3A_938 = arith.index_cast %get3A_937 : i32 to index
        %get3A_939 = arith.index_cast %mul3A_936 : i32 to index
        %get3A_940 = tpu.vector_load %arg8[%get3A_938, %get3A_939] {strides = array<i32>} : memref<8x4096xf32, #tpu.memory_space<vmem>>, vector<1x16xf32>,
        %get3A_941 = vector.shape_cast %get3A_940 : vector<1x16xf32> to vector<16xf32>
        %sub3A_942 = arith.subf %get3A_941, %scan3A_707#4 : vector<16xf32>
        %mul3A_943 = arith.constant 3.000000e+01 : f32
        %mul3A_944 = vector.broadcast %mul3A_943 : f32 to vector<16xf32>
        %mul3A_945 = arith.mulf %sub3A_942, %mul3A_944 : vector<16xf32>
        %exp3A_946 = math.exp %mul3A_945 : vector<16xf32>
        %add3A_947 = arith.addf %scan3A_850, %exp3A_946 : vector<16xf32>
        %eq3A_948 = arith.cmpi eq, %add3A_866, %get3A_34 : vector<16xi32>
        %jit3A_949 = arith.constant 0xFF800000 : f32
        %broadcast_in_dim3A_950 = vector.broadcast %jit3A_949 : f32 to vector<16xf32>
        %select_n3A_951 = arith.select %eq3A_948, %get3A_941, %broadcast_in_dim3A_950 : vector<16xi1>, vector<16xf32>
        %max3A_952 = arith.maximumf %scan3A_858, %select_n3A_951 : vector<16xf32>
        %mul3A_953 = arith.constant 16 : i32
        %mul3A_954 = arith.muli %scan3A_845, %mul3A_953 : i32
        %get3A_955 = arith.constant 5 : i32
        %get3A_956 = arith.index_cast %get3A_955 : i32 to index
        %get3A_957 = arith.index_cast %mul3A_954 : i32 to index
        %get3A_958 = tpu.vector_load %arg8[%get3A_956, %get3A_957] {strides = array<i32>} : memref<8x4096xf32, #tpu.memory_space<vmem>>, vector<1x16xf32>,
        %get3A_959 = vector.shape_cast %get3A_958 : vector<1x16xf32> to vector<16xf32>
        %sub3A_960 = arith.subf %get3A_959, %scan3A_707#5 : vector<16xf32>
        %mul3A_961 = arith.constant 3.000000e+01 : f32
        %mul3A_962 = vector.broadcast %mul3A_961 : f32 to vector<16xf32>
        %mul3A_963 = arith.mulf %sub3A_960, %mul3A_962 : vector<16xf32>
        %exp3A_964 = math.exp %mul3A_963 : vector<16xf32>
        %add3A_965 = arith.addf %scan3A_851, %exp3A_964 : vector<16xf32>
        %eq3A_966 = arith.cmpi eq, %add3A_866, %get3A_39 : vector<16xi32>
        %jit3A_967 = arith.constant 0xFF800000 : f32
        %broadcast_in_dim3A_968 = vector.broadcast %jit3A_967 : f32 to vector<16xf32>
        %select_n3A_969 = arith.select %eq3A_966, %get3A_959, %broadcast_in_dim3A_968 : vector<16xi1>, vector<16xf32>
        %max3A_970 = arith.maximumf %scan3A_859, %select_n3A_969 : vector<16xf32>
        %mul3A_971 = arith.constant 16 : i32
        %mul3A_972 = arith.muli %scan3A_845, %mul3A_971 : i32
        %get3A_973 = arith.constant 6 : i32
        %get3A_974 = arith.index_cast %get3A_973 : i32 to index
        %get3A_975 = arith.index_cast %mul3A_972 : i32 to index
        %get3A_976 = tpu.vector_load %arg8[%get3A_974, %get3A_975] {strides = array<i32>} : memref<8x4096xf32, #tpu.memory_space<vmem>>, vector<1x16xf32>,
        %get3A_977 = vector.shape_cast %get3A_976 : vector<1x16xf32> to vector<16xf32>
        %sub3A_978 = arith.subf %get3A_977, %scan3A_707#6 : vector<16xf32>
        %mul3A_979 = arith.constant 3.000000e+01 : f32
        %mul3A_980 = vector.broadcast %mul3A_979 : f32 to vector<16xf32>
        %mul3A_981 = arith.mulf %sub3A_978, %mul3A_980 : vector<16xf32>
        %exp3A_982 = math.exp %mul3A_981 : vector<16xf32>
        %add3A_983 = arith.addf %scan3A_852, %exp3A_982 : vector<16xf32>
        %eq3A_984 = arith.cmpi eq, %add3A_866, %get3A_44 : vector<16xi32>
        %jit3A_985 = arith.constant 0xFF800000 : f32
        %broadcast_in_dim3A_986 = vector.broadcast %jit3A_985 : f32 to vector<16xf32>
        %select_n3A_987 = arith.select %eq3A_984, %get3A_977, %broadcast_in_dim3A_986 : vector<16xi1>, vector<16xf32>
        %max3A_988 = arith.maximumf %scan3A_860, %select_n3A_987 : vector<16xf32>
        %mul3A_989 = arith.constant 16 : i32
        %mul3A_990 = arith.muli %scan3A_845, %mul3A_989 : i32
        %get3A_991 = arith.constant 7 : i32
        %get3A_992 = arith.index_cast %get3A_991 : i32 to index
        %get3A_993 = arith.index_cast %mul3A_990 : i32 to index
        %get3A_994 = tpu.vector_load %arg8[%get3A_992, %get3A_993] {strides = array<i32>} : memref<8x4096xf32, #tpu.memory_space<vmem>>, vector<1x16xf32>,
        %get3A_995 = vector.shape_cast %get3A_994 : vector<1x16xf32> to vector<16xf32>
        %sub3A_996 = arith.subf %get3A_995, %scan3A_707#7 : vector<16xf32>
        %mul3A_997 = arith.constant 3.000000e+01 : f32
        %mul3A_998 = vector.broadcast %mul3A_997 : f32 to vector<16xf32>
        %mul3A_999 = arith.mulf %sub3A_996, %mul3A_998 : vector<16xf32>
        %exp3A_1000 = math.exp %mul3A_999 : vector<16xf32>
        %add3A_1001 = arith.addf %scan3A_853, %exp3A_1000 : vector<16xf32>
        %eq3A_1002 = arith.cmpi eq, %add3A_866, %get3A_49 : vector<16xi32>
        %jit3A_1003 = arith.constant 0xFF800000 : f32
        %broadcast_in_dim3A_1004 = vector.broadcast %jit3A_1003 : f32 to vector<16xf32>
        %select_n3A_1005 = arith.select %eq3A_1002, %get3A_995, %broadcast_in_dim3A_1004 : vector<16xi1>, vector<16xf32>
        %max3A_1006 = arith.maximumf %scan3A_861, %select_n3A_1005 : vector<16xf32>
        scf.yield %add3A_879, %add3A_893, %add3A_911, %add3A_929, %add3A_947, %add3A_965, %add3A_983, %add3A_1001, %max3A, %max3A_898, %max3A_916, %max3A_934, %max3A_952, %max3A_970, %max3A_988, %max3A_1006 : vector<16xf32>, vector<16xf32>, vector<16xf32>, vector<16xf32>, vector<16xf32>, vector<16xf32>, vector<16xf32>, vector<16xf32>, vector<16xf32>, vector<16xf32>, vector<16xf32>, vector<16xf32>, vector<16xf32>, vector<16xf32>, vector<16xf32>, vector<16xf32>
      }
      %scan3A_762 = arith.constant 256 : i32
      %add3A_763 = arith.constant 1 : i32
      %add3A_764 = arith.addi %scan3A_667, %add3A_763 : i32
      %lt3A = arith.constant 12 : i32
      %lt3A_765 = arith.cmpi slt, %add3A_764, %lt3A : i32
      %convert_element_type3A = arith.extui %lt3A_765 : i1 to i32
      %cond3A = arith.constant 0 : i32
      %cond3A_766 = arith.cmpi ne, %convert_element_type3A, %cond3A : i32
      scf.if %cond3A_766 {
        %add3A_845 = arith.constant 1 : i32
        %add3A_846 = arith.addi %scan3A_667, %add3A_845 : i32
        %mul3A_847 = arith.constant 2 : i32
        %mul3A_848 = arith.muli %mul3A_847, %add3A_846 : i32
        %add3A_849 = arith.constant 0 : i32
        %add3A_850 = arith.addi %mul3A_848, %add3A_849 : i32
        %mul3A_851 = arith.constant 4096 : i32
        %mul3A_852 = arith.muli %add3A_850, %mul3A_851 : i32
        %dma_start3A_853 = arith.constant 0 : i32
        %dma_start3A_854 = tpu.memref_slice %arg2[%add3A_4, %mul3A_852] : memref<512x100000xf32, #tpu.memory_space<hbm>> -> memref<8x4096xf32, #tpu.memory_space<hbm>>
        %dma_start3A_855 = tpu.memref_slice %arg14[%dma_start3A_853] : memref<3x!tpu.dma_semaphore, #tpu.memory_space<semaphore_mem>> -> memref<1x!tpu.dma_semaphore, #tpu.memory_space<semaphore_mem>>
        %dma_start3A_856 = tpu.memref_squeeze %dma_start3A_855 : memref<1x!tpu.dma_semaphore, #tpu.memory_space<semaphore_mem>> -> memref<!tpu.dma_semaphore, #tpu.memory_space<semaphore_mem>>
        %dma_start3A_857 = tpu.memref_slice %arg2[%add3A_4, %mul3A_852] : memref<512x100000xf32, #tpu.memory_space<hbm>> -> memref<8x4096xf32, #tpu.memory_space<hbm>>
        tpu.enqueue_dma source(%dma_start3A_857 : memref<8x4096xf32, #tpu.memory_space<hbm>>) target(%arg8 : memref<8x4096xf32, #tpu.memory_space<vmem>>) target_semaphore(%dma_start3A_856 : memref<!tpu.dma_semaphore, #tpu.memory_space<semaphore_mem>>)
      } else {
      }
      %mul3A_767 = arith.constant 2 : i32
      %mul3A_768 = arith.muli %mul3A_767, %scan3A_667 : i32
      %add3A_769 = arith.constant 1 : i32
      %add3A_770 = arith.addi %mul3A_768, %add3A_769 : i32
      %mul3A_771 = arith.constant 4096 : i32
      %mul3A_772 = arith.muli %add3A_770, %mul3A_771 : i32
      %dma_wait3A_773 = arith.constant 1 : i32
      %dma_wait3A_774 = tpu.memref_slice %arg2[%add3A_4, %mul3A_772] : memref<512x100000xf32, #tpu.memory_space<hbm>> -> memref<8x4096xf32, #tpu.memory_space<hbm>>
      %dma_wait3A_775 = tpu.memref_slice %arg14[%dma_wait3A_773] : memref<3x!tpu.dma_semaphore, #tpu.memory_space<semaphore_mem>> -> memref<1x!tpu.dma_semaphore, #tpu.memory_space<semaphore_mem>>
      %dma_wait3A_776 = tpu.memref_squeeze %dma_wait3A_775 : memref<1x!tpu.dma_semaphore, #tpu.memory_space<semaphore_mem>> -> memref<!tpu.dma_semaphore, #tpu.memory_space<semaphore_mem>>
      %dma_wait3A_777 = tpu.memref_slice %arg2[%add3A_4, %mul3A_772] : memref<512x100000xf32, #tpu.memory_space<hbm>> -> memref<8x4096xf32, #tpu.memory_space<hbm>>
      tpu.wait_dma2 semaphore(%dma_wait3A_776 : memref<!tpu.dma_semaphore, #tpu.memory_space<semaphore_mem>>) src(%dma_wait3A_777 : memref<8x4096xf32, #tpu.memory_space<hbm>>) dst(%arg9 : memref<8x4096xf32, #tpu.memory_space<vmem>>)
      %scan3A_778 = arith.constant 0 : i32
      %scan3A_779 = arith.constant 256 : i32
      %scan3A_780 = arith.addi %scan3A_778, %scan3A_779 : i32
      %scan3A_781 = arith.constant 1 : i32
      %scan3A_782:8 = scf.for %scan3A_845 = %scan3A_778 to %scan3A_780 step %scan3A_781 iter_args(%scan3A_846 = %scan3A_707#0, %scan3A_847 = %scan3A_707#1, %scan3A_848 = %scan3A_707#2, %scan3A_849 = %scan3A_707#3, %scan3A_850 = %scan3A_707#4, %scan3A_851 = %scan3A_707#5, %scan3A_852 = %scan3A_707#6, %scan3A_853 = %scan3A_707#7) -> (vector<16xf32>, vector<16xf32>, vector<16xf32>, vector<16xf32>, vector<16xf32>, vector<16xf32>, vector<16xf32>, vector<16xf32>)  : i32 {
        %mul3A_854 = arith.constant 16 : i32
        %mul3A_855 = arith.muli %scan3A_845, %mul3A_854 : i32
        %get3A_856 = arith.constant 0 : i32
        %get3A_857 = arith.index_cast %get3A_856 : i32 to index
        %get3A_858 = arith.index_cast %mul3A_855 : i32 to index
        %get3A_859 = tpu.vector_load %arg9[%get3A_857, %get3A_858] {strides = array<i32>} : memref<8x4096xf32, #tpu.memory_space<vmem>>, vector<1x16xf32>,
        %get3A_860 = vector.shape_cast %get3A_859 : vector<1x16xf32> to vector<16xf32>
        %max3A = arith.maximumf %scan3A_846, %get3A_860 : vector<16xf32>
        %mul3A_861 = arith.constant 16 : i32
        %mul3A_862 = arith.muli %scan3A_845, %mul3A_861 : i32
        %get3A_863 = arith.constant 1 : i32
        %get3A_864 = arith.index_cast %get3A_863 : i32 to index
        %get3A_865 = arith.index_cast %mul3A_862 : i32 to index
        %get3A_866 = tpu.vector_load %arg9[%get3A_864, %get3A_865] {strides = array<i32>} : memref<8x4096xf32, #tpu.memory_space<vmem>>, vector<1x16xf32>,
        %get3A_867 = vector.shape_cast %get3A_866 : vector<1x16xf32> to vector<16xf32>
        %max3A_868 = arith.maximumf %scan3A_847, %get3A_867 : vector<16xf32>
        %mul3A_869 = arith.constant 16 : i32
        %mul3A_870 = arith.muli %scan3A_845, %mul3A_869 : i32
        %get3A_871 = arith.constant 2 : i32
        %get3A_872 = arith.index_cast %get3A_871 : i32 to index
        %get3A_873 = arith.index_cast %mul3A_870 : i32 to index
        %get3A_874 = tpu.vector_load %arg9[%get3A_872, %get3A_873] {strides = array<i32>} : memref<8x4096xf32, #tpu.memory_space<vmem>>, vector<1x16xf32>,
        %get3A_875 = vector.shape_cast %get3A_874 : vector<1x16xf32> to vector<16xf32>
        %max3A_876 = arith.maximumf %scan3A_848, %get3A_875 : vector<16xf32>
        %mul3A_877 = arith.constant 16 : i32
        %mul3A_878 = arith.muli %scan3A_845, %mul3A_877 : i32
        %get3A_879 = arith.constant 3 : i32
        %get3A_880 = arith.index_cast %get3A_879 : i32 to index
        %get3A_881 = arith.index_cast %mul3A_878 : i32 to index
        %get3A_882 = tpu.vector_load %arg9[%get3A_880, %get3A_881] {strides = array<i32>} : memref<8x4096xf32, #tpu.memory_space<vmem>>, vector<1x16xf32>,
        %get3A_883 = vector.shape_cast %get3A_882 : vector<1x16xf32> to vector<16xf32>
        %max3A_884 = arith.maximumf %scan3A_849, %get3A_883 : vector<16xf32>
        %mul3A_885 = arith.constant 16 : i32
        %mul3A_886 = arith.muli %scan3A_845, %mul3A_885 : i32
        %get3A_887 = arith.constant 4 : i32
        %get3A_888 = arith.index_cast %get3A_887 : i32 to index
        %get3A_889 = arith.index_cast %mul3A_886 : i32 to index
        %get3A_890 = tpu.vector_load %arg9[%get3A_888, %get3A_889] {strides = array<i32>} : memref<8x4096xf32, #tpu.memory_space<vmem>>, vector<1x16xf32>,
        %get3A_891 = vector.shape_cast %get3A_890 : vector<1x16xf32> to vector<16xf32>
        %max3A_892 = arith.maximumf %scan3A_850, %get3A_891 : vector<16xf32>
        %mul3A_893 = arith.constant 16 : i32
        %mul3A_894 = arith.muli %scan3A_845, %mul3A_893 : i32
        %get3A_895 = arith.constant 5 : i32
        %get3A_896 = arith.index_cast %get3A_895 : i32 to index
        %get3A_897 = arith.index_cast %mul3A_894 : i32 to index
        %get3A_898 = tpu.vector_load %arg9[%get3A_896, %get3A_897] {strides = array<i32>} : memref<8x4096xf32, #tpu.memory_space<vmem>>, vector<1x16xf32>,
        %get3A_899 = vector.shape_cast %get3A_898 : vector<1x16xf32> to vector<16xf32>
        %max3A_900 = arith.maximumf %scan3A_851, %get3A_899 : vector<16xf32>
        %mul3A_901 = arith.constant 16 : i32
        %mul3A_902 = arith.muli %scan3A_845, %mul3A_901 : i32
        %get3A_903 = arith.constant 6 : i32
        %get3A_904 = arith.index_cast %get3A_903 : i32 to index
        %get3A_905 = arith.index_cast %mul3A_902 : i32 to index
        %get3A_906 = tpu.vector_load %arg9[%get3A_904, %get3A_905] {strides = array<i32>} : memref<8x4096xf32, #tpu.memory_space<vmem>>, vector<1x16xf32>,
        %get3A_907 = vector.shape_cast %get3A_906 : vector<1x16xf32> to vector<16xf32>
        %max3A_908 = arith.maximumf %scan3A_852, %get3A_907 : vector<16xf32>
        %mul3A_909 = arith.constant 16 : i32
        %mul3A_910 = arith.muli %scan3A_845, %mul3A_909 : i32
        %get3A_911 = arith.constant 7 : i32
        %get3A_912 = arith.index_cast %get3A_911 : i32 to index
        %get3A_913 = arith.index_cast %mul3A_910 : i32 to index
        %get3A_914 = tpu.vector_load %arg9[%get3A_912, %get3A_913] {strides = array<i32>} : memref<8x4096xf32, #tpu.memory_space<vmem>>, vector<1x16xf32>,
        %get3A_915 = vector.shape_cast %get3A_914 : vector<1x16xf32> to vector<16xf32>
        %max3A_916 = arith.maximumf %scan3A_853, %get3A_915 : vector<16xf32>
        scf.yield %max3A, %max3A_868, %max3A_876, %max3A_884, %max3A_892, %max3A_900, %max3A_908, %max3A_916 : vector<16xf32>, vector<16xf32>, vector<16xf32>, vector<16xf32>, vector<16xf32>, vector<16xf32>, vector<16xf32>, vector<16xf32>
      }
      %scan3A_783 = arith.constant 256 : i32
      %sub3A_784 = arith.subf %scan3A_707#0, %scan3A_782#0 : vector<16xf32>
      %mul3A_785 = arith.constant 3.000000e+01 : f32
      %mul3A_786 = vector.broadcast %mul3A_785 : f32 to vector<16xf32>
      %mul3A_787 = arith.mulf %sub3A_784, %mul3A_786 : vector<16xf32>
      %exp3A_788 = math.exp %mul3A_787 : vector<16xf32>
      %mul3A_789 = arith.mulf %scan3A_761#0, %exp3A_788 : vector<16xf32>
      %sub3A_790 = arith.subf %scan3A_707#1, %scan3A_782#1 : vector<16xf32>
      %mul3A_791 = arith.constant 3.000000e+01 : f32
      %mul3A_792 = vector.broadcast %mul3A_791 : f32 to vector<16xf32>
      %mul3A_793 = arith.mulf %sub3A_790, %mul3A_792 : vector<16xf32>
      %exp3A_794 = math.exp %mul3A_793 : vector<16xf32>
      %mul3A_795 = arith.mulf %scan3A_761#1, %exp3A_794 : vector<16xf32>
      %sub3A_796 = arith.subf %scan3A_707#2, %scan3A_782#2 : vector<16xf32>
      %mul3A_797 = arith.constant 3.000000e+01 : f32
      %mul3A_798 = vector.broadcast %mul3A_797 : f32 to vector<16xf32>
      %mul3A_799 = arith.mulf %sub3A_796, %mul3A_798 : vector<16xf32>
      %exp3A_800 = math.exp %mul3A_799 : vector<16xf32>
      %mul3A_801 = arith.mulf %scan3A_761#2, %exp3A_800 : vector<16xf32>
      %sub3A_802 = arith.subf %scan3A_707#3, %scan3A_782#3 : vector<16xf32>
      %mul3A_803 = arith.constant 3.000000e+01 : f32
      %mul3A_804 = vector.broadcast %mul3A_803 : f32 to vector<16xf32>
      %mul3A_805 = arith.mulf %sub3A_802, %mul3A_804 : vector<16xf32>
      %exp3A_806 = math.exp %mul3A_805 : vector<16xf32>
      %mul3A_807 = arith.mulf %scan3A_761#3, %exp3A_806 : vector<16xf32>
      %sub3A_808 = arith.subf %scan3A_707#4, %scan3A_782#4 : vector<16xf32>
      %mul3A_809 = arith.constant 3.000000e+01 : f32
      %mul3A_810 = vector.broadcast %mul3A_809 : f32 to vector<16xf32>
      %mul3A_811 = arith.mulf %sub3A_808, %mul3A_810 : vector<16xf32>
      %exp3A_812 = math.exp %mul3A_811 : vector<16xf32>
      %mul3A_813 = arith.mulf %scan3A_761#4, %exp3A_812 : vector<16xf32>
      %sub3A_814 = arith.subf %scan3A_707#5, %scan3A_782#5 : vector<16xf32>
      %mul3A_815 = arith.constant 3.000000e+01 : f32
      %mul3A_816 = vector.broadcast %mul3A_815 : f32 to vector<16xf32>
      %mul3A_817 = arith.mulf %sub3A_814, %mul3A_816 : vector<16xf32>
      %exp3A_818 = math.exp %mul3A_817 : vector<16xf32>
      %mul3A_819 = arith.mulf %scan3A_761#5, %exp3A_818 : vector<16xf32>
      %sub3A_820 = arith.subf %scan3A_707#6, %scan3A_782#6 : vector<16xf32>
      %mul3A_821 = arith.constant 3.000000e+01 : f32
      %mul3A_822 = vector.broadcast %mul3A_821 : f32 to vector<16xf32>
      %mul3A_823 = arith.mulf %sub3A_820, %mul3A_822 : vector<16xf32>
      %exp3A_824 = math.exp %mul3A_823 : vector<16xf32>
      %mul3A_825 = arith.mulf %scan3A_761#6, %exp3A_824 : vector<16xf32>
      %sub3A_826 = arith.subf %scan3A_707#7, %scan3A_782#7 : vector<16xf32>
      %mul3A_827 = arith.constant 3.000000e+01 : f32
      %mul3A_828 = vector.broadcast %mul3A_827 : f32 to vector<16xf32>
      %mul3A_829 = arith.mulf %sub3A_826, %mul3A_828 : vector<16xf32>
      %exp3A_830 = math.exp %mul3A_829 : vector<16xf32>
      %mul3A_831 = arith.mulf %scan3A_761#7, %exp3A_830 : vector<16xf32>
      %scan3A_832 = arith.constant 0 : i32
      %scan3A_833 = arith.constant 256 : i32
      %scan3A_834 = arith.addi %scan3A_832, %scan3A_833 : i32
      %scan3A_835 = arith.constant 1 : i32
      %scan3A_836:16 = scf.for %scan3A_845 = %scan3A_832 to %scan3A_834 step %scan3A_835 iter_args(%scan3A_846 = %mul3A_789, %scan3A_847 = %mul3A_795, %scan3A_848 = %mul3A_801, %scan3A_849 = %mul3A_807, %scan3A_850 = %mul3A_813, %scan3A_851 = %mul3A_819, %scan3A_852 = %mul3A_825, %scan3A_853 = %mul3A_831, %scan3A_854 = %scan3A_761#8, %scan3A_855 = %scan3A_761#9, %scan3A_856 = %scan3A_761#10, %scan3A_857 = %scan3A_761#11, %scan3A_858 = %scan3A_761#12, %scan3A_859 = %scan3A_761#13, %scan3A_860 = %scan3A_761#14, %scan3A_861 = %scan3A_761#15) -> (vector<16xf32>, vector<16xf32>, vector<16xf32>, vector<16xf32>, vector<16xf32>, vector<16xf32>, vector<16xf32>, vector<16xf32>, vector<16xf32>, vector<16xf32>, vector<16xf32>, vector<16xf32>, vector<16xf32>, vector<16xf32>, vector<16xf32>, vector<16xf32>)  : i32 {
        %mul3A_862 = arith.constant 16 : i32
        %mul3A_863 = arith.muli %scan3A_845, %mul3A_862 : i32
        %add3A_864 = arith.addi %mul3A_772, %mul3A_863 : i32
        %add3A_865 = vector.broadcast %add3A_864 : i32 to vector<16xi32>
        %add3A_866 = arith.addi %add3A_865, %iota3A : vector<16xi32>
        %mul3A_867 = arith.constant 16 : i32
        %mul3A_868 = arith.muli %scan3A_845, %mul3A_867 : i32
        %get3A_869 = arith.constant 0 : i32
        %get3A_870 = arith.index_cast %get3A_869 : i32 to index
        %get3A_871 = arith.index_cast %mul3A_868 : i32 to index
        %get3A_872 = tpu.vector_load %arg9[%get3A_870, %get3A_871] {strides = array<i32>} : memref<8x4096xf32, #tpu.memory_space<vmem>>, vector<1x16xf32>,
        %get3A_873 = vector.shape_cast %get3A_872 : vector<1x16xf32> to vector<16xf32>
        %sub3A_874 = arith.subf %get3A_873, %scan3A_782#0 : vector<16xf32>
        %mul3A_875 = arith.constant 3.000000e+01 : f32
        %mul3A_876 = vector.broadcast %mul3A_875 : f32 to vector<16xf32>
        %mul3A_877 = arith.mulf %sub3A_874, %mul3A_876 : vector<16xf32>
        %exp3A_878 = math.exp %mul3A_877 : vector<16xf32>
        %add3A_879 = arith.addf %scan3A_846, %exp3A_878 : vector<16xf32>
        %eq3A = arith.cmpi eq, %add3A_866, %get3A_14 : vector<16xi32>
        %jit3A = arith.constant 0xFF800000 : f32
        %broadcast_in_dim3A_880 = vector.broadcast %jit3A : f32 to vector<16xf32>
        %select_n3A = arith.select %eq3A, %get3A_873, %broadcast_in_dim3A_880 : vector<16xi1>, vector<16xf32>
        %max3A = arith.maximumf %scan3A_854, %select_n3A : vector<16xf32>
        %mul3A_881 = arith.constant 16 : i32
        %mul3A_882 = arith.muli %scan3A_845, %mul3A_881 : i32
        %get3A_883 = arith.constant 1 : i32
        %get3A_884 = arith.index_cast %get3A_883 : i32 to index
        %get3A_885 = arith.index_cast %mul3A_882 : i32 to index
        %get3A_886 = tpu.vector_load %arg9[%get3A_884, %get3A_885] {strides = array<i32>} : memref<8x4096xf32, #tpu.memory_space<vmem>>, vector<1x16xf32>,
        %get3A_887 = vector.shape_cast %get3A_886 : vector<1x16xf32> to vector<16xf32>
        %sub3A_888 = arith.subf %get3A_887, %scan3A_782#1 : vector<16xf32>
        %mul3A_889 = arith.constant 3.000000e+01 : f32
        %mul3A_890 = vector.broadcast %mul3A_889 : f32 to vector<16xf32>
        %mul3A_891 = arith.mulf %sub3A_888, %mul3A_890 : vector<16xf32>
        %exp3A_892 = math.exp %mul3A_891 : vector<16xf32>
        %add3A_893 = arith.addf %scan3A_847, %exp3A_892 : vector<16xf32>
        %eq3A_894 = arith.cmpi eq, %add3A_866, %get3A_19 : vector<16xi32>
        %jit3A_895 = arith.constant 0xFF800000 : f32
        %broadcast_in_dim3A_896 = vector.broadcast %jit3A_895 : f32 to vector<16xf32>
        %select_n3A_897 = arith.select %eq3A_894, %get3A_887, %broadcast_in_dim3A_896 : vector<16xi1>, vector<16xf32>
        %max3A_898 = arith.maximumf %scan3A_855, %select_n3A_897 : vector<16xf32>
        %mul3A_899 = arith.constant 16 : i32
        %mul3A_900 = arith.muli %scan3A_845, %mul3A_899 : i32
        %get3A_901 = arith.constant 2 : i32
        %get3A_902 = arith.index_cast %get3A_901 : i32 to index
        %get3A_903 = arith.index_cast %mul3A_900 : i32 to index
        %get3A_904 = tpu.vector_load %arg9[%get3A_902, %get3A_903] {strides = array<i32>} : memref<8x4096xf32, #tpu.memory_space<vmem>>, vector<1x16xf32>,
        %get3A_905 = vector.shape_cast %get3A_904 : vector<1x16xf32> to vector<16xf32>
        %sub3A_906 = arith.subf %get3A_905, %scan3A_782#2 : vector<16xf32>
        %mul3A_907 = arith.constant 3.000000e+01 : f32
        %mul3A_908 = vector.broadcast %mul3A_907 : f32 to vector<16xf32>
        %mul3A_909 = arith.mulf %sub3A_906, %mul3A_908 : vector<16xf32>
        %exp3A_910 = math.exp %mul3A_909 : vector<16xf32>
        %add3A_911 = arith.addf %scan3A_848, %exp3A_910 : vector<16xf32>
        %eq3A_912 = arith.cmpi eq, %add3A_866, %get3A_24 : vector<16xi32>
        %jit3A_913 = arith.constant 0xFF800000 : f32
        %broadcast_in_dim3A_914 = vector.broadcast %jit3A_913 : f32 to vector<16xf32>
        %select_n3A_915 = arith.select %eq3A_912, %get3A_905, %broadcast_in_dim3A_914 : vector<16xi1>, vector<16xf32>
        %max3A_916 = arith.maximumf %scan3A_856, %select_n3A_915 : vector<16xf32>
        %mul3A_917 = arith.constant 16 : i32
        %mul3A_918 = arith.muli %scan3A_845, %mul3A_917 : i32
        %get3A_919 = arith.constant 3 : i32
        %get3A_920 = arith.index_cast %get3A_919 : i32 to index
        %get3A_921 = arith.index_cast %mul3A_918 : i32 to index
        %get3A_922 = tpu.vector_load %arg9[%get3A_920, %get3A_921] {strides = array<i32>} : memref<8x4096xf32, #tpu.memory_space<vmem>>, vector<1x16xf32>,
        %get3A_923 = vector.shape_cast %get3A_922 : vector<1x16xf32> to vector<16xf32>
        %sub3A_924 = arith.subf %get3A_923, %scan3A_782#3 : vector<16xf32>
        %mul3A_925 = arith.constant 3.000000e+01 : f32
        %mul3A_926 = vector.broadcast %mul3A_925 : f32 to vector<16xf32>
        %mul3A_927 = arith.mulf %sub3A_924, %mul3A_926 : vector<16xf32>
        %exp3A_928 = math.exp %mul3A_927 : vector<16xf32>
        %add3A_929 = arith.addf %scan3A_849, %exp3A_928 : vector<16xf32>
        %eq3A_930 = arith.cmpi eq, %add3A_866, %get3A_29 : vector<16xi32>
        %jit3A_931 = arith.constant 0xFF800000 : f32
        %broadcast_in_dim3A_932 = vector.broadcast %jit3A_931 : f32 to vector<16xf32>
        %select_n3A_933 = arith.select %eq3A_930, %get3A_923, %broadcast_in_dim3A_932 : vector<16xi1>, vector<16xf32>
        %max3A_934 = arith.maximumf %scan3A_857, %select_n3A_933 : vector<16xf32>
        %mul3A_935 = arith.constant 16 : i32
        %mul3A_936 = arith.muli %scan3A_845, %mul3A_935 : i32
        %get3A_937 = arith.constant 4 : i32
        %get3A_938 = arith.index_cast %get3A_937 : i32 to index
        %get3A_939 = arith.index_cast %mul3A_936 : i32 to index
        %get3A_940 = tpu.vector_load %arg9[%get3A_938, %get3A_939] {strides = array<i32>} : memref<8x4096xf32, #tpu.memory_space<vmem>>, vector<1x16xf32>,
        %get3A_941 = vector.shape_cast %get3A_940 : vector<1x16xf32> to vector<16xf32>
        %sub3A_942 = arith.subf %get3A_941, %scan3A_782#4 : vector<16xf32>
        %mul3A_943 = arith.constant 3.000000e+01 : f32
        %mul3A_944 = vector.broadcast %mul3A_943 : f32 to vector<16xf32>
        %mul3A_945 = arith.mulf %sub3A_942, %mul3A_944 : vector<16xf32>
        %exp3A_946 = math.exp %mul3A_945 : vector<16xf32>
        %add3A_947 = arith.addf %scan3A_850, %exp3A_946 : vector<16xf32>
        %eq3A_948 = arith.cmpi eq, %add3A_866, %get3A_34 : vector<16xi32>
        %jit3A_949 = arith.constant 0xFF800000 : f32
        %broadcast_in_dim3A_950 = vector.broadcast %jit3A_949 : f32 to vector<16xf32>
        %select_n3A_951 = arith.select %eq3A_948, %get3A_941, %broadcast_in_dim3A_950 : vector<16xi1>, vector<16xf32>
        %max3A_952 = arith.maximumf %scan3A_858, %select_n3A_951 : vector<16xf32>
        %mul3A_953 = arith.constant 16 : i32
        %mul3A_954 = arith.muli %scan3A_845, %mul3A_953 : i32
        %get3A_955 = arith.constant 5 : i32
        %get3A_956 = arith.index_cast %get3A_955 : i32 to index
        %get3A_957 = arith.index_cast %mul3A_954 : i32 to index
        %get3A_958 = tpu.vector_load %arg9[%get3A_956, %get3A_957] {strides = array<i32>} : memref<8x4096xf32, #tpu.memory_space<vmem>>, vector<1x16xf32>,
        %get3A_959 = vector.shape_cast %get3A_958 : vector<1x16xf32> to vector<16xf32>
        %sub3A_960 = arith.subf %get3A_959, %scan3A_782#5 : vector<16xf32>
        %mul3A_961 = arith.constant 3.000000e+01 : f32
        %mul3A_962 = vector.broadcast %mul3A_961 : f32 to vector<16xf32>
        %mul3A_963 = arith.mulf %sub3A_960, %mul3A_962 : vector<16xf32>
        %exp3A_964 = math.exp %mul3A_963 : vector<16xf32>
        %add3A_965 = arith.addf %scan3A_851, %exp3A_964 : vector<16xf32>
        %eq3A_966 = arith.cmpi eq, %add3A_866, %get3A_39 : vector<16xi32>
        %jit3A_967 = arith.constant 0xFF800000 : f32
        %broadcast_in_dim3A_968 = vector.broadcast %jit3A_967 : f32 to vector<16xf32>
        %select_n3A_969 = arith.select %eq3A_966, %get3A_959, %broadcast_in_dim3A_968 : vector<16xi1>, vector<16xf32>
        %max3A_970 = arith.maximumf %scan3A_859, %select_n3A_969 : vector<16xf32>
        %mul3A_971 = arith.constant 16 : i32
        %mul3A_972 = arith.muli %scan3A_845, %mul3A_971 : i32
        %get3A_973 = arith.constant 6 : i32
        %get3A_974 = arith.index_cast %get3A_973 : i32 to index
        %get3A_975 = arith.index_cast %mul3A_972 : i32 to index
        %get3A_976 = tpu.vector_load %arg9[%get3A_974, %get3A_975] {strides = array<i32>} : memref<8x4096xf32, #tpu.memory_space<vmem>>, vector<1x16xf32>,
        %get3A_977 = vector.shape_cast %get3A_976 : vector<1x16xf32> to vector<16xf32>
        %sub3A_978 = arith.subf %get3A_977, %scan3A_782#6 : vector<16xf32>
        %mul3A_979 = arith.constant 3.000000e+01 : f32
        %mul3A_980 = vector.broadcast %mul3A_979 : f32 to vector<16xf32>
        %mul3A_981 = arith.mulf %sub3A_978, %mul3A_980 : vector<16xf32>
        %exp3A_982 = math.exp %mul3A_981 : vector<16xf32>
        %add3A_983 = arith.addf %scan3A_852, %exp3A_982 : vector<16xf32>
        %eq3A_984 = arith.cmpi eq, %add3A_866, %get3A_44 : vector<16xi32>
        %jit3A_985 = arith.constant 0xFF800000 : f32
        %broadcast_in_dim3A_986 = vector.broadcast %jit3A_985 : f32 to vector<16xf32>
        %select_n3A_987 = arith.select %eq3A_984, %get3A_977, %broadcast_in_dim3A_986 : vector<16xi1>, vector<16xf32>
        %max3A_988 = arith.maximumf %scan3A_860, %select_n3A_987 : vector<16xf32>
        %mul3A_989 = arith.constant 16 : i32
        %mul3A_990 = arith.muli %scan3A_845, %mul3A_989 : i32
        %get3A_991 = arith.constant 7 : i32
        %get3A_992 = arith.index_cast %get3A_991 : i32 to index
        %get3A_993 = arith.index_cast %mul3A_990 : i32 to index
        %get3A_994 = tpu.vector_load %arg9[%get3A_992, %get3A_993] {strides = array<i32>} : memref<8x4096xf32, #tpu.memory_space<vmem>>, vector<1x16xf32>,
        %get3A_995 = vector.shape_cast %get3A_994 : vector<1x16xf32> to vector<16xf32>
        %sub3A_996 = arith.subf %get3A_995, %scan3A_782#7 : vector<16xf32>
        %mul3A_997 = arith.constant 3.000000e+01 : f32
        %mul3A_998 = vector.broadcast %mul3A_997 : f32 to vector<16xf32>
        %mul3A_999 = arith.mulf %sub3A_996, %mul3A_998 : vector<16xf32>
        %exp3A_1000 = math.exp %mul3A_999 : vector<16xf32>
        %add3A_1001 = arith.addf %scan3A_853, %exp3A_1000 : vector<16xf32>
        %eq3A_1002 = arith.cmpi eq, %add3A_866, %get3A_49 : vector<16xi32>
        %jit3A_1003 = arith.constant 0xFF800000 : f32
        %broadcast_in_dim3A_1004 = vector.broadcast %jit3A_1003 : f32 to vector<16xf32>
        %select_n3A_1005 = arith.select %eq3A_1002, %get3A_995, %broadcast_in_dim3A_1004 : vector<16xi1>, vector<16xf32>
        %max3A_1006 = arith.maximumf %scan3A_861, %select_n3A_1005 : vector<16xf32>
        scf.yield %add3A_879, %add3A_893, %add3A_911, %add3A_929, %add3A_947, %add3A_965, %add3A_983, %add3A_1001, %max3A, %max3A_898, %max3A_916, %max3A_934, %max3A_952, %max3A_970, %max3A_988, %max3A_1006 : vector<16xf32>, vector<16xf32>, vector<16xf32>, vector<16xf32>, vector<16xf32>, vector<16xf32>, vector<16xf32>, vector<16xf32>, vector<16xf32>, vector<16xf32>, vector<16xf32>, vector<16xf32>, vector<16xf32>, vector<16xf32>, vector<16xf32>, vector<16xf32>
      }
      %scan3A_837 = arith.constant 256 : i32
      %add3A_838 = arith.constant 1 : i32
      %add3A_839 = arith.addi %scan3A_667, %add3A_838 : i32
      %lt3A_840 = arith.constant 12 : i32
      %lt3A_841 = arith.cmpi slt, %add3A_839, %lt3A_840 : i32
      %convert_element_type3A_842 = arith.extui %lt3A_841 : i1 to i32
      %cond3A_843 = arith.constant 0 : i32
      %cond3A_844 = arith.cmpi ne, %convert_element_type3A_842, %cond3A_843 : i32
      scf.if %cond3A_844 {
        %add3A_845 = arith.constant 1 : i32
        %add3A_846 = arith.addi %scan3A_667, %add3A_845 : i32
        %mul3A_847 = arith.constant 2 : i32
        %mul3A_848 = arith.muli %mul3A_847, %add3A_846 : i32
        %add3A_849 = arith.constant 1 : i32
        %add3A_850 = arith.addi %mul3A_848, %add3A_849 : i32
        %mul3A_851 = arith.constant 4096 : i32
        %mul3A_852 = arith.muli %add3A_850, %mul3A_851 : i32
        %dma_start3A_853 = arith.constant 1 : i32
        %dma_start3A_854 = tpu.memref_slice %arg2[%add3A_4, %mul3A_852] : memref<512x100000xf32, #tpu.memory_space<hbm>> -> memref<8x4096xf32, #tpu.memory_space<hbm>>
        %dma_start3A_855 = tpu.memref_slice %arg14[%dma_start3A_853] : memref<3x!tpu.dma_semaphore, #tpu.memory_space<semaphore_mem>> -> memref<1x!tpu.dma_semaphore, #tpu.memory_space<semaphore_mem>>
        %dma_start3A_856 = tpu.memref_squeeze %dma_start3A_855 : memref<1x!tpu.dma_semaphore, #tpu.memory_space<semaphore_mem>> -> memref<!tpu.dma_semaphore, #tpu.memory_space<semaphore_mem>>
        %dma_start3A_857 = tpu.memref_slice %arg2[%add3A_4, %mul3A_852] : memref<512x100000xf32, #tpu.memory_space<hbm>> -> memref<8x4096xf32, #tpu.memory_space<hbm>>
        tpu.enqueue_dma source(%dma_start3A_857 : memref<8x4096xf32, #tpu.memory_space<hbm>>) target(%arg9 : memref<8x4096xf32, #tpu.memory_space<vmem>>) target_semaphore(%dma_start3A_856 : memref<!tpu.dma_semaphore, #tpu.memory_space<semaphore_mem>>)
      } else {
      }
      scf.yield %scan3A_782#0, %scan3A_782#1, %scan3A_782#2, %scan3A_782#3, %scan3A_782#4, %scan3A_782#5, %scan3A_782#6, %scan3A_782#7, %scan3A_836#0, %scan3A_836#1, %scan3A_836#2, %scan3A_836#3, %scan3A_836#4, %scan3A_836#5, %scan3A_836#6, %scan3A_836#7, %scan3A_836#8, %scan3A_836#9, %scan3A_836#10, %scan3A_836#11, %scan3A_836#12, %scan3A_836#13, %scan3A_836#14, %scan3A_836#15 : vector<16xf32>, vector<16xf32>, vector<16xf32>, vector<16xf32>, vector<16xf32>, vector<16xf32>, vector<16xf32>, vector<16xf32>, vector<16xf32>, vector<16xf32>, vector<16xf32>, vector<16xf32>, vector<16xf32>, vector<16xf32>, vector<16xf32>, vector<16xf32>, vector<16xf32>, vector<16xf32>, vector<16xf32>, vector<16xf32>, vector<16xf32>, vector<16xf32>, vector<16xf32>, vector<16xf32>
    }
    %scan3A_122 = arith.constant 12 : i32
    %dma_wait3A_123 = arith.constant 2 : i32
    %dma_wait3A_124 = arith.constant 98304 : i32
    %dma_wait3A_125 = tpu.memref_slice %arg2[%add3A_4, %dma_wait3A_124] : memref<512x100000xf32, #tpu.memory_space<hbm>> -> memref<8x1696xf32, #tpu.memory_space<hbm>>
    %dma_wait3A_126 = tpu.memref_slice %arg14[%dma_wait3A_123] : memref<3x!tpu.dma_semaphore, #tpu.memory_space<semaphore_mem>> -> memref<1x!tpu.dma_semaphore, #tpu.memory_space<semaphore_mem>>
    %dma_wait3A_127 = tpu.memref_squeeze %dma_wait3A_126 : memref<1x!tpu.dma_semaphore, #tpu.memory_space<semaphore_mem>> -> memref<!tpu.dma_semaphore, #tpu.memory_space<semaphore_mem>>
    %dma_wait3A_128 = arith.constant 98304 : i32
    %dma_wait3A_129 = tpu.memref_slice %arg2[%add3A_4, %dma_wait3A_128] : memref<512x100000xf32, #tpu.memory_space<hbm>> -> memref<8x1696xf32, #tpu.memory_space<hbm>>
    tpu.wait_dma2 semaphore(%dma_wait3A_127 : memref<!tpu.dma_semaphore, #tpu.memory_space<semaphore_mem>>) src(%dma_wait3A_129 : memref<8x1696xf32, #tpu.memory_space<hbm>>) dst(%arg10 : memref<8x1696xf32, #tpu.memory_space<vmem>>)
    %scan3A_130 = arith.constant 0 : i32
    %scan3A_131 = arith.constant 106 : i32
    %scan3A_132 = arith.addi %scan3A_130, %scan3A_131 : i32
    %scan3A_133 = arith.constant 1 : i32
    %scan3A_134:8 = scf.for %scan3A_667 = %scan3A_130 to %scan3A_132 step %scan3A_133 iter_args(%scan3A_668 = %scan3A_121#0, %scan3A_669 = %scan3A_121#1, %scan3A_670 = %scan3A_121#2, %scan3A_671 = %scan3A_121#3, %scan3A_672 = %scan3A_121#4, %scan3A_673 = %scan3A_121#5, %scan3A_674 = %scan3A_121#6, %scan3A_675 = %scan3A_121#7) -> (vector<16xf32>, vector<16xf32>, vector<16xf32>, vector<16xf32>, vector<16xf32>, vector<16xf32>, vector<16xf32>, vector<16xf32>)  : i32 {
      %mul3A_676 = arith.constant 16 : i32
      %mul3A_677 = arith.muli %scan3A_667, %mul3A_676 : i32
      %get3A_678 = arith.constant 0 : i32
      %get3A_679 = arith.index_cast %get3A_678 : i32 to index
      %get3A_680 = arith.index_cast %mul3A_677 : i32 to index
      %get3A_681 = tpu.vector_load %arg10[%get3A_679, %get3A_680] {strides = array<i32>} : memref<8x1696xf32, #tpu.memory_space<vmem>>, vector<1x16xf32>,
      %get3A_682 = vector.shape_cast %get3A_681 : vector<1x16xf32> to vector<16xf32>
      %max3A = arith.maximumf %scan3A_668, %get3A_682 : vector<16xf32>
      %mul3A_683 = arith.constant 16 : i32
      %mul3A_684 = arith.muli %scan3A_667, %mul3A_683 : i32
      %get3A_685 = arith.constant 1 : i32
      %get3A_686 = arith.index_cast %get3A_685 : i32 to index
      %get3A_687 = arith.index_cast %mul3A_684 : i32 to index
      %get3A_688 = tpu.vector_load %arg10[%get3A_686, %get3A_687] {strides = array<i32>} : memref<8x1696xf32, #tpu.memory_space<vmem>>, vector<1x16xf32>,
      %get3A_689 = vector.shape_cast %get3A_688 : vector<1x16xf32> to vector<16xf32>
      %max3A_690 = arith.maximumf %scan3A_669, %get3A_689 : vector<16xf32>
      %mul3A_691 = arith.constant 16 : i32
      %mul3A_692 = arith.muli %scan3A_667, %mul3A_691 : i32
      %get3A_693 = arith.constant 2 : i32
      %get3A_694 = arith.index_cast %get3A_693 : i32 to index
      %get3A_695 = arith.index_cast %mul3A_692 : i32 to index
      %get3A_696 = tpu.vector_load %arg10[%get3A_694, %get3A_695] {strides = array<i32>} : memref<8x1696xf32, #tpu.memory_space<vmem>>, vector<1x16xf32>,
      %get3A_697 = vector.shape_cast %get3A_696 : vector<1x16xf32> to vector<16xf32>
      %max3A_698 = arith.maximumf %scan3A_670, %get3A_697 : vector<16xf32>
      %mul3A_699 = arith.constant 16 : i32
      %mul3A_700 = arith.muli %scan3A_667, %mul3A_699 : i32
      %get3A_701 = arith.constant 3 : i32
      %get3A_702 = arith.index_cast %get3A_701 : i32 to index
      %get3A_703 = arith.index_cast %mul3A_700 : i32 to index
      %get3A_704 = tpu.vector_load %arg10[%get3A_702, %get3A_703] {strides = array<i32>} : memref<8x1696xf32, #tpu.memory_space<vmem>>, vector<1x16xf32>,
      %get3A_705 = vector.shape_cast %get3A_704 : vector<1x16xf32> to vector<16xf32>
      %max3A_706 = arith.maximumf %scan3A_671, %get3A_705 : vector<16xf32>
      %mul3A_707 = arith.constant 16 : i32
      %mul3A_708 = arith.muli %scan3A_667, %mul3A_707 : i32
      %get3A_709 = arith.constant 4 : i32
      %get3A_710 = arith.index_cast %get3A_709 : i32 to index
      %get3A_711 = arith.index_cast %mul3A_708 : i32 to index
      %get3A_712 = tpu.vector_load %arg10[%get3A_710, %get3A_711] {strides = array<i32>} : memref<8x1696xf32, #tpu.memory_space<vmem>>, vector<1x16xf32>,
      %get3A_713 = vector.shape_cast %get3A_712 : vector<1x16xf32> to vector<16xf32>
      %max3A_714 = arith.maximumf %scan3A_672, %get3A_713 : vector<16xf32>
      %mul3A_715 = arith.constant 16 : i32
      %mul3A_716 = arith.muli %scan3A_667, %mul3A_715 : i32
      %get3A_717 = arith.constant 5 : i32
      %get3A_718 = arith.index_cast %get3A_717 : i32 to index
      %get3A_719 = arith.index_cast %mul3A_716 : i32 to index
      %get3A_720 = tpu.vector_load %arg10[%get3A_718, %get3A_719] {strides = array<i32>} : memref<8x1696xf32, #tpu.memory_space<vmem>>, vector<1x16xf32>,
      %get3A_721 = vector.shape_cast %get3A_720 : vector<1x16xf32> to vector<16xf32>
      %max3A_722 = arith.maximumf %scan3A_673, %get3A_721 : vector<16xf32>
      %mul3A_723 = arith.constant 16 : i32
      %mul3A_724 = arith.muli %scan3A_667, %mul3A_723 : i32
      %get3A_725 = arith.constant 6 : i32
      %get3A_726 = arith.index_cast %get3A_725 : i32 to index
      %get3A_727 = arith.index_cast %mul3A_724 : i32 to index
      %get3A_728 = tpu.vector_load %arg10[%get3A_726, %get3A_727] {strides = array<i32>} : memref<8x1696xf32, #tpu.memory_space<vmem>>, vector<1x16xf32>,
      %get3A_729 = vector.shape_cast %get3A_728 : vector<1x16xf32> to vector<16xf32>
      %max3A_730 = arith.maximumf %scan3A_674, %get3A_729 : vector<16xf32>
      %mul3A_731 = arith.constant 16 : i32
      %mul3A_732 = arith.muli %scan3A_667, %mul3A_731 : i32
      %get3A_733 = arith.constant 7 : i32
      %get3A_734 = arith.index_cast %get3A_733 : i32 to index
      %get3A_735 = arith.index_cast %mul3A_732 : i32 to index
      %get3A_736 = tpu.vector_load %arg10[%get3A_734, %get3A_735] {strides = array<i32>} : memref<8x1696xf32, #tpu.memory_space<vmem>>, vector<1x16xf32>,
      %get3A_737 = vector.shape_cast %get3A_736 : vector<1x16xf32> to vector<16xf32>
      %max3A_738 = arith.maximumf %scan3A_675, %get3A_737 : vector<16xf32>
      scf.yield %max3A, %max3A_690, %max3A_698, %max3A_706, %max3A_714, %max3A_722, %max3A_730, %max3A_738 : vector<16xf32>, vector<16xf32>, vector<16xf32>, vector<16xf32>, vector<16xf32>, vector<16xf32>, vector<16xf32>, vector<16xf32>
    }
    %scan3A_135 = arith.constant 106 : i32
    %sub3A = arith.subf %scan3A_121#0, %scan3A_134#0 : vector<16xf32>
    %mul3A_136 = arith.constant 3.000000e+01 : f32
    %mul3A_137 = vector.broadcast %mul3A_136 : f32 to vector<16xf32>
    %mul3A_138 = arith.mulf %sub3A, %mul3A_137 : vector<16xf32>
    %exp3A = math.exp %mul3A_138 : vector<16xf32>
    %mul3A_139 = arith.mulf %scan3A_121#8, %exp3A : vector<16xf32>
    %sub3A_140 = arith.subf %scan3A_121#1, %scan3A_134#1 : vector<16xf32>
    %mul3A_141 = arith.constant 3.000000e+01 : f32
    %mul3A_142 = vector.broadcast %mul3A_141 : f32 to vector<16xf32>
    %mul3A_143 = arith.mulf %sub3A_140, %mul3A_142 : vector<16xf32>
    %exp3A_144 = math.exp %mul3A_143 : vector<16xf32>
    %mul3A_145 = arith.mulf %scan3A_121#9, %exp3A_144 : vector<16xf32>
    %sub3A_146 = arith.subf %scan3A_121#2, %scan3A_134#2 : vector<16xf32>
    %mul3A_147 = arith.constant 3.000000e+01 : f32
    %mul3A_148 = vector.broadcast %mul3A_147 : f32 to vector<16xf32>
    %mul3A_149 = arith.mulf %sub3A_146, %mul3A_148 : vector<16xf32>
    %exp3A_150 = math.exp %mul3A_149 : vector<16xf32>
    %mul3A_151 = arith.mulf %scan3A_121#10, %exp3A_150 : vector<16xf32>
    %sub3A_152 = arith.subf %scan3A_121#3, %scan3A_134#3 : vector<16xf32>
    %mul3A_153 = arith.constant 3.000000e+01 : f32
    %mul3A_154 = vector.broadcast %mul3A_153 : f32 to vector<16xf32>
    %mul3A_155 = arith.mulf %sub3A_152, %mul3A_154 : vector<16xf32>
    %exp3A_156 = math.exp %mul3A_155 : vector<16xf32>
    %mul3A_157 = arith.mulf %scan3A_121#11, %exp3A_156 : vector<16xf32>
    %sub3A_158 = arith.subf %scan3A_121#4, %scan3A_134#4 : vector<16xf32>
    %mul3A_159 = arith.constant 3.000000e+01 : f32
    %mul3A_160 = vector.broadcast %mul3A_159 : f32 to vector<16xf32>
    %mul3A_161 = arith.mulf %sub3A_158, %mul3A_160 : vector<16xf32>
    %exp3A_162 = math.exp %mul3A_161 : vector<16xf32>
    %mul3A_163 = arith.mulf %scan3A_121#12, %exp3A_162 : vector<16xf32>
    %sub3A_164 = arith.subf %scan3A_121#5, %scan3A_134#5 : vector<16xf32>
    %mul3A_165 = arith.constant 3.000000e+01 : f32
    %mul3A_166 = vector.broadcast %mul3A_165 : f32 to vector<16xf32>
    %mul3A_167 = arith.mulf %sub3A_164, %mul3A_166 : vector<16xf32>
    %exp3A_168 = math.exp %mul3A_167 : vector<16xf32>
    %mul3A_169 = arith.mulf %scan3A_121#13, %exp3A_168 : vector<16xf32>
    %sub3A_170 = arith.subf %scan3A_121#6, %scan3A_134#6 : vector<16xf32>
    %mul3A_171 = arith.constant 3.000000e+01 : f32
    %mul3A_172 = vector.broadcast %mul3A_171 : f32 to vector<16xf32>
    %mul3A_173 = arith.mulf %sub3A_170, %mul3A_172 : vector<16xf32>
    %exp3A_174 = math.exp %mul3A_173 : vector<16xf32>
    %mul3A_175 = arith.mulf %scan3A_121#14, %exp3A_174 : vector<16xf32>
    %sub3A_176 = arith.subf %scan3A_121#7, %scan3A_134#7 : vector<16xf32>
    %mul3A_177 = arith.constant 3.000000e+01 : f32
    %mul3A_178 = vector.broadcast %mul3A_177 : f32 to vector<16xf32>
    %mul3A_179 = arith.mulf %sub3A_176, %mul3A_178 : vector<16xf32>
    %exp3A_180 = math.exp %mul3A_179 : vector<16xf32>
    %mul3A_181 = arith.mulf %scan3A_121#15, %exp3A_180 : vector<16xf32>
    %scan3A_182 = arith.constant 0 : i32
    %scan3A_183 = arith.constant 106 : i32
    %scan3A_184 = arith.addi %scan3A_182, %scan3A_183 : i32
    %scan3A_185 = arith.constant 1 : i32
    %scan3A_186:16 = scf.for %scan3A_667 = %scan3A_182 to %scan3A_184 step %scan3A_185 iter_args(%scan3A_668 = %mul3A_139, %scan3A_669 = %mul3A_145, %scan3A_670 = %mul3A_151, %scan3A_671 = %mul3A_157, %scan3A_672 = %mul3A_163, %scan3A_673 = %mul3A_169, %scan3A_674 = %mul3A_175, %scan3A_675 = %mul3A_181, %scan3A_676 = %scan3A_121#16, %scan3A_677 = %scan3A_121#17, %scan3A_678 = %scan3A_121#18, %scan3A_679 = %scan3A_121#19, %scan3A_680 = %scan3A_121#20, %scan3A_681 = %scan3A_121#21, %scan3A_682 = %scan3A_121#22, %scan3A_683 = %scan3A_121#23) -> (vector<16xf32>, vector<16xf32>, vector<16xf32>, vector<16xf32>, vector<16xf32>, vector<16xf32>, vector<16xf32>, vector<16xf32>, vector<16xf32>, vector<16xf32>, vector<16xf32>, vector<16xf32>, vector<16xf32>, vector<16xf32>, vector<16xf32>, vector<16xf32>)  : i32 {
      %mul3A_684 = arith.constant 16 : i32
      %mul3A_685 = arith.muli %scan3A_667, %mul3A_684 : i32
      %add3A_686 = arith.constant 98304 : i32
      %add3A_687 = arith.addi %add3A_686, %mul3A_685 : i32
      %add3A_688 = vector.broadcast %add3A_687 : i32 to vector<16xi32>
      %add3A_689 = arith.addi %add3A_688, %iota3A : vector<16xi32>
      %mul3A_690 = arith.constant 16 : i32
      %mul3A_691 = arith.muli %scan3A_667, %mul3A_690 : i32
      %get3A_692 = arith.constant 0 : i32
      %get3A_693 = arith.index_cast %get3A_692 : i32 to index
      %get3A_694 = arith.index_cast %mul3A_691 : i32 to index
      %get3A_695 = tpu.vector_load %arg10[%get3A_693, %get3A_694] {strides = array<i32>} : memref<8x1696xf32, #tpu.memory_space<vmem>>, vector<1x16xf32>,
      %get3A_696 = vector.shape_cast %get3A_695 : vector<1x16xf32> to vector<16xf32>
      %sub3A_697 = arith.subf %get3A_696, %scan3A_134#0 : vector<16xf32>
      %mul3A_698 = arith.constant 3.000000e+01 : f32
      %mul3A_699 = vector.broadcast %mul3A_698 : f32 to vector<16xf32>
      %mul3A_700 = arith.mulf %sub3A_697, %mul3A_699 : vector<16xf32>
      %exp3A_701 = math.exp %mul3A_700 : vector<16xf32>
      %add3A_702 = arith.addf %scan3A_668, %exp3A_701 : vector<16xf32>
      %eq3A = arith.cmpi eq, %add3A_689, %get3A_14 : vector<16xi32>
      %jit3A = arith.constant 0xFF800000 : f32
      %broadcast_in_dim3A_703 = vector.broadcast %jit3A : f32 to vector<16xf32>
      %select_n3A = arith.select %eq3A, %get3A_696, %broadcast_in_dim3A_703 : vector<16xi1>, vector<16xf32>
      %max3A = arith.maximumf %scan3A_676, %select_n3A : vector<16xf32>
      %mul3A_704 = arith.constant 16 : i32
      %mul3A_705 = arith.muli %scan3A_667, %mul3A_704 : i32
      %get3A_706 = arith.constant 1 : i32
      %get3A_707 = arith.index_cast %get3A_706 : i32 to index
      %get3A_708 = arith.index_cast %mul3A_705 : i32 to index
      %get3A_709 = tpu.vector_load %arg10[%get3A_707, %get3A_708] {strides = array<i32>} : memref<8x1696xf32, #tpu.memory_space<vmem>>, vector<1x16xf32>,
      %get3A_710 = vector.shape_cast %get3A_709 : vector<1x16xf32> to vector<16xf32>
      %sub3A_711 = arith.subf %get3A_710, %scan3A_134#1 : vector<16xf32>
      %mul3A_712 = arith.constant 3.000000e+01 : f32
      %mul3A_713 = vector.broadcast %mul3A_712 : f32 to vector<16xf32>
      %mul3A_714 = arith.mulf %sub3A_711, %mul3A_713 : vector<16xf32>
      %exp3A_715 = math.exp %mul3A_714 : vector<16xf32>
      %add3A_716 = arith.addf %scan3A_669, %exp3A_715 : vector<16xf32>
      %eq3A_717 = arith.cmpi eq, %add3A_689, %get3A_19 : vector<16xi32>
      %jit3A_718 = arith.constant 0xFF800000 : f32
      %broadcast_in_dim3A_719 = vector.broadcast %jit3A_718 : f32 to vector<16xf32>
      %select_n3A_720 = arith.select %eq3A_717, %get3A_710, %broadcast_in_dim3A_719 : vector<16xi1>, vector<16xf32>
      %max3A_721 = arith.maximumf %scan3A_677, %select_n3A_720 : vector<16xf32>
      %mul3A_722 = arith.constant 16 : i32
      %mul3A_723 = arith.muli %scan3A_667, %mul3A_722 : i32
      %get3A_724 = arith.constant 2 : i32
      %get3A_725 = arith.index_cast %get3A_724 : i32 to index
      %get3A_726 = arith.index_cast %mul3A_723 : i32 to index
      %get3A_727 = tpu.vector_load %arg10[%get3A_725, %get3A_726] {strides = array<i32>} : memref<8x1696xf32, #tpu.memory_space<vmem>>, vector<1x16xf32>,
      %get3A_728 = vector.shape_cast %get3A_727 : vector<1x16xf32> to vector<16xf32>
      %sub3A_729 = arith.subf %get3A_728, %scan3A_134#2 : vector<16xf32>
      %mul3A_730 = arith.constant 3.000000e+01 : f32
      %mul3A_731 = vector.broadcast %mul3A_730 : f32 to vector<16xf32>
      %mul3A_732 = arith.mulf %sub3A_729, %mul3A_731 : vector<16xf32>
      %exp3A_733 = math.exp %mul3A_732 : vector<16xf32>
      %add3A_734 = arith.addf %scan3A_670, %exp3A_733 : vector<16xf32>
      %eq3A_735 = arith.cmpi eq, %add3A_689, %get3A_24 : vector<16xi32>
      %jit3A_736 = arith.constant 0xFF800000 : f32
      %broadcast_in_dim3A_737 = vector.broadcast %jit3A_736 : f32 to vector<16xf32>
      %select_n3A_738 = arith.select %eq3A_735, %get3A_728, %broadcast_in_dim3A_737 : vector<16xi1>, vector<16xf32>
      %max3A_739 = arith.maximumf %scan3A_678, %select_n3A_738 : vector<16xf32>
      %mul3A_740 = arith.constant 16 : i32
      %mul3A_741 = arith.muli %scan3A_667, %mul3A_740 : i32
      %get3A_742 = arith.constant 3 : i32
      %get3A_743 = arith.index_cast %get3A_742 : i32 to index
      %get3A_744 = arith.index_cast %mul3A_741 : i32 to index
      %get3A_745 = tpu.vector_load %arg10[%get3A_743, %get3A_744] {strides = array<i32>} : memref<8x1696xf32, #tpu.memory_space<vmem>>, vector<1x16xf32>,
      %get3A_746 = vector.shape_cast %get3A_745 : vector<1x16xf32> to vector<16xf32>
      %sub3A_747 = arith.subf %get3A_746, %scan3A_134#3 : vector<16xf32>
      %mul3A_748 = arith.constant 3.000000e+01 : f32
      %mul3A_749 = vector.broadcast %mul3A_748 : f32 to vector<16xf32>
      %mul3A_750 = arith.mulf %sub3A_747, %mul3A_749 : vector<16xf32>
      %exp3A_751 = math.exp %mul3A_750 : vector<16xf32>
      %add3A_752 = arith.addf %scan3A_671, %exp3A_751 : vector<16xf32>
      %eq3A_753 = arith.cmpi eq, %add3A_689, %get3A_29 : vector<16xi32>
      %jit3A_754 = arith.constant 0xFF800000 : f32
      %broadcast_in_dim3A_755 = vector.broadcast %jit3A_754 : f32 to vector<16xf32>
      %select_n3A_756 = arith.select %eq3A_753, %get3A_746, %broadcast_in_dim3A_755 : vector<16xi1>, vector<16xf32>
      %max3A_757 = arith.maximumf %scan3A_679, %select_n3A_756 : vector<16xf32>
      %mul3A_758 = arith.constant 16 : i32
      %mul3A_759 = arith.muli %scan3A_667, %mul3A_758 : i32
      %get3A_760 = arith.constant 4 : i32
      %get3A_761 = arith.index_cast %get3A_760 : i32 to index
      %get3A_762 = arith.index_cast %mul3A_759 : i32 to index
      %get3A_763 = tpu.vector_load %arg10[%get3A_761, %get3A_762] {strides = array<i32>} : memref<8x1696xf32, #tpu.memory_space<vmem>>, vector<1x16xf32>,
      %get3A_764 = vector.shape_cast %get3A_763 : vector<1x16xf32> to vector<16xf32>
      %sub3A_765 = arith.subf %get3A_764, %scan3A_134#4 : vector<16xf32>
      %mul3A_766 = arith.constant 3.000000e+01 : f32
      %mul3A_767 = vector.broadcast %mul3A_766 : f32 to vector<16xf32>
      %mul3A_768 = arith.mulf %sub3A_765, %mul3A_767 : vector<16xf32>
      %exp3A_769 = math.exp %mul3A_768 : vector<16xf32>
      %add3A_770 = arith.addf %scan3A_672, %exp3A_769 : vector<16xf32>
      %eq3A_771 = arith.cmpi eq, %add3A_689, %get3A_34 : vector<16xi32>
      %jit3A_772 = arith.constant 0xFF800000 : f32
      %broadcast_in_dim3A_773 = vector.broadcast %jit3A_772 : f32 to vector<16xf32>
      %select_n3A_774 = arith.select %eq3A_771, %get3A_764, %broadcast_in_dim3A_773 : vector<16xi1>, vector<16xf32>
      %max3A_775 = arith.maximumf %scan3A_680, %select_n3A_774 : vector<16xf32>
      %mul3A_776 = arith.constant 16 : i32
      %mul3A_777 = arith.muli %scan3A_667, %mul3A_776 : i32
      %get3A_778 = arith.constant 5 : i32
      %get3A_779 = arith.index_cast %get3A_778 : i32 to index
      %get3A_780 = arith.index_cast %mul3A_777 : i32 to index
      %get3A_781 = tpu.vector_load %arg10[%get3A_779, %get3A_780] {strides = array<i32>} : memref<8x1696xf32, #tpu.memory_space<vmem>>, vector<1x16xf32>,
      %get3A_782 = vector.shape_cast %get3A_781 : vector<1x16xf32> to vector<16xf32>
      %sub3A_783 = arith.subf %get3A_782, %scan3A_134#5 : vector<16xf32>
      %mul3A_784 = arith.constant 3.000000e+01 : f32
      %mul3A_785 = vector.broadcast %mul3A_784 : f32 to vector<16xf32>
      %mul3A_786 = arith.mulf %sub3A_783, %mul3A_785 : vector<16xf32>
      %exp3A_787 = math.exp %mul3A_786 : vector<16xf32>
      %add3A_788 = arith.addf %scan3A_673, %exp3A_787 : vector<16xf32>
      %eq3A_789 = arith.cmpi eq, %add3A_689, %get3A_39 : vector<16xi32>
      %jit3A_790 = arith.constant 0xFF800000 : f32
      %broadcast_in_dim3A_791 = vector.broadcast %jit3A_790 : f32 to vector<16xf32>
      %select_n3A_792 = arith.select %eq3A_789, %get3A_782, %broadcast_in_dim3A_791 : vector<16xi1>, vector<16xf32>
      %max3A_793 = arith.maximumf %scan3A_681, %select_n3A_792 : vector<16xf32>
      %mul3A_794 = arith.constant 16 : i32
      %mul3A_795 = arith.muli %scan3A_667, %mul3A_794 : i32
      %get3A_796 = arith.constant 6 : i32
      %get3A_797 = arith.index_cast %get3A_796 : i32 to index
      %get3A_798 = arith.index_cast %mul3A_795 : i32 to index
      %get3A_799 = tpu.vector_load %arg10[%get3A_797, %get3A_798] {strides = array<i32>} : memref<8x1696xf32, #tpu.memory_space<vmem>>, vector<1x16xf32>,
      %get3A_800 = vector.shape_cast %get3A_799 : vector<1x16xf32> to vector<16xf32>
      %sub3A_801 = arith.subf %get3A_800, %scan3A_134#6 : vector<16xf32>
      %mul3A_802 = arith.constant 3.000000e+01 : f32
      %mul3A_803 = vector.broadcast %mul3A_802 : f32 to vector<16xf32>
      %mul3A_804 = arith.mulf %sub3A_801, %mul3A_803 : vector<16xf32>
      %exp3A_805 = math.exp %mul3A_804 : vector<16xf32>
      %add3A_806 = arith.addf %scan3A_674, %exp3A_805 : vector<16xf32>
      %eq3A_807 = arith.cmpi eq, %add3A_689, %get3A_44 : vector<16xi32>
      %jit3A_808 = arith.constant 0xFF800000 : f32
      %broadcast_in_dim3A_809 = vector.broadcast %jit3A_808 : f32 to vector<16xf32>
      %select_n3A_810 = arith.select %eq3A_807, %get3A_800, %broadcast_in_dim3A_809 : vector<16xi1>, vector<16xf32>
      %max3A_811 = arith.maximumf %scan3A_682, %select_n3A_810 : vector<16xf32>
      %mul3A_812 = arith.constant 16 : i32
      %mul3A_813 = arith.muli %scan3A_667, %mul3A_812 : i32
      %get3A_814 = arith.constant 7 : i32
      %get3A_815 = arith.index_cast %get3A_814 : i32 to index
      %get3A_816 = arith.index_cast %mul3A_813 : i32 to index
      %get3A_817 = tpu.vector_load %arg10[%get3A_815, %get3A_816] {strides = array<i32>} : memref<8x1696xf32, #tpu.memory_space<vmem>>, vector<1x16xf32>,
      %get3A_818 = vector.shape_cast %get3A_817 : vector<1x16xf32> to vector<16xf32>
      %sub3A_819 = arith.subf %get3A_818, %scan3A_134#7 : vector<16xf32>
      %mul3A_820 = arith.constant 3.000000e+01 : f32
      %mul3A_821 = vector.broadcast %mul3A_820 : f32 to vector<16xf32>
      %mul3A_822 = arith.mulf %sub3A_819, %mul3A_821 : vector<16xf32>
      %exp3A_823 = math.exp %mul3A_822 : vector<16xf32>
      %add3A_824 = arith.addf %scan3A_675, %exp3A_823 : vector<16xf32>
      %eq3A_825 = arith.cmpi eq, %add3A_689, %get3A_49 : vector<16xi32>
      %jit3A_826 = arith.constant 0xFF800000 : f32
      %broadcast_in_dim3A_827 = vector.broadcast %jit3A_826 : f32 to vector<16xf32>
      %select_n3A_828 = arith.select %eq3A_825, %get3A_818, %broadcast_in_dim3A_827 : vector<16xi1>, vector<16xf32>
      %max3A_829 = arith.maximumf %scan3A_683, %select_n3A_828 : vector<16xf32>
      scf.yield %add3A_702, %add3A_716, %add3A_734, %add3A_752, %add3A_770, %add3A_788, %add3A_806, %add3A_824, %max3A, %max3A_721, %max3A_739, %max3A_757, %max3A_775, %max3A_793, %max3A_811, %max3A_829 : vector<16xf32>, vector<16xf32>, vector<16xf32>, vector<16xf32>, vector<16xf32>, vector<16xf32>, vector<16xf32>, vector<16xf32>, vector<16xf32>, vector<16xf32>, vector<16xf32>, vector<16xf32>, vector<16xf32>, vector<16xf32>, vector<16xf32>, vector<16xf32>
    }
    %scan3A_187 = arith.constant 106 : i32
    %swap3A = arith.constant 0 : i32
    %swap3A_188 = arith.index_cast %swap3A : i32 to index
    %swap3A_189 = arith.constant 0 : index
    %swap3A_190 = tpu.vector_load %arg11[%swap3A_188, %swap3A_189] {strides = array<i32>} : memref<16x16xf32, #tpu.memory_space<vmem>>, vector<1x16xf32>,
    %swap3A_191 = vector.shape_cast %swap3A_190 : vector<1x16xf32> to vector<16xf32>
    %swap3A_192 = vector.shape_cast %scan3A_134#0 : vector<16xf32> to vector<1x16xf32>
    tpu.vector_store %arg11[%swap3A_188, %swap3A_189], %swap3A_192 {strides = array<i32>} : memref<16x16xf32, #tpu.memory_space<vmem>>, vector<1x16xf32>,
    %swap3A_193 = arith.constant 0 : i32
    %swap3A_194 = arith.index_cast %swap3A_193 : i32 to index
    %swap3A_195 = arith.constant 0 : index
    %swap3A_196 = tpu.vector_load %arg12[%swap3A_194, %swap3A_195] {strides = array<i32>} : memref<16x16xf32, #tpu.memory_space<vmem>>, vector<1x16xf32>,
    %swap3A_197 = vector.shape_cast %swap3A_196 : vector<1x16xf32> to vector<16xf32>
    %swap3A_198 = vector.shape_cast %scan3A_186#0 : vector<16xf32> to vector<1x16xf32>
    tpu.vector_store %arg12[%swap3A_194, %swap3A_195], %swap3A_198 {strides = array<i32>} : memref<16x16xf32, #tpu.memory_space<vmem>>, vector<1x16xf32>,
    %swap3A_199 = arith.constant 0 : i32
    %swap3A_200 = arith.index_cast %swap3A_199 : i32 to index
    %swap3A_201 = arith.constant 0 : index
    %swap3A_202 = tpu.vector_load %arg13[%swap3A_200, %swap3A_201] {strides = array<i32>} : memref<16x16xf32, #tpu.memory_space<vmem>>, vector<1x16xf32>,
    %swap3A_203 = vector.shape_cast %swap3A_202 : vector<1x16xf32> to vector<16xf32>
    %swap3A_204 = vector.shape_cast %scan3A_186#8 : vector<16xf32> to vector<1x16xf32>
    tpu.vector_store %arg13[%swap3A_200, %swap3A_201], %swap3A_204 {strides = array<i32>} : memref<16x16xf32, #tpu.memory_space<vmem>>, vector<1x16xf32>,
    %swap3A_205 = arith.constant 1 : i32
    %swap3A_206 = arith.index_cast %swap3A_205 : i32 to index
    %swap3A_207 = arith.constant 0 : index
    %swap3A_208 = tpu.vector_load %arg11[%swap3A_206, %swap3A_207] {strides = array<i32>} : memref<16x16xf32, #tpu.memory_space<vmem>>, vector<1x16xf32>,
    %swap3A_209 = vector.shape_cast %swap3A_208 : vector<1x16xf32> to vector<16xf32>
    %swap3A_210 = vector.shape_cast %scan3A_134#1 : vector<16xf32> to vector<1x16xf32>
    tpu.vector_store %arg11[%swap3A_206, %swap3A_207], %swap3A_210 {strides = array<i32>} : memref<16x16xf32, #tpu.memory_space<vmem>>, vector<1x16xf32>,
    %swap3A_211 = arith.constant 1 : i32
    %swap3A_212 = arith.index_cast %swap3A_211 : i32 to index
    %swap3A_213 = arith.constant 0 : index
    %swap3A_214 = tpu.vector_load %arg12[%swap3A_212, %swap3A_213] {strides = array<i32>} : memref<16x16xf32, #tpu.memory_space<vmem>>, vector<1x16xf32>,
    %swap3A_215 = vector.shape_cast %swap3A_214 : vector<1x16xf32> to vector<16xf32>
    %swap3A_216 = vector.shape_cast %scan3A_186#1 : vector<16xf32> to vector<1x16xf32>
    tpu.vector_store %arg12[%swap3A_212, %swap3A_213], %swap3A_216 {strides = array<i32>} : memref<16x16xf32, #tpu.memory_space<vmem>>, vector<1x16xf32>,
    %swap3A_217 = arith.constant 1 : i32
    %swap3A_218 = arith.index_cast %swap3A_217 : i32 to index
    %swap3A_219 = arith.constant 0 : index
    %swap3A_220 = tpu.vector_load %arg13[%swap3A_218, %swap3A_219] {strides = array<i32>} : memref<16x16xf32, #tpu.memory_space<vmem>>, vector<1x16xf32>,
    %swap3A_221 = vector.shape_cast %swap3A_220 : vector<1x16xf32> to vector<16xf32>
    %swap3A_222 = vector.shape_cast %scan3A_186#9 : vector<16xf32> to vector<1x16xf32>
    tpu.vector_store %arg13[%swap3A_218, %swap3A_219], %swap3A_222 {strides = array<i32>} : memref<16x16xf32, #tpu.memory_space<vmem>>, vector<1x16xf32>,
    %swap3A_223 = arith.constant 2 : i32
    %swap3A_224 = arith.index_cast %swap3A_223 : i32 to index
    %swap3A_225 = arith.constant 0 : index
    %swap3A_226 = tpu.vector_load %arg11[%swap3A_224, %swap3A_225] {strides = array<i32>} : memref<16x16xf32, #tpu.memory_space<vmem>>, vector<1x16xf32>,
    %swap3A_227 = vector.shape_cast %swap3A_226 : vector<1x16xf32> to vector<16xf32>
    %swap3A_228 = vector.shape_cast %scan3A_134#2 : vector<16xf32> to vector<1x16xf32>
    tpu.vector_store %arg11[%swap3A_224, %swap3A_225], %swap3A_228 {strides = array<i32>} : memref<16x16xf32, #tpu.memory_space<vmem>>, vector<1x16xf32>,
    %swap3A_229 = arith.constant 2 : i32
    %swap3A_230 = arith.index_cast %swap3A_229 : i32 to index
    %swap3A_231 = arith.constant 0 : index
    %swap3A_232 = tpu.vector_load %arg12[%swap3A_230, %swap3A_231] {strides = array<i32>} : memref<16x16xf32, #tpu.memory_space<vmem>>, vector<1x16xf32>,
    %swap3A_233 = vector.shape_cast %swap3A_232 : vector<1x16xf32> to vector<16xf32>
    %swap3A_234 = vector.shape_cast %scan3A_186#2 : vector<16xf32> to vector<1x16xf32>
    tpu.vector_store %arg12[%swap3A_230, %swap3A_231], %swap3A_234 {strides = array<i32>} : memref<16x16xf32, #tpu.memory_space<vmem>>, vector<1x16xf32>,
    %swap3A_235 = arith.constant 2 : i32
    %swap3A_236 = arith.index_cast %swap3A_235 : i32 to index
    %swap3A_237 = arith.constant 0 : index
    %swap3A_238 = tpu.vector_load %arg13[%swap3A_236, %swap3A_237] {strides = array<i32>} : memref<16x16xf32, #tpu.memory_space<vmem>>, vector<1x16xf32>,
    %swap3A_239 = vector.shape_cast %swap3A_238 : vector<1x16xf32> to vector<16xf32>
    %swap3A_240 = vector.shape_cast %scan3A_186#10 : vector<16xf32> to vector<1x16xf32>
    tpu.vector_store %arg13[%swap3A_236, %swap3A_237], %swap3A_240 {strides = array<i32>} : memref<16x16xf32, #tpu.memory_space<vmem>>, vector<1x16xf32>,
    %swap3A_241 = arith.constant 3 : i32
    %swap3A_242 = arith.index_cast %swap3A_241 : i32 to index
    %swap3A_243 = arith.constant 0 : index
    %swap3A_244 = tpu.vector_load %arg11[%swap3A_242, %swap3A_243] {strides = array<i32>} : memref<16x16xf32, #tpu.memory_space<vmem>>, vector<1x16xf32>,
    %swap3A_245 = vector.shape_cast %swap3A_244 : vector<1x16xf32> to vector<16xf32>
    %swap3A_246 = vector.shape_cast %scan3A_134#3 : vector<16xf32> to vector<1x16xf32>
    tpu.vector_store %arg11[%swap3A_242, %swap3A_243], %swap3A_246 {strides = array<i32>} : memref<16x16xf32, #tpu.memory_space<vmem>>, vector<1x16xf32>,
    %swap3A_247 = arith.constant 3 : i32
    %swap3A_248 = arith.index_cast %swap3A_247 : i32 to index
    %swap3A_249 = arith.constant 0 : index
    %swap3A_250 = tpu.vector_load %arg12[%swap3A_248, %swap3A_249] {strides = array<i32>} : memref<16x16xf32, #tpu.memory_space<vmem>>, vector<1x16xf32>,
    %swap3A_251 = vector.shape_cast %swap3A_250 : vector<1x16xf32> to vector<16xf32>
    %swap3A_252 = vector.shape_cast %scan3A_186#3 : vector<16xf32> to vector<1x16xf32>
    tpu.vector_store %arg12[%swap3A_248, %swap3A_249], %swap3A_252 {strides = array<i32>} : memref<16x16xf32, #tpu.memory_space<vmem>>, vector<1x16xf32>,
    %swap3A_253 = arith.constant 3 : i32
    %swap3A_254 = arith.index_cast %swap3A_253 : i32 to index
    %swap3A_255 = arith.constant 0 : index
    %swap3A_256 = tpu.vector_load %arg13[%swap3A_254, %swap3A_255] {strides = array<i32>} : memref<16x16xf32, #tpu.memory_space<vmem>>, vector<1x16xf32>,
    %swap3A_257 = vector.shape_cast %swap3A_256 : vector<1x16xf32> to vector<16xf32>
    %swap3A_258 = vector.shape_cast %scan3A_186#11 : vector<16xf32> to vector<1x16xf32>
    tpu.vector_store %arg13[%swap3A_254, %swap3A_255], %swap3A_258 {strides = array<i32>} : memref<16x16xf32, #tpu.memory_space<vmem>>, vector<1x16xf32>,
    %swap3A_259 = arith.constant 4 : i32
    %swap3A_260 = arith.index_cast %swap3A_259 : i32 to index
    %swap3A_261 = arith.constant 0 : index
    %swap3A_262 = tpu.vector_load %arg11[%swap3A_260, %swap3A_261] {strides = array<i32>} : memref<16x16xf32, #tpu.memory_space<vmem>>, vector<1x16xf32>,
    %swap3A_263 = vector.shape_cast %swap3A_262 : vector<1x16xf32> to vector<16xf32>
    %swap3A_264 = vector.shape_cast %scan3A_134#4 : vector<16xf32> to vector<1x16xf32>
    tpu.vector_store %arg11[%swap3A_260, %swap3A_261], %swap3A_264 {strides = array<i32>} : memref<16x16xf32, #tpu.memory_space<vmem>>, vector<1x16xf32>,
    %swap3A_265 = arith.constant 4 : i32
    %swap3A_266 = arith.index_cast %swap3A_265 : i32 to index
    %swap3A_267 = arith.constant 0 : index
    %swap3A_268 = tpu.vector_load %arg12[%swap3A_266, %swap3A_267] {strides = array<i32>} : memref<16x16xf32, #tpu.memory_space<vmem>>, vector<1x16xf32>,
    %swap3A_269 = vector.shape_cast %swap3A_268 : vector<1x16xf32> to vector<16xf32>
    %swap3A_270 = vector.shape_cast %scan3A_186#4 : vector<16xf32> to vector<1x16xf32>
    tpu.vector_store %arg12[%swap3A_266, %swap3A_267], %swap3A_270 {strides = array<i32>} : memref<16x16xf32, #tpu.memory_space<vmem>>, vector<1x16xf32>,
    %swap3A_271 = arith.constant 4 : i32
    %swap3A_272 = arith.index_cast %swap3A_271 : i32 to index
    %swap3A_273 = arith.constant 0 : index
    %swap3A_274 = tpu.vector_load %arg13[%swap3A_272, %swap3A_273] {strides = array<i32>} : memref<16x16xf32, #tpu.memory_space<vmem>>, vector<1x16xf32>,
    %swap3A_275 = vector.shape_cast %swap3A_274 : vector<1x16xf32> to vector<16xf32>
    %swap3A_276 = vector.shape_cast %scan3A_186#12 : vector<16xf32> to vector<1x16xf32>
    tpu.vector_store %arg13[%swap3A_272, %swap3A_273], %swap3A_276 {strides = array<i32>} : memref<16x16xf32, #tpu.memory_space<vmem>>, vector<1x16xf32>,
    %swap3A_277 = arith.constant 5 : i32
    %swap3A_278 = arith.index_cast %swap3A_277 : i32 to index
    %swap3A_279 = arith.constant 0 : index
    %swap3A_280 = tpu.vector_load %arg11[%swap3A_278, %swap3A_279] {strides = array<i32>} : memref<16x16xf32, #tpu.memory_space<vmem>>, vector<1x16xf32>,
    %swap3A_281 = vector.shape_cast %swap3A_280 : vector<1x16xf32> to vector<16xf32>
    %swap3A_282 = vector.shape_cast %scan3A_134#5 : vector<16xf32> to vector<1x16xf32>
    tpu.vector_store %arg11[%swap3A_278, %swap3A_279], %swap3A_282 {strides = array<i32>} : memref<16x16xf32, #tpu.memory_space<vmem>>, vector<1x16xf32>,
    %swap3A_283 = arith.constant 5 : i32
    %swap3A_284 = arith.index_cast %swap3A_283 : i32 to index
    %swap3A_285 = arith.constant 0 : index
    %swap3A_286 = tpu.vector_load %arg12[%swap3A_284, %swap3A_285] {strides = array<i32>} : memref<16x16xf32, #tpu.memory_space<vmem>>, vector<1x16xf32>,
    %swap3A_287 = vector.shape_cast %swap3A_286 : vector<1x16xf32> to vector<16xf32>
    %swap3A_288 = vector.shape_cast %scan3A_186#5 : vector<16xf32> to vector<1x16xf32>
    tpu.vector_store %arg12[%swap3A_284, %swap3A_285], %swap3A_288 {strides = array<i32>} : memref<16x16xf32, #tpu.memory_space<vmem>>, vector<1x16xf32>,
    %swap3A_289 = arith.constant 5 : i32
    %swap3A_290 = arith.index_cast %swap3A_289 : i32 to index
    %swap3A_291 = arith.constant 0 : index
    %swap3A_292 = tpu.vector_load %arg13[%swap3A_290, %swap3A_291] {strides = array<i32>} : memref<16x16xf32, #tpu.memory_space<vmem>>, vector<1x16xf32>,
    %swap3A_293 = vector.shape_cast %swap3A_292 : vector<1x16xf32> to vector<16xf32>
    %swap3A_294 = vector.shape_cast %scan3A_186#13 : vector<16xf32> to vector<1x16xf32>
    tpu.vector_store %arg13[%swap3A_290, %swap3A_291], %swap3A_294 {strides = array<i32>} : memref<16x16xf32, #tpu.memory_space<vmem>>, vector<1x16xf32>,
    %swap3A_295 = arith.constant 6 : i32
    %swap3A_296 = arith.index_cast %swap3A_295 : i32 to index
    %swap3A_297 = arith.constant 0 : index
    %swap3A_298 = tpu.vector_load %arg11[%swap3A_296, %swap3A_297] {strides = array<i32>} : memref<16x16xf32, #tpu.memory_space<vmem>>, vector<1x16xf32>,
    %swap3A_299 = vector.shape_cast %swap3A_298 : vector<1x16xf32> to vector<16xf32>
    %swap3A_300 = vector.shape_cast %scan3A_134#6 : vector<16xf32> to vector<1x16xf32>
    tpu.vector_store %arg11[%swap3A_296, %swap3A_297], %swap3A_300 {strides = array<i32>} : memref<16x16xf32, #tpu.memory_space<vmem>>, vector<1x16xf32>,
    %swap3A_301 = arith.constant 6 : i32
    %swap3A_302 = arith.index_cast %swap3A_301 : i32 to index
    %swap3A_303 = arith.constant 0 : index
    %swap3A_304 = tpu.vector_load %arg12[%swap3A_302, %swap3A_303] {strides = array<i32>} : memref<16x16xf32, #tpu.memory_space<vmem>>, vector<1x16xf32>,
    %swap3A_305 = vector.shape_cast %swap3A_304 : vector<1x16xf32> to vector<16xf32>
    %swap3A_306 = vector.shape_cast %scan3A_186#6 : vector<16xf32> to vector<1x16xf32>
    tpu.vector_store %arg12[%swap3A_302, %swap3A_303], %swap3A_306 {strides = array<i32>} : memref<16x16xf32, #tpu.memory_space<vmem>>, vector<1x16xf32>,
    %swap3A_307 = arith.constant 6 : i32
    %swap3A_308 = arith.index_cast %swap3A_307 : i32 to index
    %swap3A_309 = arith.constant 0 : index
    %swap3A_310 = tpu.vector_load %arg13[%swap3A_308, %swap3A_309] {strides = array<i32>} : memref<16x16xf32, #tpu.memory_space<vmem>>, vector<1x16xf32>,
    %swap3A_311 = vector.shape_cast %swap3A_310 : vector<1x16xf32> to vector<16xf32>
    %swap3A_312 = vector.shape_cast %scan3A_186#14 : vector<16xf32> to vector<1x16xf32>
    tpu.vector_store %arg13[%swap3A_308, %swap3A_309], %swap3A_312 {strides = array<i32>} : memref<16x16xf32, #tpu.memory_space<vmem>>, vector<1x16xf32>,
    %swap3A_313 = arith.constant 7 : i32
    %swap3A_314 = arith.index_cast %swap3A_313 : i32 to index
    %swap3A_315 = arith.constant 0 : index
    %swap3A_316 = tpu.vector_load %arg11[%swap3A_314, %swap3A_315] {strides = array<i32>} : memref<16x16xf32, #tpu.memory_space<vmem>>, vector<1x16xf32>,
    %swap3A_317 = vector.shape_cast %swap3A_316 : vector<1x16xf32> to vector<16xf32>
    %swap3A_318 = vector.shape_cast %scan3A_134#7 : vector<16xf32> to vector<1x16xf32>
    tpu.vector_store %arg11[%swap3A_314, %swap3A_315], %swap3A_318 {strides = array<i32>} : memref<16x16xf32, #tpu.memory_space<vmem>>, vector<1x16xf32>,
    %swap3A_319 = arith.constant 7 : i32
    %swap3A_320 = arith.index_cast %swap3A_319 : i32 to index
    %swap3A_321 = arith.constant 0 : index
    %swap3A_322 = tpu.vector_load %arg12[%swap3A_320, %swap3A_321] {strides = array<i32>} : memref<16x16xf32, #tpu.memory_space<vmem>>, vector<1x16xf32>,
    %swap3A_323 = vector.shape_cast %swap3A_322 : vector<1x16xf32> to vector<16xf32>
    %swap3A_324 = vector.shape_cast %scan3A_186#7 : vector<16xf32> to vector<1x16xf32>
    tpu.vector_store %arg12[%swap3A_320, %swap3A_321], %swap3A_324 {strides = array<i32>} : memref<16x16xf32, #tpu.memory_space<vmem>>, vector<1x16xf32>,
    %swap3A_325 = arith.constant 7 : i32
    %swap3A_326 = arith.index_cast %swap3A_325 : i32 to index
    %swap3A_327 = arith.constant 0 : index
    %swap3A_328 = tpu.vector_load %arg13[%swap3A_326, %swap3A_327] {strides = array<i32>} : memref<16x16xf32, #tpu.memory_space<vmem>>, vector<1x16xf32>,
    %swap3A_329 = vector.shape_cast %swap3A_328 : vector<1x16xf32> to vector<16xf32>
    %swap3A_330 = vector.shape_cast %scan3A_186#15 : vector<16xf32> to vector<1x16xf32>
    tpu.vector_store %arg13[%swap3A_326, %swap3A_327], %swap3A_330 {strides = array<i32>} : memref<16x16xf32, #tpu.memory_space<vmem>>, vector<1x16xf32>,
    %add3A_331 = arith.constant 8 : i32
    %add3A_332 = arith.addi %mul3A_2, %add3A_331 : i32
    %dma_start3A_333 = arith.constant 0 : i32
    %dma_start3A_334 = tpu.memref_slice %arg3[%add3A_332, %dma_start3A_333] : memref<512x16xi32, #tpu.memory_space<hbm>> -> memref<8x16xi32, #tpu.memory_space<hbm>>
    %dma_start3A_335 = arith.constant 0 : i32
    %dma_start3A_336 = tpu.memref_slice %arg3[%add3A_332, %dma_start3A_335] : memref<512x16xi32, #tpu.memory_space<hbm>> -> memref<8x16xi32, #tpu.memory_space<hbm>>
    tpu.enqueue_dma source(%dma_start3A_336 : memref<8x16xi32, #tpu.memory_space<hbm>>) target(%arg7 : memref<8x16xi32, #tpu.memory_space<vmem>>) target_semaphore(%arg15 : memref<!tpu.dma_semaphore, #tpu.memory_space<semaphore_mem>>)
    %dma_wait3A_337 = arith.constant 0 : i32
    %dma_wait3A_338 = tpu.memref_slice %arg3[%add3A_332, %dma_wait3A_337] : memref<512x16xi32, #tpu.memory_space<hbm>> -> memref<8x16xi32, #tpu.memory_space<hbm>>
    %dma_wait3A_339 = arith.constant 0 : i32
    %dma_wait3A_340 = tpu.memref_slice %arg3[%add3A_332, %dma_wait3A_339] : memref<512x16xi32, #tpu.memory_space<hbm>> -> memref<8x16xi32, #tpu.memory_space<hbm>>
    tpu.wait_dma2 semaphore(%arg15 : memref<!tpu.dma_semaphore, #tpu.memory_space<semaphore_mem>>) src(%dma_wait3A_340 : memref<8x16xi32, #tpu.memory_space<hbm>>) dst(%arg7 : memref<8x16xi32, #tpu.memory_space<vmem>>)
    %get3A_341 = arith.constant 0 : i32
    %get3A_342 = arith.index_cast %get3A_341 : i32 to index
    %get3A_343 = arith.constant 0 : index
    %get3A_344 = tpu.vector_load %arg7[%get3A_342, %get3A_343] {strides = array<i32>} : memref<8x16xi32, #tpu.memory_space<vmem>>, vector<1x16xi32>,
    %get3A_345 = vector.shape_cast %get3A_344 : vector<1x16xi32> to vector<16xi32>
    %get3A_346 = arith.constant 1 : i32
    %get3A_347 = arith.index_cast %get3A_346 : i32 to index
    %get3A_348 = arith.constant 0 : index
    %get3A_349 = tpu.vector_load %arg7[%get3A_347, %get3A_348] {strides = array<i32>} : memref<8x16xi32, #tpu.memory_space<vmem>>, vector<1x16xi32>,
    %get3A_350 = vector.shape_cast %get3A_349 : vector<1x16xi32> to vector<16xi32>
    %get3A_351 = arith.constant 2 : i32
    %get3A_352 = arith.index_cast %get3A_351 : i32 to index
    %get3A_353 = arith.constant 0 : index
    %get3A_354 = tpu.vector_load %arg7[%get3A_352, %get3A_353] {strides = array<i32>} : memref<8x16xi32, #tpu.memory_space<vmem>>, vector<1x16xi32>,
    %get3A_355 = vector.shape_cast %get3A_354 : vector<1x16xi32> to vector<16xi32>
    %get3A_356 = arith.constant 3 : i32
    %get3A_357 = arith.index_cast %get3A_356 : i32 to index
    %get3A_358 = arith.constant 0 : index
    %get3A_359 = tpu.vector_load %arg7[%get3A_357, %get3A_358] {strides = array<i32>} : memref<8x16xi32, #tpu.memory_space<vmem>>, vector<1x16xi32>,
    %get3A_360 = vector.shape_cast %get3A_359 : vector<1x16xi32> to vector<16xi32>
    %get3A_361 = arith.constant 4 : i32
    %get3A_362 = arith.index_cast %get3A_361 : i32 to index
    %get3A_363 = arith.constant 0 : index
    %get3A_364 = tpu.vector_load %arg7[%get3A_362, %get3A_363] {strides = array<i32>} : memref<8x16xi32, #tpu.memory_space<vmem>>, vector<1x16xi32>,
    %get3A_365 = vector.shape_cast %get3A_364 : vector<1x16xi32> to vector<16xi32>
    %get3A_366 = arith.constant 5 : i32
    %get3A_367 = arith.index_cast %get3A_366 : i32 to index
    %get3A_368 = arith.constant 0 : index
    %get3A_369 = tpu.vector_load %arg7[%get3A_367, %get3A_368] {strides = array<i32>} : memref<8x16xi32, #tpu.memory_space<vmem>>, vector<1x16xi32>,
    %get3A_370 = vector.shape_cast %get3A_369 : vector<1x16xi32> to vector<16xi32>
    %get3A_371 = arith.constant 6 : i32
    %get3A_372 = arith.index_cast %get3A_371 : i32 to index
    %get3A_373 = arith.constant 0 : index
    %get3A_374 = tpu.vector_load %arg7[%get3A_372, %get3A_373] {strides = array<i32>} : memref<8x16xi32, #tpu.memory_space<vmem>>, vector<1x16xi32>,
    %get3A_375 = vector.shape_cast %get3A_374 : vector<1x16xi32> to vector<16xi32>
    %get3A_376 = arith.constant 7 : i32
    %get3A_377 = arith.index_cast %get3A_376 : i32 to index
    %get3A_378 = arith.constant 0 : index
    %get3A_379 = tpu.vector_load %arg7[%get3A_377, %get3A_378] {strides = array<i32>} : memref<8x16xi32, #tpu.memory_space<vmem>>, vector<1x16xi32>,
    %get3A_380 = vector.shape_cast %get3A_379 : vector<1x16xi32> to vector<16xi32>
    %broadcast_in_dim3A_381 = arith.constant 0xFF800000 : f32
    %broadcast_in_dim3A_382 = vector.broadcast %broadcast_in_dim3A_381 : f32 to vector<16xf32>
    %broadcast_in_dim3A_383 = arith.constant 0xFF800000 : f32
    %broadcast_in_dim3A_384 = vector.broadcast %broadcast_in_dim3A_383 : f32 to vector<16xf32>
    %broadcast_in_dim3A_385 = arith.constant 0xFF800000 : f32
    %broadcast_in_dim3A_386 = vector.broadcast %broadcast_in_dim3A_385 : f32 to vector<16xf32>
    %broadcast_in_dim3A_387 = arith.constant 0xFF800000 : f32
    %broadcast_in_dim3A_388 = vector.broadcast %broadcast_in_dim3A_387 : f32 to vector<16xf32>
    %broadcast_in_dim3A_389 = arith.constant 0xFF800000 : f32
    %broadcast_in_dim3A_390 = vector.broadcast %broadcast_in_dim3A_389 : f32 to vector<16xf32>
    %broadcast_in_dim3A_391 = arith.constant 0xFF800000 : f32
    %broadcast_in_dim3A_392 = vector.broadcast %broadcast_in_dim3A_391 : f32 to vector<16xf32>
    %broadcast_in_dim3A_393 = arith.constant 0xFF800000 : f32
    %broadcast_in_dim3A_394 = vector.broadcast %broadcast_in_dim3A_393 : f32 to vector<16xf32>
    %broadcast_in_dim3A_395 = arith.constant 0xFF800000 : f32
    %broadcast_in_dim3A_396 = vector.broadcast %broadcast_in_dim3A_395 : f32 to vector<16xf32>
    %broadcast_in_dim3A_397 = arith.constant 0.000000e+00 : f32
    %broadcast_in_dim3A_398 = vector.broadcast %broadcast_in_dim3A_397 : f32 to vector<16xf32>
    %broadcast_in_dim3A_399 = arith.constant 0.000000e+00 : f32
    %broadcast_in_dim3A_400 = vector.broadcast %broadcast_in_dim3A_399 : f32 to vector<16xf32>
    %broadcast_in_dim3A_401 = arith.constant 0.000000e+00 : f32
    %broadcast_in_dim3A_402 = vector.broadcast %broadcast_in_dim3A_401 : f32 to vector<16xf32>
    %broadcast_in_dim3A_403 = arith.constant 0.000000e+00 : f32
    %broadcast_in_dim3A_404 = vector.broadcast %broadcast_in_dim3A_403 : f32 to vector<16xf32>
    %broadcast_in_dim3A_405 = arith.constant 0.000000e+00 : f32
    %broadcast_in_dim3A_406 = vector.broadcast %broadcast_in_dim3A_405 : f32 to vector<16xf32>
    %broadcast_in_dim3A_407 = arith.constant 0.000000e+00 : f32
    %broadcast_in_dim3A_408 = vector.broadcast %broadcast_in_dim3A_407 : f32 to vector<16xf32>
    %broadcast_in_dim3A_409 = arith.constant 0.000000e+00 : f32
    %broadcast_in_dim3A_410 = vector.broadcast %broadcast_in_dim3A_409 : f32 to vector<16xf32>
    %broadcast_in_dim3A_411 = arith.constant 0.000000e+00 : f32
    %broadcast_in_dim3A_412 = vector.broadcast %broadcast_in_dim3A_411 : f32 to vector<16xf32>
    %broadcast_in_dim3A_413 = arith.constant 0xFF800000 : f32
    %broadcast_in_dim3A_414 = vector.broadcast %broadcast_in_dim3A_413 : f32 to vector<16xf32>
    %broadcast_in_dim3A_415 = arith.constant 0xFF800000 : f32
    %broadcast_in_dim3A_416 = vector.broadcast %broadcast_in_dim3A_415 : f32 to vector<16xf32>
    %broadcast_in_dim3A_417 = arith.constant 0xFF800000 : f32
    %broadcast_in_dim3A_418 = vector.broadcast %broadcast_in_dim3A_417 : f32 to vector<16xf32>
    %broadcast_in_dim3A_419 = arith.constant 0xFF800000 : f32
    %broadcast_in_dim3A_420 = vector.broadcast %broadcast_in_dim3A_419 : f32 to vector<16xf32>
    %broadcast_in_dim3A_421 = arith.constant 0xFF800000 : f32
    %broadcast_in_dim3A_422 = vector.broadcast %broadcast_in_dim3A_421 : f32 to vector<16xf32>
    %broadcast_in_dim3A_423 = arith.constant 0xFF800000 : f32
    %broadcast_in_dim3A_424 = vector.broadcast %broadcast_in_dim3A_423 : f32 to vector<16xf32>
    %broadcast_in_dim3A_425 = arith.constant 0xFF800000 : f32
    %broadcast_in_dim3A_426 = vector.broadcast %broadcast_in_dim3A_425 : f32 to vector<16xf32>
    %broadcast_in_dim3A_427 = arith.constant 0xFF800000 : f32
    %broadcast_in_dim3A_428 = vector.broadcast %broadcast_in_dim3A_427 : f32 to vector<16xf32>
    %dma_start3A_429 = arith.constant 0 : i32
    %dma_start3A_430 = arith.constant 0 : i32
    %dma_start3A_431 = tpu.memref_slice %arg2[%add3A_332, %dma_start3A_430] : memref<512x100000xf32, #tpu.memory_space<hbm>> -> memref<8x4096xf32, #tpu.memory_space<hbm>>
    %dma_start3A_432 = tpu.memref_slice %arg14[%dma_start3A_429] : memref<3x!tpu.dma_semaphore, #tpu.memory_space<semaphore_mem>> -> memref<1x!tpu.dma_semaphore, #tpu.memory_space<semaphore_mem>>
    %dma_start3A_433 = tpu.memref_squeeze %dma_start3A_432 : memref<1x!tpu.dma_semaphore, #tpu.memory_space<semaphore_mem>> -> memref<!tpu.dma_semaphore, #tpu.memory_space<semaphore_mem>>
    %dma_start3A_434 = arith.constant 0 : i32
    %dma_start3A_435 = tpu.memref_slice %arg2[%add3A_332, %dma_start3A_434] : memref<512x100000xf32, #tpu.memory_space<hbm>> -> memref<8x4096xf32, #tpu.memory_space<hbm>>
    tpu.enqueue_dma source(%dma_start3A_435 : memref<8x4096xf32, #tpu.memory_space<hbm>>) target(%arg8 : memref<8x4096xf32, #tpu.memory_space<vmem>>) target_semaphore(%dma_start3A_433 : memref<!tpu.dma_semaphore, #tpu.memory_space<semaphore_mem>>)
    %dma_start3A_436 = arith.constant 2 : i32
    %dma_start3A_437 = arith.constant 98304 : i32
    %dma_start3A_438 = tpu.memref_slice %arg2[%add3A_332, %dma_start3A_437] : memref<512x100000xf32, #tpu.memory_space<hbm>> -> memref<8x1696xf32, #tpu.memory_space<hbm>>
    %dma_start3A_439 = tpu.memref_slice %arg14[%dma_start3A_436] : memref<3x!tpu.dma_semaphore, #tpu.memory_space<semaphore_mem>> -> memref<1x!tpu.dma_semaphore, #tpu.memory_space<semaphore_mem>>
    %dma_start3A_440 = tpu.memref_squeeze %dma_start3A_439 : memref<1x!tpu.dma_semaphore, #tpu.memory_space<semaphore_mem>> -> memref<!tpu.dma_semaphore, #tpu.memory_space<semaphore_mem>>
    %dma_start3A_441 = arith.constant 98304 : i32
    %dma_start3A_442 = tpu.memref_slice %arg2[%add3A_332, %dma_start3A_441] : memref<512x100000xf32, #tpu.memory_space<hbm>> -> memref<8x1696xf32, #tpu.memory_space<hbm>>
    tpu.enqueue_dma source(%dma_start3A_442 : memref<8x1696xf32, #tpu.memory_space<hbm>>) target(%arg10 : memref<8x1696xf32, #tpu.memory_space<vmem>>) target_semaphore(%dma_start3A_440 : memref<!tpu.dma_semaphore, #tpu.memory_space<semaphore_mem>>)
    %dma_start3A_443 = arith.constant 1 : i32
    %dma_start3A_444 = arith.constant 4096 : i32
    %dma_start3A_445 = tpu.memref_slice %arg2[%add3A_332, %dma_start3A_444] : memref<512x100000xf32, #tpu.memory_space<hbm>> -> memref<8x4096xf32, #tpu.memory_space<hbm>>
    %dma_start3A_446 = tpu.memref_slice %arg14[%dma_start3A_443] : memref<3x!tpu.dma_semaphore, #tpu.memory_space<semaphore_mem>> -> memref<1x!tpu.dma_semaphore, #tpu.memory_space<semaphore_mem>>
    %dma_start3A_447 = tpu.memref_squeeze %dma_start3A_446 : memref<1x!tpu.dma_semaphore, #tpu.memory_space<semaphore_mem>> -> memref<!tpu.dma_semaphore, #tpu.memory_space<semaphore_mem>>
    %dma_start3A_448 = arith.constant 4096 : i32
    %dma_start3A_449 = tpu.memref_slice %arg2[%add3A_332, %dma_start3A_448] : memref<512x100000xf32, #tpu.memory_space<hbm>> -> memref<8x4096xf32, #tpu.memory_space<hbm>>
    tpu.enqueue_dma source(%dma_start3A_449 : memref<8x4096xf32, #tpu.memory_space<hbm>>) target(%arg9 : memref<8x4096xf32, #tpu.memory_space<vmem>>) target_semaphore(%dma_start3A_447 : memref<!tpu.dma_semaphore, #tpu.memory_space<semaphore_mem>>)
    %scan3A_450 = arith.constant 0 : i32
    %scan3A_451 = arith.constant 12 : i32
    %scan3A_452 = arith.addi %scan3A_450, %scan3A_451 : i32
    %scan3A_453 = arith.constant 1 : i32
    %scan3A_454:24 = scf.for %scan3A_667 = %scan3A_450 to %scan3A_452 step %scan3A_453 iter_args(%scan3A_668 = %broadcast_in_dim3A_382, %scan3A_669 = %broadcast_in_dim3A_384, %scan3A_670 = %broadcast_in_dim3A_386, %scan3A_671 = %broadcast_in_dim3A_388, %scan3A_672 = %broadcast_in_dim3A_390, %scan3A_673 = %broadcast_in_dim3A_392, %scan3A_674 = %broadcast_in_dim3A_394, %scan3A_675 = %broadcast_in_dim3A_396, %scan3A_676 = %broadcast_in_dim3A_398, %scan3A_677 = %broadcast_in_dim3A_400, %scan3A_678 = %broadcast_in_dim3A_402, %scan3A_679 = %broadcast_in_dim3A_404, %scan3A_680 = %broadcast_in_dim3A_406, %scan3A_681 = %broadcast_in_dim3A_408, %scan3A_682 = %broadcast_in_dim3A_410, %scan3A_683 = %broadcast_in_dim3A_412, %scan3A_684 = %broadcast_in_dim3A_414, %scan3A_685 = %broadcast_in_dim3A_416, %scan3A_686 = %broadcast_in_dim3A_418, %scan3A_687 = %broadcast_in_dim3A_420, %scan3A_688 = %broadcast_in_dim3A_422, %scan3A_689 = %broadcast_in_dim3A_424, %scan3A_690 = %broadcast_in_dim3A_426, %scan3A_691 = %broadcast_in_dim3A_428) -> (vector<16xf32>, vector<16xf32>, vector<16xf32>, vector<16xf32>, vector<16xf32>, vector<16xf32>, vector<16xf32>, vector<16xf32>, vector<16xf32>, vector<16xf32>, vector<16xf32>, vector<16xf32>, vector<16xf32>, vector<16xf32>, vector<16xf32>, vector<16xf32>, vector<16xf32>, vector<16xf32>, vector<16xf32>, vector<16xf32>, vector<16xf32>, vector<16xf32>, vector<16xf32>, vector<16xf32>)  : i32 {
      %mul3A_692 = arith.constant 2 : i32
      %mul3A_693 = arith.muli %mul3A_692, %scan3A_667 : i32
      %add3A_694 = arith.constant 0 : i32
      %add3A_695 = arith.addi %mul3A_693, %add3A_694 : i32
      %mul3A_696 = arith.constant 4096 : i32
      %mul3A_697 = arith.muli %add3A_695, %mul3A_696 : i32
      %dma_wait3A_698 = arith.constant 0 : i32
      %dma_wait3A_699 = tpu.memref_slice %arg2[%add3A_332, %mul3A_697] : memref<512x100000xf32, #tpu.memory_space<hbm>> -> memref<8x4096xf32, #tpu.memory_space<hbm>>
      %dma_wait3A_700 = tpu.memref_slice %arg14[%dma_wait3A_698] : memref<3x!tpu.dma_semaphore, #tpu.memory_space<semaphore_mem>> -> memref<1x!tpu.dma_semaphore, #tpu.memory_space<semaphore_mem>>
      %dma_wait3A_701 = tpu.memref_squeeze %dma_wait3A_700 : memref<1x!tpu.dma_semaphore, #tpu.memory_space<semaphore_mem>> -> memref<!tpu.dma_semaphore, #tpu.memory_space<semaphore_mem>>
      %dma_wait3A_702 = tpu.memref_slice %arg2[%add3A_332, %mul3A_697] : memref<512x100000xf32, #tpu.memory_space<hbm>> -> memref<8x4096xf32, #tpu.memory_space<hbm>>
      tpu.wait_dma2 semaphore(%dma_wait3A_701 : memref<!tpu.dma_semaphore, #tpu.memory_space<semaphore_mem>>) src(%dma_wait3A_702 : memref<8x4096xf32, #tpu.memory_space<hbm>>) dst(%arg8 : memref<8x4096xf32, #tpu.memory_space<vmem>>)
      %scan3A_703 = arith.constant 0 : i32
      %scan3A_704 = arith.constant 256 : i32
      %scan3A_705 = arith.addi %scan3A_703, %scan3A_704 : i32
      %scan3A_706 = arith.constant 1 : i32
      %scan3A_707:8 = scf.for %scan3A_845 = %scan3A_703 to %scan3A_705 step %scan3A_706 iter_args(%scan3A_846 = %scan3A_668, %scan3A_847 = %scan3A_669, %scan3A_848 = %scan3A_670, %scan3A_849 = %scan3A_671, %scan3A_850 = %scan3A_672, %scan3A_851 = %scan3A_673, %scan3A_852 = %scan3A_674, %scan3A_853 = %scan3A_675) -> (vector<16xf32>, vector<16xf32>, vector<16xf32>, vector<16xf32>, vector<16xf32>, vector<16xf32>, vector<16xf32>, vector<16xf32>)  : i32 {
        %mul3A_854 = arith.constant 16 : i32
        %mul3A_855 = arith.muli %scan3A_845, %mul3A_854 : i32
        %get3A_856 = arith.constant 0 : i32
        %get3A_857 = arith.index_cast %get3A_856 : i32 to index
        %get3A_858 = arith.index_cast %mul3A_855 : i32 to index
        %get3A_859 = tpu.vector_load %arg8[%get3A_857, %get3A_858] {strides = array<i32>} : memref<8x4096xf32, #tpu.memory_space<vmem>>, vector<1x16xf32>,
        %get3A_860 = vector.shape_cast %get3A_859 : vector<1x16xf32> to vector<16xf32>
        %max3A = arith.maximumf %scan3A_846, %get3A_860 : vector<16xf32>
        %mul3A_861 = arith.constant 16 : i32
        %mul3A_862 = arith.muli %scan3A_845, %mul3A_861 : i32
        %get3A_863 = arith.constant 1 : i32
        %get3A_864 = arith.index_cast %get3A_863 : i32 to index
        %get3A_865 = arith.index_cast %mul3A_862 : i32 to index
        %get3A_866 = tpu.vector_load %arg8[%get3A_864, %get3A_865] {strides = array<i32>} : memref<8x4096xf32, #tpu.memory_space<vmem>>, vector<1x16xf32>,
        %get3A_867 = vector.shape_cast %get3A_866 : vector<1x16xf32> to vector<16xf32>
        %max3A_868 = arith.maximumf %scan3A_847, %get3A_867 : vector<16xf32>
        %mul3A_869 = arith.constant 16 : i32
        %mul3A_870 = arith.muli %scan3A_845, %mul3A_869 : i32
        %get3A_871 = arith.constant 2 : i32
        %get3A_872 = arith.index_cast %get3A_871 : i32 to index
        %get3A_873 = arith.index_cast %mul3A_870 : i32 to index
        %get3A_874 = tpu.vector_load %arg8[%get3A_872, %get3A_873] {strides = array<i32>} : memref<8x4096xf32, #tpu.memory_space<vmem>>, vector<1x16xf32>,
        %get3A_875 = vector.shape_cast %get3A_874 : vector<1x16xf32> to vector<16xf32>
        %max3A_876 = arith.maximumf %scan3A_848, %get3A_875 : vector<16xf32>
        %mul3A_877 = arith.constant 16 : i32
        %mul3A_878 = arith.muli %scan3A_845, %mul3A_877 : i32
        %get3A_879 = arith.constant 3 : i32
        %get3A_880 = arith.index_cast %get3A_879 : i32 to index
        %get3A_881 = arith.index_cast %mul3A_878 : i32 to index
        %get3A_882 = tpu.vector_load %arg8[%get3A_880, %get3A_881] {strides = array<i32>} : memref<8x4096xf32, #tpu.memory_space<vmem>>, vector<1x16xf32>,
        %get3A_883 = vector.shape_cast %get3A_882 : vector<1x16xf32> to vector<16xf32>
        %max3A_884 = arith.maximumf %scan3A_849, %get3A_883 : vector<16xf32>
        %mul3A_885 = arith.constant 16 : i32
        %mul3A_886 = arith.muli %scan3A_845, %mul3A_885 : i32
        %get3A_887 = arith.constant 4 : i32
        %get3A_888 = arith.index_cast %get3A_887 : i32 to index
        %get3A_889 = arith.index_cast %mul3A_886 : i32 to index
        %get3A_890 = tpu.vector_load %arg8[%get3A_888, %get3A_889] {strides = array<i32>} : memref<8x4096xf32, #tpu.memory_space<vmem>>, vector<1x16xf32>,
        %get3A_891 = vector.shape_cast %get3A_890 : vector<1x16xf32> to vector<16xf32>
        %max3A_892 = arith.maximumf %scan3A_850, %get3A_891 : vector<16xf32>
        %mul3A_893 = arith.constant 16 : i32
        %mul3A_894 = arith.muli %scan3A_845, %mul3A_893 : i32
        %get3A_895 = arith.constant 5 : i32
        %get3A_896 = arith.index_cast %get3A_895 : i32 to index
        %get3A_897 = arith.index_cast %mul3A_894 : i32 to index
        %get3A_898 = tpu.vector_load %arg8[%get3A_896, %get3A_897] {strides = array<i32>} : memref<8x4096xf32, #tpu.memory_space<vmem>>, vector<1x16xf32>,
        %get3A_899 = vector.shape_cast %get3A_898 : vector<1x16xf32> to vector<16xf32>
        %max3A_900 = arith.maximumf %scan3A_851, %get3A_899 : vector<16xf32>
        %mul3A_901 = arith.constant 16 : i32
        %mul3A_902 = arith.muli %scan3A_845, %mul3A_901 : i32
        %get3A_903 = arith.constant 6 : i32
        %get3A_904 = arith.index_cast %get3A_903 : i32 to index
        %get3A_905 = arith.index_cast %mul3A_902 : i32 to index
        %get3A_906 = tpu.vector_load %arg8[%get3A_904, %get3A_905] {strides = array<i32>} : memref<8x4096xf32, #tpu.memory_space<vmem>>, vector<1x16xf32>,
        %get3A_907 = vector.shape_cast %get3A_906 : vector<1x16xf32> to vector<16xf32>
        %max3A_908 = arith.maximumf %scan3A_852, %get3A_907 : vector<16xf32>
        %mul3A_909 = arith.constant 16 : i32
        %mul3A_910 = arith.muli %scan3A_845, %mul3A_909 : i32
        %get3A_911 = arith.constant 7 : i32
        %get3A_912 = arith.index_cast %get3A_911 : i32 to index
        %get3A_913 = arith.index_cast %mul3A_910 : i32 to index
        %get3A_914 = tpu.vector_load %arg8[%get3A_912, %get3A_913] {strides = array<i32>} : memref<8x4096xf32, #tpu.memory_space<vmem>>, vector<1x16xf32>,
        %get3A_915 = vector.shape_cast %get3A_914 : vector<1x16xf32> to vector<16xf32>
        %max3A_916 = arith.maximumf %scan3A_853, %get3A_915 : vector<16xf32>
        scf.yield %max3A, %max3A_868, %max3A_876, %max3A_884, %max3A_892, %max3A_900, %max3A_908, %max3A_916 : vector<16xf32>, vector<16xf32>, vector<16xf32>, vector<16xf32>, vector<16xf32>, vector<16xf32>, vector<16xf32>, vector<16xf32>
      }
      %scan3A_708 = arith.constant 256 : i32
      %sub3A_709 = arith.subf %scan3A_668, %scan3A_707#0 : vector<16xf32>
      %mul3A_710 = arith.constant 3.000000e+01 : f32
      %mul3A_711 = vector.broadcast %mul3A_710 : f32 to vector<16xf32>
      %mul3A_712 = arith.mulf %sub3A_709, %mul3A_711 : vector<16xf32>
      %exp3A_713 = math.exp %mul3A_712 : vector<16xf32>
      %mul3A_714 = arith.mulf %scan3A_676, %exp3A_713 : vector<16xf32>
      %sub3A_715 = arith.subf %scan3A_669, %scan3A_707#1 : vector<16xf32>
      %mul3A_716 = arith.constant 3.000000e+01 : f32
      %mul3A_717 = vector.broadcast %mul3A_716 : f32 to vector<16xf32>
      %mul3A_718 = arith.mulf %sub3A_715, %mul3A_717 : vector<16xf32>
      %exp3A_719 = math.exp %mul3A_718 : vector<16xf32>
      %mul3A_720 = arith.mulf %scan3A_677, %exp3A_719 : vector<16xf32>
      %sub3A_721 = arith.subf %scan3A_670, %scan3A_707#2 : vector<16xf32>
      %mul3A_722 = arith.constant 3.000000e+01 : f32
      %mul3A_723 = vector.broadcast %mul3A_722 : f32 to vector<16xf32>
      %mul3A_724 = arith.mulf %sub3A_721, %mul3A_723 : vector<16xf32>
      %exp3A_725 = math.exp %mul3A_724 : vector<16xf32>
      %mul3A_726 = arith.mulf %scan3A_678, %exp3A_725 : vector<16xf32>
      %sub3A_727 = arith.subf %scan3A_671, %scan3A_707#3 : vector<16xf32>
      %mul3A_728 = arith.constant 3.000000e+01 : f32
      %mul3A_729 = vector.broadcast %mul3A_728 : f32 to vector<16xf32>
      %mul3A_730 = arith.mulf %sub3A_727, %mul3A_729 : vector<16xf32>
      %exp3A_731 = math.exp %mul3A_730 : vector<16xf32>
      %mul3A_732 = arith.mulf %scan3A_679, %exp3A_731 : vector<16xf32>
      %sub3A_733 = arith.subf %scan3A_672, %scan3A_707#4 : vector<16xf32>
      %mul3A_734 = arith.constant 3.000000e+01 : f32
      %mul3A_735 = vector.broadcast %mul3A_734 : f32 to vector<16xf32>
      %mul3A_736 = arith.mulf %sub3A_733, %mul3A_735 : vector<16xf32>
      %exp3A_737 = math.exp %mul3A_736 : vector<16xf32>
      %mul3A_738 = arith.mulf %scan3A_680, %exp3A_737 : vector<16xf32>
      %sub3A_739 = arith.subf %scan3A_673, %scan3A_707#5 : vector<16xf32>
      %mul3A_740 = arith.constant 3.000000e+01 : f32
      %mul3A_741 = vector.broadcast %mul3A_740 : f32 to vector<16xf32>
      %mul3A_742 = arith.mulf %sub3A_739, %mul3A_741 : vector<16xf32>
      %exp3A_743 = math.exp %mul3A_742 : vector<16xf32>
      %mul3A_744 = arith.mulf %scan3A_681, %exp3A_743 : vector<16xf32>
      %sub3A_745 = arith.subf %scan3A_674, %scan3A_707#6 : vector<16xf32>
      %mul3A_746 = arith.constant 3.000000e+01 : f32
      %mul3A_747 = vector.broadcast %mul3A_746 : f32 to vector<16xf32>
      %mul3A_748 = arith.mulf %sub3A_745, %mul3A_747 : vector<16xf32>
      %exp3A_749 = math.exp %mul3A_748 : vector<16xf32>
      %mul3A_750 = arith.mulf %scan3A_682, %exp3A_749 : vector<16xf32>
      %sub3A_751 = arith.subf %scan3A_675, %scan3A_707#7 : vector<16xf32>
      %mul3A_752 = arith.constant 3.000000e+01 : f32
      %mul3A_753 = vector.broadcast %mul3A_752 : f32 to vector<16xf32>
      %mul3A_754 = arith.mulf %sub3A_751, %mul3A_753 : vector<16xf32>
      %exp3A_755 = math.exp %mul3A_754 : vector<16xf32>
      %mul3A_756 = arith.mulf %scan3A_683, %exp3A_755 : vector<16xf32>
      %scan3A_757 = arith.constant 0 : i32
      %scan3A_758 = arith.constant 256 : i32
      %scan3A_759 = arith.addi %scan3A_757, %scan3A_758 : i32
      %scan3A_760 = arith.constant 1 : i32
      %scan3A_761:16 = scf.for %scan3A_845 = %scan3A_757 to %scan3A_759 step %scan3A_760 iter_args(%scan3A_846 = %mul3A_714, %scan3A_847 = %mul3A_720, %scan3A_848 = %mul3A_726, %scan3A_849 = %mul3A_732, %scan3A_850 = %mul3A_738, %scan3A_851 = %mul3A_744, %scan3A_852 = %mul3A_750, %scan3A_853 = %mul3A_756, %scan3A_854 = %scan3A_684, %scan3A_855 = %scan3A_685, %scan3A_856 = %scan3A_686, %scan3A_857 = %scan3A_687, %scan3A_858 = %scan3A_688, %scan3A_859 = %scan3A_689, %scan3A_860 = %scan3A_690, %scan3A_861 = %scan3A_691) -> (vector<16xf32>, vector<16xf32>, vector<16xf32>, vector<16xf32>, vector<16xf32>, vector<16xf32>, vector<16xf32>, vector<16xf32>, vector<16xf32>, vector<16xf32>, vector<16xf32>, vector<16xf32>, vector<16xf32>, vector<16xf32>, vector<16xf32>, vector<16xf32>)  : i32 {
        %mul3A_862 = arith.constant 16 : i32
        %mul3A_863 = arith.muli %scan3A_845, %mul3A_862 : i32
        %add3A_864 = arith.addi %mul3A_697, %mul3A_863 : i32
        %add3A_865 = vector.broadcast %add3A_864 : i32 to vector<16xi32>
        %add3A_866 = arith.addi %add3A_865, %iota3A : vector<16xi32>
        %mul3A_867 = arith.constant 16 : i32
        %mul3A_868 = arith.muli %scan3A_845, %mul3A_867 : i32
        %get3A_869 = arith.constant 0 : i32
        %get3A_870 = arith.index_cast %get3A_869 : i32 to index
        %get3A_871 = arith.index_cast %mul3A_868 : i32 to index
        %get3A_872 = tpu.vector_load %arg8[%get3A_870, %get3A_871] {strides = array<i32>} : memref<8x4096xf32, #tpu.memory_space<vmem>>, vector<1x16xf32>,
        %get3A_873 = vector.shape_cast %get3A_872 : vector<1x16xf32> to vector<16xf32>
        %sub3A_874 = arith.subf %get3A_873, %scan3A_707#0 : vector<16xf32>
        %mul3A_875 = arith.constant 3.000000e+01 : f32
        %mul3A_876 = vector.broadcast %mul3A_875 : f32 to vector<16xf32>
        %mul3A_877 = arith.mulf %sub3A_874, %mul3A_876 : vector<16xf32>
        %exp3A_878 = math.exp %mul3A_877 : vector<16xf32>
        %add3A_879 = arith.addf %scan3A_846, %exp3A_878 : vector<16xf32>
        %eq3A = arith.cmpi eq, %add3A_866, %get3A_345 : vector<16xi32>
        %jit3A = arith.constant 0xFF800000 : f32
        %broadcast_in_dim3A_880 = vector.broadcast %jit3A : f32 to vector<16xf32>
        %select_n3A = arith.select %eq3A, %get3A_873, %broadcast_in_dim3A_880 : vector<16xi1>, vector<16xf32>
        %max3A = arith.maximumf %scan3A_854, %select_n3A : vector<16xf32>
        %mul3A_881 = arith.constant 16 : i32
        %mul3A_882 = arith.muli %scan3A_845, %mul3A_881 : i32
        %get3A_883 = arith.constant 1 : i32
        %get3A_884 = arith.index_cast %get3A_883 : i32 to index
        %get3A_885 = arith.index_cast %mul3A_882 : i32 to index
        %get3A_886 = tpu.vector_load %arg8[%get3A_884, %get3A_885] {strides = array<i32>} : memref<8x4096xf32, #tpu.memory_space<vmem>>, vector<1x16xf32>,
        %get3A_887 = vector.shape_cast %get3A_886 : vector<1x16xf32> to vector<16xf32>
        %sub3A_888 = arith.subf %get3A_887, %scan3A_707#1 : vector<16xf32>
        %mul3A_889 = arith.constant 3.000000e+01 : f32
        %mul3A_890 = vector.broadcast %mul3A_889 : f32 to vector<16xf32>
        %mul3A_891 = arith.mulf %sub3A_888, %mul3A_890 : vector<16xf32>
        %exp3A_892 = math.exp %mul3A_891 : vector<16xf32>
        %add3A_893 = arith.addf %scan3A_847, %exp3A_892 : vector<16xf32>
        %eq3A_894 = arith.cmpi eq, %add3A_866, %get3A_350 : vector<16xi32>
        %jit3A_895 = arith.constant 0xFF800000 : f32
        %broadcast_in_dim3A_896 = vector.broadcast %jit3A_895 : f32 to vector<16xf32>
        %select_n3A_897 = arith.select %eq3A_894, %get3A_887, %broadcast_in_dim3A_896 : vector<16xi1>, vector<16xf32>
        %max3A_898 = arith.maximumf %scan3A_855, %select_n3A_897 : vector<16xf32>
        %mul3A_899 = arith.constant 16 : i32
        %mul3A_900 = arith.muli %scan3A_845, %mul3A_899 : i32
        %get3A_901 = arith.constant 2 : i32
        %get3A_902 = arith.index_cast %get3A_901 : i32 to index
        %get3A_903 = arith.index_cast %mul3A_900 : i32 to index
        %get3A_904 = tpu.vector_load %arg8[%get3A_902, %get3A_903] {strides = array<i32>} : memref<8x4096xf32, #tpu.memory_space<vmem>>, vector<1x16xf32>,
        %get3A_905 = vector.shape_cast %get3A_904 : vector<1x16xf32> to vector<16xf32>
        %sub3A_906 = arith.subf %get3A_905, %scan3A_707#2 : vector<16xf32>
        %mul3A_907 = arith.constant 3.000000e+01 : f32
        %mul3A_908 = vector.broadcast %mul3A_907 : f32 to vector<16xf32>
        %mul3A_909 = arith.mulf %sub3A_906, %mul3A_908 : vector<16xf32>
        %exp3A_910 = math.exp %mul3A_909 : vector<16xf32>
        %add3A_911 = arith.addf %scan3A_848, %exp3A_910 : vector<16xf32>
        %eq3A_912 = arith.cmpi eq, %add3A_866, %get3A_355 : vector<16xi32>
        %jit3A_913 = arith.constant 0xFF800000 : f32
        %broadcast_in_dim3A_914 = vector.broadcast %jit3A_913 : f32 to vector<16xf32>
        %select_n3A_915 = arith.select %eq3A_912, %get3A_905, %broadcast_in_dim3A_914 : vector<16xi1>, vector<16xf32>
        %max3A_916 = arith.maximumf %scan3A_856, %select_n3A_915 : vector<16xf32>
        %mul3A_917 = arith.constant 16 : i32
        %mul3A_918 = arith.muli %scan3A_845, %mul3A_917 : i32
        %get3A_919 = arith.constant 3 : i32
        %get3A_920 = arith.index_cast %get3A_919 : i32 to index
        %get3A_921 = arith.index_cast %mul3A_918 : i32 to index
        %get3A_922 = tpu.vector_load %arg8[%get3A_920, %get3A_921] {strides = array<i32>} : memref<8x4096xf32, #tpu.memory_space<vmem>>, vector<1x16xf32>,
        %get3A_923 = vector.shape_cast %get3A_922 : vector<1x16xf32> to vector<16xf32>
        %sub3A_924 = arith.subf %get3A_923, %scan3A_707#3 : vector<16xf32>
        %mul3A_925 = arith.constant 3.000000e+01 : f32
        %mul3A_926 = vector.broadcast %mul3A_925 : f32 to vector<16xf32>
        %mul3A_927 = arith.mulf %sub3A_924, %mul3A_926 : vector<16xf32>
        %exp3A_928 = math.exp %mul3A_927 : vector<16xf32>
        %add3A_929 = arith.addf %scan3A_849, %exp3A_928 : vector<16xf32>
        %eq3A_930 = arith.cmpi eq, %add3A_866, %get3A_360 : vector<16xi32>
        %jit3A_931 = arith.constant 0xFF800000 : f32
        %broadcast_in_dim3A_932 = vector.broadcast %jit3A_931 : f32 to vector<16xf32>
        %select_n3A_933 = arith.select %eq3A_930, %get3A_923, %broadcast_in_dim3A_932 : vector<16xi1>, vector<16xf32>
        %max3A_934 = arith.maximumf %scan3A_857, %select_n3A_933 : vector<16xf32>
        %mul3A_935 = arith.constant 16 : i32
        %mul3A_936 = arith.muli %scan3A_845, %mul3A_935 : i32
        %get3A_937 = arith.constant 4 : i32
        %get3A_938 = arith.index_cast %get3A_937 : i32 to index
        %get3A_939 = arith.index_cast %mul3A_936 : i32 to index
        %get3A_940 = tpu.vector_load %arg8[%get3A_938, %get3A_939] {strides = array<i32>} : memref<8x4096xf32, #tpu.memory_space<vmem>>, vector<1x16xf32>,
        %get3A_941 = vector.shape_cast %get3A_940 : vector<1x16xf32> to vector<16xf32>
        %sub3A_942 = arith.subf %get3A_941, %scan3A_707#4 : vector<16xf32>
        %mul3A_943 = arith.constant 3.000000e+01 : f32
        %mul3A_944 = vector.broadcast %mul3A_943 : f32 to vector<16xf32>
        %mul3A_945 = arith.mulf %sub3A_942, %mul3A_944 : vector<16xf32>
        %exp3A_946 = math.exp %mul3A_945 : vector<16xf32>
        %add3A_947 = arith.addf %scan3A_850, %exp3A_946 : vector<16xf32>
        %eq3A_948 = arith.cmpi eq, %add3A_866, %get3A_365 : vector<16xi32>
        %jit3A_949 = arith.constant 0xFF800000 : f32
        %broadcast_in_dim3A_950 = vector.broadcast %jit3A_949 : f32 to vector<16xf32>
        %select_n3A_951 = arith.select %eq3A_948, %get3A_941, %broadcast_in_dim3A_950 : vector<16xi1>, vector<16xf32>
        %max3A_952 = arith.maximumf %scan3A_858, %select_n3A_951 : vector<16xf32>
        %mul3A_953 = arith.constant 16 : i32
        %mul3A_954 = arith.muli %scan3A_845, %mul3A_953 : i32
        %get3A_955 = arith.constant 5 : i32
        %get3A_956 = arith.index_cast %get3A_955 : i32 to index
        %get3A_957 = arith.index_cast %mul3A_954 : i32 to index
        %get3A_958 = tpu.vector_load %arg8[%get3A_956, %get3A_957] {strides = array<i32>} : memref<8x4096xf32, #tpu.memory_space<vmem>>, vector<1x16xf32>,
        %get3A_959 = vector.shape_cast %get3A_958 : vector<1x16xf32> to vector<16xf32>
        %sub3A_960 = arith.subf %get3A_959, %scan3A_707#5 : vector<16xf32>
        %mul3A_961 = arith.constant 3.000000e+01 : f32
        %mul3A_962 = vector.broadcast %mul3A_961 : f32 to vector<16xf32>
        %mul3A_963 = arith.mulf %sub3A_960, %mul3A_962 : vector<16xf32>
        %exp3A_964 = math.exp %mul3A_963 : vector<16xf32>
        %add3A_965 = arith.addf %scan3A_851, %exp3A_964 : vector<16xf32>
        %eq3A_966 = arith.cmpi eq, %add3A_866, %get3A_370 : vector<16xi32>
        %jit3A_967 = arith.constant 0xFF800000 : f32
        %broadcast_in_dim3A_968 = vector.broadcast %jit3A_967 : f32 to vector<16xf32>
        %select_n3A_969 = arith.select %eq3A_966, %get3A_959, %broadcast_in_dim3A_968 : vector<16xi1>, vector<16xf32>
        %max3A_970 = arith.maximumf %scan3A_859, %select_n3A_969 : vector<16xf32>
        %mul3A_971 = arith.constant 16 : i32
        %mul3A_972 = arith.muli %scan3A_845, %mul3A_971 : i32
        %get3A_973 = arith.constant 6 : i32
        %get3A_974 = arith.index_cast %get3A_973 : i32 to index
        %get3A_975 = arith.index_cast %mul3A_972 : i32 to index
        %get3A_976 = tpu.vector_load %arg8[%get3A_974, %get3A_975] {strides = array<i32>} : memref<8x4096xf32, #tpu.memory_space<vmem>>, vector<1x16xf32>,
        %get3A_977 = vector.shape_cast %get3A_976 : vector<1x16xf32> to vector<16xf32>
        %sub3A_978 = arith.subf %get3A_977, %scan3A_707#6 : vector<16xf32>
        %mul3A_979 = arith.constant 3.000000e+01 : f32
        %mul3A_980 = vector.broadcast %mul3A_979 : f32 to vector<16xf32>
        %mul3A_981 = arith.mulf %sub3A_978, %mul3A_980 : vector<16xf32>
        %exp3A_982 = math.exp %mul3A_981 : vector<16xf32>
        %add3A_983 = arith.addf %scan3A_852, %exp3A_982 : vector<16xf32>
        %eq3A_984 = arith.cmpi eq, %add3A_866, %get3A_375 : vector<16xi32>
        %jit3A_985 = arith.constant 0xFF800000 : f32
        %broadcast_in_dim3A_986 = vector.broadcast %jit3A_985 : f32 to vector<16xf32>
        %select_n3A_987 = arith.select %eq3A_984, %get3A_977, %broadcast_in_dim3A_986 : vector<16xi1>, vector<16xf32>
        %max3A_988 = arith.maximumf %scan3A_860, %select_n3A_987 : vector<16xf32>
        %mul3A_989 = arith.constant 16 : i32
        %mul3A_990 = arith.muli %scan3A_845, %mul3A_989 : i32
        %get3A_991 = arith.constant 7 : i32
        %get3A_992 = arith.index_cast %get3A_991 : i32 to index
        %get3A_993 = arith.index_cast %mul3A_990 : i32 to index
        %get3A_994 = tpu.vector_load %arg8[%get3A_992, %get3A_993] {strides = array<i32>} : memref<8x4096xf32, #tpu.memory_space<vmem>>, vector<1x16xf32>,
        %get3A_995 = vector.shape_cast %get3A_994 : vector<1x16xf32> to vector<16xf32>
        %sub3A_996 = arith.subf %get3A_995, %scan3A_707#7 : vector<16xf32>
        %mul3A_997 = arith.constant 3.000000e+01 : f32
        %mul3A_998 = vector.broadcast %mul3A_997 : f32 to vector<16xf32>
        %mul3A_999 = arith.mulf %sub3A_996, %mul3A_998 : vector<16xf32>
        %exp3A_1000 = math.exp %mul3A_999 : vector<16xf32>
        %add3A_1001 = arith.addf %scan3A_853, %exp3A_1000 : vector<16xf32>
        %eq3A_1002 = arith.cmpi eq, %add3A_866, %get3A_380 : vector<16xi32>
        %jit3A_1003 = arith.constant 0xFF800000 : f32
        %broadcast_in_dim3A_1004 = vector.broadcast %jit3A_1003 : f32 to vector<16xf32>
        %select_n3A_1005 = arith.select %eq3A_1002, %get3A_995, %broadcast_in_dim3A_1004 : vector<16xi1>, vector<16xf32>
        %max3A_1006 = arith.maximumf %scan3A_861, %select_n3A_1005 : vector<16xf32>
        scf.yield %add3A_879, %add3A_893, %add3A_911, %add3A_929, %add3A_947, %add3A_965, %add3A_983, %add3A_1001, %max3A, %max3A_898, %max3A_916, %max3A_934, %max3A_952, %max3A_970, %max3A_988, %max3A_1006 : vector<16xf32>, vector<16xf32>, vector<16xf32>, vector<16xf32>, vector<16xf32>, vector<16xf32>, vector<16xf32>, vector<16xf32>, vector<16xf32>, vector<16xf32>, vector<16xf32>, vector<16xf32>, vector<16xf32>, vector<16xf32>, vector<16xf32>, vector<16xf32>
      }
      %scan3A_762 = arith.constant 256 : i32
      %add3A_763 = arith.constant 1 : i32
      %add3A_764 = arith.addi %scan3A_667, %add3A_763 : i32
      %lt3A = arith.constant 12 : i32
      %lt3A_765 = arith.cmpi slt, %add3A_764, %lt3A : i32
      %convert_element_type3A = arith.extui %lt3A_765 : i1 to i32
      %cond3A = arith.constant 0 : i32
      %cond3A_766 = arith.cmpi ne, %convert_element_type3A, %cond3A : i32
      scf.if %cond3A_766 {
        %add3A_845 = arith.constant 1 : i32
        %add3A_846 = arith.addi %scan3A_667, %add3A_845 : i32
        %mul3A_847 = arith.constant 2 : i32
        %mul3A_848 = arith.muli %mul3A_847, %add3A_846 : i32
        %add3A_849 = arith.constant 0 : i32
        %add3A_850 = arith.addi %mul3A_848, %add3A_849 : i32
        %mul3A_851 = arith.constant 4096 : i32
        %mul3A_852 = arith.muli %add3A_850, %mul3A_851 : i32
        %dma_start3A_853 = arith.constant 0 : i32
        %dma_start3A_854 = tpu.memref_slice %arg2[%add3A_332, %mul3A_852] : memref<512x100000xf32, #tpu.memory_space<hbm>> -> memref<8x4096xf32, #tpu.memory_space<hbm>>
        %dma_start3A_855 = tpu.memref_slice %arg14[%dma_start3A_853] : memref<3x!tpu.dma_semaphore, #tpu.memory_space<semaphore_mem>> -> memref<1x!tpu.dma_semaphore, #tpu.memory_space<semaphore_mem>>
        %dma_start3A_856 = tpu.memref_squeeze %dma_start3A_855 : memref<1x!tpu.dma_semaphore, #tpu.memory_space<semaphore_mem>> -> memref<!tpu.dma_semaphore, #tpu.memory_space<semaphore_mem>>
        %dma_start3A_857 = tpu.memref_slice %arg2[%add3A_332, %mul3A_852] : memref<512x100000xf32, #tpu.memory_space<hbm>> -> memref<8x4096xf32, #tpu.memory_space<hbm>>
        tpu.enqueue_dma source(%dma_start3A_857 : memref<8x4096xf32, #tpu.memory_space<hbm>>) target(%arg8 : memref<8x4096xf32, #tpu.memory_space<vmem>>) target_semaphore(%dma_start3A_856 : memref<!tpu.dma_semaphore, #tpu.memory_space<semaphore_mem>>)
      } else {
      }
      %mul3A_767 = arith.constant 2 : i32
      %mul3A_768 = arith.muli %mul3A_767, %scan3A_667 : i32
      %add3A_769 = arith.constant 1 : i32
      %add3A_770 = arith.addi %mul3A_768, %add3A_769 : i32
      %mul3A_771 = arith.constant 4096 : i32
      %mul3A_772 = arith.muli %add3A_770, %mul3A_771 : i32
      %dma_wait3A_773 = arith.constant 1 : i32
      %dma_wait3A_774 = tpu.memref_slice %arg2[%add3A_332, %mul3A_772] : memref<512x100000xf32, #tpu.memory_space<hbm>> -> memref<8x4096xf32, #tpu.memory_space<hbm>>
      %dma_wait3A_775 = tpu.memref_slice %arg14[%dma_wait3A_773] : memref<3x!tpu.dma_semaphore, #tpu.memory_space<semaphore_mem>> -> memref<1x!tpu.dma_semaphore, #tpu.memory_space<semaphore_mem>>
      %dma_wait3A_776 = tpu.memref_squeeze %dma_wait3A_775 : memref<1x!tpu.dma_semaphore, #tpu.memory_space<semaphore_mem>> -> memref<!tpu.dma_semaphore, #tpu.memory_space<semaphore_mem>>
      %dma_wait3A_777 = tpu.memref_slice %arg2[%add3A_332, %mul3A_772] : memref<512x100000xf32, #tpu.memory_space<hbm>> -> memref<8x4096xf32, #tpu.memory_space<hbm>>
      tpu.wait_dma2 semaphore(%dma_wait3A_776 : memref<!tpu.dma_semaphore, #tpu.memory_space<semaphore_mem>>) src(%dma_wait3A_777 : memref<8x4096xf32, #tpu.memory_space<hbm>>) dst(%arg9 : memref<8x4096xf32, #tpu.memory_space<vmem>>)
      %scan3A_778 = arith.constant 0 : i32
      %scan3A_779 = arith.constant 256 : i32
      %scan3A_780 = arith.addi %scan3A_778, %scan3A_779 : i32
      %scan3A_781 = arith.constant 1 : i32
      %scan3A_782:8 = scf.for %scan3A_845 = %scan3A_778 to %scan3A_780 step %scan3A_781 iter_args(%scan3A_846 = %scan3A_707#0, %scan3A_847 = %scan3A_707#1, %scan3A_848 = %scan3A_707#2, %scan3A_849 = %scan3A_707#3, %scan3A_850 = %scan3A_707#4, %scan3A_851 = %scan3A_707#5, %scan3A_852 = %scan3A_707#6, %scan3A_853 = %scan3A_707#7) -> (vector<16xf32>, vector<16xf32>, vector<16xf32>, vector<16xf32>, vector<16xf32>, vector<16xf32>, vector<16xf32>, vector<16xf32>)  : i32 {
        %mul3A_854 = arith.constant 16 : i32
        %mul3A_855 = arith.muli %scan3A_845, %mul3A_854 : i32
        %get3A_856 = arith.constant 0 : i32
        %get3A_857 = arith.index_cast %get3A_856 : i32 to index
        %get3A_858 = arith.index_cast %mul3A_855 : i32 to index
        %get3A_859 = tpu.vector_load %arg9[%get3A_857, %get3A_858] {strides = array<i32>} : memref<8x4096xf32, #tpu.memory_space<vmem>>, vector<1x16xf32>,
        %get3A_860 = vector.shape_cast %get3A_859 : vector<1x16xf32> to vector<16xf32>
        %max3A = arith.maximumf %scan3A_846, %get3A_860 : vector<16xf32>
        %mul3A_861 = arith.constant 16 : i32
        %mul3A_862 = arith.muli %scan3A_845, %mul3A_861 : i32
        %get3A_863 = arith.constant 1 : i32
        %get3A_864 = arith.index_cast %get3A_863 : i32 to index
        %get3A_865 = arith.index_cast %mul3A_862 : i32 to index
        %get3A_866 = tpu.vector_load %arg9[%get3A_864, %get3A_865] {strides = array<i32>} : memref<8x4096xf32, #tpu.memory_space<vmem>>, vector<1x16xf32>,
        %get3A_867 = vector.shape_cast %get3A_866 : vector<1x16xf32> to vector<16xf32>
        %max3A_868 = arith.maximumf %scan3A_847, %get3A_867 : vector<16xf32>
        %mul3A_869 = arith.constant 16 : i32
        %mul3A_870 = arith.muli %scan3A_845, %mul3A_869 : i32
        %get3A_871 = arith.constant 2 : i32
        %get3A_872 = arith.index_cast %get3A_871 : i32 to index
        %get3A_873 = arith.index_cast %mul3A_870 : i32 to index
        %get3A_874 = tpu.vector_load %arg9[%get3A_872, %get3A_873] {strides = array<i32>} : memref<8x4096xf32, #tpu.memory_space<vmem>>, vector<1x16xf32>,
        %get3A_875 = vector.shape_cast %get3A_874 : vector<1x16xf32> to vector<16xf32>
        %max3A_876 = arith.maximumf %scan3A_848, %get3A_875 : vector<16xf32>
        %mul3A_877 = arith.constant 16 : i32
        %mul3A_878 = arith.muli %scan3A_845, %mul3A_877 : i32
        %get3A_879 = arith.constant 3 : i32
        %get3A_880 = arith.index_cast %get3A_879 : i32 to index
        %get3A_881 = arith.index_cast %mul3A_878 : i32 to index
        %get3A_882 = tpu.vector_load %arg9[%get3A_880, %get3A_881] {strides = array<i32>} : memref<8x4096xf32, #tpu.memory_space<vmem>>, vector<1x16xf32>,
        %get3A_883 = vector.shape_cast %get3A_882 : vector<1x16xf32> to vector<16xf32>
        %max3A_884 = arith.maximumf %scan3A_849, %get3A_883 : vector<16xf32>
        %mul3A_885 = arith.constant 16 : i32
        %mul3A_886 = arith.muli %scan3A_845, %mul3A_885 : i32
        %get3A_887 = arith.constant 4 : i32
        %get3A_888 = arith.index_cast %get3A_887 : i32 to index
        %get3A_889 = arith.index_cast %mul3A_886 : i32 to index
        %get3A_890 = tpu.vector_load %arg9[%get3A_888, %get3A_889] {strides = array<i32>} : memref<8x4096xf32, #tpu.memory_space<vmem>>, vector<1x16xf32>,
        %get3A_891 = vector.shape_cast %get3A_890 : vector<1x16xf32> to vector<16xf32>
        %max3A_892 = arith.maximumf %scan3A_850, %get3A_891 : vector<16xf32>
        %mul3A_893 = arith.constant 16 : i32
        %mul3A_894 = arith.muli %scan3A_845, %mul3A_893 : i32
        %get3A_895 = arith.constant 5 : i32
        %get3A_896 = arith.index_cast %get3A_895 : i32 to index
        %get3A_897 = arith.index_cast %mul3A_894 : i32 to index
        %get3A_898 = tpu.vector_load %arg9[%get3A_896, %get3A_897] {strides = array<i32>} : memref<8x4096xf32, #tpu.memory_space<vmem>>, vector<1x16xf32>,
        %get3A_899 = vector.shape_cast %get3A_898 : vector<1x16xf32> to vector<16xf32>
        %max3A_900 = arith.maximumf %scan3A_851, %get3A_899 : vector<16xf32>
        %mul3A_901 = arith.constant 16 : i32
        %mul3A_902 = arith.muli %scan3A_845, %mul3A_901 : i32
        %get3A_903 = arith.constant 6 : i32
        %get3A_904 = arith.index_cast %get3A_903 : i32 to index
        %get3A_905 = arith.index_cast %mul3A_902 : i32 to index
        %get3A_906 = tpu.vector_load %arg9[%get3A_904, %get3A_905] {strides = array<i32>} : memref<8x4096xf32, #tpu.memory_space<vmem>>, vector<1x16xf32>,
        %get3A_907 = vector.shape_cast %get3A_906 : vector<1x16xf32> to vector<16xf32>
        %max3A_908 = arith.maximumf %scan3A_852, %get3A_907 : vector<16xf32>
        %mul3A_909 = arith.constant 16 : i32
        %mul3A_910 = arith.muli %scan3A_845, %mul3A_909 : i32
        %get3A_911 = arith.constant 7 : i32
        %get3A_912 = arith.index_cast %get3A_911 : i32 to index
        %get3A_913 = arith.index_cast %mul3A_910 : i32 to index
        %get3A_914 = tpu.vector_load %arg9[%get3A_912, %get3A_913] {strides = array<i32>} : memref<8x4096xf32, #tpu.memory_space<vmem>>, vector<1x16xf32>,
        %get3A_915 = vector.shape_cast %get3A_914 : vector<1x16xf32> to vector<16xf32>
        %max3A_916 = arith.maximumf %scan3A_853, %get3A_915 : vector<16xf32>
        scf.yield %max3A, %max3A_868, %max3A_876, %max3A_884, %max3A_892, %max3A_900, %max3A_908, %max3A_916 : vector<16xf32>, vector<16xf32>, vector<16xf32>, vector<16xf32>, vector<16xf32>, vector<16xf32>, vector<16xf32>, vector<16xf32>
      }
      %scan3A_783 = arith.constant 256 : i32
      %sub3A_784 = arith.subf %scan3A_707#0, %scan3A_782#0 : vector<16xf32>
      %mul3A_785 = arith.constant 3.000000e+01 : f32
      %mul3A_786 = vector.broadcast %mul3A_785 : f32 to vector<16xf32>
      %mul3A_787 = arith.mulf %sub3A_784, %mul3A_786 : vector<16xf32>
      %exp3A_788 = math.exp %mul3A_787 : vector<16xf32>
      %mul3A_789 = arith.mulf %scan3A_761#0, %exp3A_788 : vector<16xf32>
      %sub3A_790 = arith.subf %scan3A_707#1, %scan3A_782#1 : vector<16xf32>
      %mul3A_791 = arith.constant 3.000000e+01 : f32
      %mul3A_792 = vector.broadcast %mul3A_791 : f32 to vector<16xf32>
      %mul3A_793 = arith.mulf %sub3A_790, %mul3A_792 : vector<16xf32>
      %exp3A_794 = math.exp %mul3A_793 : vector<16xf32>
      %mul3A_795 = arith.mulf %scan3A_761#1, %exp3A_794 : vector<16xf32>
      %sub3A_796 = arith.subf %scan3A_707#2, %scan3A_782#2 : vector<16xf32>
      %mul3A_797 = arith.constant 3.000000e+01 : f32
      %mul3A_798 = vector.broadcast %mul3A_797 : f32 to vector<16xf32>
      %mul3A_799 = arith.mulf %sub3A_796, %mul3A_798 : vector<16xf32>
      %exp3A_800 = math.exp %mul3A_799 : vector<16xf32>
      %mul3A_801 = arith.mulf %scan3A_761#2, %exp3A_800 : vector<16xf32>
      %sub3A_802 = arith.subf %scan3A_707#3, %scan3A_782#3 : vector<16xf32>
      %mul3A_803 = arith.constant 3.000000e+01 : f32
      %mul3A_804 = vector.broadcast %mul3A_803 : f32 to vector<16xf32>
      %mul3A_805 = arith.mulf %sub3A_802, %mul3A_804 : vector<16xf32>
      %exp3A_806 = math.exp %mul3A_805 : vector<16xf32>
      %mul3A_807 = arith.mulf %scan3A_761#3, %exp3A_806 : vector<16xf32>
      %sub3A_808 = arith.subf %scan3A_707#4, %scan3A_782#4 : vector<16xf32>
      %mul3A_809 = arith.constant 3.000000e+01 : f32
      %mul3A_810 = vector.broadcast %mul3A_809 : f32 to vector<16xf32>
      %mul3A_811 = arith.mulf %sub3A_808, %mul3A_810 : vector<16xf32>
      %exp3A_812 = math.exp %mul3A_811 : vector<16xf32>
      %mul3A_813 = arith.mulf %scan3A_761#4, %exp3A_812 : vector<16xf32>
      %sub3A_814 = arith.subf %scan3A_707#5, %scan3A_782#5 : vector<16xf32>
      %mul3A_815 = arith.constant 3.000000e+01 : f32
      %mul3A_816 = vector.broadcast %mul3A_815 : f32 to vector<16xf32>
      %mul3A_817 = arith.mulf %sub3A_814, %mul3A_816 : vector<16xf32>
      %exp3A_818 = math.exp %mul3A_817 : vector<16xf32>
      %mul3A_819 = arith.mulf %scan3A_761#5, %exp3A_818 : vector<16xf32>
      %sub3A_820 = arith.subf %scan3A_707#6, %scan3A_782#6 : vector<16xf32>
      %mul3A_821 = arith.constant 3.000000e+01 : f32
      %mul3A_822 = vector.broadcast %mul3A_821 : f32 to vector<16xf32>
      %mul3A_823 = arith.mulf %sub3A_820, %mul3A_822 : vector<16xf32>
      %exp3A_824 = math.exp %mul3A_823 : vector<16xf32>
      %mul3A_825 = arith.mulf %scan3A_761#6, %exp3A_824 : vector<16xf32>
      %sub3A_826 = arith.subf %scan3A_707#7, %scan3A_782#7 : vector<16xf32>
      %mul3A_827 = arith.constant 3.000000e+01 : f32
      %mul3A_828 = vector.broadcast %mul3A_827 : f32 to vector<16xf32>
      %mul3A_829 = arith.mulf %sub3A_826, %mul3A_828 : vector<16xf32>
      %exp3A_830 = math.exp %mul3A_829 : vector<16xf32>
      %mul3A_831 = arith.mulf %scan3A_761#7, %exp3A_830 : vector<16xf32>
      %scan3A_832 = arith.constant 0 : i32
      %scan3A_833 = arith.constant 256 : i32
      %scan3A_834 = arith.addi %scan3A_832, %scan3A_833 : i32
      %scan3A_835 = arith.constant 1 : i32
      %scan3A_836:16 = scf.for %scan3A_845 = %scan3A_832 to %scan3A_834 step %scan3A_835 iter_args(%scan3A_846 = %mul3A_789, %scan3A_847 = %mul3A_795, %scan3A_848 = %mul3A_801, %scan3A_849 = %mul3A_807, %scan3A_850 = %mul3A_813, %scan3A_851 = %mul3A_819, %scan3A_852 = %mul3A_825, %scan3A_853 = %mul3A_831, %scan3A_854 = %scan3A_761#8, %scan3A_855 = %scan3A_761#9, %scan3A_856 = %scan3A_761#10, %scan3A_857 = %scan3A_761#11, %scan3A_858 = %scan3A_761#12, %scan3A_859 = %scan3A_761#13, %scan3A_860 = %scan3A_761#14, %scan3A_861 = %scan3A_761#15) -> (vector<16xf32>, vector<16xf32>, vector<16xf32>, vector<16xf32>, vector<16xf32>, vector<16xf32>, vector<16xf32>, vector<16xf32>, vector<16xf32>, vector<16xf32>, vector<16xf32>, vector<16xf32>, vector<16xf32>, vector<16xf32>, vector<16xf32>, vector<16xf32>)  : i32 {
        %mul3A_862 = arith.constant 16 : i32
        %mul3A_863 = arith.muli %scan3A_845, %mul3A_862 : i32
        %add3A_864 = arith.addi %mul3A_772, %mul3A_863 : i32
        %add3A_865 = vector.broadcast %add3A_864 : i32 to vector<16xi32>
        %add3A_866 = arith.addi %add3A_865, %iota3A : vector<16xi32>
        %mul3A_867 = arith.constant 16 : i32
        %mul3A_868 = arith.muli %scan3A_845, %mul3A_867 : i32
        %get3A_869 = arith.constant 0 : i32
        %get3A_870 = arith.index_cast %get3A_869 : i32 to index
        %get3A_871 = arith.index_cast %mul3A_868 : i32 to index
        %get3A_872 = tpu.vector_load %arg9[%get3A_870, %get3A_871] {strides = array<i32>} : memref<8x4096xf32, #tpu.memory_space<vmem>>, vector<1x16xf32>,
        %get3A_873 = vector.shape_cast %get3A_872 : vector<1x16xf32> to vector<16xf32>
        %sub3A_874 = arith.subf %get3A_873, %scan3A_782#0 : vector<16xf32>
        %mul3A_875 = arith.constant 3.000000e+01 : f32
        %mul3A_876 = vector.broadcast %mul3A_875 : f32 to vector<16xf32>
        %mul3A_877 = arith.mulf %sub3A_874, %mul3A_876 : vector<16xf32>
        %exp3A_878 = math.exp %mul3A_877 : vector<16xf32>
        %add3A_879 = arith.addf %scan3A_846, %exp3A_878 : vector<16xf32>
        %eq3A = arith.cmpi eq, %add3A_866, %get3A_345 : vector<16xi32>
        %jit3A = arith.constant 0xFF800000 : f32
        %broadcast_in_dim3A_880 = vector.broadcast %jit3A : f32 to vector<16xf32>
        %select_n3A = arith.select %eq3A, %get3A_873, %broadcast_in_dim3A_880 : vector<16xi1>, vector<16xf32>
        %max3A = arith.maximumf %scan3A_854, %select_n3A : vector<16xf32>
        %mul3A_881 = arith.constant 16 : i32
        %mul3A_882 = arith.muli %scan3A_845, %mul3A_881 : i32
        %get3A_883 = arith.constant 1 : i32
        %get3A_884 = arith.index_cast %get3A_883 : i32 to index
        %get3A_885 = arith.index_cast %mul3A_882 : i32 to index
        %get3A_886 = tpu.vector_load %arg9[%get3A_884, %get3A_885] {strides = array<i32>} : memref<8x4096xf32, #tpu.memory_space<vmem>>, vector<1x16xf32>,
        %get3A_887 = vector.shape_cast %get3A_886 : vector<1x16xf32> to vector<16xf32>
        %sub3A_888 = arith.subf %get3A_887, %scan3A_782#1 : vector<16xf32>
        %mul3A_889 = arith.constant 3.000000e+01 : f32
        %mul3A_890 = vector.broadcast %mul3A_889 : f32 to vector<16xf32>
        %mul3A_891 = arith.mulf %sub3A_888, %mul3A_890 : vector<16xf32>
        %exp3A_892 = math.exp %mul3A_891 : vector<16xf32>
        %add3A_893 = arith.addf %scan3A_847, %exp3A_892 : vector<16xf32>
        %eq3A_894 = arith.cmpi eq, %add3A_866, %get3A_350 : vector<16xi32>
        %jit3A_895 = arith.constant 0xFF800000 : f32
        %broadcast_in_dim3A_896 = vector.broadcast %jit3A_895 : f32 to vector<16xf32>
        %select_n3A_897 = arith.select %eq3A_894, %get3A_887, %broadcast_in_dim3A_896 : vector<16xi1>, vector<16xf32>
        %max3A_898 = arith.maximumf %scan3A_855, %select_n3A_897 : vector<16xf32>
        %mul3A_899 = arith.constant 16 : i32
        %mul3A_900 = arith.muli %scan3A_845, %mul3A_899 : i32
        %get3A_901 = arith.constant 2 : i32
        %get3A_902 = arith.index_cast %get3A_901 : i32 to index
        %get3A_903 = arith.index_cast %mul3A_900 : i32 to index
        %get3A_904 = tpu.vector_load %arg9[%get3A_902, %get3A_903] {strides = array<i32>} : memref<8x4096xf32, #tpu.memory_space<vmem>>, vector<1x16xf32>,
        %get3A_905 = vector.shape_cast %get3A_904 : vector<1x16xf32> to vector<16xf32>
        %sub3A_906 = arith.subf %get3A_905, %scan3A_782#2 : vector<16xf32>
        %mul3A_907 = arith.constant 3.000000e+01 : f32
        %mul3A_908 = vector.broadcast %mul3A_907 : f32 to vector<16xf32>
        %mul3A_909 = arith.mulf %sub3A_906, %mul3A_908 : vector<16xf32>
        %exp3A_910 = math.exp %mul3A_909 : vector<16xf32>
        %add3A_911 = arith.addf %scan3A_848, %exp3A_910 : vector<16xf32>
        %eq3A_912 = arith.cmpi eq, %add3A_866, %get3A_355 : vector<16xi32>
        %jit3A_913 = arith.constant 0xFF800000 : f32
        %broadcast_in_dim3A_914 = vector.broadcast %jit3A_913 : f32 to vector<16xf32>
        %select_n3A_915 = arith.select %eq3A_912, %get3A_905, %broadcast_in_dim3A_914 : vector<16xi1>, vector<16xf32>
        %max3A_916 = arith.maximumf %scan3A_856, %select_n3A_915 : vector<16xf32>
        %mul3A_917 = arith.constant 16 : i32
        %mul3A_918 = arith.muli %scan3A_845, %mul3A_917 : i32
        %get3A_919 = arith.constant 3 : i32
        %get3A_920 = arith.index_cast %get3A_919 : i32 to index
        %get3A_921 = arith.index_cast %mul3A_918 : i32 to index
        %get3A_922 = tpu.vector_load %arg9[%get3A_920, %get3A_921] {strides = array<i32>} : memref<8x4096xf32, #tpu.memory_space<vmem>>, vector<1x16xf32>,
        %get3A_923 = vector.shape_cast %get3A_922 : vector<1x16xf32> to vector<16xf32>
        %sub3A_924 = arith.subf %get3A_923, %scan3A_782#3 : vector<16xf32>
        %mul3A_925 = arith.constant 3.000000e+01 : f32
        %mul3A_926 = vector.broadcast %mul3A_925 : f32 to vector<16xf32>
        %mul3A_927 = arith.mulf %sub3A_924, %mul3A_926 : vector<16xf32>
        %exp3A_928 = math.exp %mul3A_927 : vector<16xf32>
        %add3A_929 = arith.addf %scan3A_849, %exp3A_928 : vector<16xf32>
        %eq3A_930 = arith.cmpi eq, %add3A_866, %get3A_360 : vector<16xi32>
        %jit3A_931 = arith.constant 0xFF800000 : f32
        %broadcast_in_dim3A_932 = vector.broadcast %jit3A_931 : f32 to vector<16xf32>
        %select_n3A_933 = arith.select %eq3A_930, %get3A_923, %broadcast_in_dim3A_932 : vector<16xi1>, vector<16xf32>
        %max3A_934 = arith.maximumf %scan3A_857, %select_n3A_933 : vector<16xf32>
        %mul3A_935 = arith.constant 16 : i32
        %mul3A_936 = arith.muli %scan3A_845, %mul3A_935 : i32
        %get3A_937 = arith.constant 4 : i32
        %get3A_938 = arith.index_cast %get3A_937 : i32 to index
        %get3A_939 = arith.index_cast %mul3A_936 : i32 to index
        %get3A_940 = tpu.vector_load %arg9[%get3A_938, %get3A_939] {strides = array<i32>} : memref<8x4096xf32, #tpu.memory_space<vmem>>, vector<1x16xf32>,
        %get3A_941 = vector.shape_cast %get3A_940 : vector<1x16xf32> to vector<16xf32>
        %sub3A_942 = arith.subf %get3A_941, %scan3A_782#4 : vector<16xf32>
        %mul3A_943 = arith.constant 3.000000e+01 : f32
        %mul3A_944 = vector.broadcast %mul3A_943 : f32 to vector<16xf32>
        %mul3A_945 = arith.mulf %sub3A_942, %mul3A_944 : vector<16xf32>
        %exp3A_946 = math.exp %mul3A_945 : vector<16xf32>
        %add3A_947 = arith.addf %scan3A_850, %exp3A_946 : vector<16xf32>
        %eq3A_948 = arith.cmpi eq, %add3A_866, %get3A_365 : vector<16xi32>
        %jit3A_949 = arith.constant 0xFF800000 : f32
        %broadcast_in_dim3A_950 = vector.broadcast %jit3A_949 : f32 to vector<16xf32>
        %select_n3A_951 = arith.select %eq3A_948, %get3A_941, %broadcast_in_dim3A_950 : vector<16xi1>, vector<16xf32>
        %max3A_952 = arith.maximumf %scan3A_858, %select_n3A_951 : vector<16xf32>
        %mul3A_953 = arith.constant 16 : i32
        %mul3A_954 = arith.muli %scan3A_845, %mul3A_953 : i32
        %get3A_955 = arith.constant 5 : i32
        %get3A_956 = arith.index_cast %get3A_955 : i32 to index
        %get3A_957 = arith.index_cast %mul3A_954 : i32 to index
        %get3A_958 = tpu.vector_load %arg9[%get3A_956, %get3A_957] {strides = array<i32>} : memref<8x4096xf32, #tpu.memory_space<vmem>>, vector<1x16xf32>,
        %get3A_959 = vector.shape_cast %get3A_958 : vector<1x16xf32> to vector<16xf32>
        %sub3A_960 = arith.subf %get3A_959, %scan3A_782#5 : vector<16xf32>
        %mul3A_961 = arith.constant 3.000000e+01 : f32
        %mul3A_962 = vector.broadcast %mul3A_961 : f32 to vector<16xf32>
        %mul3A_963 = arith.mulf %sub3A_960, %mul3A_962 : vector<16xf32>
        %exp3A_964 = math.exp %mul3A_963 : vector<16xf32>
        %add3A_965 = arith.addf %scan3A_851, %exp3A_964 : vector<16xf32>
        %eq3A_966 = arith.cmpi eq, %add3A_866, %get3A_370 : vector<16xi32>
        %jit3A_967 = arith.constant 0xFF800000 : f32
        %broadcast_in_dim3A_968 = vector.broadcast %jit3A_967 : f32 to vector<16xf32>
        %select_n3A_969 = arith.select %eq3A_966, %get3A_959, %broadcast_in_dim3A_968 : vector<16xi1>, vector<16xf32>
        %max3A_970 = arith.maximumf %scan3A_859, %select_n3A_969 : vector<16xf32>
        %mul3A_971 = arith.constant 16 : i32
        %mul3A_972 = arith.muli %scan3A_845, %mul3A_971 : i32
        %get3A_973 = arith.constant 6 : i32
        %get3A_974 = arith.index_cast %get3A_973 : i32 to index
        %get3A_975 = arith.index_cast %mul3A_972 : i32 to index
        %get3A_976 = tpu.vector_load %arg9[%get3A_974, %get3A_975] {strides = array<i32>} : memref<8x4096xf32, #tpu.memory_space<vmem>>, vector<1x16xf32>,
        %get3A_977 = vector.shape_cast %get3A_976 : vector<1x16xf32> to vector<16xf32>
        %sub3A_978 = arith.subf %get3A_977, %scan3A_782#6 : vector<16xf32>
        %mul3A_979 = arith.constant 3.000000e+01 : f32
        %mul3A_980 = vector.broadcast %mul3A_979 : f32 to vector<16xf32>
        %mul3A_981 = arith.mulf %sub3A_978, %mul3A_980 : vector<16xf32>
        %exp3A_982 = math.exp %mul3A_981 : vector<16xf32>
        %add3A_983 = arith.addf %scan3A_852, %exp3A_982 : vector<16xf32>
        %eq3A_984 = arith.cmpi eq, %add3A_866, %get3A_375 : vector<16xi32>
        %jit3A_985 = arith.constant 0xFF800000 : f32
        %broadcast_in_dim3A_986 = vector.broadcast %jit3A_985 : f32 to vector<16xf32>
        %select_n3A_987 = arith.select %eq3A_984, %get3A_977, %broadcast_in_dim3A_986 : vector<16xi1>, vector<16xf32>
        %max3A_988 = arith.maximumf %scan3A_860, %select_n3A_987 : vector<16xf32>
        %mul3A_989 = arith.constant 16 : i32
        %mul3A_990 = arith.muli %scan3A_845, %mul3A_989 : i32
        %get3A_991 = arith.constant 7 : i32
        %get3A_992 = arith.index_cast %get3A_991 : i32 to index
        %get3A_993 = arith.index_cast %mul3A_990 : i32 to index
        %get3A_994 = tpu.vector_load %arg9[%get3A_992, %get3A_993] {strides = array<i32>} : memref<8x4096xf32, #tpu.memory_space<vmem>>, vector<1x16xf32>,
        %get3A_995 = vector.shape_cast %get3A_994 : vector<1x16xf32> to vector<16xf32>
        %sub3A_996 = arith.subf %get3A_995, %scan3A_782#7 : vector<16xf32>
        %mul3A_997 = arith.constant 3.000000e+01 : f32
        %mul3A_998 = vector.broadcast %mul3A_997 : f32 to vector<16xf32>
        %mul3A_999 = arith.mulf %sub3A_996, %mul3A_998 : vector<16xf32>
        %exp3A_1000 = math.exp %mul3A_999 : vector<16xf32>
        %add3A_1001 = arith.addf %scan3A_853, %exp3A_1000 : vector<16xf32>
        %eq3A_1002 = arith.cmpi eq, %add3A_866, %get3A_380 : vector<16xi32>
        %jit3A_1003 = arith.constant 0xFF800000 : f32
        %broadcast_in_dim3A_1004 = vector.broadcast %jit3A_1003 : f32 to vector<16xf32>
        %select_n3A_1005 = arith.select %eq3A_1002, %get3A_995, %broadcast_in_dim3A_1004 : vector<16xi1>, vector<16xf32>
        %max3A_1006 = arith.maximumf %scan3A_861, %select_n3A_1005 : vector<16xf32>
        scf.yield %add3A_879, %add3A_893, %add3A_911, %add3A_929, %add3A_947, %add3A_965, %add3A_983, %add3A_1001, %max3A, %max3A_898, %max3A_916, %max3A_934, %max3A_952, %max3A_970, %max3A_988, %max3A_1006 : vector<16xf32>, vector<16xf32>, vector<16xf32>, vector<16xf32>, vector<16xf32>, vector<16xf32>, vector<16xf32>, vector<16xf32>, vector<16xf32>, vector<16xf32>, vector<16xf32>, vector<16xf32>, vector<16xf32>, vector<16xf32>, vector<16xf32>, vector<16xf32>
      }
      %scan3A_837 = arith.constant 256 : i32
      %add3A_838 = arith.constant 1 : i32
      %add3A_839 = arith.addi %scan3A_667, %add3A_838 : i32
      %lt3A_840 = arith.constant 12 : i32
      %lt3A_841 = arith.cmpi slt, %add3A_839, %lt3A_840 : i32
      %convert_element_type3A_842 = arith.extui %lt3A_841 : i1 to i32
      %cond3A_843 = arith.constant 0 : i32
      %cond3A_844 = arith.cmpi ne, %convert_element_type3A_842, %cond3A_843 : i32
      scf.if %cond3A_844 {
        %add3A_845 = arith.constant 1 : i32
        %add3A_846 = arith.addi %scan3A_667, %add3A_845 : i32
        %mul3A_847 = arith.constant 2 : i32
        %mul3A_848 = arith.muli %mul3A_847, %add3A_846 : i32
        %add3A_849 = arith.constant 1 : i32
        %add3A_850 = arith.addi %mul3A_848, %add3A_849 : i32
        %mul3A_851 = arith.constant 4096 : i32
        %mul3A_852 = arith.muli %add3A_850, %mul3A_851 : i32
        %dma_start3A_853 = arith.constant 1 : i32
        %dma_start3A_854 = tpu.memref_slice %arg2[%add3A_332, %mul3A_852] : memref<512x100000xf32, #tpu.memory_space<hbm>> -> memref<8x4096xf32, #tpu.memory_space<hbm>>
        %dma_start3A_855 = tpu.memref_slice %arg14[%dma_start3A_853] : memref<3x!tpu.dma_semaphore, #tpu.memory_space<semaphore_mem>> -> memref<1x!tpu.dma_semaphore, #tpu.memory_space<semaphore_mem>>
        %dma_start3A_856 = tpu.memref_squeeze %dma_start3A_855 : memref<1x!tpu.dma_semaphore, #tpu.memory_space<semaphore_mem>> -> memref<!tpu.dma_semaphore, #tpu.memory_space<semaphore_mem>>
        %dma_start3A_857 = tpu.memref_slice %arg2[%add3A_332, %mul3A_852] : memref<512x100000xf32, #tpu.memory_space<hbm>> -> memref<8x4096xf32, #tpu.memory_space<hbm>>
        tpu.enqueue_dma source(%dma_start3A_857 : memref<8x4096xf32, #tpu.memory_space<hbm>>) target(%arg9 : memref<8x4096xf32, #tpu.memory_space<vmem>>) target_semaphore(%dma_start3A_856 : memref<!tpu.dma_semaphore, #tpu.memory_space<semaphore_mem>>)
      } else {
      }
      scf.yield %scan3A_782#0, %scan3A_782#1, %scan3A_782#2, %scan3A_782#3, %scan3A_782#4, %scan3A_782#5, %scan3A_782#6, %scan3A_782#7, %scan3A_836#0, %scan3A_836#1, %scan3A_836#2, %scan3A_836#3, %scan3A_836#4, %scan3A_836#5, %scan3A_836#6, %scan3A_836#7, %scan3A_836#8, %scan3A_836#9, %scan3A_836#10, %scan3A_836#11, %scan3A_836#12, %scan3A_836#13, %scan3A_836#14, %scan3A_836#15 : vector<16xf32>, vector<16xf32>, vector<16xf32>, vector<16xf32>, vector<16xf32>, vector<16xf32>, vector<16xf32>, vector<16xf32>, vector<16xf32>, vector<16xf32>, vector<16xf32>, vector<16xf32>, vector<16xf32>, vector<16xf32>, vector<16xf32>, vector<16xf32>, vector<16xf32>, vector<16xf32>, vector<16xf32>, vector<16xf32>, vector<16xf32>, vector<16xf32>, vector<16xf32>, vector<16xf32>
    }
    %scan3A_455 = arith.constant 12 : i32
    %dma_wait3A_456 = arith.constant 2 : i32
    %dma_wait3A_457 = arith.constant 98304 : i32
    %dma_wait3A_458 = tpu.memref_slice %arg2[%add3A_332, %dma_wait3A_457] : memref<512x100000xf32, #tpu.memory_space<hbm>> -> memref<8x1696xf32, #tpu.memory_space<hbm>>
    %dma_wait3A_459 = tpu.memref_slice %arg14[%dma_wait3A_456] : memref<3x!tpu.dma_semaphore, #tpu.memory_space<semaphore_mem>> -> memref<1x!tpu.dma_semaphore, #tpu.memory_space<semaphore_mem>>
    %dma_wait3A_460 = tpu.memref_squeeze %dma_wait3A_459 : memref<1x!tpu.dma_semaphore, #tpu.memory_space<semaphore_mem>> -> memref<!tpu.dma_semaphore, #tpu.memory_space<semaphore_mem>>
    %dma_wait3A_461 = arith.constant 98304 : i32
    %dma_wait3A_462 = tpu.memref_slice %arg2[%add3A_332, %dma_wait3A_461] : memref<512x100000xf32, #tpu.memory_space<hbm>> -> memref<8x1696xf32, #tpu.memory_space<hbm>>
    tpu.wait_dma2 semaphore(%dma_wait3A_460 : memref<!tpu.dma_semaphore, #tpu.memory_space<semaphore_mem>>) src(%dma_wait3A_462 : memref<8x1696xf32, #tpu.memory_space<hbm>>) dst(%arg10 : memref<8x1696xf32, #tpu.memory_space<vmem>>)
    %scan3A_463 = arith.constant 0 : i32
    %scan3A_464 = arith.constant 106 : i32
    %scan3A_465 = arith.addi %scan3A_463, %scan3A_464 : i32
    %scan3A_466 = arith.constant 1 : i32
    %scan3A_467:8 = scf.for %scan3A_667 = %scan3A_463 to %scan3A_465 step %scan3A_466 iter_args(%scan3A_668 = %scan3A_454#0, %scan3A_669 = %scan3A_454#1, %scan3A_670 = %scan3A_454#2, %scan3A_671 = %scan3A_454#3, %scan3A_672 = %scan3A_454#4, %scan3A_673 = %scan3A_454#5, %scan3A_674 = %scan3A_454#6, %scan3A_675 = %scan3A_454#7) -> (vector<16xf32>, vector<16xf32>, vector<16xf32>, vector<16xf32>, vector<16xf32>, vector<16xf32>, vector<16xf32>, vector<16xf32>)  : i32 {
      %mul3A_676 = arith.constant 16 : i32
      %mul3A_677 = arith.muli %scan3A_667, %mul3A_676 : i32
      %get3A_678 = arith.constant 0 : i32
      %get3A_679 = arith.index_cast %get3A_678 : i32 to index
      %get3A_680 = arith.index_cast %mul3A_677 : i32 to index
      %get3A_681 = tpu.vector_load %arg10[%get3A_679, %get3A_680] {strides = array<i32>} : memref<8x1696xf32, #tpu.memory_space<vmem>>, vector<1x16xf32>,
      %get3A_682 = vector.shape_cast %get3A_681 : vector<1x16xf32> to vector<16xf32>
      %max3A = arith.maximumf %scan3A_668, %get3A_682 : vector<16xf32>
      %mul3A_683 = arith.constant 16 : i32
      %mul3A_684 = arith.muli %scan3A_667, %mul3A_683 : i32
      %get3A_685 = arith.constant 1 : i32
      %get3A_686 = arith.index_cast %get3A_685 : i32 to index
      %get3A_687 = arith.index_cast %mul3A_684 : i32 to index
      %get3A_688 = tpu.vector_load %arg10[%get3A_686, %get3A_687] {strides = array<i32>} : memref<8x1696xf32, #tpu.memory_space<vmem>>, vector<1x16xf32>,
      %get3A_689 = vector.shape_cast %get3A_688 : vector<1x16xf32> to vector<16xf32>
      %max3A_690 = arith.maximumf %scan3A_669, %get3A_689 : vector<16xf32>
      %mul3A_691 = arith.constant 16 : i32
      %mul3A_692 = arith.muli %scan3A_667, %mul3A_691 : i32
      %get3A_693 = arith.constant 2 : i32
      %get3A_694 = arith.index_cast %get3A_693 : i32 to index
      %get3A_695 = arith.index_cast %mul3A_692 : i32 to index
      %get3A_696 = tpu.vector_load %arg10[%get3A_694, %get3A_695] {strides = array<i32>} : memref<8x1696xf32, #tpu.memory_space<vmem>>, vector<1x16xf32>,
      %get3A_697 = vector.shape_cast %get3A_696 : vector<1x16xf32> to vector<16xf32>
      %max3A_698 = arith.maximumf %scan3A_670, %get3A_697 : vector<16xf32>
      %mul3A_699 = arith.constant 16 : i32
      %mul3A_700 = arith.muli %scan3A_667, %mul3A_699 : i32
      %get3A_701 = arith.constant 3 : i32
      %get3A_702 = arith.index_cast %get3A_701 : i32 to index
      %get3A_703 = arith.index_cast %mul3A_700 : i32 to index
      %get3A_704 = tpu.vector_load %arg10[%get3A_702, %get3A_703] {strides = array<i32>} : memref<8x1696xf32, #tpu.memory_space<vmem>>, vector<1x16xf32>,
      %get3A_705 = vector.shape_cast %get3A_704 : vector<1x16xf32> to vector<16xf32>
      %max3A_706 = arith.maximumf %scan3A_671, %get3A_705 : vector<16xf32>
      %mul3A_707 = arith.constant 16 : i32
      %mul3A_708 = arith.muli %scan3A_667, %mul3A_707 : i32
      %get3A_709 = arith.constant 4 : i32
      %get3A_710 = arith.index_cast %get3A_709 : i32 to index
      %get3A_711 = arith.index_cast %mul3A_708 : i32 to index
      %get3A_712 = tpu.vector_load %arg10[%get3A_710, %get3A_711] {strides = array<i32>} : memref<8x1696xf32, #tpu.memory_space<vmem>>, vector<1x16xf32>,
      %get3A_713 = vector.shape_cast %get3A_712 : vector<1x16xf32> to vector<16xf32>
      %max3A_714 = arith.maximumf %scan3A_672, %get3A_713 : vector<16xf32>
      %mul3A_715 = arith.constant 16 : i32
      %mul3A_716 = arith.muli %scan3A_667, %mul3A_715 : i32
      %get3A_717 = arith.constant 5 : i32
      %get3A_718 = arith.index_cast %get3A_717 : i32 to index
      %get3A_719 = arith.index_cast %mul3A_716 : i32 to index
      %get3A_720 = tpu.vector_load %arg10[%get3A_718, %get3A_719] {strides = array<i32>} : memref<8x1696xf32, #tpu.memory_space<vmem>>, vector<1x16xf32>,
      %get3A_721 = vector.shape_cast %get3A_720 : vector<1x16xf32> to vector<16xf32>
      %max3A_722 = arith.maximumf %scan3A_673, %get3A_721 : vector<16xf32>
      %mul3A_723 = arith.constant 16 : i32
      %mul3A_724 = arith.muli %scan3A_667, %mul3A_723 : i32
      %get3A_725 = arith.constant 6 : i32
      %get3A_726 = arith.index_cast %get3A_725 : i32 to index
      %get3A_727 = arith.index_cast %mul3A_724 : i32 to index
      %get3A_728 = tpu.vector_load %arg10[%get3A_726, %get3A_727] {strides = array<i32>} : memref<8x1696xf32, #tpu.memory_space<vmem>>, vector<1x16xf32>,
      %get3A_729 = vector.shape_cast %get3A_728 : vector<1x16xf32> to vector<16xf32>
      %max3A_730 = arith.maximumf %scan3A_674, %get3A_729 : vector<16xf32>
      %mul3A_731 = arith.constant 16 : i32
      %mul3A_732 = arith.muli %scan3A_667, %mul3A_731 : i32
      %get3A_733 = arith.constant 7 : i32
      %get3A_734 = arith.index_cast %get3A_733 : i32 to index
      %get3A_735 = arith.index_cast %mul3A_732 : i32 to index
      %get3A_736 = tpu.vector_load %arg10[%get3A_734, %get3A_735] {strides = array<i32>} : memref<8x1696xf32, #tpu.memory_space<vmem>>, vector<1x16xf32>,
      %get3A_737 = vector.shape_cast %get3A_736 : vector<1x16xf32> to vector<16xf32>
      %max3A_738 = arith.maximumf %scan3A_675, %get3A_737 : vector<16xf32>
      scf.yield %max3A, %max3A_690, %max3A_698, %max3A_706, %max3A_714, %max3A_722, %max3A_730, %max3A_738 : vector<16xf32>, vector<16xf32>, vector<16xf32>, vector<16xf32>, vector<16xf32>, vector<16xf32>, vector<16xf32>, vector<16xf32>
    }
    %scan3A_468 = arith.constant 106 : i32
    %sub3A_469 = arith.subf %scan3A_454#0, %scan3A_467#0 : vector<16xf32>
    %mul3A_470 = arith.constant 3.000000e+01 : f32
    %mul3A_471 = vector.broadcast %mul3A_470 : f32 to vector<16xf32>
    %mul3A_472 = arith.mulf %sub3A_469, %mul3A_471 : vector<16xf32>
    %exp3A_473 = math.exp %mul3A_472 : vector<16xf32>
    %mul3A_474 = arith.mulf %scan3A_454#8, %exp3A_473 : vector<16xf32>
    %sub3A_475 = arith.subf %scan3A_454#1, %scan3A_467#1 : vector<16xf32>
    %mul3A_476 = arith.constant 3.000000e+01 : f32
    %mul3A_477 = vector.broadcast %mul3A_476 : f32 to vector<16xf32>
    %mul3A_478 = arith.mulf %sub3A_475, %mul3A_477 : vector<16xf32>
    %exp3A_479 = math.exp %mul3A_478 : vector<16xf32>
    %mul3A_480 = arith.mulf %scan3A_454#9, %exp3A_479 : vector<16xf32>
    %sub3A_481 = arith.subf %scan3A_454#2, %scan3A_467#2 : vector<16xf32>
    %mul3A_482 = arith.constant 3.000000e+01 : f32
    %mul3A_483 = vector.broadcast %mul3A_482 : f32 to vector<16xf32>
    %mul3A_484 = arith.mulf %sub3A_481, %mul3A_483 : vector<16xf32>
    %exp3A_485 = math.exp %mul3A_484 : vector<16xf32>
    %mul3A_486 = arith.mulf %scan3A_454#10, %exp3A_485 : vector<16xf32>
    %sub3A_487 = arith.subf %scan3A_454#3, %scan3A_467#3 : vector<16xf32>
    %mul3A_488 = arith.constant 3.000000e+01 : f32
    %mul3A_489 = vector.broadcast %mul3A_488 : f32 to vector<16xf32>
    %mul3A_490 = arith.mulf %sub3A_487, %mul3A_489 : vector<16xf32>
    %exp3A_491 = math.exp %mul3A_490 : vector<16xf32>
    %mul3A_492 = arith.mulf %scan3A_454#11, %exp3A_491 : vector<16xf32>
    %sub3A_493 = arith.subf %scan3A_454#4, %scan3A_467#4 : vector<16xf32>
    %mul3A_494 = arith.constant 3.000000e+01 : f32
    %mul3A_495 = vector.broadcast %mul3A_494 : f32 to vector<16xf32>
    %mul3A_496 = arith.mulf %sub3A_493, %mul3A_495 : vector<16xf32>
    %exp3A_497 = math.exp %mul3A_496 : vector<16xf32>
    %mul3A_498 = arith.mulf %scan3A_454#12, %exp3A_497 : vector<16xf32>
    %sub3A_499 = arith.subf %scan3A_454#5, %scan3A_467#5 : vector<16xf32>
    %mul3A_500 = arith.constant 3.000000e+01 : f32
    %mul3A_501 = vector.broadcast %mul3A_500 : f32 to vector<16xf32>
    %mul3A_502 = arith.mulf %sub3A_499, %mul3A_501 : vector<16xf32>
    %exp3A_503 = math.exp %mul3A_502 : vector<16xf32>
    %mul3A_504 = arith.mulf %scan3A_454#13, %exp3A_503 : vector<16xf32>
    %sub3A_505 = arith.subf %scan3A_454#6, %scan3A_467#6 : vector<16xf32>
    %mul3A_506 = arith.constant 3.000000e+01 : f32
    %mul3A_507 = vector.broadcast %mul3A_506 : f32 to vector<16xf32>
    %mul3A_508 = arith.mulf %sub3A_505, %mul3A_507 : vector<16xf32>
    %exp3A_509 = math.exp %mul3A_508 : vector<16xf32>
    %mul3A_510 = arith.mulf %scan3A_454#14, %exp3A_509 : vector<16xf32>
    %sub3A_511 = arith.subf %scan3A_454#7, %scan3A_467#7 : vector<16xf32>
    %mul3A_512 = arith.constant 3.000000e+01 : f32
    %mul3A_513 = vector.broadcast %mul3A_512 : f32 to vector<16xf32>
    %mul3A_514 = arith.mulf %sub3A_511, %mul3A_513 : vector<16xf32>
    %exp3A_515 = math.exp %mul3A_514 : vector<16xf32>
    %mul3A_516 = arith.mulf %scan3A_454#15, %exp3A_515 : vector<16xf32>
    %scan3A_517 = arith.constant 0 : i32
    %scan3A_518 = arith.constant 106 : i32
    %scan3A_519 = arith.addi %scan3A_517, %scan3A_518 : i32
    %scan3A_520 = arith.constant 1 : i32
    %scan3A_521:16 = scf.for %scan3A_667 = %scan3A_517 to %scan3A_519 step %scan3A_520 iter_args(%scan3A_668 = %mul3A_474, %scan3A_669 = %mul3A_480, %scan3A_670 = %mul3A_486, %scan3A_671 = %mul3A_492, %scan3A_672 = %mul3A_498, %scan3A_673 = %mul3A_504, %scan3A_674 = %mul3A_510, %scan3A_675 = %mul3A_516, %scan3A_676 = %scan3A_454#16, %scan3A_677 = %scan3A_454#17, %scan3A_678 = %scan3A_454#18, %scan3A_679 = %scan3A_454#19, %scan3A_680 = %scan3A_454#20, %scan3A_681 = %scan3A_454#21, %scan3A_682 = %scan3A_454#22, %scan3A_683 = %scan3A_454#23) -> (vector<16xf32>, vector<16xf32>, vector<16xf32>, vector<16xf32>, vector<16xf32>, vector<16xf32>, vector<16xf32>, vector<16xf32>, vector<16xf32>, vector<16xf32>, vector<16xf32>, vector<16xf32>, vector<16xf32>, vector<16xf32>, vector<16xf32>, vector<16xf32>)  : i32 {
      %mul3A_684 = arith.constant 16 : i32
      %mul3A_685 = arith.muli %scan3A_667, %mul3A_684 : i32
      %add3A_686 = arith.constant 98304 : i32
      %add3A_687 = arith.addi %add3A_686, %mul3A_685 : i32
      %add3A_688 = vector.broadcast %add3A_687 : i32 to vector<16xi32>
      %add3A_689 = arith.addi %add3A_688, %iota3A : vector<16xi32>
      %mul3A_690 = arith.constant 16 : i32
      %mul3A_691 = arith.muli %scan3A_667, %mul3A_690 : i32
      %get3A_692 = arith.constant 0 : i32
      %get3A_693 = arith.index_cast %get3A_692 : i32 to index
      %get3A_694 = arith.index_cast %mul3A_691 : i32 to index
      %get3A_695 = tpu.vector_load %arg10[%get3A_693, %get3A_694] {strides = array<i32>} : memref<8x1696xf32, #tpu.memory_space<vmem>>, vector<1x16xf32>,
      %get3A_696 = vector.shape_cast %get3A_695 : vector<1x16xf32> to vector<16xf32>
      %sub3A_697 = arith.subf %get3A_696, %scan3A_467#0 : vector<16xf32>
      %mul3A_698 = arith.constant 3.000000e+01 : f32
      %mul3A_699 = vector.broadcast %mul3A_698 : f32 to vector<16xf32>
      %mul3A_700 = arith.mulf %sub3A_697, %mul3A_699 : vector<16xf32>
      %exp3A_701 = math.exp %mul3A_700 : vector<16xf32>
      %add3A_702 = arith.addf %scan3A_668, %exp3A_701 : vector<16xf32>
      %eq3A = arith.cmpi eq, %add3A_689, %get3A_345 : vector<16xi32>
      %jit3A = arith.constant 0xFF800000 : f32
      %broadcast_in_dim3A_703 = vector.broadcast %jit3A : f32 to vector<16xf32>
      %select_n3A = arith.select %eq3A, %get3A_696, %broadcast_in_dim3A_703 : vector<16xi1>, vector<16xf32>
      %max3A = arith.maximumf %scan3A_676, %select_n3A : vector<16xf32>
      %mul3A_704 = arith.constant 16 : i32
      %mul3A_705 = arith.muli %scan3A_667, %mul3A_704 : i32
      %get3A_706 = arith.constant 1 : i32
      %get3A_707 = arith.index_cast %get3A_706 : i32 to index
      %get3A_708 = arith.index_cast %mul3A_705 : i32 to index
      %get3A_709 = tpu.vector_load %arg10[%get3A_707, %get3A_708] {strides = array<i32>} : memref<8x1696xf32, #tpu.memory_space<vmem>>, vector<1x16xf32>,
      %get3A_710 = vector.shape_cast %get3A_709 : vector<1x16xf32> to vector<16xf32>
      %sub3A_711 = arith.subf %get3A_710, %scan3A_467#1 : vector<16xf32>
      %mul3A_712 = arith.constant 3.000000e+01 : f32
      %mul3A_713 = vector.broadcast %mul3A_712 : f32 to vector<16xf32>
      %mul3A_714 = arith.mulf %sub3A_711, %mul3A_713 : vector<16xf32>
      %exp3A_715 = math.exp %mul3A_714 : vector<16xf32>
      %add3A_716 = arith.addf %scan3A_669, %exp3A_715 : vector<16xf32>
      %eq3A_717 = arith.cmpi eq, %add3A_689, %get3A_350 : vector<16xi32>
      %jit3A_718 = arith.constant 0xFF800000 : f32
      %broadcast_in_dim3A_719 = vector.broadcast %jit3A_718 : f32 to vector<16xf32>
      %select_n3A_720 = arith.select %eq3A_717, %get3A_710, %broadcast_in_dim3A_719 : vector<16xi1>, vector<16xf32>
      %max3A_721 = arith.maximumf %scan3A_677, %select_n3A_720 : vector<16xf32>
      %mul3A_722 = arith.constant 16 : i32
      %mul3A_723 = arith.muli %scan3A_667, %mul3A_722 : i32
      %get3A_724 = arith.constant 2 : i32
      %get3A_725 = arith.index_cast %get3A_724 : i32 to index
      %get3A_726 = arith.index_cast %mul3A_723 : i32 to index
      %get3A_727 = tpu.vector_load %arg10[%get3A_725, %get3A_726] {strides = array<i32>} : memref<8x1696xf32, #tpu.memory_space<vmem>>, vector<1x16xf32>,
      %get3A_728 = vector.shape_cast %get3A_727 : vector<1x16xf32> to vector<16xf32>
      %sub3A_729 = arith.subf %get3A_728, %scan3A_467#2 : vector<16xf32>
      %mul3A_730 = arith.constant 3.000000e+01 : f32
      %mul3A_731 = vector.broadcast %mul3A_730 : f32 to vector<16xf32>
      %mul3A_732 = arith.mulf %sub3A_729, %mul3A_731 : vector<16xf32>
      %exp3A_733 = math.exp %mul3A_732 : vector<16xf32>
      %add3A_734 = arith.addf %scan3A_670, %exp3A_733 : vector<16xf32>
      %eq3A_735 = arith.cmpi eq, %add3A_689, %get3A_355 : vector<16xi32>
      %jit3A_736 = arith.constant 0xFF800000 : f32
      %broadcast_in_dim3A_737 = vector.broadcast %jit3A_736 : f32 to vector<16xf32>
      %select_n3A_738 = arith.select %eq3A_735, %get3A_728, %broadcast_in_dim3A_737 : vector<16xi1>, vector<16xf32>
      %max3A_739 = arith.maximumf %scan3A_678, %select_n3A_738 : vector<16xf32>
      %mul3A_740 = arith.constant 16 : i32
      %mul3A_741 = arith.muli %scan3A_667, %mul3A_740 : i32
      %get3A_742 = arith.constant 3 : i32
      %get3A_743 = arith.index_cast %get3A_742 : i32 to index
      %get3A_744 = arith.index_cast %mul3A_741 : i32 to index
      %get3A_745 = tpu.vector_load %arg10[%get3A_743, %get3A_744] {strides = array<i32>} : memref<8x1696xf32, #tpu.memory_space<vmem>>, vector<1x16xf32>,
      %get3A_746 = vector.shape_cast %get3A_745 : vector<1x16xf32> to vector<16xf32>
      %sub3A_747 = arith.subf %get3A_746, %scan3A_467#3 : vector<16xf32>
      %mul3A_748 = arith.constant 3.000000e+01 : f32
      %mul3A_749 = vector.broadcast %mul3A_748 : f32 to vector<16xf32>
      %mul3A_750 = arith.mulf %sub3A_747, %mul3A_749 : vector<16xf32>
      %exp3A_751 = math.exp %mul3A_750 : vector<16xf32>
      %add3A_752 = arith.addf %scan3A_671, %exp3A_751 : vector<16xf32>
      %eq3A_753 = arith.cmpi eq, %add3A_689, %get3A_360 : vector<16xi32>
      %jit3A_754 = arith.constant 0xFF800000 : f32
      %broadcast_in_dim3A_755 = vector.broadcast %jit3A_754 : f32 to vector<16xf32>
      %select_n3A_756 = arith.select %eq3A_753, %get3A_746, %broadcast_in_dim3A_755 : vector<16xi1>, vector<16xf32>
      %max3A_757 = arith.maximumf %scan3A_679, %select_n3A_756 : vector<16xf32>
      %mul3A_758 = arith.constant 16 : i32
      %mul3A_759 = arith.muli %scan3A_667, %mul3A_758 : i32
      %get3A_760 = arith.constant 4 : i32
      %get3A_761 = arith.index_cast %get3A_760 : i32 to index
      %get3A_762 = arith.index_cast %mul3A_759 : i32 to index
      %get3A_763 = tpu.vector_load %arg10[%get3A_761, %get3A_762] {strides = array<i32>} : memref<8x1696xf32, #tpu.memory_space<vmem>>, vector<1x16xf32>,
      %get3A_764 = vector.shape_cast %get3A_763 : vector<1x16xf32> to vector<16xf32>
      %sub3A_765 = arith.subf %get3A_764, %scan3A_467#4 : vector<16xf32>
      %mul3A_766 = arith.constant 3.000000e+01 : f32
      %mul3A_767 = vector.broadcast %mul3A_766 : f32 to vector<16xf32>
      %mul3A_768 = arith.mulf %sub3A_765, %mul3A_767 : vector<16xf32>
      %exp3A_769 = math.exp %mul3A_768 : vector<16xf32>
      %add3A_770 = arith.addf %scan3A_672, %exp3A_769 : vector<16xf32>
      %eq3A_771 = arith.cmpi eq, %add3A_689, %get3A_365 : vector<16xi32>
      %jit3A_772 = arith.constant 0xFF800000 : f32
      %broadcast_in_dim3A_773 = vector.broadcast %jit3A_772 : f32 to vector<16xf32>
      %select_n3A_774 = arith.select %eq3A_771, %get3A_764, %broadcast_in_dim3A_773 : vector<16xi1>, vector<16xf32>
      %max3A_775 = arith.maximumf %scan3A_680, %select_n3A_774 : vector<16xf32>
      %mul3A_776 = arith.constant 16 : i32
      %mul3A_777 = arith.muli %scan3A_667, %mul3A_776 : i32
      %get3A_778 = arith.constant 5 : i32
      %get3A_779 = arith.index_cast %get3A_778 : i32 to index
      %get3A_780 = arith.index_cast %mul3A_777 : i32 to index
      %get3A_781 = tpu.vector_load %arg10[%get3A_779, %get3A_780] {strides = array<i32>} : memref<8x1696xf32, #tpu.memory_space<vmem>>, vector<1x16xf32>,
      %get3A_782 = vector.shape_cast %get3A_781 : vector<1x16xf32> to vector<16xf32>
      %sub3A_783 = arith.subf %get3A_782, %scan3A_467#5 : vector<16xf32>
      %mul3A_784 = arith.constant 3.000000e+01 : f32
      %mul3A_785 = vector.broadcast %mul3A_784 : f32 to vector<16xf32>
      %mul3A_786 = arith.mulf %sub3A_783, %mul3A_785 : vector<16xf32>
      %exp3A_787 = math.exp %mul3A_786 : vector<16xf32>
      %add3A_788 = arith.addf %scan3A_673, %exp3A_787 : vector<16xf32>
      %eq3A_789 = arith.cmpi eq, %add3A_689, %get3A_370 : vector<16xi32>
      %jit3A_790 = arith.constant 0xFF800000 : f32
      %broadcast_in_dim3A_791 = vector.broadcast %jit3A_790 : f32 to vector<16xf32>
      %select_n3A_792 = arith.select %eq3A_789, %get3A_782, %broadcast_in_dim3A_791 : vector<16xi1>, vector<16xf32>
      %max3A_793 = arith.maximumf %scan3A_681, %select_n3A_792 : vector<16xf32>
      %mul3A_794 = arith.constant 16 : i32
      %mul3A_795 = arith.muli %scan3A_667, %mul3A_794 : i32
      %get3A_796 = arith.constant 6 : i32
      %get3A_797 = arith.index_cast %get3A_796 : i32 to index
      %get3A_798 = arith.index_cast %mul3A_795 : i32 to index
      %get3A_799 = tpu.vector_load %arg10[%get3A_797, %get3A_798] {strides = array<i32>} : memref<8x1696xf32, #tpu.memory_space<vmem>>, vector<1x16xf32>,
      %get3A_800 = vector.shape_cast %get3A_799 : vector<1x16xf32> to vector<16xf32>
      %sub3A_801 = arith.subf %get3A_800, %scan3A_467#6 : vector<16xf32>
      %mul3A_802 = arith.constant 3.000000e+01 : f32
      %mul3A_803 = vector.broadcast %mul3A_802 : f32 to vector<16xf32>
      %mul3A_804 = arith.mulf %sub3A_801, %mul3A_803 : vector<16xf32>
      %exp3A_805 = math.exp %mul3A_804 : vector<16xf32>
      %add3A_806 = arith.addf %scan3A_674, %exp3A_805 : vector<16xf32>
      %eq3A_807 = arith.cmpi eq, %add3A_689, %get3A_375 : vector<16xi32>
      %jit3A_808 = arith.constant 0xFF800000 : f32
      %broadcast_in_dim3A_809 = vector.broadcast %jit3A_808 : f32 to vector<16xf32>
      %select_n3A_810 = arith.select %eq3A_807, %get3A_800, %broadcast_in_dim3A_809 : vector<16xi1>, vector<16xf32>
      %max3A_811 = arith.maximumf %scan3A_682, %select_n3A_810 : vector<16xf32>
      %mul3A_812 = arith.constant 16 : i32
      %mul3A_813 = arith.muli %scan3A_667, %mul3A_812 : i32
      %get3A_814 = arith.constant 7 : i32
      %get3A_815 = arith.index_cast %get3A_814 : i32 to index
      %get3A_816 = arith.index_cast %mul3A_813 : i32 to index
      %get3A_817 = tpu.vector_load %arg10[%get3A_815, %get3A_816] {strides = array<i32>} : memref<8x1696xf32, #tpu.memory_space<vmem>>, vector<1x16xf32>,
      %get3A_818 = vector.shape_cast %get3A_817 : vector<1x16xf32> to vector<16xf32>
      %sub3A_819 = arith.subf %get3A_818, %scan3A_467#7 : vector<16xf32>
      %mul3A_820 = arith.constant 3.000000e+01 : f32
      %mul3A_821 = vector.broadcast %mul3A_820 : f32 to vector<16xf32>
      %mul3A_822 = arith.mulf %sub3A_819, %mul3A_821 : vector<16xf32>
      %exp3A_823 = math.exp %mul3A_822 : vector<16xf32>
      %add3A_824 = arith.addf %scan3A_675, %exp3A_823 : vector<16xf32>
      %eq3A_825 = arith.cmpi eq, %add3A_689, %get3A_380 : vector<16xi32>
      %jit3A_826 = arith.constant 0xFF800000 : f32
      %broadcast_in_dim3A_827 = vector.broadcast %jit3A_826 : f32 to vector<16xf32>
      %select_n3A_828 = arith.select %eq3A_825, %get3A_818, %broadcast_in_dim3A_827 : vector<16xi1>, vector<16xf32>
      %max3A_829 = arith.maximumf %scan3A_683, %select_n3A_828 : vector<16xf32>
      scf.yield %add3A_702, %add3A_716, %add3A_734, %add3A_752, %add3A_770, %add3A_788, %add3A_806, %add3A_824, %max3A, %max3A_721, %max3A_739, %max3A_757, %max3A_775, %max3A_793, %max3A_811, %max3A_829 : vector<16xf32>, vector<16xf32>, vector<16xf32>, vector<16xf32>, vector<16xf32>, vector<16xf32>, vector<16xf32>, vector<16xf32>, vector<16xf32>, vector<16xf32>, vector<16xf32>, vector<16xf32>, vector<16xf32>, vector<16xf32>, vector<16xf32>, vector<16xf32>
    }
    %scan3A_522 = arith.constant 106 : i32
    %swap3A_523 = arith.constant 8 : i32
    %swap3A_524 = arith.index_cast %swap3A_523 : i32 to index
    %swap3A_525 = arith.constant 0 : index
    %swap3A_526 = tpu.vector_load %arg11[%swap3A_524, %swap3A_525] {strides = array<i32>} : memref<16x16xf32, #tpu.memory_space<vmem>>, vector<1x16xf32>,
    %swap3A_527 = vector.shape_cast %swap3A_526 : vector<1x16xf32> to vector<16xf32>
    %swap3A_528 = vector.shape_cast %scan3A_467#0 : vector<16xf32> to vector<1x16xf32>
    tpu.vector_store %arg11[%swap3A_524, %swap3A_525], %swap3A_528 {strides = array<i32>} : memref<16x16xf32, #tpu.memory_space<vmem>>, vector<1x16xf32>,
    %swap3A_529 = arith.constant 8 : i32
    %swap3A_530 = arith.index_cast %swap3A_529 : i32 to index
    %swap3A_531 = arith.constant 0 : index
    %swap3A_532 = tpu.vector_load %arg12[%swap3A_530, %swap3A_531] {strides = array<i32>} : memref<16x16xf32, #tpu.memory_space<vmem>>, vector<1x16xf32>,
    %swap3A_533 = vector.shape_cast %swap3A_532 : vector<1x16xf32> to vector<16xf32>
    %swap3A_534 = vector.shape_cast %scan3A_521#0 : vector<16xf32> to vector<1x16xf32>
    tpu.vector_store %arg12[%swap3A_530, %swap3A_531], %swap3A_534 {strides = array<i32>} : memref<16x16xf32, #tpu.memory_space<vmem>>, vector<1x16xf32>,
    %swap3A_535 = arith.constant 8 : i32
    %swap3A_536 = arith.index_cast %swap3A_535 : i32 to index
    %swap3A_537 = arith.constant 0 : index
    %swap3A_538 = tpu.vector_load %arg13[%swap3A_536, %swap3A_537] {strides = array<i32>} : memref<16x16xf32, #tpu.memory_space<vmem>>, vector<1x16xf32>,
    %swap3A_539 = vector.shape_cast %swap3A_538 : vector<1x16xf32> to vector<16xf32>
    %swap3A_540 = vector.shape_cast %scan3A_521#8 : vector<16xf32> to vector<1x16xf32>
    tpu.vector_store %arg13[%swap3A_536, %swap3A_537], %swap3A_540 {strides = array<i32>} : memref<16x16xf32, #tpu.memory_space<vmem>>, vector<1x16xf32>,
    %swap3A_541 = arith.constant 9 : i32
    %swap3A_542 = arith.index_cast %swap3A_541 : i32 to index
    %swap3A_543 = arith.constant 0 : index
    %swap3A_544 = tpu.vector_load %arg11[%swap3A_542, %swap3A_543] {strides = array<i32>} : memref<16x16xf32, #tpu.memory_space<vmem>>, vector<1x16xf32>,
    %swap3A_545 = vector.shape_cast %swap3A_544 : vector<1x16xf32> to vector<16xf32>
    %swap3A_546 = vector.shape_cast %scan3A_467#1 : vector<16xf32> to vector<1x16xf32>
    tpu.vector_store %arg11[%swap3A_542, %swap3A_543], %swap3A_546 {strides = array<i32>} : memref<16x16xf32, #tpu.memory_space<vmem>>, vector<1x16xf32>,
    %swap3A_547 = arith.constant 9 : i32
    %swap3A_548 = arith.index_cast %swap3A_547 : i32 to index
    %swap3A_549 = arith.constant 0 : index
    %swap3A_550 = tpu.vector_load %arg12[%swap3A_548, %swap3A_549] {strides = array<i32>} : memref<16x16xf32, #tpu.memory_space<vmem>>, vector<1x16xf32>,
    %swap3A_551 = vector.shape_cast %swap3A_550 : vector<1x16xf32> to vector<16xf32>
    %swap3A_552 = vector.shape_cast %scan3A_521#1 : vector<16xf32> to vector<1x16xf32>
    tpu.vector_store %arg12[%swap3A_548, %swap3A_549], %swap3A_552 {strides = array<i32>} : memref<16x16xf32, #tpu.memory_space<vmem>>, vector<1x16xf32>,
    %swap3A_553 = arith.constant 9 : i32
    %swap3A_554 = arith.index_cast %swap3A_553 : i32 to index
    %swap3A_555 = arith.constant 0 : index
    %swap3A_556 = tpu.vector_load %arg13[%swap3A_554, %swap3A_555] {strides = array<i32>} : memref<16x16xf32, #tpu.memory_space<vmem>>, vector<1x16xf32>,
    %swap3A_557 = vector.shape_cast %swap3A_556 : vector<1x16xf32> to vector<16xf32>
    %swap3A_558 = vector.shape_cast %scan3A_521#9 : vector<16xf32> to vector<1x16xf32>
    tpu.vector_store %arg13[%swap3A_554, %swap3A_555], %swap3A_558 {strides = array<i32>} : memref<16x16xf32, #tpu.memory_space<vmem>>, vector<1x16xf32>,
    %swap3A_559 = arith.constant 10 : i32
    %swap3A_560 = arith.index_cast %swap3A_559 : i32 to index
    %swap3A_561 = arith.constant 0 : index
    %swap3A_562 = tpu.vector_load %arg11[%swap3A_560, %swap3A_561] {strides = array<i32>} : memref<16x16xf32, #tpu.memory_space<vmem>>, vector<1x16xf32>,
    %swap3A_563 = vector.shape_cast %swap3A_562 : vector<1x16xf32> to vector<16xf32>
    %swap3A_564 = vector.shape_cast %scan3A_467#2 : vector<16xf32> to vector<1x16xf32>
    tpu.vector_store %arg11[%swap3A_560, %swap3A_561], %swap3A_564 {strides = array<i32>} : memref<16x16xf32, #tpu.memory_space<vmem>>, vector<1x16xf32>,
    %swap3A_565 = arith.constant 10 : i32
    %swap3A_566 = arith.index_cast %swap3A_565 : i32 to index
    %swap3A_567 = arith.constant 0 : index
    %swap3A_568 = tpu.vector_load %arg12[%swap3A_566, %swap3A_567] {strides = array<i32>} : memref<16x16xf32, #tpu.memory_space<vmem>>, vector<1x16xf32>,
    %swap3A_569 = vector.shape_cast %swap3A_568 : vector<1x16xf32> to vector<16xf32>
    %swap3A_570 = vector.shape_cast %scan3A_521#2 : vector<16xf32> to vector<1x16xf32>
    tpu.vector_store %arg12[%swap3A_566, %swap3A_567], %swap3A_570 {strides = array<i32>} : memref<16x16xf32, #tpu.memory_space<vmem>>, vector<1x16xf32>,
    %swap3A_571 = arith.constant 10 : i32
    %swap3A_572 = arith.index_cast %swap3A_571 : i32 to index
    %swap3A_573 = arith.constant 0 : index
    %swap3A_574 = tpu.vector_load %arg13[%swap3A_572, %swap3A_573] {strides = array<i32>} : memref<16x16xf32, #tpu.memory_space<vmem>>, vector<1x16xf32>,
    %swap3A_575 = vector.shape_cast %swap3A_574 : vector<1x16xf32> to vector<16xf32>
    %swap3A_576 = vector.shape_cast %scan3A_521#10 : vector<16xf32> to vector<1x16xf32>
    tpu.vector_store %arg13[%swap3A_572, %swap3A_573], %swap3A_576 {strides = array<i32>} : memref<16x16xf32, #tpu.memory_space<vmem>>, vector<1x16xf32>,
    %swap3A_577 = arith.constant 11 : i32
    %swap3A_578 = arith.index_cast %swap3A_577 : i32 to index
    %swap3A_579 = arith.constant 0 : index
    %swap3A_580 = tpu.vector_load %arg11[%swap3A_578, %swap3A_579] {strides = array<i32>} : memref<16x16xf32, #tpu.memory_space<vmem>>, vector<1x16xf32>,
    %swap3A_581 = vector.shape_cast %swap3A_580 : vector<1x16xf32> to vector<16xf32>
    %swap3A_582 = vector.shape_cast %scan3A_467#3 : vector<16xf32> to vector<1x16xf32>
    tpu.vector_store %arg11[%swap3A_578, %swap3A_579], %swap3A_582 {strides = array<i32>} : memref<16x16xf32, #tpu.memory_space<vmem>>, vector<1x16xf32>,
    %swap3A_583 = arith.constant 11 : i32
    %swap3A_584 = arith.index_cast %swap3A_583 : i32 to index
    %swap3A_585 = arith.constant 0 : index
    %swap3A_586 = tpu.vector_load %arg12[%swap3A_584, %swap3A_585] {strides = array<i32>} : memref<16x16xf32, #tpu.memory_space<vmem>>, vector<1x16xf32>,
    %swap3A_587 = vector.shape_cast %swap3A_586 : vector<1x16xf32> to vector<16xf32>
    %swap3A_588 = vector.shape_cast %scan3A_521#3 : vector<16xf32> to vector<1x16xf32>
    tpu.vector_store %arg12[%swap3A_584, %swap3A_585], %swap3A_588 {strides = array<i32>} : memref<16x16xf32, #tpu.memory_space<vmem>>, vector<1x16xf32>,
    %swap3A_589 = arith.constant 11 : i32
    %swap3A_590 = arith.index_cast %swap3A_589 : i32 to index
    %swap3A_591 = arith.constant 0 : index
    %swap3A_592 = tpu.vector_load %arg13[%swap3A_590, %swap3A_591] {strides = array<i32>} : memref<16x16xf32, #tpu.memory_space<vmem>>, vector<1x16xf32>,
    %swap3A_593 = vector.shape_cast %swap3A_592 : vector<1x16xf32> to vector<16xf32>
    %swap3A_594 = vector.shape_cast %scan3A_521#11 : vector<16xf32> to vector<1x16xf32>
    tpu.vector_store %arg13[%swap3A_590, %swap3A_591], %swap3A_594 {strides = array<i32>} : memref<16x16xf32, #tpu.memory_space<vmem>>, vector<1x16xf32>,
    %swap3A_595 = arith.constant 12 : i32
    %swap3A_596 = arith.index_cast %swap3A_595 : i32 to index
    %swap3A_597 = arith.constant 0 : index
    %swap3A_598 = tpu.vector_load %arg11[%swap3A_596, %swap3A_597] {strides = array<i32>} : memref<16x16xf32, #tpu.memory_space<vmem>>, vector<1x16xf32>,
    %swap3A_599 = vector.shape_cast %swap3A_598 : vector<1x16xf32> to vector<16xf32>
    %swap3A_600 = vector.shape_cast %scan3A_467#4 : vector<16xf32> to vector<1x16xf32>
    tpu.vector_store %arg11[%swap3A_596, %swap3A_597], %swap3A_600 {strides = array<i32>} : memref<16x16xf32, #tpu.memory_space<vmem>>, vector<1x16xf32>,
    %swap3A_601 = arith.constant 12 : i32
    %swap3A_602 = arith.index_cast %swap3A_601 : i32 to index
    %swap3A_603 = arith.constant 0 : index
    %swap3A_604 = tpu.vector_load %arg12[%swap3A_602, %swap3A_603] {strides = array<i32>} : memref<16x16xf32, #tpu.memory_space<vmem>>, vector<1x16xf32>,
    %swap3A_605 = vector.shape_cast %swap3A_604 : vector<1x16xf32> to vector<16xf32>
    %swap3A_606 = vector.shape_cast %scan3A_521#4 : vector<16xf32> to vector<1x16xf32>
    tpu.vector_store %arg12[%swap3A_602, %swap3A_603], %swap3A_606 {strides = array<i32>} : memref<16x16xf32, #tpu.memory_space<vmem>>, vector<1x16xf32>,
    %swap3A_607 = arith.constant 12 : i32
    %swap3A_608 = arith.index_cast %swap3A_607 : i32 to index
    %swap3A_609 = arith.constant 0 : index
    %swap3A_610 = tpu.vector_load %arg13[%swap3A_608, %swap3A_609] {strides = array<i32>} : memref<16x16xf32, #tpu.memory_space<vmem>>, vector<1x16xf32>,
    %swap3A_611 = vector.shape_cast %swap3A_610 : vector<1x16xf32> to vector<16xf32>
    %swap3A_612 = vector.shape_cast %scan3A_521#12 : vector<16xf32> to vector<1x16xf32>
    tpu.vector_store %arg13[%swap3A_608, %swap3A_609], %swap3A_612 {strides = array<i32>} : memref<16x16xf32, #tpu.memory_space<vmem>>, vector<1x16xf32>,
    %swap3A_613 = arith.constant 13 : i32
    %swap3A_614 = arith.index_cast %swap3A_613 : i32 to index
    %swap3A_615 = arith.constant 0 : index
    %swap3A_616 = tpu.vector_load %arg11[%swap3A_614, %swap3A_615] {strides = array<i32>} : memref<16x16xf32, #tpu.memory_space<vmem>>, vector<1x16xf32>,
    %swap3A_617 = vector.shape_cast %swap3A_616 : vector<1x16xf32> to vector<16xf32>
    %swap3A_618 = vector.shape_cast %scan3A_467#5 : vector<16xf32> to vector<1x16xf32>
    tpu.vector_store %arg11[%swap3A_614, %swap3A_615], %swap3A_618 {strides = array<i32>} : memref<16x16xf32, #tpu.memory_space<vmem>>, vector<1x16xf32>,
    %swap3A_619 = arith.constant 13 : i32
    %swap3A_620 = arith.index_cast %swap3A_619 : i32 to index
    %swap3A_621 = arith.constant 0 : index
    %swap3A_622 = tpu.vector_load %arg12[%swap3A_620, %swap3A_621] {strides = array<i32>} : memref<16x16xf32, #tpu.memory_space<vmem>>, vector<1x16xf32>,
    %swap3A_623 = vector.shape_cast %swap3A_622 : vector<1x16xf32> to vector<16xf32>
    %swap3A_624 = vector.shape_cast %scan3A_521#5 : vector<16xf32> to vector<1x16xf32>
    tpu.vector_store %arg12[%swap3A_620, %swap3A_621], %swap3A_624 {strides = array<i32>} : memref<16x16xf32, #tpu.memory_space<vmem>>, vector<1x16xf32>,
    %swap3A_625 = arith.constant 13 : i32
    %swap3A_626 = arith.index_cast %swap3A_625 : i32 to index
    %swap3A_627 = arith.constant 0 : index
    %swap3A_628 = tpu.vector_load %arg13[%swap3A_626, %swap3A_627] {strides = array<i32>} : memref<16x16xf32, #tpu.memory_space<vmem>>, vector<1x16xf32>,
    %swap3A_629 = vector.shape_cast %swap3A_628 : vector<1x16xf32> to vector<16xf32>
    %swap3A_630 = vector.shape_cast %scan3A_521#13 : vector<16xf32> to vector<1x16xf32>
    tpu.vector_store %arg13[%swap3A_626, %swap3A_627], %swap3A_630 {strides = array<i32>} : memref<16x16xf32, #tpu.memory_space<vmem>>, vector<1x16xf32>,
    %swap3A_631 = arith.constant 14 : i32
    %swap3A_632 = arith.index_cast %swap3A_631 : i32 to index
    %swap3A_633 = arith.constant 0 : index
    %swap3A_634 = tpu.vector_load %arg11[%swap3A_632, %swap3A_633] {strides = array<i32>} : memref<16x16xf32, #tpu.memory_space<vmem>>, vector<1x16xf32>,
    %swap3A_635 = vector.shape_cast %swap3A_634 : vector<1x16xf32> to vector<16xf32>
    %swap3A_636 = vector.shape_cast %scan3A_467#6 : vector<16xf32> to vector<1x16xf32>
    tpu.vector_store %arg11[%swap3A_632, %swap3A_633], %swap3A_636 {strides = array<i32>} : memref<16x16xf32, #tpu.memory_space<vmem>>, vector<1x16xf32>,
    %swap3A_637 = arith.constant 14 : i32
    %swap3A_638 = arith.index_cast %swap3A_637 : i32 to index
    %swap3A_639 = arith.constant 0 : index
    %swap3A_640 = tpu.vector_load %arg12[%swap3A_638, %swap3A_639] {strides = array<i32>} : memref<16x16xf32, #tpu.memory_space<vmem>>, vector<1x16xf32>,
    %swap3A_641 = vector.shape_cast %swap3A_640 : vector<1x16xf32> to vector<16xf32>
    %swap3A_642 = vector.shape_cast %scan3A_521#6 : vector<16xf32> to vector<1x16xf32>
    tpu.vector_store %arg12[%swap3A_638, %swap3A_639], %swap3A_642 {strides = array<i32>} : memref<16x16xf32, #tpu.memory_space<vmem>>, vector<1x16xf32>,
    %swap3A_643 = arith.constant 14 : i32
    %swap3A_644 = arith.index_cast %swap3A_643 : i32 to index
    %swap3A_645 = arith.constant 0 : index
    %swap3A_646 = tpu.vector_load %arg13[%swap3A_644, %swap3A_645] {strides = array<i32>} : memref<16x16xf32, #tpu.memory_space<vmem>>, vector<1x16xf32>,
    %swap3A_647 = vector.shape_cast %swap3A_646 : vector<1x16xf32> to vector<16xf32>
    %swap3A_648 = vector.shape_cast %scan3A_521#14 : vector<16xf32> to vector<1x16xf32>
    tpu.vector_store %arg13[%swap3A_644, %swap3A_645], %swap3A_648 {strides = array<i32>} : memref<16x16xf32, #tpu.memory_space<vmem>>, vector<1x16xf32>,
    %swap3A_649 = arith.constant 15 : i32
    %swap3A_650 = arith.index_cast %swap3A_649 : i32 to index
    %swap3A_651 = arith.constant 0 : index
    %swap3A_652 = tpu.vector_load %arg11[%swap3A_650, %swap3A_651] {strides = array<i32>} : memref<16x16xf32, #tpu.memory_space<vmem>>, vector<1x16xf32>,
    %swap3A_653 = vector.shape_cast %swap3A_652 : vector<1x16xf32> to vector<16xf32>
    %swap3A_654 = vector.shape_cast %scan3A_467#7 : vector<16xf32> to vector<1x16xf32>
    tpu.vector_store %arg11[%swap3A_650, %swap3A_651], %swap3A_654 {strides = array<i32>} : memref<16x16xf32, #tpu.memory_space<vmem>>, vector<1x16xf32>,
    %swap3A_655 = arith.constant 15 : i32
    %swap3A_656 = arith.index_cast %swap3A_655 : i32 to index
    %swap3A_657 = arith.constant 0 : index
    %swap3A_658 = tpu.vector_load %arg12[%swap3A_656, %swap3A_657] {strides = array<i32>} : memref<16x16xf32, #tpu.memory_space<vmem>>, vector<1x16xf32>,
    %swap3A_659 = vector.shape_cast %swap3A_658 : vector<1x16xf32> to vector<16xf32>
    %swap3A_660 = vector.shape_cast %scan3A_521#7 : vector<16xf32> to vector<1x16xf32>
    tpu.vector_store %arg12[%swap3A_656, %swap3A_657], %swap3A_660 {strides = array<i32>} : memref<16x16xf32, #tpu.memory_space<vmem>>, vector<1x16xf32>,
    %swap3A_661 = arith.constant 15 : i32
    %swap3A_662 = arith.index_cast %swap3A_661 : i32 to index
    %swap3A_663 = arith.constant 0 : index
    %swap3A_664 = tpu.vector_load %arg13[%swap3A_662, %swap3A_663] {strides = array<i32>} : memref<16x16xf32, #tpu.memory_space<vmem>>, vector<1x16xf32>,
    %swap3A_665 = vector.shape_cast %swap3A_664 : vector<1x16xf32> to vector<16xf32>
    %swap3A_666 = vector.shape_cast %scan3A_521#15 : vector<16xf32> to vector<1x16xf32>
    tpu.vector_store %arg13[%swap3A_662, %swap3A_663], %swap3A_666 {strides = array<i32>} : memref<16x16xf32, #tpu.memory_space<vmem>>, vector<1x16xf32>,
    "tpu.region"() ({
      %run_scoped3A = tpu.sem_alloc : memref<!tpu.dma_semaphore, #tpu.memory_space<semaphore_mem>>
      %dma_start3A_667 = arith.constant 0 : i32
      %dma_start3A_668 = tpu.memref_slice %arg4[%mul3A_2, %dma_start3A_667] : memref<512x16xf32, #tpu.memory_space<hbm>> -> memref<16x16xf32, #tpu.memory_space<hbm>>
      %dma_start3A_669 = arith.constant 0 : i32
      %dma_start3A_670 = tpu.memref_slice %arg4[%mul3A_2, %dma_start3A_669] : memref<512x16xf32, #tpu.memory_space<hbm>> -> memref<16x16xf32, #tpu.memory_space<hbm>>
      tpu.enqueue_dma source(%arg11 : memref<16x16xf32, #tpu.memory_space<vmem>>) target(%dma_start3A_670 : memref<16x16xf32, #tpu.memory_space<hbm>>) target_semaphore(%run_scoped3A : memref<!tpu.dma_semaphore, #tpu.memory_space<semaphore_mem>>)
      %dma_wait3A_671 = arith.constant 0 : i32
      %dma_wait3A_672 = tpu.memref_slice %arg4[%mul3A_2, %dma_wait3A_671] : memref<512x16xf32, #tpu.memory_space<hbm>> -> memref<16x16xf32, #tpu.memory_space<hbm>>
      %dma_wait3A_673 = arith.constant 0 : i32
      %dma_wait3A_674 = tpu.memref_slice %arg4[%mul3A_2, %dma_wait3A_673] : memref<512x16xf32, #tpu.memory_space<hbm>> -> memref<16x16xf32, #tpu.memory_space<hbm>>
      tpu.wait_dma2 semaphore(%run_scoped3A : memref<!tpu.dma_semaphore, #tpu.memory_space<semaphore_mem>>) src(%arg11 : memref<16x16xf32, #tpu.memory_space<vmem>>) dst(%dma_wait3A_674 : memref<16x16xf32, #tpu.memory_space<hbm>>)
      tpu.yield
    }) : () -> ()
    "tpu.region"() ({
      %run_scoped3A = tpu.sem_alloc : memref<!tpu.dma_semaphore, #tpu.memory_space<semaphore_mem>>
      %dma_start3A_667 = arith.constant 0 : i32
      %dma_start3A_668 = tpu.memref_slice %arg5[%mul3A_2, %dma_start3A_667] : memref<512x16xf32, #tpu.memory_space<hbm>> -> memref<16x16xf32, #tpu.memory_space<hbm>>
      %dma_start3A_669 = arith.constant 0 : i32
      %dma_start3A_670 = tpu.memref_slice %arg5[%mul3A_2, %dma_start3A_669] : memref<512x16xf32, #tpu.memory_space<hbm>> -> memref<16x16xf32, #tpu.memory_space<hbm>>
      tpu.enqueue_dma source(%arg12 : memref<16x16xf32, #tpu.memory_space<vmem>>) target(%dma_start3A_670 : memref<16x16xf32, #tpu.memory_space<hbm>>) target_semaphore(%run_scoped3A : memref<!tpu.dma_semaphore, #tpu.memory_space<semaphore_mem>>)
      %dma_wait3A_671 = arith.constant 0 : i32
      %dma_wait3A_672 = tpu.memref_slice %arg5[%mul3A_2, %dma_wait3A_671] : memref<512x16xf32, #tpu.memory_space<hbm>> -> memref<16x16xf32, #tpu.memory_space<hbm>>
      %dma_wait3A_673 = arith.constant 0 : i32
      %dma_wait3A_674 = tpu.memref_slice %arg5[%mul3A_2, %dma_wait3A_673] : memref<512x16xf32, #tpu.memory_space<hbm>> -> memref<16x16xf32, #tpu.memory_space<hbm>>
      tpu.wait_dma2 semaphore(%run_scoped3A : memref<!tpu.dma_semaphore, #tpu.memory_space<semaphore_mem>>) src(%arg12 : memref<16x16xf32, #tpu.memory_space<vmem>>) dst(%dma_wait3A_674 : memref<16x16xf32, #tpu.memory_space<hbm>>)
      tpu.yield
    }) : () -> ()
    "tpu.region"() ({
      %run_scoped3A = tpu.sem_alloc : memref<!tpu.dma_semaphore, #tpu.memory_space<semaphore_mem>>
      %dma_start3A_667 = arith.constant 0 : i32
      %dma_start3A_668 = tpu.memref_slice %arg6[%mul3A_2, %dma_start3A_667] : memref<512x16xf32, #tpu.memory_space<hbm>> -> memref<16x16xf32, #tpu.memory_space<hbm>>
      %dma_start3A_669 = arith.constant 0 : i32
      %dma_start3A_670 = tpu.memref_slice %arg6[%mul3A_2, %dma_start3A_669] : memref<512x16xf32, #tpu.memory_space<hbm>> -> memref<16x16xf32, #tpu.memory_space<hbm>>
      tpu.enqueue_dma source(%arg13 : memref<16x16xf32, #tpu.memory_space<vmem>>) target(%dma_start3A_670 : memref<16x16xf32, #tpu.memory_space<hbm>>) target_semaphore(%run_scoped3A : memref<!tpu.dma_semaphore, #tpu.memory_space<semaphore_mem>>)
      %dma_wait3A_671 = arith.constant 0 : i32
      %dma_wait3A_672 = tpu.memref_slice %arg6[%mul3A_2, %dma_wait3A_671] : memref<512x16xf32, #tpu.memory_space<hbm>> -> memref<16x16xf32, #tpu.memory_space<hbm>>
      %dma_wait3A_673 = arith.constant 0 : i32
      %dma_wait3A_674 = tpu.memref_slice %arg6[%mul3A_2, %dma_wait3A_673] : memref<512x16xf32, #tpu.memory_space<hbm>> -> memref<16x16xf32, #tpu.memory_space<hbm>>
      tpu.wait_dma2 semaphore(%run_scoped3A : memref<!tpu.dma_semaphore, #tpu.memory_space<semaphore_mem>>) src(%arg13 : memref<16x16xf32, #tpu.memory_space<vmem>>) dst(%dma_wait3A_674 : memref<16x16xf32, #tpu.memory_space<hbm>>)
      tpu.yield
    }) : () -> ()
    return
  }
}

module attributes {stable_mosaic.version = 14 : i64} {
  func.func @_rowstats_body(%arg0: i32, %arg1: memref<32x100000xf32, #tpu.memory_space<vmem>>, %arg2: memref<32x1xi32, #tpu.memory_space<vmem>>, %arg3: memref<32x1xf32, #tpu.memory_space<vmem>>, %arg4: memref<32x1xf32, #tpu.memory_space<vmem>>, %arg5: memref<32x1xf32, #tpu.memory_space<vmem>>) attributes {dimension_semantics = [#tpu.dimension_semantics<parallel>], iteration_bounds = array<i64: 16>, scalar_prefetch = 0 : i64, scratch_operands = 0 : i64, tpu.core_type = #tpu.core_type<tc>, window_params = [{transform_indices = @transform_0, window_bounds = array<i64: 32, 100000>}, {transform_indices = @transform_1, window_bounds = array<i64: 32, 1>}, {transform_indices = @transform_2, window_bounds = array<i64: 32, 1>}, {transform_indices = @transform_3, window_bounds = array<i64: 32, 1>}, {transform_indices = @transform_4, window_bounds = array<i64: 32, 1>}]} {
    %get3A = arith.constant 0 : index
    %get3A_0 = arith.constant 0 : index
    %get3A_1 = vector.load %arg1[%get3A, %get3A_0] : memref<32x100000xf32, #tpu.memory_space<vmem>>, vector<32x100000xf32>
    %reduce_max3A = arith.constant dense<0xFF800000> : vector<32xf32>
    %reduce_max3A_2 = vector.multi_reduction <maximumf>, %get3A_1, %reduce_max3A [1] : vector<32x100000xf32> to vector<32xf32>
    %broadcast_in_dim3A = vector.shape_cast %reduce_max3A_2 : vector<32xf32> to vector<32x1xf32>
    %sub3A = vector.broadcast %broadcast_in_dim3A : vector<32x1xf32> to vector<32x100000xf32>
    %sub3A_3 = arith.subf %get3A_1, %sub3A : vector<32x100000xf32>
    %mul3A = arith.constant 43.2808495 : f32
    %mul3A_4 = vector.broadcast %mul3A : f32 to vector<32x100000xf32>
    %mul3A_5 = arith.mulf %sub3A_3, %mul3A_4 : vector<32x100000xf32>
    %exp23A = math.exp2 %mul3A_5 : vector<32x100000xf32>
    %reduce_sum3A = arith.constant dense<0.000000e+00> : vector<32xf32>
    %reduce_sum3A_6 = vector.multi_reduction <add>, %exp23A, %reduce_sum3A [1] : vector<32x100000xf32> to vector<32xf32>
    %broadcast_in_dim3A_7 = vector.shape_cast %reduce_sum3A_6 : vector<32xf32> to vector<32x1xf32>
    %iota3A = tpu.iota {dimensions = array<i32: 1>} : vector<32x100000xi32>
    %get3A_8 = arith.constant 0 : index
    %get3A_9 = arith.constant 0 : index
    %get3A_10 = vector.load %arg2[%get3A_8, %get3A_9] : memref<32x1xi32, #tpu.memory_space<vmem>>, vector<32x1xi32>
    %eq3A = vector.broadcast %get3A_10 : vector<32x1xi32> to vector<32x100000xi32>
    %eq3A_11 = arith.cmpi eq, %iota3A, %eq3A : vector<32x100000xi32>
    %jit3A = arith.constant 0xFF800000 : f32
    %broadcast_in_dim3A_12 = vector.broadcast %jit3A : f32 to vector<32x100000xf32>
    %select_n3A = arith.select %eq3A_11, %get3A_1, %broadcast_in_dim3A_12 : vector<32x100000xi1>, vector<32x100000xf32>
    %reduce_max3A_13 = arith.constant dense<0xFF800000> : vector<32xf32>
    %reduce_max3A_14 = vector.multi_reduction <maximumf>, %select_n3A, %reduce_max3A_13 [1] : vector<32x100000xf32> to vector<32xf32>
    %broadcast_in_dim3A_15 = vector.shape_cast %reduce_max3A_14 : vector<32xf32> to vector<32x1xf32>
    %swap3A = arith.constant 0 : index
    %swap3A_16 = arith.constant 0 : index
    %swap3A_17 = vector.load %arg3[%swap3A, %swap3A_16] : memref<32x1xf32, #tpu.memory_space<vmem>>, vector<32x1xf32>
    tpu.vector_store %arg3[%swap3A, %swap3A_16], %broadcast_in_dim3A {strides = array<i32>} : memref<32x1xf32, #tpu.memory_space<vmem>>, vector<32x1xf32>,
    %swap3A_18 = arith.constant 0 : index
    %swap3A_19 = arith.constant 0 : index
    %swap3A_20 = vector.load %arg4[%swap3A_18, %swap3A_19] : memref<32x1xf32, #tpu.memory_space<vmem>>, vector<32x1xf32>
    tpu.vector_store %arg4[%swap3A_18, %swap3A_19], %broadcast_in_dim3A_7 {strides = array<i32>} : memref<32x1xf32, #tpu.memory_space<vmem>>, vector<32x1xf32>,
    %swap3A_21 = arith.constant 0 : index
    %swap3A_22 = arith.constant 0 : index
    %swap3A_23 = vector.load %arg5[%swap3A_21, %swap3A_22] : memref<32x1xf32, #tpu.memory_space<vmem>>, vector<32x1xf32>
    tpu.vector_store %arg5[%swap3A_21, %swap3A_22], %broadcast_in_dim3A_15 {strides = array<i32>} : memref<32x1xf32, #tpu.memory_space<vmem>>, vector<32x1xf32>,
    return
  }
  func.func @transform_0(%arg0: i32) -> (i32, i32) {
    %c0_i32 = arith.constant 0 : i32
    %c0_i32_0 = arith.constant 0 : i32
    return %arg0, %c0_i32 : i32, i32
  }
  func.func @transform_1(%arg0: i32) -> (i32, i32) {
    %c0_i32 = arith.constant 0 : i32
    %c0_i32_0 = arith.constant 0 : i32
    return %arg0, %c0_i32 : i32, i32
  }
  func.func @transform_2(%arg0: i32) -> (i32, i32) {
    %c0_i32 = arith.constant 0 : i32
    %c0_i32_0 = arith.constant 0 : i32
    return %arg0, %c0_i32 : i32, i32
  }
  func.func @transform_3(%arg0: i32) -> (i32, i32) {
    %c0_i32 = arith.constant 0 : i32
    %c0_i32_0 = arith.constant 0 : i32
    return %arg0, %c0_i32 : i32, i32
  }
  func.func @transform_4(%arg0: i32) -> (i32, i32) {
    %c0_i32 = arith.constant 0 : i32
    %c0_i32_0 = arith.constant 0 : i32
    return %arg0, %c0_i32 : i32, i32
  }
}

module attributes {stable_mosaic.version = 14 : i64} {
  func.func @_combine_body(%arg0: memref<512x1xf32, #tpu.memory_space<vmem>>, %arg1: memref<512x1xf32, #tpu.memory_space<vmem>>, %arg2: memref<512x1xf32, #tpu.memory_space<vmem>>, %arg3: memref<512x16xf32, #tpu.memory_space<vmem>>, %arg4: memref<512x16xf32, #tpu.memory_space<vmem>>, %arg5: memref<512x16xf32, #tpu.memory_space<vmem>>, %arg6: memref<1x1xf32, #tpu.memory_space<smem>>) attributes {dimension_semantics = [], scalar_prefetch = 0 : i64, scratch_operands = 0 : i64, tpu.core_type = #tpu.core_type<tc>} {
    %get3A = arith.constant 0 : index
    %get3A_0 = arith.constant 0 : index
    %get3A_1 = vector.load %arg3[%get3A, %get3A_0] : memref<512x16xf32, #tpu.memory_space<vmem>>, vector<512x16xf32>
    %reduce_max3A = arith.constant dense<0xFF800000> : vector<512xf32>
    %reduce_max3A_2 = vector.multi_reduction <maximumf>, %get3A_1, %reduce_max3A [1] : vector<512x16xf32> to vector<512xf32>
    %broadcast_in_dim3A = vector.shape_cast %reduce_max3A_2 : vector<512xf32> to vector<512x1xf32>
    %get3A_3 = arith.constant 0 : index
    %get3A_4 = arith.constant 0 : index
    %get3A_5 = vector.load %arg4[%get3A_3, %get3A_4] : memref<512x16xf32, #tpu.memory_space<vmem>>, vector<512x16xf32>
    %sub3A = vector.broadcast %broadcast_in_dim3A : vector<512x1xf32> to vector<512x16xf32>
    %sub3A_6 = arith.subf %get3A_1, %sub3A : vector<512x16xf32>
    %mul3A = arith.constant 43.2808495 : f32
    %mul3A_7 = vector.broadcast %mul3A : f32 to vector<512x16xf32>
    %mul3A_8 = arith.mulf %sub3A_6, %mul3A_7 : vector<512x16xf32>
    %exp23A = math.exp2 %mul3A_8 : vector<512x16xf32>
    %mul3A_9 = arith.mulf %get3A_5, %exp23A : vector<512x16xf32>
    %reduce_sum3A = arith.constant dense<0.000000e+00> : vector<512xf32>
    %reduce_sum3A_10 = vector.multi_reduction <add>, %mul3A_9, %reduce_sum3A [1] : vector<512x16xf32> to vector<512xf32>
    %broadcast_in_dim3A_11 = vector.shape_cast %reduce_sum3A_10 : vector<512xf32> to vector<512x1xf32>
    %get3A_12 = arith.constant 0 : index
    %get3A_13 = arith.constant 0 : index
    %get3A_14 = vector.load %arg5[%get3A_12, %get3A_13] : memref<512x16xf32, #tpu.memory_space<vmem>>, vector<512x16xf32>
    %reduce_max3A_15 = arith.constant dense<0xFF800000> : vector<512xf32>
    %reduce_max3A_16 = vector.multi_reduction <maximumf>, %get3A_14, %reduce_max3A_15 [1] : vector<512x16xf32> to vector<512xf32>
    %broadcast_in_dim3A_17 = vector.shape_cast %reduce_max3A_16 : vector<512xf32> to vector<512x1xf32>
    %get3A_18 = arith.constant 0 : index
    %get3A_19 = arith.constant 0 : index
    %get3A_20 = vector.load %arg0[%get3A_18, %get3A_19] : memref<512x1xf32, #tpu.memory_space<vmem>>, vector<512x1xf32>
    %get3A_21 = arith.constant 0 : index
    %get3A_22 = arith.constant 0 : index
    %get3A_23 = vector.load %arg1[%get3A_21, %get3A_22] : memref<512x1xf32, #tpu.memory_space<vmem>>, vector<512x1xf32>
    %get3A_24 = arith.constant 0 : index
    %get3A_25 = arith.constant 0 : index
    %get3A_26 = vector.load %arg2[%get3A_24, %get3A_25] : memref<512x1xf32, #tpu.memory_space<vmem>>, vector<512x1xf32>
    %sub3A_27 = arith.subf %get3A_26, %get3A_20 : vector<512x1xf32>
    %mul3A_28 = arith.constant 43.2808495 : f32
    %mul3A_29 = vector.broadcast %mul3A_28 : f32 to vector<512x1xf32>
    %mul3A_30 = arith.mulf %sub3A_27, %mul3A_29 : vector<512x1xf32>
    %exp23A_31 = math.exp2 %mul3A_30 : vector<512x1xf32>
    %sub3A_32 = arith.constant 3.500000e-01 : f32
    %sub3A_33 = vector.broadcast %sub3A_32 : f32 to vector<512x1xf32>
    %sub3A_34 = arith.subf %get3A_26, %sub3A_33 : vector<512x1xf32>
    %sub3A_35 = arith.subf %sub3A_34, %get3A_20 : vector<512x1xf32>
    %mul3A_36 = arith.constant 43.2808495 : f32
    %mul3A_37 = vector.broadcast %mul3A_36 : f32 to vector<512x1xf32>
    %mul3A_38 = arith.mulf %sub3A_35, %mul3A_37 : vector<512x1xf32>
    %exp23A_39 = math.exp2 %mul3A_38 : vector<512x1xf32>
    %sub3A_40 = arith.subf %get3A_23, %exp23A_31 : vector<512x1xf32>
    %add3A = arith.addf %sub3A_40, %exp23A_39 : vector<512x1xf32>
    %mul3A_41 = arith.constant 3.000000e+01 : f32
    %mul3A_42 = vector.broadcast %mul3A_41 : f32 to vector<512x1xf32>
    %mul3A_43 = arith.mulf %mul3A_42, %get3A_20 : vector<512x1xf32>
    %log3A = math.log %add3A : vector<512x1xf32>
    %add3A_44 = arith.addf %mul3A_43, %log3A : vector<512x1xf32>
    %sub3A_45 = arith.constant 3.500000e-01 : f32
    %sub3A_46 = vector.broadcast %sub3A_45 : f32 to vector<512x1xf32>
    %sub3A_47 = arith.subf %get3A_26, %sub3A_46 : vector<512x1xf32>
    %mul3A_48 = arith.constant 3.000000e+01 : f32
    %mul3A_49 = vector.broadcast %mul3A_48 : f32 to vector<512x1xf32>
    %mul3A_50 = arith.mulf %mul3A_49, %sub3A_47 : vector<512x1xf32>
    %sub3A_51 = arith.subf %add3A_44, %mul3A_50 : vector<512x1xf32>
    %reduce_sum3A_52 = vector.shape_cast %sub3A_51 : vector<512x1xf32> to vector<1x512x1xf32>
    %reduce_sum3A_53 = arith.constant dense<0.000000e+00> : vector<1xf32>
    %reduce_sum3A_54 = vector.multi_reduction <add>, %reduce_sum3A_52, %reduce_sum3A_53 [1, 2] : vector<1x512x1xf32> to vector<1xf32>
    %reduce_sum3A_55 = vector.shape_cast %reduce_sum3A_54 : vector<1xf32> to vector<1x1x1xf32>
    %reduce_sum3A_56 = vector.extract %reduce_sum3A_55[0, 0, 0] : f32 from vector<1x1x1xf32>
    %sub3A_57 = arith.subf %broadcast_in_dim3A_17, %broadcast_in_dim3A : vector<512x1xf32>
    %mul3A_58 = arith.constant 43.2808495 : f32
    %mul3A_59 = vector.broadcast %mul3A_58 : f32 to vector<512x1xf32>
    %mul3A_60 = arith.mulf %sub3A_57, %mul3A_59 : vector<512x1xf32>
    %exp23A_61 = math.exp2 %mul3A_60 : vector<512x1xf32>
    %sub3A_62 = arith.constant 3.500000e-01 : f32
    %sub3A_63 = vector.broadcast %sub3A_62 : f32 to vector<512x1xf32>
    %sub3A_64 = arith.subf %broadcast_in_dim3A_17, %sub3A_63 : vector<512x1xf32>
    %sub3A_65 = arith.subf %sub3A_64, %broadcast_in_dim3A : vector<512x1xf32>
    %mul3A_66 = arith.constant 43.2808495 : f32
    %mul3A_67 = vector.broadcast %mul3A_66 : f32 to vector<512x1xf32>
    %mul3A_68 = arith.mulf %sub3A_65, %mul3A_67 : vector<512x1xf32>
    %exp23A_69 = math.exp2 %mul3A_68 : vector<512x1xf32>
    %sub3A_70 = arith.subf %broadcast_in_dim3A_11, %exp23A_61 : vector<512x1xf32>
    %add3A_71 = arith.addf %sub3A_70, %exp23A_69 : vector<512x1xf32>
    %mul3A_72 = arith.constant 3.000000e+01 : f32
    %mul3A_73 = vector.broadcast %mul3A_72 : f32 to vector<512x1xf32>
    %mul3A_74 = arith.mulf %mul3A_73, %broadcast_in_dim3A : vector<512x1xf32>
    %log3A_75 = math.log %add3A_71 : vector<512x1xf32>
    %add3A_76 = arith.addf %mul3A_74, %log3A_75 : vector<512x1xf32>
    %sub3A_77 = arith.constant 3.500000e-01 : f32
    %sub3A_78 = vector.broadcast %sub3A_77 : f32 to vector<512x1xf32>
    %sub3A_79 = arith.subf %broadcast_in_dim3A_17, %sub3A_78 : vector<512x1xf32>
    %mul3A_80 = arith.constant 3.000000e+01 : f32
    %mul3A_81 = vector.broadcast %mul3A_80 : f32 to vector<512x1xf32>
    %mul3A_82 = arith.mulf %mul3A_81, %sub3A_79 : vector<512x1xf32>
    %sub3A_83 = arith.subf %add3A_76, %mul3A_82 : vector<512x1xf32>
    %reduce_sum3A_84 = vector.shape_cast %sub3A_83 : vector<512x1xf32> to vector<1x512x1xf32>
    %reduce_sum3A_85 = arith.constant dense<0.000000e+00> : vector<1xf32>
    %reduce_sum3A_86 = vector.multi_reduction <add>, %reduce_sum3A_84, %reduce_sum3A_85 [1, 2] : vector<1x512x1xf32> to vector<1xf32>
    %reduce_sum3A_87 = vector.shape_cast %reduce_sum3A_86 : vector<1xf32> to vector<1x1x1xf32>
    %reduce_sum3A_88 = vector.extract %reduce_sum3A_87[0, 0, 0] : f32 from vector<1x1x1xf32>
    %add3A_89 = arith.addf %reduce_sum3A_56, %reduce_sum3A_88 : f32
    %mul3A_90 = arith.constant 9.765625E-4 : f32
    %mul3A_91 = arith.mulf %add3A_89, %mul3A_90 : f32
    %swap3A = arith.constant 0 : index
    %swap3A_92 = arith.constant 0 : index
    %swap3A_93 = memref.load %arg6[%swap3A, %swap3A_92] : memref<1x1xf32, #tpu.memory_space<smem>>
    memref.store %mul3A_91, %arg6[%swap3A, %swap3A_92] : memref<1x1xf32, #tpu.memory_space<smem>>
    return
  }
}

</mosaic_0001>

<sc_bundles>
// kernel: kernel.5.cloned.1.call-start
scs
__scs_entry_jumppad:
0x0: {  	(pc) =	sbr.rel $0x88, $3  }
0x1: {  	(tag) =	ssettag $0x0;
	lr =	simm.s32 $0x1  }
0x2: {  	[smem:$0x3F9F] =	sst lr;
	_ =	strace $0xD0000000  }
0x3: {  	_ = 	snop  }
0x4: {  	_ = 	snop  }
0x5: {  	_ = 	snop  }
0x6: {  	_ = 	snop  }
0x7: {  	_ = 	snop  }
__scs_overlays_trampoline_lowered:
0x8: {  	[smem:$0x3FAE] =	sst s0  }
0x9: {  	[smem:$0x3FAF] =	sst s1  }
0xa: {  	[smem:$0x3FB0] =	sst s2  }
0xb: {  	[smem:$0x3FB1] =	sst s3  }
0xc: {  	[smem:$0x3FB2] =	sst s4  }
0xd: {  	[smem:$0x3FB3] =	sst s5  }
0xe: {  	[smem:$0x3FB4] =	sst s6  }
0xf: {  	[smem:$0x3FB5] =	sst s7  }
0x10: {  	[smem:$0x3FB6] =	sst s8  }
0x11: {  	[smem:$0x3FB7] =	sst s9;
	s0 =	simm.s32 @!p0 $0x0  }
0x12: {  	s1 =	sld [smem:$0x3F9D];
	s0 =	simm.s32 @p0 $0x1  }
0x13: {  	[smem:$0x3FB8] =	sst s0;
	s0 =	simm.s32 @!p1 $0x0  }
0x14: {  	s2 =	sld [smem:$0x3F9C];
	s0 =	simm.s32 @p1 $0x1  }
0x15: {  	[smem:$0x3FB9] =	sst s0;
	s0 =	simm.s32 @!p2 $0x0  }
0x16: {  	s3 =	sld [smem:$0x3FDB];
	s0 =	simm.s32 @p2 $0x1  }
0x17: {  	s4 =	simm.s32 $0x1BF5;
	[smem:$0x3FBB] =	sst s0  }
0x18: {  	s0 =	sld [smem:$0x3F9E];
	_ =	swait.ge [sflag:s4], $0x0  }
0x19: {  	s7 =	sld [smem:$0x3F9F]  }
0x1a: {  	s8 =	sadd.s32 $0xFFFFE003, lr  }
0x1b: {  	s9 =	sadd.s32 $0xFFFFFEF7, lr;
	s5 =	simm.s32 $0xFFFFFFFF;
	p2 =	slt.u32 s8, $0xFFFFF086  }
0x1c: {  	p1 =	slt.u32 s9, $0xF7A;
	s5 =	simm.s32 @!p2 $0x0  }
0x1d: {  	s5 =	simm.s32 @p1 $0x1;
	p0 =	seq.s32 s7, s2  }
0x1e: {  	s7 =	smul.u32 @!p0 $0xF7A, s2;
	p2 =	seq.s32 @!p0 s5, $0x0  }
0x1f: {  	s9 =	smul.u32 $0xF7A, s1;
	s8 =	simm.s32 @!p0 $0x1BF5;
	p2 =	por !p2, p0  }
0x20: {  	[sflag:s8] =	ssyncset.s32 @!p0 $0xFFFFF086;
	s6 =	sadd.s32 @!p0 s3, s7;
	s7 =	simm.s32 @!p0 $0x108  }
0x21: {  	s3 =	sadd.s32 s3, s9;
	s6 =	sadd.s32 @!p0 $0x88, s6;
	s7 =	simm.s32 @p2 $0x1082  }
0x22: {  	[simem:s7], [sflag:s8] =	dma.local @!p0 [hbm:s6], $0xF7A  }
0x23: {  	s9 =	sor.u32 $0xD0000000, s2;
	s6 =	simm.s32 $0x108;
	_ =	swait.ge @!p0 [sflag:s8], $0x0  }
0x24: {  	s3 =	sadd.s32 $0x88, s3;
	s6 =	simm.s32 @!p1 $0x1082;
	[sflag:s4] =	ssyncset.s32 $0xFFFFF086  }
0x25: {  	[simem:s6], [sflag:s4] =	dma.local [hbm:s3], $0xF7A  }
0x26: {  	[smem:$0x3F9F] =	sst s1;
	(tag) =	ssettag s2;
	_ =	strace s9  }
0x27: {  	s1 =	sld [smem:$0x3FAF]  }
0x28: {  	s2 =	sld [smem:$0x3FB0]  }
0x29: {  	s4 =	sld [smem:$0x3FB2]  }
0x2a: {  	p0 =	seq.s32 s5, $0x0;
	s5 =	sld [smem:$0x3FB3]  }
0x2b: {  	s6 =	sld [smem:$0x3FB4]  }
0x2c: {  	s7 =	sld [smem:$0x3FB5]  }
0x2d: {  	s3 =	simm.s32 $0x108;
	s8 =	sld [smem:$0x3FB6]  }
0x2e: {  	s3 =	simm.s32 @!p0 $0x1082;
	s9 =	sld [smem:$0x3FB7]  }
0x2f: {  	lr =	sadd.s32 s0, s3;
	s0 =	sld [smem:$0x3FAE]  }
0x30: {  	s3 =	sld [smem:$0x3FB1]  }
0x31: {  	[smem:$0x3FBA] =	sst s10  }
0x32: {  	s10 =	sld [smem:$0x3FB8];
	_ =	sdelay $0x3  }
0x33: {  	p0 =	seq.s32 s10, $0x1;
	s10 =	sld [smem:$0x3FBA];
	_ =	sdelay $0x3  }
0x34: {  	[smem:$0x3FBA] =	sst s10  }
0x35: {  	s10 =	sld [smem:$0x3FB9];
	_ =	sdelay $0x3  }
0x36: {  	p1 =	seq.s32 s10, $0x1;
	s10 =	sld [smem:$0x3FBA];
	_ =	sdelay $0x3  }
0x37: {  	[smem:$0x3FBA] =	sst s10  }
0x38: {  	s10 =	sld [smem:$0x3FBB]  }
0x39: {  	_ = 	snop;
	(pc) =	sbr.ind lr, $3  }
0x3a: {  	_ = 	snop  }
0x3b: {  	_ = 	snop  }
0x3c: {  	p2 =	seq.s32 s10, $0x1;
	s10 =	sld [smem:$0x3FBA]  }
0x3d: {  	_ =	shalt  }
0x3e: {  	_ =	shalt  }
0x3f: {  	_ =	shalt  }
0x40: {  	_ =	shalt  }
0x41: {  	_ =	shalt  }
0x42: {  	_ =	shalt  }
0x43: {  	_ =	shalt  }
0x44: {  	_ =	shalt  }
0x45: {  	_ =	shalt  }
0x46: {  	_ =	shalt  }
0x47: {  	_ =	shalt  }
0x48: {  	_ =	shalt  }
0x49: {  	_ =	shalt  }
0x4a: {  	_ =	shalt  }
0x4b: {  	_ =	shalt  }
0x4c: {  	_ =	shalt  }
0x4d: {  	_ =	shalt  }
0x4e: {  	_ =	shalt  }
0x4f: {  	_ =	shalt  }
0x50: {  	_ =	shalt  }
0x51: {  	_ =	shalt  }
0x52: {  	_ =	shalt  }
0x53: {  	_ =	shalt  }
0x54: {  	_ =	shalt  }
0x55: {  	_ =	shalt  }
0x56: {  	_ =	shalt  }
0x57: {  	_ =	shalt  }
0x58: {  	_ =	shalt  }
0x59: {  	_ =	shalt  }
0x5a: {  	_ =	shalt  }
0x5b: {  	_ =	shalt  }
0x5c: {  	_ =	shalt  }
0x5d: {  	_ =	shalt  }
0x5e: {  	_ =	shalt  }
0x5f: {  	_ =	shalt  }
0x60: {  	_ =	shalt  }
0x61: {  	_ =	shalt  }
0x62: {  	_ =	shalt  }
0x63: {  	_ =	shalt  }
0x64: {  	_ =	shalt  }
0x65: {  	_ =	shalt  }
0x66: {  	_ =	shalt  }
0x67: {  	_ =	shalt  }
0x68: {  	_ =	shalt  }
0x69: {  	_ =	shalt  }
0x6a: {  	_ =	shalt  }
0x6b: {  	_ =	shalt  }
0x6c: {  	_ =	shalt  }
0x6d: {  	_ =	shalt  }
0x6e: {  	_ =	shalt  }
0x6f: {  	_ =	shalt  }
0x70: {  	_ =	shalt  }
0x71: {  	_ =	shalt  }
0x72: {  	_ =	shalt  }
0x73: {  	_ =	shalt  }
0x74: {  	_ =	shalt  }
0x75: {  	_ =	shalt  }
0x76: {  	_ =	shalt  }
0x77: {  	_ =	shalt  }
0x78: {  	_ =	shalt  }
0x79: {  	_ =	shalt  }
0x7a: {  	_ =	shalt  }
0x7b: {  	_ =	shalt  }
0x7c: {  	_ =	shalt  }
0x7d: {  	_ =	shalt  }
0x7e: {  	_ =	shalt  }
0x7f: {  	_ =	shalt  }
0x80: {  	_ =	shalt  }
0x81: {  	_ =	shalt  }
0x82: {  	_ =	shalt  }
0x83: {  	_ =	shalt  }
0x84: {  	_ =	shalt  }
0x85: {  	_ =	shalt  }
0x86: {  	_ =	shalt  }
0x87: {  	_ =	shalt  }
.Lfunc_end0:
.L_simem_size_0:
called_computation_lowered:
.L_overlay_start_0:
0x88: {  	s2 =	sld [smem:$0x3FD9]  }
0x89: {  	s3 =	sld [smem:$0x3FFE];
	_ =	sdelay $0x1  }
0x8a: {  	s1 =	srdreg.scid  }
0x8b: {  	s0 =	sand.u32 $0x1, s1  }
0x8c: {  	s16 =	sshll.u32 s0, $0xA;
	s2 =	sadd.s32 s3, s2  }
0x8d: {  	s2 =	sadd.s32 s2, s16  }
0x8e: {  	[smem:$0x3FC6] =	sst s2  }
0x8f: {  	_ = 	snop  }
0x90: {  	(tm) =	ssettm $0x1  }
0x91: {  	s17 =	sld [smem:$0x3FFB];
	_ =	sdelay $0x3  }
0x92: {  	_ =	strace s17  }
0x93: {  	s2 =	sld [smem:$0x3FFC];
	_ =	sdelay $0x3  }
0x94: {  	_ =	strace s2  }
0x95: {  	s2 =	sld [smem:$0x3FFD];
	_ =	sdelay $0x3  }
0x96: {  	_ =	strace s2  }
0x97: {  	_ =	strace $0x8FFFFFFF  }
0x98: {  	s18 =	sld [smem:$0x3FDB];
	_ =	sdelay $0x1  }
0x99: {  	s19 =	simm.s32 $_scs_section_size  }
0x9a: {  	s4 =	simm.s32 $_size__tile_overlayer_lowered;
	s5 =	simm.s32 $_tile_overlayer_lowered  }
0x9b: {  	s22 =	simm.s32 $0x1BFF;
	s21 =	sshll.u32 s5, $0x1;
	s2 =	sadd.s32 s19, s18  }
0x9c: {  	s6 =	simm.s32 $0x0;
	s20 =	sshll.u32 s4, $0x1;
	s4 =	sadd.s32 s21, s2  }
0x9d: {  	[timem:s6], [sflag:s22] =	dma.local [hbm:s4], s20  }
0x9e: {  	_ =	swait.ge [sflag:s22], s20  }
0x9f: {  	s3 =	ssub.s32 $0x0, s20;
	[sflag:s22] =	ssyncset.done $0x0  }
0xa0: {  	[sflag:s22] =	ssyncadd.s32 s3;
	_ =	sdelay $0x1  }
0xa1: {  	s23 =	simm.s32 $0x1B8B  }
0xa2: {  	_ =	swait.ge [sflag:s23], $0x1  }
0xa3: {  	[sflag:s23] =	ssyncset.done $0x0  }
0xa4: {  	s25 =	simm.s32 $0x1B8E;
	s24 =	sld [smem:$0x3FFE];
	[sflag:s23] =	ssyncadd.s32 $0xFFFFFFFF  }
0xa5: {  	s26 =	simm.s32 $execute0_lowered;
	[smem:$0x3FD2] =	sst s25  }
0xa6: {  	s4 =	sshll.u32 s26, $0x1;
	_ =	strace $0x80000046;
	[dreg:$0x1] =	wrdreg $0xFFFFFFFF  }
0xa7: {  	s28 =	simm.s32 $_size_execute0_lowered;
	s2 =	sadd.s32 s2, s4;
	[dreg:$0x0] =	wrdreg $0x0  }
0xa8: {  	s4 =	sshll.u32 s28, $0x1;
	[dreg:$0x2] =	wrdreg s2  }
0xa9: {  	[dreg:$0x3] =	wrdreg s4  }
0xaa: {  	[dreg:$0x4] =	wrdreg $0xC0  }
0xab: {  	_ =	task [dreg:s6], $0x5FFFF  }
0xac: {  	[dreg:$0x1] =	wrdreg $0xFFFFFFFF  }
0xad: {  	[dreg:$0x0] =	wrdreg $0x60  }
0xae: {  	[dreg:$0x2] =	wrdreg s24  }
0xaf: {  	[dreg:$0x3] =	wrdreg $0x9  }
0xb0: {  	_ =	task.clear_ibuf [dreg:s6], $0x4FFFF;
	_ =	strace $0x90000046  }
0xb1: {  	s29 =	simm.s32 $0x9;
	_ =	strace $0x80000048  }
0xb2: {  	_ =	swait.ge [sflag:s29], $0x1  }
0xb3: {  	[sflag:s29] =	ssyncadd.s32 $0xFFFFFFFF  }
0xb4: {  	_ =	strace $0x90000048  }
0xb5: {  	_ =	sfence  }
0xb6: {  	s30 =	sld [smem:$0x0];
	_ =	sdelay $0x2  }
0xb7: {  	s31 =	sshll.u32 s1, $0xD;
	s1 =	sshrl.u32 s1, $0x2  }
0xb8: {  	s3 =	sand.u32 $0x4000, s31;
	s1 =	sadd.s32 s1, s30  }
0xb9: {  	s0 =	sor.u32 s3, s0;
	s1 =	sshll.u32 s1, $0x11  }
0xba: {  	s0 =	sor.u32 s1, s0  }
0xbb: {  	s0 =	sadd.s32 $0x8F2B, s0  }
0xbc: {  	[sflag:s0] =	ssyncadd.remote.s32 $0x1  }
0xbd: {  	_ =	sfence.sel $0xFFFF  }
0xbe: {  	[dreg:$0x0] =	wrdreg $0xFFFFFFFF;
	(pc) =	sbr.abs _section_cstart, $3  }
0xbf: {  	[dreg:$0x1] =	wrdreg $0xFFFFFFFF  }
0xc0: {  	_ =	task.clear_ibuf [dreg:s6], $0x2FFFF;
	_ =	strace $0x9FFFFFFF  }
0xc1: {  	(tm) =	ssettm $0x7FFFFFFF  }
tec
execute0_lowered:
.L_overlay_start_1:
0x0: {  	(tag) =	ssettag $0x1  }
0x1: {  	s0 =	rddreg [dreg:$0x0];
	s1 =	srdreg.scid;
	s2 =	simm.s32 $0x0  }
0x2: {  	s3 =	stileid.u32;
	s20 =	simm.s32 $0x4;
	s29 =	simm.s32 $0x5  }
0x3: {  	s1 =	sand.u32 $0x1, s1;
	[smem:$0x7FF] =	sst s2;
	s3 =	sshll.u32 s3, $0x5  }
0x4: {  	s9 =	sadd.s32 $0x1255400, s0;
	s4 =	sshll.u32 s1, $0x4;
	_ =	strace $0x80000047  }
0x5: {  	s1 =	ssub.s32 $0x2, s1;
	s4 =	sor.u32 s4, s3;
	s3 =	sadd.s32 $0xC39400, s0  }
0x6: {  	s5 =	sshrl.u32 s1, $0x1;
	s6 =	sshrl.u32 s4, $0x3;
	s8 =	sshll.u32 s4, $0x4  }
0x7: {  	s1 =	ssub.s32 s1, s5;
	s4 =	smul.u32 $0xC3800, s6;
	s0 =	sadd.s32 s8, s0  }
0x8: {  	s10 =	sor.u32 $0x1, s6;
	s8 =	sadd.s32 s9, s8;
	s19 =	smax.u32 s1, $0x1  }
0x9: {  	[dreg:$0x2] =	wrdreg s8;
	s26 =	sshll.u32 s10, $0x7;
	s16 =	sadd.s32 $0x1257400, s0  }
0xa: {  	s17 =	sadd.s32 $0x1259400, s0;
	s18 =	sadd.s32 $0x125B400, s0;
	s0 =	simm.s32 $0x0  }
0xb: {  	s7 =	sshrl.u32 s4, $0x3;
	s5 =	sadd.s32 $0x8000, s4;
	s8 =	sadd.s32 s9, s26  }
0xc: {  	s26 =	simm.s32 $0x3;
	s6 =	sadd.s32 s3, s7;
	s7 =	smul.u32 $0xC3800, s10  }
0xd: {  	s11 =	sshrl.u32 s5, $0x3;
	[dreg:$0x5] =	wrdreg s8;
	s24 =	sadd.s32 $0x18000, s6  }
0xe: {  	s25 =	sadd.s32 s3, s11;
	[dreg:$0x3] =	wrdreg s24;
	s28 =	sshrl.u32 s7, $0x3  }
0xf: {  	[dreg:$0x4] =	wrdreg s25;
	s11 =	sadd.s32 $0x8000, s7;
	s13 =	sadd.s32 s3, s28  }
0x10: {  	s24 =	simm.s32 $0x1;
	s30 =	sshrl.u32 s11, $0x3;
	s31 =	sadd.s32 $0x18000, s13  }
0x11: {  	v0 =	vlaneseq.u32;
	s25 =	simm.s32 $0x2;
	s15 =	sadd.s32 s3, s30;
	[dreg:$0x6] =	wrdreg s31  }
.LBB2_1:
0x12: {  	s1 =	rddreg [dreg:$0x2]  }
0x13: {  	[tilespmem:s2], [sflag:$0x4] =	stream.linear.gather [hbm4b:s1+s2], $0x400, $0x38;
	[tilespmem:$0x15400] =	vst v63  }
0x14: {  	_ =	swait.ge [sflag:s20], $0x400  }
0x15: {  	[sflag:s20] =	ssyncset.done $0x0  }
0x16: {  	[sflag:s20] =	ssyncadd.s32 $0xFFFFFC00  }
0x17: {  	v6 =	vld [tilespmem:$0x0]  }
0x18: {  	v5 =	vld [tilespmem:$0x80]  }
0x19: {  	v4 =	vld [tilespmem:$0x100]  }
0x1a: {  	v7 =	vld [tilespmem:$0x180]  }
0x1b: {  	v33 =	vimm.f32 $0.0e+00;
	v9 =	vimm.f32 $-Inf;
	v25 =	vimm.f32 $-Inf;
	v3 =	vld [tilespmem:$0x200]  }
0x1c: {  	v21 =	vimm.f32 $-Inf;
	v20 =	vimm.f32 $-Inf;
	v18 =	vimm.f32 $-Inf;
	v2 =	vld [tilespmem:$0x280]  }
0x1d: {  	s22 =	simm.s32 $0x400;
	v24 =	vimm.f32 $-Inf;
	v19 =	vimm.f32 $-Inf;
	v10 =	vimm.f32 $-Inf;
	s8 =	simm.s32 $0x10400;
	v1 =	vld [tilespmem:$0x300]  }
0x1e: {  	v22 =	vimm.f32 $-Inf;
	v34 =	vimm.f32 $0.0e+00;
	v36 =	vimm.f32 $0.0e+00;
	v8 =	vld [tilespmem:$0x380];
	[tilespmem:s22], [sflag:$0x1] =	stream.linear.gather [hbm4b:s6+s2], $0x8000, $0x38  }
0x1f: {  	v35 =	vimm.f32 $0.0e+00;
	v37 =	vimm.f32 $0.0e+00;
	v38 =	vimm.f32 $0.0e+00;
	s31 =	simm.s32 $0x8400;
	s28 =	simm.s32 $0x0;
	s23 =	rddreg [dreg:$0x3]  }
0x20: {  	v39 =	vimm.f32 $0.0e+00;
	v40 =	vimm.f32 $0.0e+00;
	v11 =	vimm.f32 $-Inf;
	[tilespmem:s8], [sflag:$0x3] =	stream.linear.gather [hbm4b:s23+s2], $0x3800, $0x38;
	[tilespmem:$0x15400] =	vst v63  }
0x21: {  	v12 =	vimm.f32 $-Inf;
	v13 =	vimm.f32 $-Inf;
	v14 =	vimm.f32 $-Inf;
	s21 =	simm.s32 $0x0;
	s1 =	simm.s32 $0x1000;
	s30 =	rddreg [dreg:$0x4]  }
0x22: {  	v15 =	vimm.f32 $-Inf;
	v16 =	vimm.f32 $-Inf;
	v17 =	vimm.f32 $-Inf;
	[tilespmem:s31], [sflag:$0x2] =	stream.linear.gather [hbm4b:s30+s2], $0x8000, $0x38;
	[tilespmem:$0x15400] =	vst v63  }
.LBB2_2:
0x23: {  	s8 =	simm.s32 $0x0  }
0x24: {  	s9 =	sand.u32 $0x7, s8  }
0x25: {  	_ =	swait.ge [sflag:s24], $0x8000;
	s9 =	sshll.u32 s9, $0x4  }
0x26: {  	[sflag:s24] =	ssyncset.done $0x0;
	s10 =	sand.u32 $0x70, s8;
	s9 =	sadd.s32 $0x0, s9  }
0x27: {  	s12 =	sand.u32 $0x7C00, s8;
	[sflag:s24] =	ssyncadd.s32 $0xFFFF8000;
	s9 =	sor.u32 $0x380, s9  }
0x28: {  	s22 =	sor.u32 s10, s12;
	v45 =	vld [tilespmem:s9+$0x400]  }
0x29: {  	v43 =	vld [tilespmem:s22+$0x400]  }
0x2a: {  	v42 =	vld [tilespmem:s22+$0x480]  }
0x2b: {  	s23 =	simm.s32 $0x1;
	v32 =	vmov v9;
	v41 =	vmov v17;
	v29 =	vmov v16;
	v26 =	vld [tilespmem:s22+$0x500]  }
0x2c: {  	s30 =	simm.s32 $0x10;
	v30 =	vmovc v15;
	v31 =	vmovc v14;
	v27 =	vmov v13;
	v28 =	vmov v12;
	v23 =	vmov v11;
	s10 =	sand.u32 $0x7, s23;
	v44 =	vld [tilespmem:s22+$0x580];
	s9 =	simm.s32 $0x20  }
.LBB2_3:
0x2d: {  	p0 =	sne.s32 s9, $0xFF0;
	s10 =	sshll.u32 s10, $0x4;
	v46 =	vld [tilespmem:s22+$0x600];
	v32 =	vmax.f32 v32, v45;
	s8 =	sadd.s32 $0x80, s8  }
0x2e: {  	s12 =	sand.u32 $0x70, s30;
	s10 =	sadd.s32 s10, s8;
	s30 =	sand.u32 $0x7C00, s8;
	v41 =	vmax.f32 v41, v43;
	v47 =	vld [tilespmem:s22+$0x680]  }
0x2f: {  	s10 =	sor.u32 $0x380, s10;
	v29 =	vmax.f32 v29, v42;
	v48 =	vld [tilespmem:s22+$0x700];
	s22 =	sor.u32 s12, s30;
	s30 =	smov.u32 s9  }
.Ltmp0:
0x30: {  	v45 =	vld [tilespmem:s10+$0x400];
	v30 =	vmax.f32 v30, v26;
	(pc) =	sbr.rel @p0 .LBB2_3-.Ltmp0, $4  }
0x31: {  	v43 =	vld [tilespmem:s22+$0x400];
	v31 =	vmax.f32 v31, v44  }
0x32: {  	v42 =	vld [tilespmem:s22+$0x480];
	v27 =	vmax.f32 v27, v46  }
0x33: {  	s23 =	sadd.s32 $0x1, s23;
	v26 =	vld [tilespmem:s22+$0x500];
	v28 =	vmax.f32 v28, v47  }
0x34: {  	s9 =	sadd.s32 $0x10, s9;
	s10 =	sand.u32 $0x7, s23;
	v44 =	vld [tilespmem:s22+$0x580];
	v23 =	vmax.f32 v23, v48  }
0x35: {  	s9 =	sshll.u32 s10, $0x4;
	v46 =	vld [tilespmem:s22+$0x600];
	s8 =	sadd.s32 $0x80, s8  }
0x36: {  	v47 =	vld [tilespmem:s22+$0x680];
	s9 =	sadd.s32 s9, s8  }
0x37: {  	s14 =	sand.u32 $0x70, s30;
	v48 =	vld [tilespmem:s22+$0x700];
	s8 =	sand.u32 $0x7C00, s8;
	s9 =	sor.u32 $0x380, s9  }
0x38: {  	s8 =	sor.u32 s14, s8;
	v49 =	vld [tilespmem:s9+$0x400]  }
0x39: {  	v50 =	vld [tilespmem:s8+$0x400]  }
0x3a: {  	v51 =	vld [tilespmem:s8+$0x480]  }
0x3b: {  	v52 =	vld [tilespmem:s8+$0x500]  }
0x3c: {  	v55 =	vld [tilespmem:s8+$0x580]  }
0x3d: {  	v56 =	vld [tilespmem:s8+$0x600]  }
0x3e: {  	v32 =	vmax.f32 v32, v45;
	v41 =	vmax.f32 v41, v43;
	v42 =	vmax.f32 v29, v42;
	v57 =	vld [tilespmem:s8+$0x680]  }
0x3f: {  	v26 =	vmax.f32 v30, v26;
	v59 =	vld [tilespmem:s8+$0x700];
	v31 =	vmax.f32 v31, v44;
	v27 =	vmax.f32 v27, v46  }
0x40: {  	v28 =	vmax.f32 v28, v47;
	v58 =	vmax.f32 v23, v48;
	v29 =	vmax.f32 v41, v50  }
0x41: {  	v30 =	vmax.f32 v42, v51;
	v23 =	vmax.f32 v32, v49;
	v32 =	vmax.f32 v26, v52  }
0x42: {  	v31 =	vmax.f32 v31, v55;
	v26 =	vmax.f32 v27, v56;
	v17 =	vsub.f32 v17, v29  }
0x43: {  	v27 =	vmax.f32 v28, v57;
	v16 =	vsub.f32 v16, v30;
	v15 =	vsub.f32 v15, v32  }
0x44: {  	v28 =	vmax.f32 v58, v59;
	v14 =	vsub.f32 v14, v31;
	v13 =	vsub.f32 v13, v26  }
0x45: {  	v12 =	vsub.f32 v12, v27;
	v17 =	vmul.f32 $3.000000000e+01, v17;
	v16 =	vmul.f32 $3.000000000e+01, v16  }
0x46: {  	v11 =	vsub.f32 v11, v28;
	v15 =	vmul.f32 $3.000000000e+01, v15;
	v14 =	vmul.f32 $3.000000000e+01, v14  }
0x47: {  	v9 =	vsub.f32 v9, v23;
	v13 =	vmul.f32 $3.000000000e+01, v13;
	v12 =	vmul.f32 $3.000000000e+01, v12  }
0x48: {  	v11 =	vmul.f32 $3.000000000e+01, v11;
	v17 =	vmul.f32 $1.442695020e+00, v17  }
0x49: {  	v9 =	vmul.f32 $3.000000000e+01, v9;
	v16 =	vmul.f32 $1.442695020e+00, v16  }
0x4a: {  	s22 =	simm.s32 $0x0;
	v15 =	vmul.f32 $1.442695020e+00, v15;
	(erf) = vpow2.f32 v17  }
0x4b: {  	s23 =	sand.u32 $0x70, s22;
	s31 =	sand.u32 $0x7C00, s22;
	v14 =	vmul.f32 $1.442695020e+00, v14;
	(erf) = vpow2.f32 v16  }
0x4c: {  	s9 =	sor.u32 s23, s31;
	v13 =	vmul.f32 $1.442695020e+00, v13;
	(erf) = vpow2.f32 v15  }
0x4d: {  	v42 =	vld [tilespmem:s9+$0x680];
	v12 =	vmul.f32 $1.442695020e+00, v12;
	(erf) = vpow2.f32 v14  }
0x4e: {  	v52 =	vld [tilespmem:s9+$0x400];
	v11 =	vmul.f32 $1.442695020e+00, v11;
	(erf) = vpow2.f32 v13  }
0x4f: {  	v9 =	vmul.f32 $1.442695020e+00, v9;
	(erf) = vpow2.f32 v12  }
0x50: {  	(erf) = vpow2.f32 v11  }
0x51: {  	(erf) = vpow2.f32 v9;
	_ =	sdelay $0x1  }
0x52: {  	v62 =	vsub.f32 v42, v27;
	v56 =	vsub.f32 v52, v29;
	v9 =	vpop (erf)  }
0x53: {  	s12 =	sadd.s32 $0x0, s28;
	v11 =	vpop (erf)  }
0x54: {  	v43 =	vor.u32 s12, v0;
	s8 =	sand.u32 $0x7, s22;
	v17 =	vld [tilespmem:s9+$0x500];
	v44 =	vmul.f32 $3.000000000e+01, v62;
	v58 =	vmul.f32 $3.000000000e+01, v56;
	v12 =	vpop (erf)  }
0x55: {  	vm1 =	veq.s32 v43, v1;
	vm0 =	veq.s32 v43, v6;
	vm2 =	veq.s32 v43, v3;
	s8 =	sshll.u32 s8, $0x4;
	v14 =	vld [tilespmem:s9+$0x600];
	v13 =	vpop (erf)  }
0x56: {  	vm3 =	veq.s32 v43, v5;
	s8 =	sadd.s32 $0x0, s8;
	v16 =	vld [tilespmem:s9+$0x700];
	v44 =	vmul.f32 $1.442695020e+00, v44;
	v62 =	vmul.f32 $1.442695020e+00, v58;
	v15 =	vpop (erf)  }
0x57: {  	vm4 =	veq.s32 v43, v8;
	s8 =	sor.u32 $0x380, s8;
	v9 =	vmul.f32 v9, v40;
	v39 =	vmul.f32 v11, v39;
	v11 =	vpop (erf)  }
0x58: {  	vm5 =	veq.s32 v43, v4;
	v41 =	vmul.f32 v12, v38;
	v35 =	vmul.f32 v15, v35;
	v15 =	vld [tilespmem:s8+$0x400];
	v12 =	vpop (erf)  }
0x59: {  	v61 =	vsub.f32 v17, v32;
	v37 =	vmul.f32 v13, v37;
	v13 =	vld [tilespmem:s9+$0x480];
	v40 =	vmul.f32 v11, v36;
	v11 =	vpop (erf)  }
0x5a: {  	v59 =	vmax.f32 v19, v17;
	v33 =	vmul.f32 v11, v33;
	v11 =	vsub.f32 v14, v26  }
0x5b: {  	v17 =	vmax.f32 v20, v42;
	v60 =	vsub.f32 v16, v28;
	v16 =	vmax.f32 v21, v16  }
0x5c: {  	v19 =	vsel vm5, v59, v19;
	v16 =	vsel vm1, v16, v21;
	v11 =	vmul.f32 $3.000000000e+01, v11  }
0x5d: {  	v36 =	vmul.f32 v12, v34;
	v12 =	vld [tilespmem:s9+$0x580];
	v34 =	vmul.f32 $3.000000000e+01, v60;
	v54 =	vsub.f32 v15, v23  }
0x5e: {  	v38 =	vmul.f32 $3.000000000e+01, v61;
	v63 =	vsub.f32 v13, v30;
	v11 =	vmul.f32 $1.442695020e+00, v11  }
0x5f: {  	s14 =	simm.s32 $0x10;
	s22 =	simm.s32 $0x80;
	v34 =	vmul.f32 $1.442695020e+00, v34;
	v13 =	vmax.f32 v10, v13;
	v55 =	vmul.f32 $3.000000000e+01, v54  }
0x60: {  	s8 =	sand.u32 $0x70, s14;
	s9 =	sand.u32 $0x7C00, s22;
	v15 =	vmax.f32 v25, v15;
	(erf) = vpow2.f32 v11;
	v11 =	vmul.f32 $1.442695020e+00, v38  }
0x61: {  	s8 =	sor.u32 s8, s9;
	v10 =	vsel vm3, v13, v10;
	v13 =	vmax.f32 v18, v14;
	(erf) = vpow2.f32 v34  }
0x62: {  	v42 =	vld [tilespmem:s8+$0x580];
	v53 =	vsub.f32 v12, v31;
	v38 =	vmul.f32 $1.442695020e+00, v55;
	(erf) = vpow2.f32 v11  }
0x63: {  	vm3 =	veq.s32 v43, v7;
	v45 =	vmul.f32 $3.000000000e+01, v63;
	v60 =	vmax.f32 v24, v12  }
0x64: {  	v12 =	vmax.f32 v22, v52;
	v47 =	vmul.f32 $3.000000000e+01, v53;
	(erf) = vpow2.f32 v38  }
0x65: {  	s23 =	sadd.s32 $0x10, s28;
	v13 =	vsel vm2, v13, v18;
	v11 =	vsel vm4, v15, v25;
	v15 =	vsel vm0, v12, v22;
	v22 =	vld [tilespmem:s8+$0x480]  }
0x66: {  	v45 =	vmul.f32 $1.442695020e+00, v45;
	v34 =	vor.u32 s23, v0;
	v57 =	vmul.f32 $1.442695020e+00, v47  }
0x67: {  	s31 =	simm.s32 $0x1;
	v52 =	vsub.f32 v42, v31;
	vm0 =	veq.s32 v43, v2;
	v25 =	vld [tilespmem:s8+$0x600];
	vm2 =	veq.s32 v34, v6  }
0x68: {  	s9 =	sand.u32 $0x7, s31;
	v12 =	vld [tilespmem:s8+$0x680];
	vm1 =	veq.s32 v34, v3;
	vm4 =	veq.s32 v34, v5;
	(erf) = vpow2.f32 v57  }
0x69: {  	s9 =	sshll.u32 s9, $0x4;
	v46 =	vmul.f32 $3.000000000e+01, v52;
	v38 =	vld [tilespmem:s8+$0x700];
	v17 =	vsel vm0, v17, v20;
	(erf) = vpow2.f32 v45;
	v14 =	vpop (erf)  }
0x6a: {  	s9 =	sadd.s32 $0x80, s9;
	vm0 =	veq.s32 v34, v1;
	(erf) = vpow2.f32 v44;
	v44 =	vld [tilespmem:s8+$0x500];
	v54 =	vsub.f32 v22, v30;
	v18 =	vpop (erf)  }
0x6b: {  	s9 =	sor.u32 $0x380, s9;
	v45 =	vmul.f32 $1.442695020e+00, v46;
	v14 =	vadd.f32 v14, v35;
	v20 =	vadd.f32 v18, v36;
	v18 =	vpop (erf)  }
0x6c: {  	v35 =	vadd.f32 v18, v41;
	v18 =	vsel vm3, v60, v24;
	v24 =	vsub.f32 v25, v26;
	v41 =	vld [tilespmem:s9+$0x400]  }
0x6d: {  	v61 =	vsub.f32 v12, v27;
	v48 =	vmul.f32 $3.000000000e+01, v54;
	(erf) = vpow2.f32 v62;
	v21 =	vpop (erf)  }
0x6e: {  	v36 =	vadd.f32 v21, v33;
	v21 =	vsub.f32 v38, v28;
	v24 =	vmul.f32 $3.000000000e+01, v24  }
0x6f: {  	v63 =	vsub.f32 v44, v32;
	v44 =	vmax.f32 v19, v44;
	vm3 =	veq.s32 v34, v8  }
0x70: {  	v60 =	vmax.f32 v10, v22;
	v55 =	vmul.f32 $3.000000000e+01, v21;
	v21 =	vld [tilespmem:s8+$0x400];
	v24 =	vmul.f32 $1.442695020e+00, v24  }
0x71: {  	v53 =	vpop (erf);
	v56 =	vmul.f32 $3.000000000e+01, v63;
	v33 =	vmul.f32 $3.000000000e+01, v61;
	v59 =	vsub.f32 v41, v23  }
0x72: {  	v10 =	vsel vm4, v60, v10;
	v37 =	vadd.f32 v53, v37;
	v57 =	vpop (erf);
	(erf) = vpow2.f32 v24  }
0x73: {  	v39 =	vadd.f32 v57, v39;
	v61 =	vpop (erf);
	v58 =	vmul.f32 $1.442695020e+00, v55;
	v22 =	vmul.f32 $3.000000000e+01, v59  }
0x74: {  	v43 =	vmul.f32 $1.442695020e+00, v56;
	v33 =	vmul.f32 $1.442695020e+00, v33;
	v40 =	vadd.f32 v61, v40  }
0x75: {  	(erf) = vpow2.f32 v58;
	v62 =	vsub.f32 v21, v29;
	v63 =	vmul.f32 $1.442695020e+00, v22  }
0x76: {  	v24 =	vmax.f32 v11, v41;
	v41 =	vmul.f32 $1.442695020e+00, v48;
	(erf) = vpow2.f32 v43  }
0x77: {  	s30 =	simm.s32 $0x20;
	s22 =	simm.s32 $0x100;
	s23 =	simm.s32 $0x2;
	v43 =	vmax.f32 v18, v42;
	v42 =	vpop (erf);
	v22 =	vmul.f32 $3.000000000e+01, v62;
	(erf) = vpow2.f32 v63  }
.LBB2_5:
0x78: {  	s8 =	sand.u32 $0x7, s23;
	s9 =	sand.u32 $0x70, s30;
	s10 =	sand.u32 $0x7C00, s22;
	v11 =	vsel vm3, v24, v11;
	(erf) = vpow2.f32 v45;
	v9 =	vadd.f32 v42, v9  }
0x79: {  	s12 =	sadd.s32 s30, s28;
	v21 =	vmax.f32 v15, v21;
	v25 =	vmax.f32 v13, v25;
	s8 =	sshll.u32 s8, $0x4;
	s9 =	sor.u32 s9, s10;
	(erf) = vpow2.f32 v41  }
0x7a: {  	p0 =	sne.s32 s30, $0xFF0;
	s30 =	sadd.s32 $0x10, s30;
	v41 =	vor.u32 s12, v0;
	v15 =	vsel vm2, v21, v15;
	s8 =	sadd.s32 s8, s22;
	v42 =	vld [tilespmem:s9+$0x700];
	(erf) = vpow2.f32 v33  }
0x7b: {  	v13 =	vsel vm1, v25, v13;
	vm1 =	veq.s32 v34, v2;
	v21 =	vmax.f32 v17, v12;
	s8 =	sor.u32 $0x380, s8;
	v12 =	vld [tilespmem:s9+$0x680];
	v24 =	vpop (erf)  }
0x7c: {  	v17 =	vsel vm1, v21, v17;
	v25 =	vld [tilespmem:s9+$0x600];
	v14 =	vadd.f32 v24, v14;
	v24 =	vmax.f32 v16, v38  }
0x7d: {  	v46 =	vld [tilespmem:s9+$0x580];
	v16 =	vsel vm0, v24, v16;
	vm0 =	veq.s32 v41, v1  }
0x7e: {  	vm3 =	veq.s32 v34, v7;
	vm2 =	veq.s32 v41, v6;
	vm1 =	veq.s32 v41, v3;
	v47 =	vld [tilespmem:s9+$0x500];
	v21 =	vpop (erf)  }
0x7f: {  	vm5 =	veq.s32 v34, v4;
	vm4 =	veq.s32 v41, v5;
	v24 =	vld [tilespmem:s9+$0x480];
	v20 =	vadd.f32 v21, v20;
	v33 =	vpop (erf)  }
0x80: {  	v19 =	vsel vm5, v44, v19;
	v18 =	vsel vm3, v43, v18;
	v21 =	vld [tilespmem:s9+$0x400];
	v35 =	vadd.f32 v33, v35;
	v33 =	vpop (erf)  }
0x81: {  	vm3 =	veq.s32 v41, v8;
	v54 =	vsub.f32 v25, v26;
	v43 =	vld [tilespmem:s8+$0x400];
	v36 =	vadd.f32 v33, v36;
	v33 =	vpop (erf)  }
0x82: {  	v22 =	vmul.f32 $1.442695020e+00, v22;
	v55 =	vsub.f32 v42, v28;
	v44 =	vsub.f32 v12, v27;
	v45 =	vpop (erf)  }
0x83: {  	v49 =	vsub.f32 v46, v31;
	v48 =	vsub.f32 v47, v32;
	v50 =	vmul.f32 $3.000000000e+01, v54;
	v51 =	vpop (erf)  }
0x84: {  	v34 =	vmovc v41;
	v38 =	vmovc v42;
	v53 =	vmul.f32 $3.000000000e+01, v55;
	v52 =	vsub.f32 v24, v30;
	(erf) = vpow2.f32 v22  }
0x85: {  	v37 =	vadd.f32 v33, v37;
	v22 =	vmul.f32 $3.000000000e+01, v48;
	v41 =	vmul.f32 $1.442695020e+00, v50  }
0x86: {  	v33 =	vmul.f32 $3.000000000e+01, v44;
	v42 =	vmul.f32 $1.442695020e+00, v53;
	v44 =	vsub.f32 v43, v23  }
0x87: {  	v39 =	vadd.f32 v45, v39;
	v49 =	vmul.f32 $3.000000000e+01, v49;
	v48 =	vmul.f32 $3.000000000e+01, v52  }
0x88: {  	v50 =	vmax.f32 v10, v24;
	v52 =	vmul.f32 $1.442695020e+00, v22;
	(erf) = vpow2.f32 v41  }
.Ltmp1:
0x89: {  	v33 =	vmul.f32 $1.442695020e+00, v33;
	v24 =	vmax.f32 v11, v43;
	v22 =	vmul.f32 $3.000000000e+01, v44;
	(pc) =	sbr.rel @p0 .LBB2_5-.Ltmp1, $4  }
0x8a: {  	v43 =	vsub.f32 v21, v29;
	v45 =	vmul.f32 $1.442695020e+00, v49;
	v41 =	vmul.f32 $1.442695020e+00, v48  }
0x8b: {  	v40 =	vadd.f32 v51, v40;
	v48 =	vmul.f32 $1.442695020e+00, v22;
	(erf) = vpow2.f32 v42  }
0x8c: {  	v10 =	vsel vm4, v50, v10;
	v22 =	vmul.f32 $3.000000000e+01, v43;
	(erf) = vpow2.f32 v52  }
0x8d: {  	s23 =	sadd.s32 $0x1, s23;
	s22 =	sadd.s32 $0x80, s22;
	v44 =	vmax.f32 v19, v47;
	v43 =	vmax.f32 v18, v46;
	(erf) = vpow2.f32 v48;
	v42 =	vpop (erf)  }
0x8e: {  	(erf) = vpow2.f32 v45  }
0x8f: {  	v22 =	vmul.f32 $1.442695020e+00, v22;
	(erf) = vpow2.f32 v41  }
0x90: {  	(erf) = vpow2.f32 v33  }
0x91: {  	(erf) = vpow2.f32 v22;
	_ =	sdelay $0x1  }
0x92: {  	s30 =	sadd.s32 $0x1, s21;
	p0 =	seq.s32 s21, $0xB;
	v62 =	vpop (erf)  }
0x93: {  	s31 =	sshll.u32 @!p0 s30, $0x10;
	v63 =	vpop (erf)  }
0x94: {  	s8 =	sadd.s32 @!p0 s4, s31;
	v46 =	vpop (erf)  }
0x95: {  	s8 =	sshrl.u32 @!p0 s8, $0x3;
	v47 =	vpop (erf)  }
0x96: {  	s9 =	simm.s32 @!p0 $0x0;
	s10 =	simm.s32 @!p0 $0x400;
	s8 =	sadd.s32 @!p0 s3, s8;
	v48 =	vpop (erf)  }
0x97: {  	[tilespmem:s10], [sflag:$0x1] =	stream.linear.gather @!p0 [hbm4b:s8+s9], $0x8000, $0x38;
	v49 =	vpop (erf);
	[tilespmem:$0x15400] =	vst v63  }
0x98: {  	s8 =	simm.s32 $0x0;
	v50 =	vpop (erf)  }
0x99: {  	v52 =	vadd.f32 v42, v9;
	s22 =	sand.u32 $0x7, s8;
	v51 =	vpop (erf)  }
0x9a: {  	v9 =	vmax.f32 v13, v25;
	vm13 =	veq.s32 v34, v2;
	vm14 =	veq.s32 v34, v7;
	s9 =	sshll.u32 s22, $0x4;
	_ =	swait.ge [sflag:s25], $0x8000  }
0x9b: {  	vm15 =	veq.s32 v34, v4;
	v25 =	vsel vm1, v9, v13;
	v9 =	vmax.f32 v17, v12;
	s23 =	sand.u32 $0x70, s8;
	s9 =	sadd.s32 $0x0, s9;
	[sflag:s25] =	ssyncset.done $0x0  }
0x9c: {  	v19 =	vsel vm15, v44, v19;
	v33 =	vsel vm3, v24, v11;
	v11 =	vmax.f32 v15, v21;
	s12 =	sand.u32 $0x7C00, s8;
	s9 =	sor.u32 $0x380, s9;
	[sflag:s25] =	ssyncadd.s32 $0xFFFF8000  }
0x9d: {  	v21 =	vsel vm13, v9, v17;
	v22 =	vsel vm2, v11, v15;
	v11 =	vmax.f32 v16, v38;
	s21 =	sor.u32 s23, s12;
	v9 =	vld [tilespmem:s9+$0x8400]  }
0x9e: {  	v44 =	vmovc v29;
	v41 =	vadd.f32 v62, v14;
	v24 =	vsel vm0, v11, v16;
	v38 =	vadd.f32 v63, v20;
	v11 =	vld [tilespmem:s21+$0x8400]  }
0x9f: {  	v17 =	vmovc v30;
	v15 =	vmovc v26;
	v16 =	vmov v27;
	v42 =	vadd.f32 v46, v35;
	v34 =	vadd.f32 v47, v36;
	v12 =	vld [tilespmem:s21+$0x8480]  }
0xa0: {  	v14 =	vmovc v28;
	s22 =	simm.s32 $0x1;
	v20 =	vsel vm14, v43, v18;
	v36 =	vadd.f32 v48, v37;
	v37 =	vadd.f32 v49, v39;
	v13 =	vld [tilespmem:s21+$0x8500]  }
0xa1: {  	s23 =	simm.s32 $0x10;
	v43 =	vmovc v23;
	s10 =	sand.u32 $0x7, s22;
	v39 =	vmovc v32;
	v35 =	vadd.f32 v50, v40;
	v40 =	vmov v31;
	v18 =	vadd.f32 v51, v52;
	s9 =	simm.s32 $0x20;
	v45 =	vld [tilespmem:s21+$0x8580]  }
.LBB2_7:
0xa2: {  	p1 =	sne.s32 s9, $0xFF0;
	s10 =	sshll.u32 s10, $0x4;
	v46 =	vld [tilespmem:s21+$0x8600];
	v43 =	vmax.f32 v43, v9;
	s8 =	sadd.s32 $0x80, s8  }
0xa3: {  	s12 =	sand.u32 $0x70, s23;
	s10 =	sadd.s32 s10, s8;
	s23 =	sand.u32 $0x7C00, s8;
	v44 =	vmax.f32 v44, v11;
	v47 =	vld [tilespmem:s21+$0x8680]  }
0xa4: {  	s10 =	sor.u32 $0x380, s10;
	v17 =	vmax.f32 v17, v12;
	v48 =	vld [tilespmem:s21+$0x8700];
	s21 =	sor.u32 s12, s23;
	s23 =	smov.u32 s9  }
.Ltmp2:
0xa5: {  	v9 =	vld [tilespmem:s10+$0x8400];
	v39 =	vmax.f32 v39, v13;
	(pc) =	sbr.rel @p1 .LBB2_7-.Ltmp2, $4  }
0xa6: {  	v11 =	vld [tilespmem:s21+$0x8400];
	v40 =	vmax.f32 v40, v45  }
0xa7: {  	v12 =	vld [tilespmem:s21+$0x8480];
	v15 =	vmax.f32 v15, v46  }
0xa8: {  	s22 =	sadd.s32 $0x1, s22;
	v13 =	vld [tilespmem:s21+$0x8500];
	v16 =	vmax.f32 v16, v47  }
0xa9: {  	s9 =	sadd.s32 $0x10, s9;
	s10 =	sand.u32 $0x7, s22;
	v45 =	vld [tilespmem:s21+$0x8580];
	v14 =	vmax.f32 v14, v48  }
0xaa: {  	s9 =	sshll.u32 s10, $0x4;
	v46 =	vld [tilespmem:s21+$0x8600];
	s8 =	sadd.s32 $0x80, s8  }
0xab: {  	v47 =	vld [tilespmem:s21+$0x8680];
	s9 =	sadd.s32 s9, s8  }
0xac: {  	s14 =	sand.u32 $0x70, s23;
	v48 =	vld [tilespmem:s21+$0x8700];
	s8 =	sand.u32 $0x7C00, s8;
	s9 =	sor.u32 $0x380, s9  }
0xad: {  	s8 =	sor.u32 s14, s8;
	v49 =	vld [tilespmem:s9+$0x8400]  }
0xae: {  	v50 =	vld [tilespmem:s8+$0x8400]  }
0xaf: {  	v51 =	vld [tilespmem:s8+$0x8480]  }
0xb0: {  	v52 =	vld [tilespmem:s8+$0x8500]  }
0xb1: {  	v62 =	vld [tilespmem:s8+$0x8580]  }
0xb2: {  	v9 =	vmax.f32 v43, v9;
	v11 =	vmax.f32 v44, v11;
	v53 =	vld [tilespmem:s8+$0x8600]  }
0xb3: {  	v12 =	vmax.f32 v17, v12;
	v13 =	vmax.f32 v39, v13;
	v63 =	vmax.f32 v40, v45  }
0xb4: {  	v54 =	vmax.f32 v15, v46;
	v55 =	vmax.f32 v16, v47;
	v56 =	vmax.f32 v14, v48  }
0xb5: {  	v17 =	vmax.f32 v11, v50;
	v16 =	vmax.f32 v12, v51;
	v9 =	vmax.f32 v9, v49  }
0xb6: {  	v57 =	vld [tilespmem:s8+$0x8700];
	v15 =	vmax.f32 v13, v52;
	v14 =	vmax.f32 v63, v62;
	v12 =	vsub.f32 v29, v17  }
0xb7: {  	v11 =	vld [tilespmem:s8+$0x8680];
	v13 =	vmax.f32 v54, v53;
	v29 =	vsub.f32 v30, v16;
	v32 =	vsub.f32 v32, v15  }
0xb8: {  	v31 =	vsub.f32 v31, v14;
	v26 =	vsub.f32 v26, v13;
	v30 =	vmul.f32 $3.000000000e+01, v12  }
0xb9: {  	v23 =	vsub.f32 v23, v9;
	v29 =	vmul.f32 $3.000000000e+01, v29;
	v32 =	vmul.f32 $3.000000000e+01, v32  }
0xba: {  	v31 =	vmul.f32 $3.000000000e+01, v31;
	v26 =	vmul.f32 $3.000000000e+01, v26  }
0xbb: {  	v23 =	vmul.f32 $3.000000000e+01, v23;
	v30 =	vmul.f32 $1.442695020e+00, v30  }
0xbc: {  	s21 =	simm.s32 $0x0;
	v12 =	vmax.f32 v55, v11;
	v11 =	vmax.f32 v56, v57;
	v29 =	vmul.f32 $1.442695020e+00, v29  }
0xbd: {  	s8 =	sand.u32 $0x7, s21;
	v26 =	vmul.f32 $1.442695020e+00, v26;
	v27 =	vsub.f32 v27, v12;
	(erf) = vpow2.f32 v30  }
0xbe: {  	s22 =	sand.u32 $0x70, s21;
	s23 =	sand.u32 $0x7C00, s21;
	s8 =	sshll.u32 s8, $0x4;
	v28 =	vsub.f32 v28, v11;
	v30 =	vmul.f32 $1.442695020e+00, v32;
	(erf) = vpow2.f32 v29  }
0xbf: {  	s9 =	sor.u32 s22, s23;
	s8 =	sadd.s32 $0x0, s8;
	v29 =	vmul.f32 $1.442695020e+00, v31;
	v27 =	vmul.f32 $3.000000000e+01, v27  }
0xc0: {  	v63 =	vld [tilespmem:s9+$0x8400];
	s8 =	sor.u32 $0x380, s8;
	v28 =	vmul.f32 $3.000000000e+01, v28;
	(erf) = vpow2.f32 v30  }
0xc1: {  	v58 =	vld [tilespmem:s8+$0x8400];
	(erf) = vpow2.f32 v29;
	v27 =	vmul.f32 $1.442695020e+00, v27  }
0xc2: {  	v32 =	vld [tilespmem:s9+$0x8680];
	(erf) = vpow2.f32 v26;
	v26 =	vmul.f32 $1.442695020e+00, v28  }
0xc3: {  	v23 =	vmul.f32 $1.442695020e+00, v23;
	v31 =	vld [tilespmem:s9+$0x8500];
	(erf) = vpow2.f32 v27  }
0xc4: {  	(erf) = vpow2.f32 v26  }
0xc5: {  	v29 =	vld [tilespmem:s9+$0x8700];
	(erf) = vpow2.f32 v23;
	_ =	sdelay $0x1  }
0xc6: {  	v55 =	vsub.f32 v63, v17;
	v61 =	vsub.f32 v32, v12;
	v23 =	vpop (erf)  }
0xc7: {  	v53 =	vsub.f32 v58, v9;
	v60 =	vsub.f32 v31, v15;
	v26 =	vpop (erf)  }
0xc8: {  	v57 =	vmul.f32 $3.000000000e+01, v55;
	v44 =	vmul.f32 $3.000000000e+01, v61;
	v27 =	vpop (erf)  }
0xc9: {  	v30 =	vld [tilespmem:s9+$0x8600];
	v54 =	vmul.f32 $3.000000000e+01, v53;
	v59 =	vsub.f32 v29, v11;
	v43 =	vmul.f32 $3.000000000e+01, v60;
	v28 =	vpop (erf)  }
0xca: {  	v44 =	vmul.f32 $1.442695020e+00, v44;
	v18 =	vmul.f32 v23, v18;
	v23 =	vpop (erf)  }
0xcb: {  	v39 =	vmul.f32 v26, v37;
	v37 =	vmul.f32 $3.000000000e+01, v59;
	v26 =	vpop (erf)  }
0xcc: {  	v36 =	vmul.f32 v28, v36;
	v28 =	vmul.f32 v23, v41;
	v23 =	vpop (erf)  }
0xcd: {  	s12 =	sadd.s32 $0x0, s1;
	v40 =	vmul.f32 v27, v42;
	v27 =	vld [tilespmem:s9+$0x8480];
	v38 =	vmul.f32 v23, v38;
	v23 =	vpop (erf)  }
0xce: {  	v41 =	vor.u32 s12, v0;
	v42 =	vmul.f32 v23, v34;
	v23 =	vsub.f32 v30, v13  }
0xcf: {  	v37 =	vmul.f32 $1.442695020e+00, v37;
	v35 =	vmul.f32 v26, v35;
	v26 =	vld [tilespmem:s9+$0x8580];
	vm1 =	veq.s32 v41, v1  }
0xd0: {  	vm0 =	veq.s32 v41, v6;
	vm2 =	veq.s32 v41, v3;
	v23 =	vmul.f32 $3.000000000e+01, v23  }
0xd1: {  	vm3 =	veq.s32 v41, v5;
	vm4 =	veq.s32 v41, v8;
	vm5 =	veq.s32 v41, v4  }
0xd2: {  	v62 =	vsub.f32 v27, v16;
	v27 =	vmax.f32 v10, v27;
	v23 =	vmul.f32 $1.442695020e+00, v23  }
0xd3: {  	s14 =	simm.s32 $0x10;
	s21 =	simm.s32 $0x80;
	v34 =	vmax.f32 v33, v58;
	v58 =	vmax.f32 v19, v31;
	v31 =	vmax.f32 v21, v32  }
0xd4: {  	s22 =	sadd.s32 $0x10, s1;
	s8 =	sand.u32 $0x70, s14;
	s9 =	sand.u32 $0x7C00, s21;
	v10 =	vsel vm3, v27, v10;
	v52 =	vsub.f32 v26, v14;
	(erf) = vpow2.f32 v23  }
0xd5: {  	s8 =	sor.u32 s8, s9;
	v27 =	vmax.f32 v25, v30;
	v30 =	vor.u32 s22, v0;
	v23 =	vmul.f32 $1.442695020e+00, v43  }
0xd6: {  	v46 =	vld [tilespmem:s8+$0x8580];
	v59 =	vmax.f32 v20, v26;
	v47 =	vmul.f32 $3.000000000e+01, v52;
	(erf) = vpow2.f32 v37  }
0xd7: {  	v49 =	vld [tilespmem:s8+$0x8500];
	v26 =	vmax.f32 v22, v63;
	v43 =	vmul.f32 $1.442695020e+00, v54;
	(erf) = vpow2.f32 v23  }
0xd8: {  	vm3 =	veq.s32 v41, v7;
	v45 =	vmul.f32 $3.000000000e+01, v62;
	v22 =	vsel vm0, v26, v22;
	v26 =	vld [tilespmem:s8+$0x8680]  }
0xd9: {  	v19 =	vsel vm5, v58, v19;
	v56 =	vmul.f32 $1.442695020e+00, v47;
	(erf) = vpow2.f32 v43  }
0xda: {  	v27 =	vsel vm2, v27, v25;
	vm2 =	veq.s32 v30, v6;
	v45 =	vmul.f32 $1.442695020e+00, v45  }
0xdb: {  	v62 =	vmul.f32 $1.442695020e+00, v57;
	v23 =	vsel vm4, v34, v33;
	v34 =	vld [tilespmem:s8+$0x8600];
	(erf) = vpow2.f32 v56  }
0xdc: {  	s23 =	simm.s32 $0x1;
	vm0 =	veq.s32 v41, v2;
	v63 =	vsub.f32 v49, v15;
	(erf) = vpow2.f32 v45  }
0xdd: {  	s9 =	sand.u32 $0x7, s23;
	v52 =	vsub.f32 v46, v14;
	vm4 =	veq.s32 v30, v5;
	v61 =	vsub.f32 v26, v12;
	v25 =	vpop (erf)  }
0xde: {  	s9 =	sshll.u32 s9, $0x4;
	v37 =	vld [tilespmem:s8+$0x8700];
	v56 =	vmul.f32 $3.000000000e+01, v63;
	v28 =	vadd.f32 v25, v28;
	v25 =	vmax.f32 v24, v29  }
0xdf: {  	s9 =	sadd.s32 $0x80, s9;
	v41 =	vmul.f32 $3.000000000e+01, v61;
	v29 =	vsel vm0, v31, v21;
	v21 =	vsel vm1, v25, v24;
	v24 =	vpop (erf)  }
0xe0: {  	s9 =	sor.u32 $0x380, s9;
	(erf) = vpow2.f32 v44;
	v60 =	vsub.f32 v34, v13;
	v25 =	vld [tilespmem:s8+$0x8480];
	v32 =	vadd.f32 v24, v38;
	v24 =	vpop (erf)  }
0xe1: {  	vm0 =	veq.s32 v30, v1;
	vm1 =	veq.s32 v30, v3;
	v31 =	vadd.f32 v24, v40;
	v40 =	vld [tilespmem:s9+$0x8400]  }
0xe2: {  	(erf) = vpow2.f32 v62;
	v38 =	vmul.f32 $3.000000000e+01, v60;
	v24 =	vsel vm3, v59, v20;
	v20 =	vpop (erf)  }
0xe3: {  	v59 =	vmul.f32 $3.000000000e+01, v52;
	v33 =	vadd.f32 v20, v42;
	v20 =	vsub.f32 v37, v11  }
0xe4: {  	vm3 =	veq.s32 v30, v8;
	v53 =	vpop (erf);
	v38 =	vmul.f32 $1.442695020e+00, v38;
	v42 =	vmul.f32 $1.442695020e+00, v56  }
0xe5: {  	v36 =	vadd.f32 v53, v36;
	v57 =	vpop (erf);
	v54 =	vsub.f32 v25, v16;
	v55 =	vmul.f32 $3.000000000e+01, v20;
	v20 =	vld [tilespmem:s8+$0x8400]  }
0xe6: {  	v45 =	vmul.f32 $1.442695020e+00, v59;
	v39 =	vadd.f32 v57, v39;
	v58 =	vsub.f32 v40, v9  }
0xe7: {  	v60 =	vmax.f32 v10, v25;
	(erf) = vpow2.f32 v38;
	v38 =	vmul.f32 $1.442695020e+00, v41  }
0xe8: {  	v41 =	vmax.f32 v24, v46;
	v48 =	vmul.f32 $1.442695020e+00, v55;
	v25 =	vmul.f32 $3.000000000e+01, v58  }
0xe9: {  	v10 =	vsel vm4, v60, v10;
	v47 =	vmul.f32 $3.000000000e+01, v54;
	v43 =	vmax.f32 v23, v40  }
0xea: {  	v61 =	vpop (erf);
	(erf) = vpow2.f32 v48;
	v62 =	vsub.f32 v20, v17;
	v63 =	vmul.f32 $1.442695020e+00, v25  }
0xeb: {  	v40 =	vadd.f32 v61, v35;
	v44 =	vmul.f32 $1.442695020e+00, v47;
	(erf) = vpow2.f32 v42  }
0xec: {  	s21 =	simm.s32 $0x20;
	s23 =	simm.s32 $0x2;
	s22 =	simm.s32 $0x100;
	v35 =	vpop (erf);
	v42 =	vmax.f32 v19, v49;
	v25 =	vmul.f32 $3.000000000e+01, v62;
	(erf) = vpow2.f32 v63  }
.LBB2_9:
0xed: {  	s8 =	sand.u32 $0x7, s23;
	s9 =	sand.u32 $0x70, s21;
	s10 =	sand.u32 $0x7C00, s22;
	v23 =	vsel vm3, v43, v23;
	(erf) = vpow2.f32 v45;
	v18 =	vadd.f32 v35, v18  }
0xee: {  	s12 =	sadd.s32 s21, s1;
	v20 =	vmax.f32 v22, v20;
	v34 =	vmax.f32 v27, v34;
	s8 =	sshll.u32 s8, $0x4;
	s9 =	sor.u32 s9, s10;
	(erf) = vpow2.f32 v44  }
0xef: {  	p1 =	sne.s32 s21, $0xFF0;
	s21 =	sadd.s32 $0x10, s21;
	v35 =	vor.u32 s12, v0;
	v22 =	vsel vm2, v20, v22;
	s8 =	sadd.s32 s8, s22;
	v43 =	vld [tilespmem:s9+$0x8700];
	(erf) = vpow2.f32 v38  }
0xf0: {  	v27 =	vsel vm1, v34, v27;
	vm1 =	veq.s32 v30, v2;
	v20 =	vmax.f32 v29, v26;
	s8 =	sor.u32 $0x380, s8;
	v26 =	vld [tilespmem:s9+$0x8680];
	v38 =	vpop (erf)  }
0xf1: {  	v37 =	vmax.f32 v21, v37;
	v29 =	vsel vm1, v20, v29;
	v34 =	vld [tilespmem:s9+$0x8600];
	v28 =	vadd.f32 v38, v28  }
0xf2: {  	v21 =	vsel vm0, v37, v21;
	vm0 =	veq.s32 v35, v1;
	v46 =	vld [tilespmem:s9+$0x8580]  }
0xf3: {  	vm3 =	veq.s32 v30, v7;
	vm2 =	veq.s32 v35, v6;
	vm1 =	veq.s32 v35, v3;
	v47 =	vld [tilespmem:s9+$0x8500];
	v20 =	vpop (erf)  }
0xf4: {  	vm5 =	veq.s32 v30, v4;
	vm4 =	veq.s32 v35, v5;
	v38 =	vld [tilespmem:s9+$0x8480];
	v32 =	vadd.f32 v20, v32;
	v30 =	vpop (erf)  }
0xf5: {  	v19 =	vsel vm5, v42, v19;
	v24 =	vsel vm3, v41, v24;
	v20 =	vld [tilespmem:s9+$0x8400];
	v31 =	vadd.f32 v30, v31;
	v30 =	vpop (erf)  }
0xf6: {  	vm3 =	veq.s32 v35, v8;
	v55 =	vsub.f32 v34, v13;
	v41 =	vld [tilespmem:s8+$0x8400];
	v33 =	vadd.f32 v30, v33;
	v42 =	vpop (erf)  }
0xf7: {  	v25 =	vmul.f32 $1.442695020e+00, v25;
	v54 =	vsub.f32 v43, v11;
	v44 =	vsub.f32 v26, v12;
	v45 =	vpop (erf)  }
0xf8: {  	v49 =	vsub.f32 v46, v14;
	v48 =	vsub.f32 v47, v15;
	v50 =	vmul.f32 $3.000000000e+01, v55;
	v51 =	vpop (erf)  }
0xf9: {  	v37 =	vmovc v43;
	v53 =	vmul.f32 $3.000000000e+01, v54;
	v30 =	vmovc v35;
	v52 =	vsub.f32 v38, v16;
	(erf) = vpow2.f32 v25  }
0xfa: {  	v36 =	vadd.f32 v42, v36;
	v25 =	vmul.f32 $3.000000000e+01, v48;
	v35 =	vmul.f32 $1.442695020e+00, v50  }
0xfb: {  	v42 =	vmul.f32 $3.000000000e+01, v44;
	v48 =	vmul.f32 $1.442695020e+00, v53;
	v43 =	vsub.f32 v41, v9  }
0xfc: {  	v39 =	vadd.f32 v45, v39;
	v49 =	vmul.f32 $3.000000000e+01, v49;
	v44 =	vmul.f32 $3.000000000e+01, v52  }
0xfd: {  	v50 =	vmax.f32 v10, v38;
	v52 =	vmul.f32 $1.442695020e+00, v25;
	(erf) = vpow2.f32 v35  }
.Ltmp3:
0xfe: {  	v38 =	vmul.f32 $1.442695020e+00, v42;
	v25 =	vmul.f32 $3.000000000e+01, v43;
	v43 =	vmax.f32 v23, v41;
	(pc) =	sbr.rel @p1 .LBB2_9-.Ltmp3, $4  }
0xff: {  	v53 =	vsub.f32 v20, v17;
	v45 =	vmul.f32 $1.442695020e+00, v49;
	v44 =	vmul.f32 $1.442695020e+00, v44  }
0x100: {  	v40 =	vadd.f32 v51, v40;
	v49 =	vmul.f32 $1.442695020e+00, v25;
	(erf) = vpow2.f32 v48  }
0x101: {  	v10 =	vsel vm4, v50, v10;
	v25 =	vmul.f32 $3.000000000e+01, v53;
	(erf) = vpow2.f32 v52  }
0x102: {  	s23 =	sadd.s32 $0x1, s23;
	s22 =	sadd.s32 $0x80, s22;
	v42 =	vmax.f32 v19, v47;
	v41 =	vmax.f32 v24, v46;
	(erf) = vpow2.f32 v49;
	v35 =	vpop (erf)  }
0x103: {  	(erf) = vpow2.f32 v45  }
0x104: {  	v25 =	vmul.f32 $1.442695020e+00, v25;
	(erf) = vpow2.f32 v44  }
0x105: {  	(erf) = vpow2.f32 v38  }
0x106: {  	(erf) = vpow2.f32 v25;
	_ =	sdelay $0x1  }
0x107: {  	v60 =	vpop (erf)  }
0x108: {  	v20 =	vmax.f32 v22, v20;
	v25 =	vsel vm3, v43, v23;
	v23 =	vpop (erf)  }
0x109: {  	v61 =	vadd.f32 v35, v18;
	v18 =	vmax.f32 v27, v34;
	vm13 =	veq.s32 v30, v2;
	p1 =	sne.s32 @!p0 s30, $0xC;
	v62 =	vpop (erf)  }
0x10a: {  	vm14 =	veq.s32 v30, v7;
	v22 =	vsel vm2, v20, v22;
	v20 =	vmax.f32 v29, v26;
	p1 =	por p0, !p1;
	v26 =	vpop (erf)  }
.Ltmp4:
0x10b: {  	vm15 =	veq.s32 v30, v4;
	v18 =	vsel vm1, v18, v27;
	v27 =	vmax.f32 v21, v37;
	v63 =	vpop (erf);
	(pc) =	sbr.rel @!p1 .LBB2_2-.Ltmp4, $4  }
0x10c: {  	s8 =	sadd.s32 @!p0 s31, s5;
	s9 =	simm.s32 @!p0 $0x0;
	v19 =	vsel vm15, v42, v19;
	v35 =	vadd.f32 v60, v28;
	v34 =	vadd.f32 v23, v32;
	v23 =	vpop (erf)  }
0x10d: {  	s10 =	simm.s32 @!p0 $0x8400;
	s28 =	sadd.s32 @!p0 $0x2000, s28;
	s8 =	sshrl.u32 @!p0 s8, $0x3;
	v24 =	vsel vm14, v41, v24;
	v38 =	vadd.f32 v62, v31;
	v33 =	vadd.f32 v26, v33;
	v26 =	vpop (erf)  }
0x10e: {  	s1 =	sadd.s32 @!p0 $0x2000, s1;
	s21 =	smov.u32 s30;
	v20 =	vsel vm13, v20, v29;
	s8 =	sadd.s32 @!p0 s3, s8;
	v37 =	vadd.f32 v63, v36;
	v39 =	vadd.f32 v23, v39;
	v23 =	vpop (erf)  }
0x10f: {  	v21 =	vsel vm0, v27, v21;
	[tilespmem:s10], [sflag:$0x2] =	stream.linear.gather @!p0 [hbm4b:s8+s9], $0x8000, $0x38;
	v36 =	vadd.f32 v26, v40;
	v40 =	vadd.f32 v23, v61;
	[tilespmem:$0x15400] =	vst v63  }
0x110: {  	s1 =	simm.s32 $0x0  }
0x111: {  	_ =	swait.ge [sflag:s26], $0x3800;
	s8 =	sand.u32 $0x7, s1  }
0x112: {  	[sflag:s26] =	ssyncset.done $0x0;
	s8 =	sshll.u32 s8, $0x4  }
0x113: {  	s31 =	sand.u32 $0x70, s1;
	s10 =	sand.u32 $0x3C00, s1;
	s9 =	sadd.s32 $0x0, s8  }
0x114: {  	[sflag:s26] =	ssyncadd.s32 $0xFFFFC800;
	s8 =	sor.u32 s31, s10;
	s9 =	sor.u32 $0x380, s9  }
0x115: {  	s21 =	sadd.s32 $0x10400, s8;
	v45 =	vld [tilespmem:s9+$0x10400]  }
0x116: {  	v44 =	vld [tilespmem:s21+$0x80]  }
0x117: {  	v41 =	vld [tilespmem:s21+$0x100]  }
0x118: {  	s22 =	simm.s32 $0x1;
	v31 =	vmov v9;
	v32 =	vmov v16;
	v29 =	vmov v15;
	v28 =	vld [tilespmem:s21+$0x180]  }
0x119: {  	s23 =	simm.s32 $0x20;
	v30 =	vmovc v14;
	v26 =	vmovc v13;
	v27 =	vmov v12;
	v23 =	vmov v11;
	v42 =	vmov v17;
	s10 =	sand.u32 $0x7, s22;
	s9 =	simm.s32 $0x10;
	v43 =	vld [tilespmem:s21+$0x200]  }
.LBB2_12:
0x11a: {  	p0 =	sne.s32 s23, $0x690;
	s10 =	sshll.u32 s10, $0x4;
	v46 =	vld [tilespmem:s21+$0x280];
	v31 =	vmax.f32 v31, v45;
	s1 =	sadd.s32 $0x80, s1  }
0x11b: {  	s9 =	sand.u32 $0x70, s9;
	s10 =	sadd.s32 s10, s1;
	s12 =	sand.u32 $0x3C00, s1;
	v32 =	vmax.f32 v32, v44;
	v47 =	vld [tilespmem:s21+$0x300]  }
0x11c: {  	s10 =	sor.u32 $0x380, s10;
	v48 =	vld [tilespmem:s8+$0x10400];
	s8 =	sor.u32 s9, s12;
	v29 =	vmax.f32 v29, v41;
	s9 =	smov.u32 s23  }
.Ltmp5:
0x11d: {  	s21 =	sadd.s32 $0x10400, s8;
	v45 =	vld [tilespmem:s10+$0x10400];
	v30 =	vmax.f32 v30, v28;
	(pc) =	sbr.rel @p0 .LBB2_12-.Ltmp5, $4  }
0x11e: {  	v44 =	vld [tilespmem:s21+$0x80];
	v26 =	vmax.f32 v26, v43  }
0x11f: {  	v41 =	vld [tilespmem:s21+$0x100];
	v27 =	vmax.f32 v27, v46  }
0x120: {  	s22 =	sadd.s32 $0x1, s22;
	v28 =	vld [tilespmem:s21+$0x180];
	v23 =	vmax.f32 v23, v47  }
0x121: {  	s23 =	sadd.s32 $0x10, s23;
	s10 =	sand.u32 $0x7, s22;
	v43 =	vld [tilespmem:s21+$0x200];
	v42 =	vmax.f32 v42, v48  }
0x122: {  	s10 =	sshll.u32 s10, $0x4;
	v46 =	vld [tilespmem:s21+$0x280];
	s1 =	sadd.s32 $0x80, s1  }
0x123: {  	v47 =	vld [tilespmem:s21+$0x300];
	s10 =	sadd.s32 s10, s1  }
0x124: {  	s9 =	sand.u32 $0x70, s9;
	v48 =	vld [tilespmem:s8+$0x10400];
	s1 =	sand.u32 $0x3C00, s1;
	s10 =	sor.u32 $0x380, s10  }
0x125: {  	s1 =	sor.u32 s9, s1;
	v49 =	vld [tilespmem:s10+$0x10400]  }
0x126: {  	s10 =	sadd.s32 $0x10400, s1;
	v50 =	vld [tilespmem:s1+$0x10400]  }
0x127: {  	v51 =	vld [tilespmem:s10+$0x80]  }
0x128: {  	v52 =	vld [tilespmem:s10+$0x100]  }
0x129: {  	v58 =	vld [tilespmem:s10+$0x180]  }
0x12a: {  	v59 =	vld [tilespmem:s10+$0x200]  }
0x12b: {  	v31 =	vmax.f32 v31, v45;
	v32 =	vmax.f32 v32, v44;
	v29 =	vmax.f32 v29, v41;
	v62 =	vld [tilespmem:s10+$0x280]  }
0x12c: {  	v30 =	vmax.f32 v30, v28;
	v60 =	vmax.f32 v26, v43;
	v28 =	vmax.f32 v42, v48;
	v48 =	vld [tilespmem:s10+$0x300]  }
0x12d: {  	v61 =	vmax.f32 v27, v46;
	v63 =	vmax.f32 v23, v47;
	v28 =	vmax.f32 v28, v50  }
0x12e: {  	v27 =	vmax.f32 v32, v51;
	v50 =	vsub.f32 v17, v28;
	v17 =	vmax.f32 v31, v49  }
0x12f: {  	v26 =	vmax.f32 v29, v52;
	v23 =	vmax.f32 v30, v58;
	v29 =	vsub.f32 v16, v27  }
0x130: {  	v31 =	vsub.f32 v15, v26;
	v16 =	vmax.f32 v60, v59;
	v51 =	vsub.f32 v14, v23  }
0x131: {  	v15 =	vmax.f32 v61, v62;
	v14 =	vmax.f32 v63, v48;
	v9 =	vsub.f32 v9, v17  }
0x132: {  	v30 =	vmul.f32 $3.000000000e+01, v50;
	v13 =	vsub.f32 v13, v16;
	v29 =	vmul.f32 $3.000000000e+01, v29  }
0x133: {  	v12 =	vsub.f32 v12, v15;
	v31 =	vmul.f32 $3.000000000e+01, v31;
	v52 =	vmul.f32 $3.000000000e+01, v51  }
0x134: {  	s12 =	simm.s32 $0x0;
	v11 =	vsub.f32 v11, v14;
	v9 =	vmul.f32 $3.000000000e+01, v9;
	v30 =	vmul.f32 $1.442695020e+00, v30  }
0x135: {  	s14 =	sand.u32 $0x70, s12;
	s21 =	sand.u32 $0x3C00, s12;
	v13 =	vmul.f32 $3.000000000e+01, v13;
	v12 =	vmul.f32 $3.000000000e+01, v12  }
0x136: {  	s8 =	sor.u32 s14, s21;
	v11 =	vmul.f32 $3.000000000e+01, v11;
	v29 =	vmul.f32 $1.442695020e+00, v29  }
0x137: {  	s9 =	sadd.s32 $0x10400, s8;
	(erf) = vpow2.f32 v30;
	v30 =	vmul.f32 $1.442695020e+00, v31  }
0x138: {  	v41 =	vld [tilespmem:s9+$0x100];
	(erf) = vpow2.f32 v29;
	v29 =	vmul.f32 $1.442695020e+00, v52  }
0x139: {  	v54 =	vld [tilespmem:s9+$0x80];
	v13 =	vmul.f32 $1.442695020e+00, v13;
	(erf) = vpow2.f32 v30  }
0x13a: {  	v56 =	vld [tilespmem:s9+$0x180];
	v12 =	vmul.f32 $1.442695020e+00, v12;
	(erf) = vpow2.f32 v29  }
0x13b: {  	v55 =	vld [tilespmem:s9+$0x200];
	v11 =	vmul.f32 $1.442695020e+00, v11;
	(erf) = vpow2.f32 v13  }
0x13c: {  	s1 =	sand.u32 $0x7, s12;
	v9 =	vmul.f32 $1.442695020e+00, v9;
	(erf) = vpow2.f32 v12  }
0x13d: {  	s1 =	sshll.u32 s1, $0x4;
	(erf) = vpow2.f32 v11  }
0x13e: {  	s22 =	simm.s32 $0x18000;
	s1 =	sadd.s32 $0x0, s1;
	v58 =	vsub.f32 v54, v27  }
0x13f: {  	s1 =	sor.u32 $0x380, s1;
	v59 =	vsub.f32 v41, v26;
	v62 =	vsub.f32 v56, v23;
	v63 =	vor.u32 s22, v0  }
0x140: {  	v61 =	vld [tilespmem:s1+$0x10400];
	v60 =	vsub.f32 v55, v16;
	vm0 =	veq.s32 v63, v8;
	(erf) = vpow2.f32 v9;
	v9 =	vpop (erf)  }
0x141: {  	vm1 =	veq.s32 v63, v7;
	vm11 =	veq.s32 v63, v6;
	vm12 =	veq.s32 v63, v5;
	v31 =	vld [tilespmem:s9+$0x280];
	v11 =	vpop (erf)  }
0x142: {  	vm2 =	veq.s32 v63, v4;
	vm3 =	veq.s32 v63, v2;
	v44 =	vmul.f32 $3.000000000e+01, v59;
	v12 =	vld [tilespmem:s8+$0x10400];
	v13 =	vpop (erf)  }
0x143: {  	vm4 =	veq.s32 v63, v1;
	v43 =	vmul.f32 $3.000000000e+01, v58;
	v47 =	vmul.f32 $3.000000000e+01, v62;
	v29 =	vld [tilespmem:s9+$0x300];
	v30 =	vpop (erf)  }
0x144: {  	vm13 =	veq.s32 v63, v3;
	v45 =	vmul.f32 $3.000000000e+01, v60;
	v44 =	vmul.f32 $1.442695020e+00, v44;
	v53 =	vpop (erf)  }
0x145: {  	v43 =	vmul.f32 $1.442695020e+00, v43;
	v52 =	vmax.f32 v25, v61;
	v40 =	vmul.f32 v9, v40;
	v9 =	vpop (erf)  }
0x146: {  	s23 =	simm.s32 $0x10;
	s28 =	simm.s32 $0x80;
	v57 =	vsub.f32 v31, v15;
	v42 =	vmul.f32 v11, v39;
	v11 =	vmul.f32 v13, v38;
	v13 =	vpop (erf)  }
0x147: {  	s1 =	sand.u32 $0x70, s23;
	s8 =	sand.u32 $0x3C00, s28;
	v32 =	vmul.f32 v53, v35;
	v35 =	vmax.f32 v22, v12;
	v34 =	vmul.f32 v13, v34  }
0x148: {  	s1 =	sor.u32 s1, s8;
	v13 =	vsub.f32 v12, v28;
	v12 =	vmax.f32 v21, v29;
	v29 =	vsub.f32 v29, v14  }
0x149: {  	v45 =	vmul.f32 $1.442695020e+00, v45;
	v46 =	vsel vm0, v52, v25;
	v25 =	vmul.f32 $1.442695020e+00, v47;
	s8 =	sadd.s32 $0x10400, s1  }
0x14a: {  	v31 =	vmax.f32 v20, v31;
	v38 =	vmul.f32 $3.000000000e+01, v57;
	v57 =	vld [tilespmem:s8+$0x280];
	v29 =	vmul.f32 $3.000000000e+01, v29  }
0x14b: {  	v30 =	vmul.f32 v30, v37;
	v37 =	vmax.f32 v18, v55;
	v36 =	vmul.f32 v9, v36  }
0x14c: {  	v55 =	vmax.f32 v19, v41;
	v9 =	vpop (erf);
	v13 =	vmul.f32 $3.000000000e+01, v13;
	v29 =	vmul.f32 $1.442695020e+00, v29  }
0x14d: {  	s30 =	simm.s32 $0x1;
	v48 =	vld [tilespmem:s8+$0x200];
	v38 =	vmul.f32 $1.442695020e+00, v38;
	v53 =	vmax.f32 v10, v54;
	v9 =	vmul.f32 v9, v33  }
0x14e: {  	v54 =	vld [tilespmem:s1+$0x10400];
	s1 =	sand.u32 $0x7, s30;
	v18 =	vsel vm13, v37, v18;
	v13 =	vmul.f32 $1.442695020e+00, v13;
	(erf) = vpow2.f32 v29  }
0x14f: {  	s1 =	sshll.u32 s1, $0x4;
	v12 =	vsel vm4, v12, v21;
	v59 =	vsub.f32 v57, v15;
	(erf) = vpow2.f32 v38  }
0x150: {  	s1 =	sadd.s32 $0x80, s1;
	v29 =	vsub.f32 v61, v17;
	(erf) = vpow2.f32 v13;
	v13 =	vmax.f32 v24, v56;
	v56 =	vld [tilespmem:s8+$0x300]  }
0x151: {  	s1 =	sor.u32 $0x380, s1;
	v38 =	vmul.f32 $3.000000000e+01, v59;
	v47 =	vsel vm1, v13, v24;
	v24 =	vsel vm11, v35, v22;
	v35 =	vld [tilespmem:s8+$0x80]  }
0x152: {  	v49 =	vld [tilespmem:s1+$0x10400];
	v61 =	vsub.f32 v48, v16;
	v29 =	vmul.f32 $3.000000000e+01, v29;
	(erf) = vpow2.f32 v44  }
0x153: {  	v13 =	vsel vm3, v31, v20;
	v20 =	vsel vm2, v55, v19;
	(erf) = vpow2.f32 v45  }
0x154: {  	v22 =	vsel vm12, v53, v10;
	v31 =	vsub.f32 v54, v28;
	(erf) = vpow2.f32 v43  }
0x155: {  	v53 =	vmul.f32 $3.000000000e+01, v61;
	(erf) = vpow2.f32 v25;
	v25 =	vld [tilespmem:s8+$0x100];
	v41 =	vsub.f32 v56, v14  }
0x156: {  	v33 =	vmax.f32 v24, v54;
	v45 =	vld [tilespmem:s8+$0x180];
	v54 =	vmul.f32 $1.442695020e+00, v38;
	v60 =	vsub.f32 v35, v27  }
0x157: {  	v61 =	vsub.f32 v49, v17;
	v43 =	vmul.f32 $1.442695020e+00, v53;
	v21 =	vpop (erf);
	v41 =	vmul.f32 $3.000000000e+01, v41  }
0x158: {  	s31 =	simm.s32 $0x18010;
	v19 =	vadd.f32 v21, v34;
	v10 =	vpop (erf);
	v21 =	vmax.f32 v12, v56;
	v63 =	vmul.f32 $3.000000000e+01, v60  }
0x159: {  	v10 =	vadd.f32 v10, v36;
	v58 =	vpop (erf);
	v36 =	vmul.f32 $1.442695020e+00, v29;
	v29 =	vor.u32 s31, v0  }
0x15a: {  	v37 =	vsub.f32 v25, v26;
	v41 =	vmul.f32 $1.442695020e+00, v41;
	v34 =	vadd.f32 v58, v40  }
0x15b: {  	v40 =	vmul.f32 $3.000000000e+01, v31;
	v31 =	vmax.f32 v13, v57;
	v39 =	vpop (erf);
	v57 =	vsub.f32 v45, v23  }
0x15c: {  	vm14 =	veq.s32 v29, v8;
	vm15 =	veq.s32 v29, v7;
	v62 =	vpop (erf);
	v37 =	vmul.f32 $3.000000000e+01, v37  }
0x15d: {  	(erf) = vpow2.f32 v36;
	v32 =	vadd.f32 v62, v32;
	v60 =	vmul.f32 $3.000000000e+01, v57  }
0x15e: {  	v58 =	vpop (erf);
	v62 =	vmul.f32 $1.442695020e+00, v40;
	v40 =	vmax.f32 v18, v48;
	v44 =	vmul.f32 $1.442695020e+00, v37  }
0x15f: {  	v38 =	vadd.f32 v58, v42;
	v59 =	vpop (erf);
	(erf) = vpow2.f32 v41;
	v42 =	vmul.f32 $1.442695020e+00, v63  }
0x160: {  	v63 =	vmax.f32 v47, v45;
	v41 =	vmul.f32 $3.000000000e+01, v61;
	v36 =	vadd.f32 v59, v30  }
0x161: {  	v30 =	vmax.f32 v46, v49;
	(erf) = vpow2.f32 v54;
	v45 =	vmul.f32 $1.442695020e+00, v60  }
0x162: {  	s9 =	simm.s32 $0x20;
	s1 =	simm.s32 $0x100;
	s8 =	simm.s32 $0x2;
	v37 =	vsel vm15, v63, v47;
	v30 =	vsel vm14, v30, v46;
	(erf) = vpow2.f32 v62  }
.LBB2_14:
0x163: {  	s10 =	sand.u32 $0x7, s8  }
0x164: {  	s12 =	sand.u32 $0x70, s9;
	s21 =	sand.u32 $0x3C00, s1;
	vm0 =	veq.s32 v29, v6;
	(erf) = vpow2.f32 v44;
	v11 =	vadd.f32 v39, v11;
	s22 =	smov.u32 s9  }
0x165: {  	vm1 =	veq.s32 v29, v5;
	v39 =	vmax.f32 v22, v35;
	s10 =	sshll.u32 s10, $0x4;
	s12 =	sor.u32 s12, s21;
	s21 =	sadd.s32 $0x10, s9;
	(erf) = vpow2.f32 v43  }
0x166: {  	p0 =	sne.s32 s9, $0x690;
	vm2 =	veq.s32 v29, v4;
	v35 =	vmax.f32 v20, v25;
	s10 =	sadd.s32 s10, s1;
	s23 =	sadd.s32 $0x10400, s12;
	v43 =	vld [tilespmem:s12+$0x10400];
	(erf) = vpow2.f32 v42  }
0x167: {  	vm3 =	veq.s32 v29, v2;
	vm4 =	veq.s32 v29, v1;
	v42 =	vld [tilespmem:s23+$0x300];
	s9 =	sor.u32 $0x380, s10;
	(erf) = vpow2.f32 v45;
	v25 =	vpop (erf)  }
0x168: {  	v13 =	vsel vm3, v31, v13;
	v12 =	vsel vm4, v21, v12;
	v44 =	vld [tilespmem:s23+$0x280];
	v21 =	vpop (erf);
	v9 =	vadd.f32 v25, v9  }
0x169: {  	v24 =	vsel vm0, v33, v24;
	v20 =	vsel vm2, v35, v20;
	v25 =	vld [tilespmem:s23+$0x100];
	v19 =	vadd.f32 v21, v19  }
0x16a: {  	v22 =	vsel vm1, v39, v22;
	vm0 =	veq.s32 v29, v3;
	v35 =	vld [tilespmem:s23+$0x80];
	v21 =	vpop (erf)  }
0x16b: {  	v29 =	vsub.f32 v43, v28;
	v33 =	vmax.f32 v24, v43;
	v46 =	vld [tilespmem:s23+$0x200];
	v10 =	vadd.f32 v21, v10;
	v31 =	vpop (erf)  }
0x16c: {  	v41 =	vmul.f32 $1.442695020e+00, v41;
	v45 =	vld [tilespmem:s23+$0x180];
	v21 =	vmax.f32 v12, v42;
	v34 =	vadd.f32 v31, v34  }
0x16d: {  	v18 =	vsel vm0, v40, v18;
	s10 =	sadd.s32 $0x18000, s22;
	v43 =	vmul.f32 $3.000000000e+01, v29;
	v31 =	vmax.f32 v13, v44;
	v47 =	vld [tilespmem:s9+$0x10400];
	v39 =	vpop (erf)  }
0x16e: {  	v29 =	vor.u32 s10, v0;
	v44 =	vsub.f32 v44, v15;
	v40 =	vsub.f32 v25, v26;
	v48 =	vpop (erf)  }
0x16f: {  	v42 =	vsub.f32 v42, v14;
	vm1 =	veq.s32 v29, v8;
	v49 =	vsub.f32 v35, v27;
	v50 =	vpop (erf)  }
0x170: {  	vm0 =	veq.s32 v29, v7;
	v44 =	vmul.f32 $3.000000000e+01, v44;
	v51 =	vsub.f32 v46, v16;
	v52 =	vpop (erf)  }
0x171: {  	v42 =	vmul.f32 $3.000000000e+01, v42;
	v49 =	vmul.f32 $3.000000000e+01, v49;
	v53 =	vsub.f32 v45, v23  }
0x172: {  	v32 =	vadd.f32 v48, v32;
	v54 =	vmul.f32 $1.442695020e+00, v44;
	v51 =	vmul.f32 $3.000000000e+01, v51  }
0x173: {  	v40 =	vmul.f32 $3.000000000e+01, v40;
	v42 =	vmul.f32 $1.442695020e+00, v42;
	v38 =	vadd.f32 v50, v38  }
0x174: {  	v50 =	vsub.f32 v47, v17;
	v48 =	vmul.f32 $3.000000000e+01, v53;
	(erf) = vpow2.f32 v41  }
.Ltmp6:
0x175: {  	v36 =	vadd.f32 v52, v36;
	v44 =	vmul.f32 $1.442695020e+00, v40;
	(erf) = vpow2.f32 v42;
	(pc) =	sbr.rel @p0 .LBB2_14-.Ltmp6, $4  }
0x176: {  	v40 =	vmul.f32 $1.442695020e+00, v43;
	v43 =	vmul.f32 $1.442695020e+00, v51;
	v41 =	vmax.f32 v30, v47  }
0x177: {  	v42 =	vmul.f32 $1.442695020e+00, v49;
	v30 =	vsel vm1, v41, v30;
	(erf) = vpow2.f32 v54  }
0x178: {  	v47 =	vmax.f32 v37, v45;
	v41 =	vmul.f32 $3.000000000e+01, v50;
	(erf) = vpow2.f32 v40  }
0x179: {  	s8 =	sadd.s32 $0x1, s8;
	s1 =	sadd.s32 $0x80, s1;
	s9 =	smov.u32 s21;
	v45 =	vmul.f32 $1.442695020e+00, v48;
	v37 =	vsel vm0, v47, v37;
	v40 =	vmax.f32 v18, v46  }
0x17a: {  	(erf) = vpow2.f32 v44;
	_ =	sdelay $0x2  }
0x17b: {  	[tilespmem:$0x13C00] =	vst v28;
	(erf) = vpow2.f32 v43  }
0x17c: {  	[tilespmem:$0x13C80] =	vst v27;
	(erf) = vpow2.f32 v42;
	v7 =	vpop (erf)  }
0x17d: {  	[tilespmem:$0x13D00] =	vst v26;
	v8 =	vpop (erf);
	(erf) = vpow2.f32 v45  }
0x17e: {  	[tilespmem:$0x13D80] =	vst v23  }
0x17f: {  	[tilespmem:$0x14D80] =	vst v37;
	v60 =	vpop (erf)  }
0x180: {  	v11 =	vadd.f32 v39, v11;
	[tilespmem:$0x13E00] =	vst v16;
	v61 =	vpop (erf)  }
0x181: {  	[tilespmem:$0x13E80] =	vst v15;
	v62 =	vpop (erf)  }
0x182: {  	vm11 =	veq.s32 v29, v5;
	v5 =	vmax.f32 v22, v35;
	[tilespmem:$0x13F00] =	vst v14;
	v11 =	vadd.f32 v62, v11  }
0x183: {  	[tilespmem:$0x13F80] =	vst v17;
	v5 =	vsel vm11, v5, v22  }
0x184: {  	vm0 =	veq.s32 v29, v6;
	v6 =	vpop (erf);
	[tilespmem:$0x14500] =	vst v11;
	v11 =	vmul.f32 $1.442695020e+00, v41  }
0x185: {  	vm12 =	veq.s32 v29, v4;
	[tilespmem:$0x14F80] =	vst v30;
	v63 =	vpop (erf)  }
0x186: {  	v4 =	vmax.f32 v20, v25;
	v24 =	vsel vm0, v33, v24;
	[tilespmem:$0x14C80] =	vst v5;
	v5 =	vpop (erf);
	(erf) = vpow2.f32 v11  }
0x187: {  	vm13 =	veq.s32 v29, v3;
	v4 =	vsel vm12, v4, v20;
	[tilespmem:$0x14C00] =	vst v24  }
0x188: {  	vm14 =	veq.s32 v29, v2;
	v3 =	vsel vm13, v40, v18;
	[tilespmem:$0x14D00] =	vst v4  }
0x189: {  	v2 =	vsel vm14, v31, v13;
	[tilespmem:$0x14E00] =	vst v3;
	v4 =	vadd.f32 v6, v32  }
0x18a: {  	vm15 =	veq.s32 v29, v1;
	[tilespmem:$0x14E80] =	vst v2  }
0x18b: {  	v2 =	vsel vm15, v21, v12;
	v3 =	vadd.f32 v8, v19;
	[tilespmem:$0x14600] =	vst v4;
	v4 =	vadd.f32 v60, v10  }
0x18c: {  	[tilespmem:$0x14F00] =	vst v2;
	v34 =	vadd.f32 v61, v34  }
0x18d: {  	[tilespmem:$0x14700] =	vst v3  }
0x18e: {  	v1 =	vadd.f32 v7, v9;
	[tilespmem:$0x14400] =	vst v34;
	v28 =	vadd.f32 v63, v38  }
0x18f: {  	v5 =	vadd.f32 v5, v36;
	[tilespmem:$0x14680] =	vst v4;
	v4 =	vpop (erf)  }
0x190: {  	[tilespmem:$0x14480] =	vst v28;
	v1 =	vadd.f32 v4, v1  }
0x191: {  	[tilespmem:$0x14580] =	vst v5  }
0x192: {  	s1 =	simm.s32 $0x0;
	s8 =	rddreg [dreg:$0x5];
	[tilespmem:$0x14780] =	vst v1  }
0x193: {  	[tilespmem:s1], [sflag:$0x4] =	stream.linear.gather [hbm4b:s8+s1], $0x400, $0x38;
	[tilespmem:$0x15400] =	vst v63  }
0x194: {  	_ =	swait.ge [sflag:s20], $0x400  }
0x195: {  	[sflag:s20] =	ssyncset.done $0x0  }
0x196: {  	[sflag:s20] =	ssyncadd.s32 $0xFFFFFC00  }
0x197: {  	v6 =	vld [tilespmem:$0x0]  }
0x198: {  	v5 =	vld [tilespmem:$0x80]  }
0x199: {  	v4 =	vld [tilespmem:$0x100]  }
0x19a: {  	v7 =	vld [tilespmem:$0x180]  }
0x19b: {  	v25 =	vimm.f32 $-Inf;
	v35 =	vimm.f32 $0.0e+00;
	v37 =	vimm.f32 $0.0e+00;
	v3 =	vld [tilespmem:$0x200]  }
0x19c: {  	v39 =	vimm.f32 $0.0e+00;
	v14 =	vimm.f32 $-Inf;
	v15 =	vimm.f32 $-Inf;
	v2 =	vld [tilespmem:$0x280]  }
0x19d: {  	s22 =	simm.s32 $0x400;
	v16 =	vimm.f32 $-Inf;
	v17 =	vimm.f32 $-Inf;
	v33 =	vimm.f32 $0.0e+00;
	v1 =	vld [tilespmem:$0x300]  }
0x19e: {  	v20 =	vimm.f32 $-Inf;
	v18 =	vimm.f32 $-Inf;
	v22 =	vimm.f32 $-Inf;
	v8 =	vld [tilespmem:$0x380];
	[tilespmem:s22], [sflag:$0x1] =	stream.linear.gather [hbm4b:s13+s1], $0x8000, $0x38  }
0x19f: {  	s9 =	simm.s32 $0x10400;
	s31 =	simm.s32 $0x8400;
	v40 =	vimm.f32 $0.0e+00;
	v13 =	vimm.f32 $-Inf;
	v21 =	vimm.f32 $-Inf;
	s23 =	rddreg [dreg:$0x6]  }
0x1a0: {  	v24 =	vimm.f32 $-Inf;
	v12 =	vimm.f32 $-Inf;
	v9 =	vimm.f32 $-Inf;
	[tilespmem:s9], [sflag:$0x3] =	stream.linear.gather [hbm4b:s23+s1], $0x3800, $0x38;
	[tilespmem:$0x15400] =	vst v63  }
0x1a1: {  	s28 =	simm.s32 $0x1000;
	s30 =	simm.s32 $0x0;
	s21 =	simm.s32 $0x0;
	v19 =	vimm.f32 $-Inf;
	v34 =	vimm.f32 $0.0e+00;
	v38 =	vimm.f32 $0.0e+00  }
0x1a2: {  	v10 =	vimm.f32 $-Inf;
	v36 =	vimm.f32 $0.0e+00;
	v11 =	vimm.f32 $-Inf;
	[tilespmem:s31], [sflag:$0x2] =	stream.linear.gather [hbm4b:s15+s1], $0x8000, $0x38;
	[tilespmem:$0x15400] =	vst v63  }
.LBB2_16:
0x1a3: {  	s8 =	sand.u32 $0x7, s1  }
0x1a4: {  	_ =	swait.ge [sflag:s24], $0x8000;
	s8 =	sshll.u32 s8, $0x4  }
0x1a5: {  	s9 =	sand.u32 $0x70, s1;
	[sflag:s24] =	ssyncset.done $0x0;
	s8 =	sadd.s32 $0x0, s8  }
0x1a6: {  	s10 =	sand.u32 $0x7C00, s1;
	[sflag:s24] =	ssyncadd.s32 $0xFFFF8000;
	s12 =	sor.u32 $0x380, s8  }
0x1a7: {  	s8 =	sor.u32 s9, s10;
	v45 =	vld [tilespmem:s12+$0x400]  }
0x1a8: {  	v43 =	vld [tilespmem:s8+$0x400]  }
0x1a9: {  	v42 =	vld [tilespmem:s8+$0x480]  }
0x1aa: {  	s23 =	simm.s32 $0x10;
	s22 =	simm.s32 $0x1;
	v29 =	vmov v9;
	v41 =	vmov v17;
	v30 =	vmov v16;
	v26 =	vld [tilespmem:s8+$0x500]  }
0x1ab: {  	s31 =	simm.s32 $0x0;
	v31 =	vmovc v15;
	v32 =	vmovc v14;
	v27 =	vmov v13;
	v28 =	vmov v12;
	v23 =	vmov v11;
	s10 =	sand.u32 $0x7, s22;
	s9 =	simm.s32 $0x20;
	v44 =	vld [tilespmem:s8+$0x580]  }
.LBB2_17:
0x1ac: {  	p0 =	sne.s32 s9, $0xFF0;
	s10 =	sshll.u32 s10, $0x4;
	v46 =	vld [tilespmem:s8+$0x600];
	v29 =	vmax.f32 v29, v45;
	s31 =	sadd.s32 $0x80, s31  }
0x1ad: {  	s12 =	sand.u32 $0x70, s23;
	s10 =	sadd.s32 s10, s31;
	s23 =	sand.u32 $0x7C00, s31;
	v41 =	vmax.f32 v41, v43;
	v47 =	vld [tilespmem:s8+$0x680]  }
0x1ae: {  	s10 =	sor.u32 $0x380, s10;
	v30 =	vmax.f32 v30, v42;
	v48 =	vld [tilespmem:s8+$0x700];
	s8 =	sor.u32 s12, s23;
	s23 =	smov.u32 s9  }
.Ltmp7:
0x1af: {  	v45 =	vld [tilespmem:s10+$0x400];
	v31 =	vmax.f32 v31, v26;
	(pc) =	sbr.rel @p0 .LBB2_17-.Ltmp7, $4  }
0x1b0: {  	v43 =	vld [tilespmem:s8+$0x400];
	v32 =	vmax.f32 v32, v44  }
0x1b1: {  	v42 =	vld [tilespmem:s8+$0x480];
	v27 =	vmax.f32 v27, v46  }
0x1b2: {  	s22 =	sadd.s32 $0x1, s22;
	v26 =	vld [tilespmem:s8+$0x500];
	v28 =	vmax.f32 v28, v47  }
0x1b3: {  	s9 =	sadd.s32 $0x10, s9;
	s10 =	sand.u32 $0x7, s22;
	v44 =	vld [tilespmem:s8+$0x580];
	v23 =	vmax.f32 v23, v48  }
0x1b4: {  	s9 =	sshll.u32 s10, $0x4;
	v46 =	vld [tilespmem:s8+$0x600];
	s22 =	sadd.s32 $0x80, s31  }
0x1b5: {  	v47 =	vld [tilespmem:s8+$0x680];
	s9 =	sadd.s32 s9, s22  }
0x1b6: {  	s12 =	sand.u32 $0x70, s23;
	v48 =	vld [tilespmem:s8+$0x700];
	s10 =	sand.u32 $0x7C00, s22;
	s9 =	sor.u32 $0x380, s9  }
0x1b7: {  	s10 =	sor.u32 s12, s10;
	v49 =	vld [tilespmem:s9+$0x400]  }
0x1b8: {  	v50 =	vld [tilespmem:s10+$0x400]  }
0x1b9: {  	v51 =	vld [tilespmem:s10+$0x480]  }
0x1ba: {  	v52 =	vld [tilespmem:s10+$0x500]  }
0x1bb: {  	v55 =	vld [tilespmem:s10+$0x580]  }
0x1bc: {  	v56 =	vld [tilespmem:s10+$0x600]  }
0x1bd: {  	v45 =	vmax.f32 v29, v45;
	v29 =	vmax.f32 v41, v43;
	v30 =	vmax.f32 v30, v42;
	v57 =	vld [tilespmem:s10+$0x680]  }
0x1be: {  	v26 =	vmax.f32 v31, v26;
	v59 =	vld [tilespmem:s10+$0x700];
	v31 =	vmax.f32 v32, v44;
	v27 =	vmax.f32 v27, v46  }
0x1bf: {  	v28 =	vmax.f32 v28, v47;
	v58 =	vmax.f32 v23, v48;
	v29 =	vmax.f32 v29, v50  }
0x1c0: {  	v30 =	vmax.f32 v30, v51;
	v23 =	vmax.f32 v45, v49;
	v32 =	vmax.f32 v26, v52  }
0x1c1: {  	v31 =	vmax.f32 v31, v55;
	v26 =	vmax.f32 v27, v56;
	v17 =	vsub.f32 v17, v29  }
0x1c2: {  	v27 =	vmax.f32 v28, v57;
	v16 =	vsub.f32 v16, v30;
	v15 =	vsub.f32 v15, v32  }
0x1c3: {  	v28 =	vmax.f32 v58, v59;
	v14 =	vsub.f32 v14, v31;
	v13 =	vsub.f32 v13, v26  }
0x1c4: {  	v12 =	vsub.f32 v12, v27;
	v17 =	vmul.f32 $3.000000000e+01, v17;
	v16 =	vmul.f32 $3.000000000e+01, v16  }
0x1c5: {  	v11 =	vsub.f32 v11, v28;
	v15 =	vmul.f32 $3.000000000e+01, v15;
	v14 =	vmul.f32 $3.000000000e+01, v14  }
0x1c6: {  	v9 =	vsub.f32 v9, v23;
	v13 =	vmul.f32 $3.000000000e+01, v13;
	v12 =	vmul.f32 $3.000000000e+01, v12  }
0x1c7: {  	v11 =	vmul.f32 $3.000000000e+01, v11;
	v17 =	vmul.f32 $1.442695020e+00, v17  }
0x1c8: {  	v9 =	vmul.f32 $3.000000000e+01, v9;
	v16 =	vmul.f32 $1.442695020e+00, v16  }
0x1c9: {  	s12 =	simm.s32 $0x0;
	v15 =	vmul.f32 $1.442695020e+00, v15;
	(erf) = vpow2.f32 v17  }
0x1ca: {  	s14 =	sand.u32 $0x70, s12;
	s22 =	sand.u32 $0x7C00, s12;
	v14 =	vmul.f32 $1.442695020e+00, v14;
	(erf) = vpow2.f32 v16  }
0x1cb: {  	s9 =	sor.u32 s14, s22;
	v13 =	vmul.f32 $1.442695020e+00, v13;
	(erf) = vpow2.f32 v15  }
0x1cc: {  	v42 =	vld [tilespmem:s9+$0x680];
	v12 =	vmul.f32 $1.442695020e+00, v12;
	(erf) = vpow2.f32 v14  }
0x1cd: {  	v52 =	vld [tilespmem:s9+$0x400];
	v11 =	vmul.f32 $1.442695020e+00, v11;
	(erf) = vpow2.f32 v13  }
0x1ce: {  	v9 =	vmul.f32 $1.442695020e+00, v9;
	(erf) = vpow2.f32 v12  }
0x1cf: {  	(erf) = vpow2.f32 v11  }
0x1d0: {  	(erf) = vpow2.f32 v9;
	_ =	sdelay $0x1  }
0x1d1: {  	v62 =	vsub.f32 v42, v27;
	v56 =	vsub.f32 v52, v29;
	v9 =	vpop (erf)  }
0x1d2: {  	s23 =	sadd.s32 $0x0, s30;
	v11 =	vpop (erf)  }
0x1d3: {  	v43 =	vor.u32 s23, v0;
	s8 =	sand.u32 $0x7, s12;
	v44 =	vmul.f32 $3.000000000e+01, v62;
	v17 =	vld [tilespmem:s9+$0x500];
	v58 =	vmul.f32 $3.000000000e+01, v56;
	v12 =	vpop (erf)  }
0x1d4: {  	vm1 =	veq.s32 v43, v1;
	vm0 =	veq.s32 v43, v6;
	vm2 =	veq.s32 v43, v3;
	s8 =	sshll.u32 s8, $0x4;
	v14 =	vld [tilespmem:s9+$0x600];
	v13 =	vpop (erf)  }
0x1d5: {  	vm3 =	veq.s32 v43, v5;
	s8 =	sadd.s32 $0x0, s8;
	v44 =	vmul.f32 $1.442695020e+00, v44;
	v16 =	vld [tilespmem:s9+$0x700];
	v62 =	vmul.f32 $1.442695020e+00, v58;
	v15 =	vpop (erf)  }
0x1d6: {  	vm4 =	veq.s32 v43, v8;
	s8 =	sor.u32 $0x380, s8;
	v9 =	vmul.f32 v9, v40;
	v39 =	vmul.f32 v11, v39;
	v11 =	vpop (erf)  }
0x1d7: {  	vm5 =	veq.s32 v43, v4;
	v41 =	vmul.f32 v12, v38;
	v35 =	vmul.f32 v15, v35;
	v15 =	vld [tilespmem:s8+$0x400];
	v12 =	vpop (erf)  }
0x1d8: {  	v61 =	vsub.f32 v17, v32;
	v37 =	vmul.f32 v13, v37;
	v13 =	vld [tilespmem:s9+$0x480];
	v40 =	vmul.f32 v11, v36;
	v11 =	vpop (erf)  }
0x1d9: {  	v59 =	vmax.f32 v19, v17;
	v33 =	vmul.f32 v11, v33;
	v11 =	vsub.f32 v14, v26  }
0x1da: {  	v17 =	vmax.f32 v20, v42;
	v60 =	vsub.f32 v16, v28;
	v16 =	vmax.f32 v21, v16  }
0x1db: {  	v19 =	vsel vm5, v59, v19;
	v16 =	vsel vm1, v16, v21;
	v11 =	vmul.f32 $3.000000000e+01, v11  }
0x1dc: {  	v36 =	vmul.f32 v12, v34;
	v12 =	vld [tilespmem:s9+$0x580];
	v34 =	vmul.f32 $3.000000000e+01, v60;
	v54 =	vsub.f32 v15, v23  }
0x1dd: {  	v38 =	vmul.f32 $3.000000000e+01, v61;
	v63 =	vsub.f32 v13, v30;
	v11 =	vmul.f32 $1.442695020e+00, v11  }
0x1de: {  	s12 =	simm.s32 $0x10;
	s14 =	simm.s32 $0x80;
	v34 =	vmul.f32 $1.442695020e+00, v34;
	v13 =	vmax.f32 v10, v13;
	v55 =	vmul.f32 $3.000000000e+01, v54  }
0x1df: {  	s8 =	sand.u32 $0x70, s12;
	s9 =	sand.u32 $0x7C00, s14;
	v15 =	vmax.f32 v25, v15;
	(erf) = vpow2.f32 v11;
	v11 =	vmul.f32 $1.442695020e+00, v38  }
0x1e0: {  	s8 =	sor.u32 s8, s9;
	v10 =	vsel vm3, v13, v10;
	v13 =	vmax.f32 v18, v14;
	(erf) = vpow2.f32 v34  }
0x1e1: {  	v42 =	vld [tilespmem:s8+$0x580];
	v53 =	vsub.f32 v12, v31;
	v38 =	vmul.f32 $1.442695020e+00, v55;
	(erf) = vpow2.f32 v11  }
0x1e2: {  	vm3 =	veq.s32 v43, v7;
	v45 =	vmul.f32 $3.000000000e+01, v63;
	v60 =	vmax.f32 v24, v12  }
0x1e3: {  	v12 =	vmax.f32 v22, v52;
	v47 =	vmul.f32 $3.000000000e+01, v53;
	(erf) = vpow2.f32 v38  }
0x1e4: {  	s22 =	sadd.s32 $0x10, s30;
	v13 =	vsel vm2, v13, v18;
	v11 =	vsel vm4, v15, v25;
	v15 =	vsel vm0, v12, v22;
	v22 =	vld [tilespmem:s8+$0x480]  }
0x1e5: {  	v45 =	vmul.f32 $1.442695020e+00, v45;
	v34 =	vor.u32 s22, v0;
	v57 =	vmul.f32 $1.442695020e+00, v47  }
0x1e6: {  	s23 =	simm.s32 $0x1;
	v52 =	vsub.f32 v42, v31;
	vm0 =	veq.s32 v43, v2;
	v25 =	vld [tilespmem:s8+$0x600];
	vm2 =	veq.s32 v34, v6  }
0x1e7: {  	s9 =	sand.u32 $0x7, s23;
	v12 =	vld [tilespmem:s8+$0x680];
	vm1 =	veq.s32 v34, v3;
	vm4 =	veq.s32 v34, v5;
	(erf) = vpow2.f32 v57  }
0x1e8: {  	s9 =	sshll.u32 s9, $0x4;
	v46 =	vmul.f32 $3.000000000e+01, v52;
	v38 =	vld [tilespmem:s8+$0x700];
	v17 =	vsel vm0, v17, v20;
	(erf) = vpow2.f32 v45;
	v14 =	vpop (erf)  }
0x1e9: {  	s9 =	sadd.s32 $0x80, s9;
	vm0 =	veq.s32 v34, v1;
	(erf) = vpow2.f32 v44;
	v44 =	vld [tilespmem:s8+$0x500];
	v54 =	vsub.f32 v22, v30;
	v18 =	vpop (erf)  }
0x1ea: {  	s9 =	sor.u32 $0x380, s9;
	v45 =	vmul.f32 $1.442695020e+00, v46;
	v14 =	vadd.f32 v14, v35;
	v20 =	vadd.f32 v18, v36;
	v18 =	vpop (erf)  }
0x1eb: {  	v35 =	vadd.f32 v18, v41;
	v18 =	vsel vm3, v60, v24;
	v24 =	vsub.f32 v25, v26;
	v41 =	vld [tilespmem:s9+$0x400]  }
0x1ec: {  	v61 =	vsub.f32 v12, v27;
	v48 =	vmul.f32 $3.000000000e+01, v54;
	(erf) = vpow2.f32 v62;
	v21 =	vpop (erf)  }
0x1ed: {  	v36 =	vadd.f32 v21, v33;
	v21 =	vsub.f32 v38, v28;
	v24 =	vmul.f32 $3.000000000e+01, v24  }
0x1ee: {  	v63 =	vsub.f32 v44, v32;
	v44 =	vmax.f32 v19, v44;
	vm3 =	veq.s32 v34, v8  }
0x1ef: {  	v60 =	vmax.f32 v10, v22;
	v55 =	vmul.f32 $3.000000000e+01, v21;
	v21 =	vld [tilespmem:s8+$0x400];
	v24 =	vmul.f32 $1.442695020e+00, v24  }
0x1f0: {  	v53 =	vpop (erf);
	v56 =	vmul.f32 $3.000000000e+01, v63;
	v33 =	vmul.f32 $3.000000000e+01, v61;
	v59 =	vsub.f32 v41, v23  }
0x1f1: {  	v10 =	vsel vm4, v60, v10;
	v37 =	vadd.f32 v53, v37;
	v57 =	vpop (erf);
	(erf) = vpow2.f32 v24  }
0x1f2: {  	v39 =	vadd.f32 v57, v39;
	v61 =	vpop (erf);
	v58 =	vmul.f32 $1.442695020e+00, v55;
	v22 =	vmul.f32 $3.000000000e+01, v59  }
0x1f3: {  	v43 =	vmul.f32 $1.442695020e+00, v56;
	v33 =	vmul.f32 $1.442695020e+00, v33;
	v40 =	vadd.f32 v61, v40  }
0x1f4: {  	(erf) = vpow2.f32 v58;
	v62 =	vsub.f32 v21, v29;
	v63 =	vmul.f32 $1.442695020e+00, v22  }
0x1f5: {  	v24 =	vmax.f32 v11, v41;
	v41 =	vmul.f32 $1.442695020e+00, v48;
	(erf) = vpow2.f32 v43  }
0x1f6: {  	s31 =	simm.s32 $0x20;
	s23 =	simm.s32 $0x2;
	s22 =	simm.s32 $0x100;
	v43 =	vmax.f32 v18, v42;
	v42 =	vpop (erf);
	v22 =	vmul.f32 $3.000000000e+01, v62;
	(erf) = vpow2.f32 v63  }
.LBB2_19:
0x1f7: {  	s8 =	sand.u32 $0x7, s23;
	s9 =	sand.u32 $0x70, s31;
	s10 =	sand.u32 $0x7C00, s22;
	v11 =	vsel vm3, v24, v11;
	(erf) = vpow2.f32 v45;
	v9 =	vadd.f32 v42, v9  }
0x1f8: {  	s12 =	sadd.s32 s31, s30;
	v21 =	vmax.f32 v15, v21;
	v25 =	vmax.f32 v13, v25;
	s8 =	sshll.u32 s8, $0x4;
	s9 =	sor.u32 s9, s10;
	(erf) = vpow2.f32 v41  }
0x1f9: {  	p0 =	sne.s32 s31, $0xFF0;
	s31 =	sadd.s32 $0x10, s31;
	v41 =	vor.u32 s12, v0;
	v15 =	vsel vm2, v21, v15;
	s8 =	sadd.s32 s8, s22;
	v42 =	vld [tilespmem:s9+$0x700];
	(erf) = vpow2.f32 v33  }
0x1fa: {  	v13 =	vsel vm1, v25, v13;
	vm1 =	veq.s32 v34, v2;
	v21 =	vmax.f32 v17, v12;
	s8 =	sor.u32 $0x380, s8;
	v12 =	vld [tilespmem:s9+$0x680];
	v24 =	vpop (erf)  }
0x1fb: {  	v17 =	vsel vm1, v21, v17;
	v25 =	vld [tilespmem:s9+$0x600];
	v14 =	vadd.f32 v24, v14;
	v24 =	vmax.f32 v16, v38  }
0x1fc: {  	v46 =	vld [tilespmem:s9+$0x580];
	v16 =	vsel vm0, v24, v16;
	vm0 =	veq.s32 v41, v1  }
0x1fd: {  	vm3 =	veq.s32 v34, v7;
	vm2 =	veq.s32 v41, v6;
	vm1 =	veq.s32 v41, v3;
	v47 =	vld [tilespmem:s9+$0x500];
	v21 =	vpop (erf)  }
0x1fe: {  	vm5 =	veq.s32 v34, v4;
	vm4 =	veq.s32 v41, v5;
	v24 =	vld [tilespmem:s9+$0x480];
	v20 =	vadd.f32 v21, v20;
	v33 =	vpop (erf)  }
0x1ff: {  	v19 =	vsel vm5, v44, v19;
	v18 =	vsel vm3, v43, v18;
	v21 =	vld [tilespmem:s9+$0x400];
	v35 =	vadd.f32 v33, v35;
	v33 =	vpop (erf)  }
0x200: {  	vm3 =	veq.s32 v41, v8;
	v54 =	vsub.f32 v25, v26;
	v43 =	vld [tilespmem:s8+$0x400];
	v36 =	vadd.f32 v33, v36;
	v33 =	vpop (erf)  }
0x201: {  	v22 =	vmul.f32 $1.442695020e+00, v22;
	v55 =	vsub.f32 v42, v28;
	v44 =	vsub.f32 v12, v27;
	v45 =	vpop (erf)  }
0x202: {  	v49 =	vsub.f32 v46, v31;
	v48 =	vsub.f32 v47, v32;
	v50 =	vmul.f32 $3.000000000e+01, v54;
	v51 =	vpop (erf)  }
0x203: {  	v34 =	vmovc v41;
	v38 =	vmovc v42;
	v53 =	vmul.f32 $3.000000000e+01, v55;
	v52 =	vsub.f32 v24, v30;
	(erf) = vpow2.f32 v22  }
0x204: {  	v37 =	vadd.f32 v33, v37;
	v22 =	vmul.f32 $3.000000000e+01, v48;
	v41 =	vmul.f32 $1.442695020e+00, v50  }
0x205: {  	v33 =	vmul.f32 $3.000000000e+01, v44;
	v42 =	vmul.f32 $1.442695020e+00, v53;
	v44 =	vsub.f32 v43, v23  }
0x206: {  	v39 =	vadd.f32 v45, v39;
	v49 =	vmul.f32 $3.000000000e+01, v49;
	v48 =	vmul.f32 $3.000000000e+01, v52  }
0x207: {  	v50 =	vmax.f32 v10, v24;
	v52 =	vmul.f32 $1.442695020e+00, v22;
	(erf) = vpow2.f32 v41  }
.Ltmp8:
0x208: {  	v33 =	vmul.f32 $1.442695020e+00, v33;
	v24 =	vmax.f32 v11, v43;
	v22 =	vmul.f32 $3.000000000e+01, v44;
	(pc) =	sbr.rel @p0 .LBB2_19-.Ltmp8, $4  }
0x209: {  	v43 =	vsub.f32 v21, v29;
	v45 =	vmul.f32 $1.442695020e+00, v49;
	v41 =	vmul.f32 $1.442695020e+00, v48  }
0x20a: {  	v40 =	vadd.f32 v51, v40;
	v48 =	vmul.f32 $1.442695020e+00, v22;
	(erf) = vpow2.f32 v42  }
0x20b: {  	v10 =	vsel vm4, v50, v10;
	v22 =	vmul.f32 $3.000000000e+01, v43;
	(erf) = vpow2.f32 v52  }
0x20c: {  	s23 =	sadd.s32 $0x1, s23;
	s22 =	sadd.s32 $0x80, s22;
	v44 =	vmax.f32 v19, v47;
	v43 =	vmax.f32 v18, v46;
	(erf) = vpow2.f32 v48;
	v42 =	vpop (erf)  }
0x20d: {  	(erf) = vpow2.f32 v45  }
0x20e: {  	v22 =	vmul.f32 $1.442695020e+00, v22;
	(erf) = vpow2.f32 v41  }
0x20f: {  	(erf) = vpow2.f32 v33  }
0x210: {  	(erf) = vpow2.f32 v22;
	_ =	sdelay $0x1  }
0x211: {  	s31 =	sadd.s32 $0x1, s21;
	p0 =	seq.s32 s21, $0xB;
	v62 =	vpop (erf)  }
0x212: {  	s21 =	sshll.u32 @!p0 s31, $0x10;
	v63 =	vpop (erf)  }
0x213: {  	s8 =	sadd.s32 @!p0 s7, s21;
	v46 =	vpop (erf)  }
0x214: {  	s8 =	sshrl.u32 @!p0 s8, $0x3;
	v47 =	vpop (erf)  }
0x215: {  	s9 =	simm.s32 @!p0 $0x0;
	s10 =	simm.s32 @!p0 $0x400;
	s8 =	sadd.s32 @!p0 s3, s8;
	v48 =	vpop (erf)  }
0x216: {  	[tilespmem:s10], [sflag:$0x1] =	stream.linear.gather @!p0 [hbm4b:s8+s9], $0x8000, $0x38;
	v49 =	vpop (erf);
	[tilespmem:$0x15400] =	vst v63  }
0x217: {  	s8 =	simm.s32 $0x0;
	v50 =	vpop (erf)  }
0x218: {  	v52 =	vadd.f32 v42, v9;
	s22 =	sand.u32 $0x7, s8;
	v51 =	vpop (erf)  }
0x219: {  	v9 =	vmax.f32 v13, v25;
	vm13 =	veq.s32 v34, v2;
	vm14 =	veq.s32 v34, v7;
	s9 =	sshll.u32 s22, $0x4;
	_ =	swait.ge [sflag:s25], $0x8000  }
0x21a: {  	vm15 =	veq.s32 v34, v4;
	v25 =	vsel vm1, v9, v13;
	v9 =	vmax.f32 v17, v12;
	s23 =	sand.u32 $0x70, s8;
	s9 =	sadd.s32 $0x0, s9;
	[sflag:s25] =	ssyncset.done $0x0  }
0x21b: {  	v19 =	vsel vm15, v44, v19;
	v33 =	vsel vm3, v24, v11;
	v11 =	vmax.f32 v15, v21;
	s12 =	sand.u32 $0x7C00, s8;
	s9 =	sor.u32 $0x380, s9;
	[sflag:s25] =	ssyncadd.s32 $0xFFFF8000  }
0x21c: {  	v21 =	vsel vm13, v9, v17;
	v22 =	vsel vm2, v11, v15;
	v11 =	vmax.f32 v16, v38;
	s22 =	sor.u32 s23, s12;
	v9 =	vld [tilespmem:s9+$0x8400]  }
0x21d: {  	v44 =	vmovc v29;
	v41 =	vadd.f32 v62, v14;
	v24 =	vsel vm0, v11, v16;
	v38 =	vadd.f32 v63, v20;
	v11 =	vld [tilespmem:s22+$0x8400]  }
0x21e: {  	v17 =	vmovc v30;
	v15 =	vmovc v26;
	v16 =	vmov v27;
	v42 =	vadd.f32 v46, v35;
	v34 =	vadd.f32 v47, v36;
	v12 =	vld [tilespmem:s22+$0x8480]  }
0x21f: {  	v14 =	vmovc v28;
	s23 =	simm.s32 $0x1;
	v20 =	vsel vm14, v43, v18;
	v36 =	vadd.f32 v48, v37;
	v37 =	vadd.f32 v49, v39;
	v13 =	vld [tilespmem:s22+$0x8500]  }
0x220: {  	s10 =	simm.s32 $0x10;
	v43 =	vmovc v23;
	s12 =	sand.u32 $0x7, s23;
	v39 =	vmovc v32;
	v35 =	vadd.f32 v50, v40;
	v40 =	vmov v31;
	v18 =	vadd.f32 v51, v52;
	s9 =	simm.s32 $0x20;
	v45 =	vld [tilespmem:s22+$0x8580]  }
.LBB2_21:
0x221: {  	p1 =	sne.s32 s9, $0xFF0;
	s12 =	sshll.u32 s12, $0x4;
	v46 =	vld [tilespmem:s22+$0x8600];
	v43 =	vmax.f32 v43, v9;
	s8 =	sadd.s32 $0x80, s8  }
0x222: {  	s10 =	sand.u32 $0x70, s10;
	s12 =	sadd.s32 s12, s8;
	s14 =	sand.u32 $0x7C00, s8;
	v44 =	vmax.f32 v44, v11;
	v47 =	vld [tilespmem:s22+$0x8680]  }
0x223: {  	s12 =	sor.u32 $0x380, s12;
	v17 =	vmax.f32 v17, v12;
	v48 =	vld [tilespmem:s22+$0x8700];
	s22 =	sor.u32 s10, s14;
	s10 =	smov.u32 s9  }
.Ltmp9:
0x224: {  	v9 =	vld [tilespmem:s12+$0x8400];
	v39 =	vmax.f32 v39, v13;
	(pc) =	sbr.rel @p1 .LBB2_21-.Ltmp9, $4  }
0x225: {  	v11 =	vld [tilespmem:s22+$0x8400];
	v40 =	vmax.f32 v40, v45  }
0x226: {  	v12 =	vld [tilespmem:s22+$0x8480];
	v15 =	vmax.f32 v15, v46  }
0x227: {  	s23 =	sadd.s32 $0x1, s23;
	v13 =	vld [tilespmem:s22+$0x8500];
	v16 =	vmax.f32 v16, v47  }
0x228: {  	s9 =	sadd.s32 $0x10, s9;
	s12 =	sand.u32 $0x7, s23;
	v45 =	vld [tilespmem:s22+$0x8580];
	v14 =	vmax.f32 v14, v48  }
0x229: {  	s9 =	sshll.u32 s12, $0x4;
	v46 =	vld [tilespmem:s22+$0x8600];
	s8 =	sadd.s32 $0x80, s8  }
0x22a: {  	v47 =	vld [tilespmem:s22+$0x8680];
	s9 =	sadd.s32 s9, s8  }
0x22b: {  	s10 =	sand.u32 $0x70, s10;
	v48 =	vld [tilespmem:s22+$0x8700];
	s8 =	sand.u32 $0x7C00, s8;
	s9 =	sor.u32 $0x380, s9  }
0x22c: {  	s8 =	sor.u32 s10, s8;
	v49 =	vld [tilespmem:s9+$0x8400]  }
0x22d: {  	v50 =	vld [tilespmem:s8+$0x8400]  }
0x22e: {  	v51 =	vld [tilespmem:s8+$0x8480]  }
0x22f: {  	v52 =	vld [tilespmem:s8+$0x8500]  }
0x230: {  	v62 =	vld [tilespmem:s8+$0x8580]  }
0x231: {  	v9 =	vmax.f32 v43, v9;
	v11 =	vmax.f32 v44, v11;
	v53 =	vld [tilespmem:s8+$0x8600]  }
0x232: {  	v12 =	vmax.f32 v17, v12;
	v13 =	vmax.f32 v39, v13;
	v63 =	vmax.f32 v40, v45  }
0x233: {  	v54 =	vmax.f32 v15, v46;
	v55 =	vmax.f32 v16, v47;
	v56 =	vmax.f32 v14, v48  }
0x234: {  	v17 =	vmax.f32 v11, v50;
	v16 =	vmax.f32 v12, v51;
	v9 =	vmax.f32 v9, v49  }
0x235: {  	v57 =	vld [tilespmem:s8+$0x8700];
	v15 =	vmax.f32 v13, v52;
	v14 =	vmax.f32 v63, v62;
	v12 =	vsub.f32 v29, v17  }
0x236: {  	v11 =	vld [tilespmem:s8+$0x8680];
	v13 =	vmax.f32 v54, v53;
	v29 =	vsub.f32 v30, v16;
	v32 =	vsub.f32 v32, v15  }
0x237: {  	v31 =	vsub.f32 v31, v14;
	v26 =	vsub.f32 v26, v13;
	v30 =	vmul.f32 $3.000000000e+01, v12  }
0x238: {  	v23 =	vsub.f32 v23, v9;
	v29 =	vmul.f32 $3.000000000e+01, v29;
	v32 =	vmul.f32 $3.000000000e+01, v32  }
0x239: {  	v31 =	vmul.f32 $3.000000000e+01, v31;
	v26 =	vmul.f32 $3.000000000e+01, v26  }
0x23a: {  	v23 =	vmul.f32 $3.000000000e+01, v23;
	v30 =	vmul.f32 $1.442695020e+00, v30  }
0x23b: {  	s12 =	simm.s32 $0x0;
	v12 =	vmax.f32 v55, v11;
	v11 =	vmax.f32 v56, v57;
	v29 =	vmul.f32 $1.442695020e+00, v29  }
0x23c: {  	s8 =	sand.u32 $0x7, s12;
	v26 =	vmul.f32 $1.442695020e+00, v26;
	v27 =	vsub.f32 v27, v12;
	(erf) = vpow2.f32 v30  }
0x23d: {  	s14 =	sand.u32 $0x70, s12;
	s22 =	sand.u32 $0x7C00, s12;
	s8 =	sshll.u32 s8, $0x4;
	v28 =	vsub.f32 v28, v11;
	v30 =	vmul.f32 $1.442695020e+00, v32;
	(erf) = vpow2.f32 v29  }
0x23e: {  	s9 =	sor.u32 s14, s22;
	s8 =	sadd.s32 $0x0, s8;
	v29 =	vmul.f32 $1.442695020e+00, v31;
	v27 =	vmul.f32 $3.000000000e+01, v27  }
0x23f: {  	v63 =	vld [tilespmem:s9+$0x8400];
	s8 =	sor.u32 $0x380, s8;
	v28 =	vmul.f32 $3.000000000e+01, v28;
	(erf) = vpow2.f32 v30  }
0x240: {  	v58 =	vld [tilespmem:s8+$0x8400];
	(erf) = vpow2.f32 v29;
	v27 =	vmul.f32 $1.442695020e+00, v27  }
0x241: {  	v32 =	vld [tilespmem:s9+$0x8680];
	(erf) = vpow2.f32 v26;
	v26 =	vmul.f32 $1.442695020e+00, v28  }
0x242: {  	v23 =	vmul.f32 $1.442695020e+00, v23;
	v31 =	vld [tilespmem:s9+$0x8500];
	(erf) = vpow2.f32 v27  }
0x243: {  	(erf) = vpow2.f32 v26  }
0x244: {  	v29 =	vld [tilespmem:s9+$0x8700];
	(erf) = vpow2.f32 v23;
	_ =	sdelay $0x1  }
0x245: {  	v55 =	vsub.f32 v63, v17;
	v61 =	vsub.f32 v32, v12;
	v23 =	vpop (erf)  }
0x246: {  	v53 =	vsub.f32 v58, v9;
	v60 =	vsub.f32 v31, v15;
	v26 =	vpop (erf)  }
0x247: {  	v57 =	vmul.f32 $3.000000000e+01, v55;
	v44 =	vmul.f32 $3.000000000e+01, v61;
	v27 =	vpop (erf)  }
0x248: {  	v30 =	vld [tilespmem:s9+$0x8600];
	v54 =	vmul.f32 $3.000000000e+01, v53;
	v59 =	vsub.f32 v29, v11;
	v43 =	vmul.f32 $3.000000000e+01, v60;
	v28 =	vpop (erf)  }
0x249: {  	v44 =	vmul.f32 $1.442695020e+00, v44;
	v18 =	vmul.f32 v23, v18;
	v23 =	vpop (erf)  }
0x24a: {  	v39 =	vmul.f32 v26, v37;
	v37 =	vmul.f32 $3.000000000e+01, v59;
	v26 =	vpop (erf)  }
0x24b: {  	v36 =	vmul.f32 v28, v36;
	v28 =	vmul.f32 v23, v41;
	v23 =	vpop (erf)  }
0x24c: {  	s23 =	sadd.s32 $0x0, s28;
	v40 =	vmul.f32 v27, v42;
	v27 =	vld [tilespmem:s9+$0x8480];
	v38 =	vmul.f32 v23, v38;
	v23 =	vpop (erf)  }
0x24d: {  	v41 =	vor.u32 s23, v0;
	v42 =	vmul.f32 v23, v34;
	v23 =	vsub.f32 v30, v13  }
0x24e: {  	v37 =	vmul.f32 $1.442695020e+00, v37;
	v35 =	vmul.f32 v26, v35;
	v26 =	vld [tilespmem:s9+$0x8580];
	vm1 =	veq.s32 v41, v1  }
0x24f: {  	vm0 =	veq.s32 v41, v6;
	vm2 =	veq.s32 v41, v3;
	v23 =	vmul.f32 $3.000000000e+01, v23  }
0x250: {  	vm3 =	veq.s32 v41, v5;
	vm4 =	veq.s32 v41, v8;
	vm5 =	veq.s32 v41, v4  }
0x251: {  	v62 =	vsub.f32 v27, v16;
	v27 =	vmax.f32 v10, v27;
	v23 =	vmul.f32 $1.442695020e+00, v23  }
0x252: {  	s14 =	simm.s32 $0x80;
	s12 =	simm.s32 $0x10;
	v34 =	vmax.f32 v33, v58;
	v58 =	vmax.f32 v19, v31;
	v31 =	vmax.f32 v21, v32  }
0x253: {  	s22 =	sadd.s32 $0x10, s28;
	s8 =	sand.u32 $0x70, s12;
	s9 =	sand.u32 $0x7C00, s14;
	v10 =	vsel vm3, v27, v10;
	v52 =	vsub.f32 v26, v14;
	(erf) = vpow2.f32 v23  }
0x254: {  	s8 =	sor.u32 s8, s9;
	v27 =	vmax.f32 v25, v30;
	v30 =	vor.u32 s22, v0;
	v23 =	vmul.f32 $1.442695020e+00, v43  }
0x255: {  	v46 =	vld [tilespmem:s8+$0x8580];
	v59 =	vmax.f32 v20, v26;
	v47 =	vmul.f32 $3.000000000e+01, v52;
	(erf) = vpow2.f32 v37  }
0x256: {  	v49 =	vld [tilespmem:s8+$0x8500];
	v26 =	vmax.f32 v22, v63;
	v43 =	vmul.f32 $1.442695020e+00, v54;
	(erf) = vpow2.f32 v23  }
0x257: {  	vm3 =	veq.s32 v41, v7;
	v45 =	vmul.f32 $3.000000000e+01, v62;
	v22 =	vsel vm0, v26, v22;
	v26 =	vld [tilespmem:s8+$0x8680]  }
0x258: {  	v19 =	vsel vm5, v58, v19;
	v56 =	vmul.f32 $1.442695020e+00, v47;
	(erf) = vpow2.f32 v43  }
0x259: {  	v27 =	vsel vm2, v27, v25;
	vm2 =	veq.s32 v30, v6;
	v45 =	vmul.f32 $1.442695020e+00, v45  }
0x25a: {  	v62 =	vmul.f32 $1.442695020e+00, v57;
	v23 =	vsel vm4, v34, v33;
	v34 =	vld [tilespmem:s8+$0x8600];
	(erf) = vpow2.f32 v56  }
0x25b: {  	s23 =	simm.s32 $0x1;
	vm0 =	veq.s32 v41, v2;
	v63 =	vsub.f32 v49, v15;
	(erf) = vpow2.f32 v45  }
0x25c: {  	s9 =	sand.u32 $0x7, s23;
	v52 =	vsub.f32 v46, v14;
	vm4 =	veq.s32 v30, v5;
	v61 =	vsub.f32 v26, v12;
	v25 =	vpop (erf)  }
0x25d: {  	s9 =	sshll.u32 s9, $0x4;
	v37 =	vld [tilespmem:s8+$0x8700];
	v56 =	vmul.f32 $3.000000000e+01, v63;
	v28 =	vadd.f32 v25, v28;
	v25 =	vmax.f32 v24, v29  }
0x25e: {  	s9 =	sadd.s32 $0x80, s9;
	v41 =	vmul.f32 $3.000000000e+01, v61;
	v29 =	vsel vm0, v31, v21;
	v21 =	vsel vm1, v25, v24;
	v24 =	vpop (erf)  }
0x25f: {  	s9 =	sor.u32 $0x380, s9;
	(erf) = vpow2.f32 v44;
	v60 =	vsub.f32 v34, v13;
	v25 =	vld [tilespmem:s8+$0x8480];
	v32 =	vadd.f32 v24, v38;
	v24 =	vpop (erf)  }
0x260: {  	vm0 =	veq.s32 v30, v1;
	vm1 =	veq.s32 v30, v3;
	v31 =	vadd.f32 v24, v40;
	v40 =	vld [tilespmem:s9+$0x8400]  }
0x261: {  	(erf) = vpow2.f32 v62;
	v38 =	vmul.f32 $3.000000000e+01, v60;
	v24 =	vsel vm3, v59, v20;
	v20 =	vpop (erf)  }
0x262: {  	v59 =	vmul.f32 $3.000000000e+01, v52;
	v33 =	vadd.f32 v20, v42;
	v20 =	vsub.f32 v37, v11  }
0x263: {  	vm3 =	veq.s32 v30, v8;
	v53 =	vpop (erf);
	v38 =	vmul.f32 $1.442695020e+00, v38;
	v42 =	vmul.f32 $1.442695020e+00, v56  }
0x264: {  	v36 =	vadd.f32 v53, v36;
	v57 =	vpop (erf);
	v54 =	vsub.f32 v25, v16;
	v55 =	vmul.f32 $3.000000000e+01, v20;
	v20 =	vld [tilespmem:s8+$0x8400]  }
0x265: {  	v45 =	vmul.f32 $1.442695020e+00, v59;
	v39 =	vadd.f32 v57, v39;
	v58 =	vsub.f32 v40, v9  }
0x266: {  	v60 =	vmax.f32 v10, v25;
	(erf) = vpow2.f32 v38;
	v38 =	vmul.f32 $1.442695020e+00, v41  }
0x267: {  	v41 =	vmax.f32 v24, v46;
	v48 =	vmul.f32 $1.442695020e+00, v55;
	v25 =	vmul.f32 $3.000000000e+01, v58  }
0x268: {  	v10 =	vsel vm4, v60, v10;
	v47 =	vmul.f32 $3.000000000e+01, v54;
	v43 =	vmax.f32 v23, v40  }
0x269: {  	v61 =	vpop (erf);
	(erf) = vpow2.f32 v48;
	v62 =	vsub.f32 v20, v17;
	v63 =	vmul.f32 $1.442695020e+00, v25  }
0x26a: {  	v40 =	vadd.f32 v61, v35;
	v44 =	vmul.f32 $1.442695020e+00, v47;
	(erf) = vpow2.f32 v42  }
0x26b: {  	s23 =	simm.s32 $0x100;
	s22 =	simm.s32 $0x20;
	s8 =	simm.s32 $0x2;
	v35 =	vpop (erf);
	v42 =	vmax.f32 v19, v49;
	v25 =	vmul.f32 $3.000000000e+01, v62;
	(erf) = vpow2.f32 v63  }
.LBB2_23:
0x26c: {  	s9 =	sand.u32 $0x7, s8;
	s10 =	sand.u32 $0x70, s22;
	s12 =	sand.u32 $0x7C00, s23;
	v23 =	vsel vm3, v43, v23;
	(erf) = vpow2.f32 v45;
	v18 =	vadd.f32 v35, v18  }
0x26d: {  	s14 =	sadd.s32 s22, s28;
	v20 =	vmax.f32 v22, v20;
	v34 =	vmax.f32 v27, v34;
	s9 =	sshll.u32 s9, $0x4;
	s10 =	sor.u32 s10, s12;
	(erf) = vpow2.f32 v44  }
0x26e: {  	p1 =	sne.s32 s22, $0xFF0;
	s22 =	sadd.s32 $0x10, s22;
	v35 =	vor.u32 s14, v0;
	v22 =	vsel vm2, v20, v22;
	s9 =	sadd.s32 s9, s23;
	v43 =	vld [tilespmem:s10+$0x8700];
	(erf) = vpow2.f32 v38  }
0x26f: {  	v27 =	vsel vm1, v34, v27;
	vm1 =	veq.s32 v30, v2;
	v20 =	vmax.f32 v29, v26;
	s9 =	sor.u32 $0x380, s9;
	v26 =	vld [tilespmem:s10+$0x8680];
	v38 =	vpop (erf)  }
0x270: {  	v37 =	vmax.f32 v21, v37;
	v29 =	vsel vm1, v20, v29;
	v34 =	vld [tilespmem:s10+$0x8600];
	v28 =	vadd.f32 v38, v28  }
0x271: {  	v21 =	vsel vm0, v37, v21;
	vm0 =	veq.s32 v35, v1;
	v46 =	vld [tilespmem:s10+$0x8580]  }
0x272: {  	vm3 =	veq.s32 v30, v7;
	vm2 =	veq.s32 v35, v6;
	vm1 =	veq.s32 v35, v3;
	v47 =	vld [tilespmem:s10+$0x8500];
	v20 =	vpop (erf)  }
0x273: {  	vm5 =	veq.s32 v30, v4;
	vm4 =	veq.s32 v35, v5;
	v38 =	vld [tilespmem:s10+$0x8480];
	v32 =	vadd.f32 v20, v32;
	v30 =	vpop (erf)  }
0x274: {  	v19 =	vsel vm5, v42, v19;
	v24 =	vsel vm3, v41, v24;
	v20 =	vld [tilespmem:s10+$0x8400];
	v31 =	vadd.f32 v30, v31;
	v30 =	vpop (erf)  }
0x275: {  	vm3 =	veq.s32 v35, v8;
	v55 =	vsub.f32 v34, v13;
	v41 =	vld [tilespmem:s9+$0x8400];
	v33 =	vadd.f32 v30, v33;
	v42 =	vpop (erf)  }
0x276: {  	v25 =	vmul.f32 $1.442695020e+00, v25;
	v54 =	vsub.f32 v43, v11;
	v44 =	vsub.f32 v26, v12;
	v45 =	vpop (erf)  }
0x277: {  	v49 =	vsub.f32 v46, v14;
	v48 =	vsub.f32 v47, v15;
	v50 =	vmul.f32 $3.000000000e+01, v55;
	v51 =	vpop (erf)  }
0x278: {  	v37 =	vmovc v43;
	v53 =	vmul.f32 $3.000000000e+01, v54;
	v30 =	vmovc v35;
	v52 =	vsub.f32 v38, v16;
	(erf) = vpow2.f32 v25  }
0x279: {  	v36 =	vadd.f32 v42, v36;
	v25 =	vmul.f32 $3.000000000e+01, v48;
	v35 =	vmul.f32 $1.442695020e+00, v50  }
0x27a: {  	v42 =	vmul.f32 $3.000000000e+01, v44;
	v48 =	vmul.f32 $1.442695020e+00, v53;
	v43 =	vsub.f32 v41, v9  }
0x27b: {  	v39 =	vadd.f32 v45, v39;
	v49 =	vmul.f32 $3.000000000e+01, v49;
	v44 =	vmul.f32 $3.000000000e+01, v52  }
0x27c: {  	v50 =	vmax.f32 v10, v38;
	v52 =	vmul.f32 $1.442695020e+00, v25;
	(erf) = vpow2.f32 v35  }
.Ltmp10:
0x27d: {  	v38 =	vmul.f32 $1.442695020e+00, v42;
	v25 =	vmul.f32 $3.000000000e+01, v43;
	v43 =	vmax.f32 v23, v41;
	(pc) =	sbr.rel @p1 .LBB2_23-.Ltmp10, $4  }
0x27e: {  	v53 =	vsub.f32 v20, v17;
	v45 =	vmul.f32 $1.442695020e+00, v49;
	v44 =	vmul.f32 $1.442695020e+00, v44  }
0x27f: {  	v40 =	vadd.f32 v51, v40;
	v49 =	vmul.f32 $1.442695020e+00, v25;
	(erf) = vpow2.f32 v48  }
0x280: {  	v10 =	vsel vm4, v50, v10;
	v25 =	vmul.f32 $3.000000000e+01, v53;
	(erf) = vpow2.f32 v52  }
0x281: {  	s8 =	sadd.s32 $0x1, s8;
	s23 =	sadd.s32 $0x80, s23;
	v42 =	vmax.f32 v19, v47;
	v41 =	vmax.f32 v24, v46;
	(erf) = vpow2.f32 v49;
	v35 =	vpop (erf)  }
0x282: {  	(erf) = vpow2.f32 v45  }
0x283: {  	v25 =	vmul.f32 $1.442695020e+00, v25;
	(erf) = vpow2.f32 v44  }
0x284: {  	(erf) = vpow2.f32 v38  }
0x285: {  	(erf) = vpow2.f32 v25;
	_ =	sdelay $0x1  }
0x286: {  	v60 =	vpop (erf)  }
0x287: {  	v20 =	vmax.f32 v22, v20;
	v25 =	vsel vm3, v43, v23;
	v23 =	vpop (erf)  }
0x288: {  	v61 =	vadd.f32 v35, v18;
	v18 =	vmax.f32 v27, v34;
	vm13 =	veq.s32 v30, v2;
	p1 =	sne.s32 @!p0 s31, $0xC;
	v62 =	vpop (erf)  }
0x289: {  	vm14 =	veq.s32 v30, v7;
	v22 =	vsel vm2, v20, v22;
	v20 =	vmax.f32 v29, v26;
	p1 =	por p0, !p1;
	v26 =	vpop (erf)  }
.Ltmp11:
0x28a: {  	vm15 =	veq.s32 v30, v4;
	v18 =	vsel vm1, v18, v27;
	v27 =	vmax.f32 v21, v37;
	v63 =	vpop (erf);
	(pc) =	sbr.rel @!p1 .LBB2_16-.Ltmp11, $4  }
0x28b: {  	s8 =	sadd.s32 @!p0 s21, s11;
	s9 =	simm.s32 @!p0 $0x0;
	v19 =	vsel vm15, v42, v19;
	v35 =	vadd.f32 v60, v28;
	v34 =	vadd.f32 v23, v32;
	v23 =	vpop (erf)  }
0x28c: {  	s10 =	simm.s32 @!p0 $0x8400;
	s30 =	sadd.s32 @!p0 $0x2000, s30;
	s8 =	sshrl.u32 @!p0 s8, $0x3;
	v24 =	vsel vm14, v41, v24;
	v38 =	vadd.f32 v62, v31;
	v33 =	vadd.f32 v26, v33;
	v26 =	vpop (erf)  }
0x28d: {  	s28 =	sadd.s32 @!p0 $0x2000, s28;
	s21 =	smov.u32 s31;
	v20 =	vsel vm13, v20, v29;
	s8 =	sadd.s32 @!p0 s3, s8;
	v37 =	vadd.f32 v63, v36;
	v39 =	vadd.f32 v23, v39;
	v23 =	vpop (erf)  }
0x28e: {  	v21 =	vsel vm0, v27, v21;
	[tilespmem:s10], [sflag:$0x2] =	stream.linear.gather @!p0 [hbm4b:s8+s9], $0x8000, $0x38;
	v36 =	vadd.f32 v26, v40;
	v40 =	vadd.f32 v23, v61;
	[tilespmem:$0x15400] =	vst v63  }
0x28f: {  	s1 =	simm.s32 $0x0  }
0x290: {  	_ =	swait.ge [sflag:s26], $0x3800;
	s8 =	sand.u32 $0x7, s1  }
0x291: {  	[sflag:s26] =	ssyncset.done $0x0;
	s8 =	sshll.u32 s8, $0x4  }
0x292: {  	s31 =	sand.u32 $0x70, s1;
	s10 =	sand.u32 $0x3C00, s1;
	s9 =	sadd.s32 $0x0, s8  }
0x293: {  	[sflag:s26] =	ssyncadd.s32 $0xFFFFC800;
	s8 =	sor.u32 s31, s10;
	s9 =	sor.u32 $0x380, s9  }
0x294: {  	s21 =	sadd.s32 $0x10400, s8;
	v45 =	vld [tilespmem:s9+$0x10400]  }
0x295: {  	v44 =	vld [tilespmem:s21+$0x80]  }
0x296: {  	v41 =	vld [tilespmem:s21+$0x100]  }
0x297: {  	s22 =	simm.s32 $0x1;
	v31 =	vmov v9;
	v32 =	vmov v16;
	v29 =	vmov v15;
	v28 =	vld [tilespmem:s21+$0x180]  }
0x298: {  	s23 =	simm.s32 $0x10;
	v30 =	vmovc v14;
	v26 =	vmovc v13;
	v27 =	vmov v12;
	v23 =	vmov v11;
	v42 =	vmov v17;
	s10 =	sand.u32 $0x7, s22;
	s9 =	simm.s32 $0x20;
	v43 =	vld [tilespmem:s21+$0x200]  }
.LBB2_26:
0x299: {  	p0 =	sne.s32 s9, $0x690;
	s10 =	sshll.u32 s10, $0x4;
	v46 =	vld [tilespmem:s21+$0x280];
	v31 =	vmax.f32 v31, v45;
	s1 =	sadd.s32 $0x80, s1  }
0x29a: {  	s12 =	sand.u32 $0x70, s23;
	s10 =	sadd.s32 s10, s1;
	s14 =	sand.u32 $0x3C00, s1;
	v32 =	vmax.f32 v32, v44;
	v47 =	vld [tilespmem:s21+$0x300]  }
0x29b: {  	s23 =	smov.u32 s9;
	s10 =	sor.u32 $0x380, s10;
	v48 =	vld [tilespmem:s8+$0x10400];
	s8 =	sor.u32 s12, s14;
	v29 =	vmax.f32 v29, v41  }
.Ltmp12:
0x29c: {  	s21 =	sadd.s32 $0x10400, s8;
	v45 =	vld [tilespmem:s10+$0x10400];
	v30 =	vmax.f32 v30, v28;
	(pc) =	sbr.rel @p0 .LBB2_26-.Ltmp12, $4  }
0x29d: {  	v44 =	vld [tilespmem:s21+$0x80];
	v26 =	vmax.f32 v26, v43  }
0x29e: {  	v41 =	vld [tilespmem:s21+$0x100];
	v27 =	vmax.f32 v27, v46  }
0x29f: {  	s22 =	sadd.s32 $0x1, s22;
	v28 =	vld [tilespmem:s21+$0x180];
	v23 =	vmax.f32 v23, v47  }
0x2a0: {  	s9 =	sadd.s32 $0x10, s9;
	s10 =	sand.u32 $0x7, s22;
	v43 =	vld [tilespmem:s21+$0x200];
	v42 =	vmax.f32 v42, v48  }
0x2a1: {  	s9 =	sshll.u32 s10, $0x4;
	v46 =	vld [tilespmem:s21+$0x280];
	s1 =	sadd.s32 $0x80, s1  }
0x2a2: {  	v47 =	vld [tilespmem:s21+$0x300];
	s9 =	sadd.s32 s9, s1  }
0x2a3: {  	s31 =	sand.u32 $0x70, s23;
	v48 =	vld [tilespmem:s8+$0x10400];
	s1 =	sand.u32 $0x3C00, s1;
	s9 =	sor.u32 $0x380, s9  }
0x2a4: {  	s1 =	sor.u32 s31, s1;
	v49 =	vld [tilespmem:s9+$0x10400]  }
0x2a5: {  	s10 =	sadd.s32 $0x10400, s1;
	v50 =	vld [tilespmem:s1+$0x10400]  }
0x2a6: {  	v51 =	vld [tilespmem:s10+$0x80]  }
0x2a7: {  	v52 =	vld [tilespmem:s10+$0x100]  }
0x2a8: {  	v58 =	vld [tilespmem:s10+$0x180]  }
0x2a9: {  	v59 =	vld [tilespmem:s10+$0x200]  }
0x2aa: {  	v31 =	vmax.f32 v31, v45;
	v32 =	vmax.f32 v32, v44;
	v29 =	vmax.f32 v29, v41;
	v62 =	vld [tilespmem:s10+$0x280]  }
0x2ab: {  	v30 =	vmax.f32 v30, v28;
	v60 =	vmax.f32 v26, v43;
	v28 =	vmax.f32 v42, v48;
	v48 =	vld [tilespmem:s10+$0x300]  }
0x2ac: {  	v61 =	vmax.f32 v27, v46;
	v63 =	vmax.f32 v23, v47;
	v28 =	vmax.f32 v28, v50  }
0x2ad: {  	v27 =	vmax.f32 v32, v51;
	v50 =	vsub.f32 v17, v28;
	v17 =	vmax.f32 v31, v49  }
0x2ae: {  	v26 =	vmax.f32 v29, v52;
	v23 =	vmax.f32 v30, v58;
	v29 =	vsub.f32 v16, v27  }
0x2af: {  	v31 =	vsub.f32 v15, v26;
	v16 =	vmax.f32 v60, v59;
	v51 =	vsub.f32 v14, v23  }
0x2b0: {  	v15 =	vmax.f32 v61, v62;
	v14 =	vmax.f32 v63, v48;
	v9 =	vsub.f32 v9, v17  }
0x2b1: {  	v30 =	vmul.f32 $3.000000000e+01, v50;
	v13 =	vsub.f32 v13, v16;
	v29 =	vmul.f32 $3.000000000e+01, v29  }
0x2b2: {  	v12 =	vsub.f32 v12, v15;
	v31 =	vmul.f32 $3.000000000e+01, v31;
	v52 =	vmul.f32 $3.000000000e+01, v51  }
0x2b3: {  	s12 =	simm.s32 $0x0;
	v11 =	vsub.f32 v11, v14;
	v9 =	vmul.f32 $3.000000000e+01, v9;
	v30 =	vmul.f32 $1.442695020e+00, v30  }
0x2b4: {  	s14 =	sand.u32 $0x70, s12;
	s21 =	sand.u32 $0x3C00, s12;
	v13 =	vmul.f32 $3.000000000e+01, v13;
	v12 =	vmul.f32 $3.000000000e+01, v12  }
0x2b5: {  	s8 =	sor.u32 s14, s21;
	v11 =	vmul.f32 $3.000000000e+01, v11;
	v29 =	vmul.f32 $1.442695020e+00, v29  }
0x2b6: {  	s9 =	sadd.s32 $0x10400, s8;
	(erf) = vpow2.f32 v30;
	v30 =	vmul.f32 $1.442695020e+00, v31  }
0x2b7: {  	v41 =	vld [tilespmem:s9+$0x100];
	(erf) = vpow2.f32 v29;
	v29 =	vmul.f32 $1.442695020e+00, v52  }
0x2b8: {  	v54 =	vld [tilespmem:s9+$0x80];
	v13 =	vmul.f32 $1.442695020e+00, v13;
	(erf) = vpow2.f32 v30  }
0x2b9: {  	v56 =	vld [tilespmem:s9+$0x180];
	v12 =	vmul.f32 $1.442695020e+00, v12;
	(erf) = vpow2.f32 v29  }
0x2ba: {  	v55 =	vld [tilespmem:s9+$0x200];
	v11 =	vmul.f32 $1.442695020e+00, v11;
	(erf) = vpow2.f32 v13  }
0x2bb: {  	s1 =	sand.u32 $0x7, s12;
	v9 =	vmul.f32 $1.442695020e+00, v9;
	(erf) = vpow2.f32 v12  }
0x2bc: {  	s1 =	sshll.u32 s1, $0x4;
	(erf) = vpow2.f32 v11  }
0x2bd: {  	s22 =	simm.s32 $0x18000;
	s1 =	sadd.s32 $0x0, s1;
	v58 =	vsub.f32 v54, v27  }
0x2be: {  	s1 =	sor.u32 $0x380, s1;
	v59 =	vsub.f32 v41, v26;
	v62 =	vsub.f32 v56, v23;
	v63 =	vor.u32 s22, v0  }
0x2bf: {  	v61 =	vld [tilespmem:s1+$0x10400];
	v60 =	vsub.f32 v55, v16;
	vm0 =	veq.s32 v63, v8;
	(erf) = vpow2.f32 v9;
	v9 =	vpop (erf)  }
0x2c0: {  	vm1 =	veq.s32 v63, v7;
	vm11 =	veq.s32 v63, v6;
	vm12 =	veq.s32 v63, v5;
	v31 =	vld [tilespmem:s9+$0x280];
	v11 =	vpop (erf)  }
0x2c1: {  	vm2 =	veq.s32 v63, v4;
	vm3 =	veq.s32 v63, v2;
	v44 =	vmul.f32 $3.000000000e+01, v59;
	v12 =	vld [tilespmem:s8+$0x10400];
	v13 =	vpop (erf)  }
0x2c2: {  	vm4 =	veq.s32 v63, v1;
	v43 =	vmul.f32 $3.000000000e+01, v58;
	v47 =	vmul.f32 $3.000000000e+01, v62;
	v29 =	vld [tilespmem:s9+$0x300];
	v30 =	vpop (erf)  }
0x2c3: {  	vm13 =	veq.s32 v63, v3;
	v45 =	vmul.f32 $3.000000000e+01, v60;
	v44 =	vmul.f32 $1.442695020e+00, v44;
	v53 =	vpop (erf)  }
0x2c4: {  	v43 =	vmul.f32 $1.442695020e+00, v43;
	v52 =	vmax.f32 v25, v61;
	v40 =	vmul.f32 v9, v40;
	v9 =	vpop (erf)  }
0x2c5: {  	s23 =	simm.s32 $0x10;
	s28 =	simm.s32 $0x80;
	v57 =	vsub.f32 v31, v15;
	v42 =	vmul.f32 v11, v39;
	v11 =	vmul.f32 v13, v38;
	v13 =	vpop (erf)  }
0x2c6: {  	s1 =	sand.u32 $0x70, s23;
	s8 =	sand.u32 $0x3C00, s28;
	v32 =	vmul.f32 v53, v35;
	v35 =	vmax.f32 v22, v12;
	v34 =	vmul.f32 v13, v34  }
0x2c7: {  	s1 =	sor.u32 s1, s8;
	v13 =	vsub.f32 v12, v28;
	v12 =	vmax.f32 v21, v29;
	v29 =	vsub.f32 v29, v14  }
0x2c8: {  	v45 =	vmul.f32 $1.442695020e+00, v45;
	v46 =	vsel vm0, v52, v25;
	v25 =	vmul.f32 $1.442695020e+00, v47;
	s8 =	sadd.s32 $0x10400, s1  }
0x2c9: {  	v31 =	vmax.f32 v20, v31;
	v38 =	vmul.f32 $3.000000000e+01, v57;
	v57 =	vld [tilespmem:s8+$0x280];
	v29 =	vmul.f32 $3.000000000e+01, v29  }
0x2ca: {  	v30 =	vmul.f32 v30, v37;
	v37 =	vmax.f32 v18, v55;
	v36 =	vmul.f32 v9, v36  }
0x2cb: {  	v55 =	vmax.f32 v19, v41;
	v9 =	vpop (erf);
	v13 =	vmul.f32 $3.000000000e+01, v13;
	v29 =	vmul.f32 $1.442695020e+00, v29  }
0x2cc: {  	s30 =	simm.s32 $0x1;
	v48 =	vld [tilespmem:s8+$0x200];
	v38 =	vmul.f32 $1.442695020e+00, v38;
	v53 =	vmax.f32 v10, v54;
	v9 =	vmul.f32 v9, v33  }
0x2cd: {  	v54 =	vld [tilespmem:s1+$0x10400];
	s1 =	sand.u32 $0x7, s30;
	v18 =	vsel vm13, v37, v18;
	v13 =	vmul.f32 $1.442695020e+00, v13;
	(erf) = vpow2.f32 v29  }
0x2ce: {  	s1 =	sshll.u32 s1, $0x4;
	v12 =	vsel vm4, v12, v21;
	v59 =	vsub.f32 v57, v15;
	(erf) = vpow2.f32 v38  }
0x2cf: {  	s1 =	sadd.s32 $0x80, s1;
	v29 =	vsub.f32 v61, v17;
	(erf) = vpow2.f32 v13;
	v13 =	vmax.f32 v24, v56;
	v56 =	vld [tilespmem:s8+$0x300]  }
0x2d0: {  	s1 =	sor.u32 $0x380, s1;
	v38 =	vmul.f32 $3.000000000e+01, v59;
	v47 =	vsel vm1, v13, v24;
	v24 =	vsel vm11, v35, v22;
	v35 =	vld [tilespmem:s8+$0x80]  }
0x2d1: {  	v49 =	vld [tilespmem:s1+$0x10400];
	v61 =	vsub.f32 v48, v16;
	v29 =	vmul.f32 $3.000000000e+01, v29;
	(erf) = vpow2.f32 v44  }
0x2d2: {  	v13 =	vsel vm3, v31, v20;
	v20 =	vsel vm2, v55, v19;
	(erf) = vpow2.f32 v45  }
0x2d3: {  	v22 =	vsel vm12, v53, v10;
	v31 =	vsub.f32 v54, v28;
	(erf) = vpow2.f32 v43  }
0x2d4: {  	v53 =	vmul.f32 $3.000000000e+01, v61;
	(erf) = vpow2.f32 v25;
	v25 =	vld [tilespmem:s8+$0x100];
	v41 =	vsub.f32 v56, v14  }
0x2d5: {  	v33 =	vmax.f32 v24, v54;
	v45 =	vld [tilespmem:s8+$0x180];
	v54 =	vmul.f32 $1.442695020e+00, v38;
	v60 =	vsub.f32 v35, v27  }
0x2d6: {  	v61 =	vsub.f32 v49, v17;
	v43 =	vmul.f32 $1.442695020e+00, v53;
	v21 =	vpop (erf);
	v41 =	vmul.f32 $3.000000000e+01, v41  }
0x2d7: {  	s31 =	simm.s32 $0x18010;
	v19 =	vadd.f32 v21, v34;
	v10 =	vpop (erf);
	v21 =	vmax.f32 v12, v56;
	v63 =	vmul.f32 $3.000000000e+01, v60  }
0x2d8: {  	v10 =	vadd.f32 v10, v36;
	v58 =	vpop (erf);
	v36 =	vmul.f32 $1.442695020e+00, v29;
	v29 =	vor.u32 s31, v0  }
0x2d9: {  	v37 =	vsub.f32 v25, v26;
	v41 =	vmul.f32 $1.442695020e+00, v41;
	v34 =	vadd.f32 v58, v40  }
0x2da: {  	v40 =	vmul.f32 $3.000000000e+01, v31;
	v31 =	vmax.f32 v13, v57;
	v39 =	vpop (erf);
	v57 =	vsub.f32 v45, v23  }
0x2db: {  	vm14 =	veq.s32 v29, v8;
	vm15 =	veq.s32 v29, v7;
	v62 =	vpop (erf);
	v37 =	vmul.f32 $3.000000000e+01, v37  }
0x2dc: {  	(erf) = vpow2.f32 v36;
	v32 =	vadd.f32 v62, v32;
	v60 =	vmul.f32 $3.000000000e+01, v57  }
0x2dd: {  	v58 =	vpop (erf);
	v62 =	vmul.f32 $1.442695020e+00, v40;
	v40 =	vmax.f32 v18, v48;
	v44 =	vmul.f32 $1.442695020e+00, v37  }
0x2de: {  	v38 =	vadd.f32 v58, v42;
	v59 =	vpop (erf);
	(erf) = vpow2.f32 v41;
	v42 =	vmul.f32 $1.442695020e+00, v63  }
0x2df: {  	v63 =	vmax.f32 v47, v45;
	v41 =	vmul.f32 $3.000000000e+01, v61;
	v36 =	vadd.f32 v59, v30  }
0x2e0: {  	v30 =	vmax.f32 v46, v49;
	(erf) = vpow2.f32 v54;
	v45 =	vmul.f32 $1.442695020e+00, v60  }
0x2e1: {  	s9 =	simm.s32 $0x20;
	s1 =	simm.s32 $0x100;
	s8 =	simm.s32 $0x2;
	v37 =	vsel vm15, v63, v47;
	v30 =	vsel vm14, v30, v46;
	(erf) = vpow2.f32 v62  }
.LBB2_28:
0x2e2: {  	s10 =	sand.u32 $0x7, s8  }
0x2e3: {  	s12 =	sand.u32 $0x70, s9;
	s14 =	sand.u32 $0x3C00, s1;
	vm0 =	veq.s32 v29, v6;
	(erf) = vpow2.f32 v44;
	v11 =	vadd.f32 v39, v11;
	s22 =	smov.u32 s9  }
0x2e4: {  	s21 =	sadd.s32 $0x10, s9;
	vm1 =	veq.s32 v29, v5;
	v39 =	vmax.f32 v22, v35;
	s10 =	sshll.u32 s10, $0x4;
	s12 =	sor.u32 s12, s14;
	(erf) = vpow2.f32 v43  }
0x2e5: {  	p0 =	sne.s32 s9, $0x690;
	vm2 =	veq.s32 v29, v4;
	v35 =	vmax.f32 v20, v25;
	s10 =	sadd.s32 s10, s1;
	s14 =	sadd.s32 $0x10400, s12;
	v43 =	vld [tilespmem:s12+$0x10400];
	(erf) = vpow2.f32 v42  }
0x2e6: {  	vm3 =	veq.s32 v29, v2;
	vm4 =	veq.s32 v29, v1;
	v42 =	vld [tilespmem:s14+$0x300];
	s9 =	sor.u32 $0x380, s10;
	(erf) = vpow2.f32 v45;
	v25 =	vpop (erf)  }
0x2e7: {  	v13 =	vsel vm3, v31, v13;
	v12 =	vsel vm4, v21, v12;
	v44 =	vld [tilespmem:s14+$0x280];
	v21 =	vpop (erf);
	v9 =	vadd.f32 v25, v9  }
0x2e8: {  	v24 =	vsel vm0, v33, v24;
	v20 =	vsel vm2, v35, v20;
	v25 =	vld [tilespmem:s14+$0x100];
	v19 =	vadd.f32 v21, v19  }
0x2e9: {  	v22 =	vsel vm1, v39, v22;
	vm0 =	veq.s32 v29, v3;
	v35 =	vld [tilespmem:s14+$0x80];
	v21 =	vpop (erf)  }
0x2ea: {  	v29 =	vsub.f32 v43, v28;
	v33 =	vmax.f32 v24, v43;
	v46 =	vld [tilespmem:s14+$0x200];
	v10 =	vadd.f32 v21, v10;
	v31 =	vpop (erf)  }
0x2eb: {  	v41 =	vmul.f32 $1.442695020e+00, v41;
	v45 =	vld [tilespmem:s14+$0x180];
	v21 =	vmax.f32 v12, v42;
	v34 =	vadd.f32 v31, v34  }
0x2ec: {  	v18 =	vsel vm0, v40, v18;
	s10 =	sadd.s32 $0x18000, s22;
	v43 =	vmul.f32 $3.000000000e+01, v29;
	v31 =	vmax.f32 v13, v44;
	v47 =	vld [tilespmem:s9+$0x10400];
	v39 =	vpop (erf)  }
0x2ed: {  	v29 =	vor.u32 s10, v0;
	v44 =	vsub.f32 v44, v15;
	v40 =	vsub.f32 v25, v26;
	v48 =	vpop (erf)  }
0x2ee: {  	v42 =	vsub.f32 v42, v14;
	vm1 =	veq.s32 v29, v8;
	v49 =	vsub.f32 v35, v27;
	v50 =	vpop (erf)  }
0x2ef: {  	vm0 =	veq.s32 v29, v7;
	v44 =	vmul.f32 $3.000000000e+01, v44;
	v51 =	vsub.f32 v46, v16;
	v52 =	vpop (erf)  }
0x2f0: {  	v42 =	vmul.f32 $3.000000000e+01, v42;
	v49 =	vmul.f32 $3.000000000e+01, v49;
	v53 =	vsub.f32 v45, v23  }
0x2f1: {  	v32 =	vadd.f32 v48, v32;
	v54 =	vmul.f32 $1.442695020e+00, v44;
	v51 =	vmul.f32 $3.000000000e+01, v51  }
0x2f2: {  	v40 =	vmul.f32 $3.000000000e+01, v40;
	v42 =	vmul.f32 $1.442695020e+00, v42;
	v38 =	vadd.f32 v50, v38  }
0x2f3: {  	v50 =	vsub.f32 v47, v17;
	v48 =	vmul.f32 $3.000000000e+01, v53;
	(erf) = vpow2.f32 v41  }
.Ltmp13:
0x2f4: {  	v36 =	vadd.f32 v52, v36;
	v44 =	vmul.f32 $1.442695020e+00, v40;
	(erf) = vpow2.f32 v42;
	(pc) =	sbr.rel @p0 .LBB2_28-.Ltmp13, $4  }
0x2f5: {  	v40 =	vmul.f32 $1.442695020e+00, v43;
	v43 =	vmul.f32 $1.442695020e+00, v51;
	v41 =	vmax.f32 v30, v47  }
0x2f6: {  	v42 =	vmul.f32 $1.442695020e+00, v49;
	v30 =	vsel vm1, v41, v30;
	(erf) = vpow2.f32 v54  }
0x2f7: {  	v47 =	vmax.f32 v37, v45;
	v41 =	vmul.f32 $3.000000000e+01, v50;
	(erf) = vpow2.f32 v40  }
0x2f8: {  	s8 =	sadd.s32 $0x1, s8;
	s1 =	sadd.s32 $0x80, s1;
	s9 =	smov.u32 s21;
	v45 =	vmul.f32 $1.442695020e+00, v48;
	v37 =	vsel vm0, v47, v37;
	v40 =	vmax.f32 v18, v46  }
0x2f9: {  	_ = 	snop  }
0x2fa: {  	(erf) = vpow2.f32 v44  }
0x2fb: {  	[tilespmem:$0x14000] =	vst v28;
	(erf) = vpow2.f32 v43  }
0x2fc: {  	[tilespmem:$0x14080] =	vst v27;
	(erf) = vpow2.f32 v42;
	v7 =	vpop (erf)  }
0x2fd: {  	[tilespmem:$0x14100] =	vst v26;
	v8 =	vpop (erf);
	(erf) = vpow2.f32 v45  }
0x2fe: {  	[tilespmem:$0x14180] =	vst v23  }
0x2ff: {  	[tilespmem:$0x15180] =	vst v37  }
0x300: {  	[tilespmem:$0x14200] =	vst v16  }
0x301: {  	[tilespmem:$0x14280] =	vst v15;
	v52 =	vpop (erf)  }
0x302: {  	[tilespmem:$0x14300] =	vst v14;
	v53 =	vpop (erf)  }
0x303: {  	vm0 =	veq.s32 v29, v6;
	vm11 =	veq.s32 v29, v5;
	[tilespmem:$0x14380] =	vst v17;
	v54 =	vpop (erf)  }
0x304: {  	v57 =	vmax.f32 v22, v35;
	v60 =	vmul.f32 $1.442695020e+00, v41;
	[tilespmem:$0x15380] =	vst v30;
	v24 =	vsel vm0, v33, v24;
	v55 =	vpop (erf)  }
0x305: {  	vm12 =	veq.s32 v29, v4;
	v58 =	vmax.f32 v20, v25;
	v5 =	vsel vm11, v57, v22;
	[tilespmem:$0x15000] =	vst v24;
	v56 =	vpop (erf)  }
0x306: {  	vm13 =	veq.s32 v29, v3;
	v4 =	vsel vm12, v58, v20;
	[tilespmem:$0x15080] =	vst v5;
	v59 =	vpop (erf);
	(erf) = vpow2.f32 v60  }
0x307: {  	vm14 =	veq.s32 v29, v2;
	v3 =	vsel vm13, v40, v18;
	[tilespmem:$0x15100] =	vst v4  }
0x308: {  	vm15 =	veq.s32 v29, v1;
	v2 =	vsel vm14, v31, v13;
	[tilespmem:$0x15200] =	vst v3  }
0x309: {  	[tilespmem:$0x15280] =	vst v2;
	v2 =	vsel vm15, v21, v12;
	v3 =	vadd.f32 v8, v19  }
0x30a: {  	v11 =	vadd.f32 v39, v11;
	[tilespmem:$0x15300] =	vst v2;
	v62 =	vadd.f32 v52, v10  }
0x30b: {  	[tilespmem:$0x14B00] =	vst v3;
	v34 =	vadd.f32 v53, v34  }
0x30c: {  	[tilespmem:$0x14A80] =	vst v62;
	v11 =	vadd.f32 v54, v11  }
0x30d: {  	[tilespmem:$0x14800] =	vst v34;
	v61 =	vadd.f32 v55, v32  }
0x30e: {  	v1 =	vadd.f32 v7, v9;
	v28 =	vadd.f32 v56, v38;
	[tilespmem:$0x14900] =	vst v11  }
0x30f: {  	[tilespmem:$0x14A00] =	vst v61;
	v5 =	vadd.f32 v59, v36;
	v63 =	vpop (erf)  }
0x310: {  	[tilespmem:$0x14880] =	vst v28;
	v1 =	vadd.f32 v63, v1  }
0x311: {  	[tilespmem:$0x14980] =	vst v5  }
0x312: {  	s1 =	simm.s32 $0x13C00;
	[tilespmem:$0x14B80] =	vst v1  }
0x313: {  	[hbm4b:s16+s2] =	stream.linear.scatter [tilespmem:s1], [sflag:$0x5], $0x800, $0x38;
	[tilespmem:$0x15400] =	vst v63  }
0x314: {  	_ =	swait.ge [sflag:s29], $0x800  }
0x315: {  	[sflag:s29] =	ssyncset.done $0x0  }
0x316: {  	s30 =	simm.s32 $0x14400;
	[sflag:s29] =	ssyncadd.s32 $0xFFFFF800  }
0x317: {  	[hbm4b:s17+s2] =	stream.linear.scatter [tilespmem:s30], [sflag:$0x5], $0x800, $0x38;
	[tilespmem:$0x15400] =	vst v63  }
0x318: {  	s0 =	sadd.s32 $0x1, s0;
	_ =	swait.ge [sflag:s29], $0x800  }
0x319: {  	p0 =	sne.s32 s0, s19;
	[sflag:s29] =	ssyncset.done $0x0  }
.Ltmp14:
0x31a: {  	s31 =	simm.s32 $0x14C00;
	[sflag:s29] =	ssyncadd.s32 $0xFFFFF800;
	(pc) =	sbr.rel @p0 .LBB2_1-.Ltmp14, $4  }
0x31b: {  	[hbm4b:s18+s2] =	stream.linear.scatter [tilespmem:s31], [sflag:$0x5], $0x800, $0x38;
	[tilespmem:$0x15400] =	vst v63  }
0x31c: {  	_ =	swait.ge [sflag:s29], $0x800  }
0x31d: {  	[sflag:s29] =	ssyncset.done $0x0  }
0x31e: {  	[sflag:s29] =	ssyncadd.s32 $0xFFFFF800  }
0x31f: {  	_ =	sfence.sel $0x180000  }
0x320: {  	[bflag:$0x0] =	sbarrier.arrive $0xFFFF  }
0x321: {  	_ =	strace $0x90000047  }
0x322: {  	s0 =	stileid.u32;
	[bflag:$0x2] =	sbarrier.arrive $0xFFFF  }
0x323: {  	p0 =	sne.s32 s0, $0x0;
	s0 =	rddreg [dreg:$0x1]  }
0x324: {  	s0 =	sadd.s32 @!p0 $0x100000, s0  }
0x325: {  	[sflag:s0] =	ssyncadd.tile.s32 @!p0 $0x1;
	_ =	shalt  }
.Lfunc_end2:
_tile_overlayer_lowered:
.L_overlay_start_2:
0x326: {  	(tag) =	ssettag $0x2  }
0x327: {  	s0 =	rddreg [dreg:$0x0];
	s2 =	stileid.u32  }
0x328: {  	s1 =	rddreg [dreg:$0x1];
	p0 =	sne.s32 s2, $0x0  }
0x329: {  	s3 =	rddreg [dreg:$0x2];
	[bflag:$0x3] =	sbarrier.arrive $0xFFFF;
	s2 =	simm.s32 @!p0 $0x1C05  }
0x32a: {  	[timem:s3], [sflag:s2] =	dma.local @!p0 [hbm:s0], s1  }
0x32b: {  	s0 =	simm.s32 @!p0 $0x5  }
0x32c: {  	_ =	swait.ge @!p0 [sflag:s0], s1  }
0x32d: {  	s1 =	ssub.s32 @!p0 $0x0, s1;
	[sflag:s0] =	ssyncset.done @!p0 $0x0  }
0x32e: {  	[sflag:s0] =	ssyncadd.s32 @!p0 s1  }
0x32f: {  	[bflag:$0x3] =	sbarrier.arrive $0xFFFF  }
0x330: {  	_ =	shalt  }

</sc_bundles>
